<compile_context>
chip_gen: v7x
topology: tpu7x:2x2x1
jax: 0.10.2.dev20260603
libtpu: 0.0.44.dev20260713+nightly
codegen_flags: <defaults>
</compile_context>

<pallas_src>
import functools

import jax
import jax.numpy as jnp
from jax import lax
from jax.experimental import pallas as pl
from jax.experimental.pallas import tpu as pltpu
from jax.experimental.pallas import tpu_sc as plsc

NDIM = 16
NKNOT = 64
NSEG = NKNOT - 1

NC = 2
NS = 16
NW = NC * NS
LANES = 16

NDATA = 1_000_000
NFULLCOL = NDATA // 128
NTAIL = NDATA - NFULLCOL * 128
COL_BASE = NFULLCOL // NW
COL_REM = NFULLCOL % NW
SLAB = 8
SLAB_W = SLAB * 128

B_S = NDIM * NKNOT
B_B = 2 * NDIM * NKNOT
B_L = 3 * NDIM * NKNOT


def _tables_body(x0_ref, y0_ref, ldx_ref, ldy_ref, xt_ref,
                 out_ref, yt_ref, lt_ref):
    ldx = ldx_ref[...]
    ldy = ldy_ref[...]
    dx = jnp.exp(ldx)
    dy = jnp.exp(ldy)
    row = lax.broadcasted_iota(jnp.int32, (NSEG, NKNOT), 0)
    col = lax.broadcasted_iota(jnp.int32, (NSEG, NKNOT), 1)
    tri = (row < col).astype(jnp.float32)
    xx = x0_ref[...] + jnp.dot(dx, tri, preferred_element_type=jnp.float32)
    yy = y0_ref[...] + jnp.dot(dy, tri, preferred_element_type=jnp.float32)
    s = (yy[:, 1:NKNOT] - yy[:, 0:NSEG]) / (xx[:, 1:NKNOT] - xx[:, 0:NSEG])
    ls = jnp.log(s)
    b = yy[:, 0:NSEG] - s * xx[:, 0:NSEG]
    inf2 = jnp.full((NDIM, 2), jnp.inf, jnp.float32)
    pad1 = jnp.zeros((NDIM, 1), jnp.float32)
    out_ref[...] = jnp.concatenate(
        [
            jnp.concatenate([xx[:, 1:NSEG], inf2], axis=1),
            jnp.concatenate([s, pad1 + 1.0], axis=1),
            jnp.concatenate([b, pad1], axis=1),
            jnp.concatenate([ls, pad1], axis=1),
        ],
        axis=0,
    )
    xt = xt_ref[...]
    acc_s = jnp.broadcast_to(s[:, 0:1], (NDIM, NTAIL))
    acc_b = jnp.broadcast_to(b[:, 0:1], (NDIM, NTAIL))
    acc_l = jnp.broadcast_to(ls[:, 0:1], (NDIM, NTAIL))
    for k in range(1, NSEG):
        m = (xx[:, k:k + 1] < xt).astype(jnp.float32)
        acc_s = acc_s + (s[:, k:k + 1] - s[:, k - 1:k]) * m
        acc_b = acc_b + (b[:, k:k + 1] - b[:, k - 1:k]) * m
        acc_l = acc_l + (ls[:, k:k + 1] - ls[:, k - 1:k]) * m
    yt_ref[...] = acc_s * xt + acc_b
    lt_ref[...] = acc_l


def _build_tables(x0, y0, logdx, logdy, x_tail_t):
    return pl.pallas_call(
        _tables_body,
        out_shape=(
            jax.ShapeDtypeStruct((4 * NDIM, NKNOT), jnp.float32),
            jax.ShapeDtypeStruct((NDIM, NTAIL), jnp.float32),
            jax.ShapeDtypeStruct((NDIM, NTAIL), jnp.float32),
        ),
    )(x0, y0, logdx, logdy, x_tail_t)


def _spline_vecs(tab_v, x_v, y_v, ls_v, d, nvec, unroll):
    bt = jnp.full((LANES,), d * NKNOT, jnp.int32)

    @plsc.parallel_loop(0, nvec, unroll=unroll)
    def _vec(j):
        v = x_v[d, pl.ds(j * LANES, LANES)]
        c = bt
        for w in (32, 16, 8, 4, 2, 1):
            probe = plsc.load_gather(tab_v, [c + (w - 1)])
            c = jnp.where(probe < v, c + w, c)
        s = plsc.load_gather(tab_v, [c + B_S])
        b = plsc.load_gather(tab_v, [c + B_B])
        l = plsc.load_gather(tab_v, [c + B_L])
        y_v[d, pl.ds(j * LANES, LANES)] = s * v + b
        ls_v[d, pl.ds(j * LANES, LANES)] = l


NSLAB = COL_BASE // SLAB


def _sc_body(x_hbm, tab_hbm, y_hbm, ls_hbm,
             tab_v, x_v0, x_v1, y_v0, y_v1, l_v0, l_v1,
             sx0, sx1, so0, so1):
    cid = lax.axis_index("c")
    sid = lax.axis_index("s")
    wid = sid * NC + cid
    ncols = jnp.where(wid < COL_REM, COL_BASE + 1, COL_BASE)
    col0 = wid * COL_BASE + jnp.minimum(wid, COL_REM)
    nrem = ncols - NSLAB * SLAB

    xbuf = (x_v0, x_v1)
    ybuf = (y_v0, y_v1)
    lbuf = (l_v0, l_v1)
    sx = (sx0, sx1)
    so = (so0, so1)

    pltpu.sync_copy(tab_hbm, tab_v)

    def x_slab(sl):
        return x_hbm.at[:, pl.ds((col0 + sl * SLAB) * 128, SLAB_W)]

    pltpu.async_copy(x_slab(0), x_v0, sx0)

    @pl.loop(0, NSLAB, step=2)
    def _slab(s):
        for b in (0, 1):
            sl = s + b
            off = (col0 + sl * SLAB) * 128

            @pl.when(sl + 1 < NSLAB)
            def _prefetch():
                pltpu.async_copy(x_slab(sl + 1), xbuf[1 - b], sx[1 - b])

            pltpu.make_async_copy(x_slab(sl), xbuf[b], sx[b]).wait()

            @pl.when(sl >= 2)
            def _drain_prev_out():
                pltpu.make_async_copy(
                    ybuf[b], y_hbm.at[:, pl.ds(off, SLAB_W)], so[b]).wait()
                pltpu.make_async_copy(
                    lbuf[b], ls_hbm.at[:, pl.ds(off, SLAB_W)], so[b]).wait()

            @pl.loop(0, NDIM)
            def _dim(d):
                _spline_vecs(tab_v, xbuf[b], ybuf[b], lbuf[b], d,
                             SLAB_W // LANES, 8)

            pltpu.async_copy(ybuf[b], y_hbm.at[:, pl.ds(off, SLAB_W)], so[b])
            pltpu.async_copy(lbuf[b], ls_hbm.at[:, pl.ds(off, SLAB_W)], so[b])

    for b in (0, 1):
        pltpu.make_async_copy(
            ybuf[b], y_hbm.at[:, pl.ds(0, SLAB_W)], so[b]).wait()
        pltpu.make_async_copy(
            lbuf[b], ls_hbm.at[:, pl.ds(0, SLAB_W)], so[b]).wait()

    @pl.loop(0, nrem)
    def _col(r):
        off = (col0 + NSLAB * SLAB + r) * 128
        pltpu.sync_copy(x_hbm.at[:, pl.ds(off, 128)], x_v0.at[:, pl.ds(0, 128)])

        @pl.loop(0, NDIM)
        def _dim(d):
            _spline_vecs(tab_v, x_v0, y_v0, l_v0, d, 128 // LANES, 8)

        pltpu.sync_copy(y_v0.at[:, pl.ds(0, 128)], y_hbm.at[:, pl.ds(off, 128)])
        pltpu.sync_copy(l_v0.at[:, pl.ds(0, 128)], ls_hbm.at[:, pl.ds(off, 128)])


@functools.lru_cache(maxsize=1)
def _sc_spline():
    return pl.kernel(
        _sc_body,
        out_type=(
            jax.ShapeDtypeStruct((NDIM, NDATA), jnp.float32),
            jax.ShapeDtypeStruct((NDIM, NDATA), jnp.float32),
        ),
        mesh=plsc.VectorSubcoreMesh(core_axis_name="c", subcore_axis_name="s"),
        compiler_params=pltpu.CompilerParams(needs_layout_passes=False),
        scratch_types=[
            pltpu.VMEM((4 * NDIM * NKNOT,), jnp.float32),
            pltpu.VMEM((NDIM, SLAB_W), jnp.float32),
            pltpu.VMEM((NDIM, SLAB_W), jnp.float32),
            pltpu.VMEM((NDIM, SLAB_W), jnp.float32),
            pltpu.VMEM((NDIM, SLAB_W), jnp.float32),
            pltpu.VMEM((NDIM, SLAB_W), jnp.float32),
            pltpu.VMEM((NDIM, SLAB_W), jnp.float32),
            pltpu.SemaphoreType.DMA,
            pltpu.SemaphoreType.DMA,
            pltpu.SemaphoreType.DMA,
            pltpu.SemaphoreType.DMA,
        ],
    )


def kernel(x, x0, y0, logdx, logdy):
    xt = x.T
    x_tail_t = lax.slice(xt, (0, NFULLCOL * 128), (NDIM, NDATA))
    tab, y_tail_t, ls_tail_t = _build_tables(x0, y0, logdx, logdy, x_tail_t)
    yt, lst = _sc_spline()(xt, tab.reshape(-1))
    y = lax.dynamic_update_slice(yt.T, y_tail_t.T, (NFULLCOL * 128, 0))
    ld = lax.dynamic_update_slice(lst.T, ls_tail_t.T, (NFULLCOL * 128, 0))
    return y, ld

# --- scband reference (transcript-rebuilt; emitter-appended) ---
"""Pipeline reference for scband-plspline-7464653161050 (READ-ONLY COPY).

The authoritative reference and input builder live on the scoring server;
editing this copy changes nothing except your own understanding.
"""

import jax, jax.numpy as jnp
import numpy as np

NDIM = 16
NKNOT = 64
NDATA = 1000000


def _prepare(x0, y0, logdx, logdy):
    xx = jnp.concatenate([x0, x0 + jnp.cumsum(jnp.exp(logdx), axis=1)], axis=1)
    yy = jnp.concatenate([y0, y0 + jnp.cumsum(jnp.exp(logdy), axis=1)], axis=1)
    return xx, yy


def setup_inputs(seed: int = 0) -> dict:
    key = jax.random.key(seed)
    k1, k2, k3 = jax.random.split(key, 3)
    x = jax.random.normal(k1, (NDATA, NDIM), dtype=jnp.float32)
    x0 = jax.random.normal(k2, (NDIM, 1), dtype=jnp.float32) * 0.1
    y0 = jax.random.normal(k3, (NDIM, 1), dtype=jnp.float32) * 0.1
    logdx = jnp.zeros((NDIM, NKNOT - 1), dtype=jnp.float32)
    logdy = jnp.zeros((NDIM, NKNOT - 1), dtype=jnp.float32)
    return {"x": x, "x0": x0, "y0": y0, "logdx": logdx, "logdy": logdy}


def reference(x, x0, y0, logdx, logdy):
    xx, yy = _prepare(x0, y0, logdx, logdy)
    ndim = xx.shape[0]
    nknot = xx.shape[1]
    # per-dim searchsorted (side='left' matches torch.searchsorted default)
    index = jax.vmap(lambda a, v: jnp.searchsorted(a, v))(xx, x.T).T  # (ndata, ndim)
    # Unified piecewise-linear evaluation equivalent to the three-branch torch code:
    #  - index == 0:      slope from knots (0,1), anchored at knot 0
    #  - 1..nknot-1:      slope from knots (index-1, index), anchored at knot index-1
    #  - index == nknot:  slope from knots (nknot-2, nknot-1), anchored at knot nknot-1
    lo = jnp.clip(index - 1, 0, nknot - 2)
    hi = lo + 1
    anchor = jnp.clip(index - 1, 0, nknot - 1)
    dim = jnp.arange(ndim)[None, :]
    x_lo = xx[dim, lo]
    x_hi = xx[dim, hi]
    y_lo = yy[dim, lo]
    y_hi = yy[dim, hi]
    slope = (y_hi - y_lo) / (x_hi - x_lo)
    xa = xx[dim, anchor]
    ya = yy[dim, anchor]
    y = ya + slope * (x - xa)
    logdet = jnp.log(slope)
    return (y, logdet)

if __name__ == "__main__":
    import jax
    _d = setup_inputs()
    print(jax.jit(kernel)(*tuple(_d.values())))

</pallas_src>

<mosaic_0001>
#map = affine_map<(d0, d1) -> (0, 0)>
#map1 = affine_map<(d0, d1) -> (0)>
module attributes {stable_mosaic.version = 14 : i64} {
  func.func @_sc_body(%arg0: i32, %arg1: i32, %arg2: memref<16x1000000xf32, #tpu.memory_space<hbm>>, %arg3: memref<4096xf32, #tpu.memory_space<hbm>>, %arg4: memref<16x1000000xf32, #tpu.memory_space<hbm>>, %arg5: memref<16x1000000xf32, #tpu.memory_space<hbm>>, %arg6: memref<4096xf32, #tpu.memory_space<vmem>>, %arg7: memref<16x1024xf32, #tpu.memory_space<vmem>>, %arg8: memref<16x1024xf32, #tpu.memory_space<vmem>>, %arg9: memref<16x1024xf32, #tpu.memory_space<vmem>>, %arg10: memref<16x1024xf32, #tpu.memory_space<vmem>>, %arg11: memref<16x1024xf32, #tpu.memory_space<vmem>>, %arg12: memref<16x1024xf32, #tpu.memory_space<vmem>>, %arg13: memref<!tpu.dma_semaphore, #tpu.memory_space<semaphore_mem>>, %arg14: memref<!tpu.dma_semaphore, #tpu.memory_space<semaphore_mem>>, %arg15: memref<!tpu.dma_semaphore, #tpu.memory_space<semaphore_mem>>, %arg16: memref<!tpu.dma_semaphore, #tpu.memory_space<semaphore_mem>>) attributes {dimension_semantics = [#tpu.dimension_semantics<core_parallel>, #tpu.dimension_semantics<subcore_parallel>], iteration_bounds = array<i64: 2, 16>, scalar_prefetch = 0 : i64, scratch_operands = 11 : i64, tpu.core_type = #tpu.core_type<sc_vector_subcore>, window_params = [{transform_indices = #map}, {transform_indices = #map1}, {transform_indices = #map}, {transform_indices = #map}]} {
    %mul3A = arith.constant 2 : i32
    %mul3A_0 = arith.muli %arg1, %mul3A : i32
    %add3A = arith.addi %mul3A_0, %arg0 : i32
    %lt3A = arith.constant 4 : i32
    %lt3A_1 = arith.cmpi slt, %add3A, %lt3A : i32
    %jit3A = arith.constant 245 : i32
    %jit3A_2 = arith.constant 244 : i32
    %select_n3A = arith.select %lt3A_1, %jit3A, %jit3A_2 : i32
    %mul3A_3 = arith.constant 244 : i32
    %mul3A_4 = arith.muli %add3A, %mul3A_3 : i32
    %min3A = arith.constant 4 : i32
    %min3A_5 = arith.minsi %add3A, %min3A : i32
    %add3A_6 = arith.addi %mul3A_4, %min3A_5 : i32
    %sub3A = arith.constant 240 : i32
    %sub3A_7 = arith.subi %select_n3A, %sub3A : i32
    "tpu.region"() ({
      %run_scoped3A = tpu.sem_alloc : memref<!tpu.dma_semaphore, #tpu.memory_space<semaphore_mem>>
      tpu.enqueue_dma source(%arg3 : memref<4096xf32, #tpu.memory_space<hbm>>) target(%arg6 : memref<4096xf32, #tpu.memory_space<vmem>>) target_semaphore(%run_scoped3A : memref<!tpu.dma_semaphore, #tpu.memory_space<semaphore_mem>>)
      tpu.wait_dma2 semaphore(%run_scoped3A : memref<!tpu.dma_semaphore, #tpu.memory_space<semaphore_mem>>) src(%arg3 : memref<4096xf32, #tpu.memory_space<hbm>>) dst(%arg6 : memref<4096xf32, #tpu.memory_space<vmem>>)
      tpu.yield
    }) : () -> ()
    %add3A_8 = arith.constant 0 : i32
    %add3A_9 = arith.addi %add3A_6, %add3A_8 : i32
    %mul3A_10 = arith.constant 128 : i32
    %mul3A_11 = arith.muli %add3A_9, %mul3A_10 : i32
    %dma_start3A = arith.constant 0 : i32
    %dma_start3A_12 = tpu.memref_slice %arg2[%dma_start3A, %mul3A_11] : memref<16x1000000xf32, #tpu.memory_space<hbm>> -> memref<16x1024xf32, #tpu.memory_space<hbm>>
    %dma_start3A_13 = arith.constant 0 : i32
    %dma_start3A_14 = tpu.memref_slice %arg2[%dma_start3A_13, %mul3A_11] : memref<16x1000000xf32, #tpu.memory_space<hbm>> -> memref<16x1024xf32, #tpu.memory_space<hbm>>
    tpu.enqueue_dma source(%dma_start3A_14 : memref<16x1024xf32, #tpu.memory_space<hbm>>) target(%arg7 : memref<16x1024xf32, #tpu.memory_space<vmem>>) target_semaphore(%arg13 : memref<!tpu.dma_semaphore, #tpu.memory_space<semaphore_mem>>)
    %scan3A = arith.constant 0 : i32
    %scan3A_15 = arith.constant 15 : i32
    %scan3A_16 = arith.addi %scan3A, %scan3A_15 : i32
    %scan3A_17 = arith.constant 1 : i32
    scf.for %scan3A_59 = %scan3A to %scan3A_16 step %scan3A_17  : i32 {
      %mul3A_60 = arith.constant 2 : i32
      %mul3A_61 = arith.muli %scan3A_59, %mul3A_60 : i32
      %add3A_62 = arith.constant 0 : i32
      %add3A_63 = arith.addi %add3A_62, %mul3A_61 : i32
      %add3A_64 = arith.constant 0 : i32
      %add3A_65 = arith.addi %add3A_63, %add3A_64 : i32
      %mul3A_66 = arith.constant 8 : i32
      %mul3A_67 = arith.muli %add3A_65, %mul3A_66 : i32
      %add3A_68 = arith.addi %add3A_6, %mul3A_67 : i32
      %mul3A_69 = arith.constant 128 : i32
      %mul3A_70 = arith.muli %add3A_68, %mul3A_69 : i32
      %add3A_71 = arith.constant 1 : i32
      %add3A_72 = arith.addi %add3A_65, %add3A_71 : i32
      %lt3A_73 = arith.constant 30 : i32
      %lt3A_74 = arith.cmpi slt, %add3A_72, %lt3A_73 : i32
      %convert_element_type3A = arith.extui %lt3A_74 : i1 to i32
      %cond3A = arith.constant 0 : i32
      %cond3A_75 = arith.cmpi ne, %convert_element_type3A, %cond3A : i32
      scf.if %cond3A_75 {
        %add3A_143 = arith.constant 1 : i32
        %add3A_144 = arith.addi %add3A_65, %add3A_143 : i32
        %mul3A_145 = arith.constant 8 : i32
        %mul3A_146 = arith.muli %add3A_144, %mul3A_145 : i32
        %add3A_147 = arith.addi %add3A_6, %mul3A_146 : i32
        %mul3A_148 = arith.constant 128 : i32
        %mul3A_149 = arith.muli %add3A_147, %mul3A_148 : i32
        %dma_start3A_150 = arith.constant 0 : i32
        %dma_start3A_151 = tpu.memref_slice %arg2[%dma_start3A_150, %mul3A_149] : memref<16x1000000xf32, #tpu.memory_space<hbm>> -> memref<16x1024xf32, #tpu.memory_space<hbm>>
        %dma_start3A_152 = arith.constant 0 : i32
        %dma_start3A_153 = tpu.memref_slice %arg2[%dma_start3A_152, %mul3A_149] : memref<16x1000000xf32, #tpu.memory_space<hbm>> -> memref<16x1024xf32, #tpu.memory_space<hbm>>
        tpu.enqueue_dma source(%dma_start3A_153 : memref<16x1024xf32, #tpu.memory_space<hbm>>) target(%arg8 : memref<16x1024xf32, #tpu.memory_space<vmem>>) target_semaphore(%arg14 : memref<!tpu.dma_semaphore, #tpu.memory_space<semaphore_mem>>)
      } else {
      }
      %mul3A_76 = arith.constant 8 : i32
      %mul3A_77 = arith.muli %add3A_65, %mul3A_76 : i32
      %add3A_78 = arith.addi %add3A_6, %mul3A_77 : i32
      %mul3A_79 = arith.constant 128 : i32
      %mul3A_80 = arith.muli %add3A_78, %mul3A_79 : i32
      %dma_wait3A_81 = arith.constant 0 : i32
      %dma_wait3A_82 = tpu.memref_slice %arg2[%dma_wait3A_81, %mul3A_80] : memref<16x1000000xf32, #tpu.memory_space<hbm>> -> memref<16x1024xf32, #tpu.memory_space<hbm>>
      %dma_wait3A_83 = arith.constant 0 : i32
      %dma_wait3A_84 = tpu.memref_slice %arg2[%dma_wait3A_83, %mul3A_80] : memref<16x1000000xf32, #tpu.memory_space<hbm>> -> memref<16x1024xf32, #tpu.memory_space<hbm>>
      tpu.wait_dma2 semaphore(%arg13 : memref<!tpu.dma_semaphore, #tpu.memory_space<semaphore_mem>>) src(%dma_wait3A_84 : memref<16x1024xf32, #tpu.memory_space<hbm>>) dst(%arg7 : memref<16x1024xf32, #tpu.memory_space<vmem>>)
      %ge3A = arith.constant 2 : i32
      %ge3A_85 = arith.cmpi sge, %add3A_65, %ge3A : i32
      %convert_element_type3A_86 = arith.extui %ge3A_85 : i1 to i32
      %cond3A_87 = arith.constant 0 : i32
      %cond3A_88 = arith.cmpi ne, %convert_element_type3A_86, %cond3A_87 : i32
      scf.if %cond3A_88 {
        %dma_wait3A_143 = arith.constant 0 : i32
        %dma_wait3A_144 = tpu.memref_slice %arg4[%dma_wait3A_143, %mul3A_70] : memref<16x1000000xf32, #tpu.memory_space<hbm>> -> memref<16x1024xf32, #tpu.memory_space<hbm>>
        %dma_wait3A_145 = arith.constant 0 : i32
        %dma_wait3A_146 = tpu.memref_slice %arg4[%dma_wait3A_145, %mul3A_70] : memref<16x1000000xf32, #tpu.memory_space<hbm>> -> memref<16x1024xf32, #tpu.memory_space<hbm>>
        tpu.wait_dma2 semaphore(%arg15 : memref<!tpu.dma_semaphore, #tpu.memory_space<semaphore_mem>>) src(%arg9 : memref<16x1024xf32, #tpu.memory_space<vmem>>) dst(%dma_wait3A_146 : memref<16x1024xf32, #tpu.memory_space<hbm>>)
        %dma_wait3A_147 = arith.constant 0 : i32
        %dma_wait3A_148 = tpu.memref_slice %arg5[%dma_wait3A_147, %mul3A_70] : memref<16x1000000xf32, #tpu.memory_space<hbm>> -> memref<16x1024xf32, #tpu.memory_space<hbm>>
        %dma_wait3A_149 = arith.constant 0 : i32
        %dma_wait3A_150 = tpu.memref_slice %arg5[%dma_wait3A_149, %mul3A_70] : memref<16x1000000xf32, #tpu.memory_space<hbm>> -> memref<16x1024xf32, #tpu.memory_space<hbm>>
        tpu.wait_dma2 semaphore(%arg15 : memref<!tpu.dma_semaphore, #tpu.memory_space<semaphore_mem>>) src(%arg11 : memref<16x1024xf32, #tpu.memory_space<vmem>>) dst(%dma_wait3A_150 : memref<16x1024xf32, #tpu.memory_space<hbm>>)
      } else {
      }
      %scan3A_89 = arith.constant 0 : i32
      %scan3A_90 = arith.constant 16 : i32
      %scan3A_91 = arith.addi %scan3A_89, %scan3A_90 : i32
      %scan3A_92 = arith.constant 1 : i32
      scf.for %scan3A_143 = %scan3A_89 to %scan3A_91 step %scan3A_92  : i32 {
        %mul3A_144 = arith.constant 1 : i32
        %mul3A_145 = arith.muli %scan3A_143, %mul3A_144 : i32
        %add3A_146 = arith.constant 0 : i32
        %add3A_147 = arith.addi %add3A_146, %mul3A_145 : i32
        %mul3A_148 = arith.constant 64 : i32
        %mul3A_149 = arith.muli %add3A_147, %mul3A_148 : i32
        %broadcast_in_dim3A = vector.broadcast %mul3A_149 : i32 to vector<16xi32>
        %parallel_loop3A = arith.constant 0 : i32
        %parallel_loop3A_150 = arith.constant 64 : i32
        %parallel_loop3A_151 = arith.constant 1 : i32
        scf.for %parallel_loop3A_152 = %parallel_loop3A to %parallel_loop3A_150 step %parallel_loop3A_151  : i32 {
          %parallel_loop3A_153 = arith.constant 16 : i32
          %parallel_loop3A_154 = arith.muli %parallel_loop3A_152, %parallel_loop3A_153 : i32
          %parallel_loop3A_155 = arith.index_cast %add3A_147 : i32 to index
          %parallel_loop3A_156 = arith.index_cast %parallel_loop3A_154 : i32 to index
          %parallel_loop3A_157 = tpu.vector_load %arg7[%parallel_loop3A_155, %parallel_loop3A_156] {strides = array<i32>} : memref<16x1024xf32, #tpu.memory_space<vmem>>, vector<16xf32>,
          %parallel_loop3A_158 = arith.constant 31 : i32
          %parallel_loop3A_159 = vector.broadcast %parallel_loop3A_158 : i32 to vector<16xi32>
          %parallel_loop3A_160 = arith.addi %broadcast_in_dim3A, %parallel_loop3A_159 : vector<16xi32>
          %parallel_loop3A_161 = tpu.vector_load_idx %arg6[%parallel_loop3A_160] : memref<4096xf32, #tpu.memory_space<vmem>>[vector<16xi32>], vector<16xf32>,
          %parallel_loop3A_162 = arith.cmpf olt, %parallel_loop3A_161, %parallel_loop3A_157 : vector<16xf32>
          %parallel_loop3A_163 = arith.constant 32 : i32
          %parallel_loop3A_164 = vector.broadcast %parallel_loop3A_163 : i32 to vector<16xi32>
          %parallel_loop3A_165 = arith.addi %broadcast_in_dim3A, %parallel_loop3A_164 : vector<16xi32>
          %parallel_loop3A_166 = arith.select %parallel_loop3A_162, %parallel_loop3A_165, %broadcast_in_dim3A : vector<16xi1>, vector<16xi32>
          %parallel_loop3A_167 = arith.constant 15 : i32
          %parallel_loop3A_168 = vector.broadcast %parallel_loop3A_167 : i32 to vector<16xi32>
          %parallel_loop3A_169 = arith.addi %parallel_loop3A_166, %parallel_loop3A_168 : vector<16xi32>
          %parallel_loop3A_170 = tpu.vector_load_idx %arg6[%parallel_loop3A_169] : memref<4096xf32, #tpu.memory_space<vmem>>[vector<16xi32>], vector<16xf32>,
          %parallel_loop3A_171 = arith.cmpf olt, %parallel_loop3A_170, %parallel_loop3A_157 : vector<16xf32>
          %parallel_loop3A_172 = arith.constant 16 : i32
          %parallel_loop3A_173 = vector.broadcast %parallel_loop3A_172 : i32 to vector<16xi32>
          %parallel_loop3A_174 = arith.addi %parallel_loop3A_166, %parallel_loop3A_173 : vector<16xi32>
          %parallel_loop3A_175 = arith.select %parallel_loop3A_171, %parallel_loop3A_174, %parallel_loop3A_166 : vector<16xi1>, vector<16xi32>
          %parallel_loop3A_176 = arith.constant 7 : i32
          %parallel_loop3A_177 = vector.broadcast %parallel_loop3A_176 : i32 to vector<16xi32>
          %parallel_loop3A_178 = arith.addi %parallel_loop3A_175, %parallel_loop3A_177 : vector<16xi32>
          %parallel_loop3A_179 = tpu.vector_load_idx %arg6[%parallel_loop3A_178] : memref<4096xf32, #tpu.memory_space<vmem>>[vector<16xi32>], vector<16xf32>,
          %parallel_loop3A_180 = arith.cmpf olt, %parallel_loop3A_179, %parallel_loop3A_157 : vector<16xf32>
          %parallel_loop3A_181 = arith.constant 8 : i32
          %parallel_loop3A_182 = vector.broadcast %parallel_loop3A_181 : i32 to vector<16xi32>
          %parallel_loop3A_183 = arith.addi %parallel_loop3A_175, %parallel_loop3A_182 : vector<16xi32>
          %parallel_loop3A_184 = arith.select %parallel_loop3A_180, %parallel_loop3A_183, %parallel_loop3A_175 : vector<16xi1>, vector<16xi32>
          %parallel_loop3A_185 = arith.constant 3 : i32
          %parallel_loop3A_186 = vector.broadcast %parallel_loop3A_185 : i32 to vector<16xi32>
          %parallel_loop3A_187 = arith.addi %parallel_loop3A_184, %parallel_loop3A_186 : vector<16xi32>
          %parallel_loop3A_188 = tpu.vector_load_idx %arg6[%parallel_loop3A_187] : memref<4096xf32, #tpu.memory_space<vmem>>[vector<16xi32>], vector<16xf32>,
          %parallel_loop3A_189 = arith.cmpf olt, %parallel_loop3A_188, %parallel_loop3A_157 : vector<16xf32>
          %parallel_loop3A_190 = arith.constant 4 : i32
          %parallel_loop3A_191 = vector.broadcast %parallel_loop3A_190 : i32 to vector<16xi32>
          %parallel_loop3A_192 = arith.addi %parallel_loop3A_184, %parallel_loop3A_191 : vector<16xi32>
          %parallel_loop3A_193 = arith.select %parallel_loop3A_189, %parallel_loop3A_192, %parallel_loop3A_184 : vector<16xi1>, vector<16xi32>
          %parallel_loop3A_194 = arith.constant 1 : i32
          %parallel_loop3A_195 = vector.broadcast %parallel_loop3A_194 : i32 to vector<16xi32>
          %parallel_loop3A_196 = arith.addi %parallel_loop3A_193, %parallel_loop3A_195 : vector<16xi32>
          %parallel_loop3A_197 = tpu.vector_load_idx %arg6[%parallel_loop3A_196] : memref<4096xf32, #tpu.memory_space<vmem>>[vector<16xi32>], vector<16xf32>,
          %parallel_loop3A_198 = arith.cmpf olt, %parallel_loop3A_197, %parallel_loop3A_157 : vector<16xf32>
          %parallel_loop3A_199 = arith.constant 2 : i32
          %parallel_loop3A_200 = vector.broadcast %parallel_loop3A_199 : i32 to vector<16xi32>
          %parallel_loop3A_201 = arith.addi %parallel_loop3A_193, %parallel_loop3A_200 : vector<16xi32>
          %parallel_loop3A_202 = arith.select %parallel_loop3A_198, %parallel_loop3A_201, %parallel_loop3A_193 : vector<16xi1>, vector<16xi32>
          %parallel_loop3A_203 = arith.constant 0 : i32
          %parallel_loop3A_204 = vector.broadcast %parallel_loop3A_203 : i32 to vector<16xi32>
          %parallel_loop3A_205 = arith.addi %parallel_loop3A_202, %parallel_loop3A_204 : vector<16xi32>
          %parallel_loop3A_206 = tpu.vector_load_idx %arg6[%parallel_loop3A_205] : memref<4096xf32, #tpu.memory_space<vmem>>[vector<16xi32>], vector<16xf32>,
          %parallel_loop3A_207 = arith.cmpf olt, %parallel_loop3A_206, %parallel_loop3A_157 : vector<16xf32>
          %parallel_loop3A_208 = arith.constant 1 : i32
          %parallel_loop3A_209 = vector.broadcast %parallel_loop3A_208 : i32 to vector<16xi32>
          %parallel_loop3A_210 = arith.addi %parallel_loop3A_202, %parallel_loop3A_209 : vector<16xi32>
          %parallel_loop3A_211 = arith.select %parallel_loop3A_207, %parallel_loop3A_210, %parallel_loop3A_202 : vector<16xi1>, vector<16xi32>
          %parallel_loop3A_212 = arith.constant 1024 : i32
          %parallel_loop3A_213 = vector.broadcast %parallel_loop3A_212 : i32 to vector<16xi32>
          %parallel_loop3A_214 = arith.addi %parallel_loop3A_211, %parallel_loop3A_213 : vector<16xi32>
          %parallel_loop3A_215 = tpu.vector_load_idx %arg6[%parallel_loop3A_214] : memref<4096xf32, #tpu.memory_space<vmem>>[vector<16xi32>], vector<16xf32>,
          %parallel_loop3A_216 = arith.constant 2048 : i32
          %parallel_loop3A_217 = vector.broadcast %parallel_loop3A_216 : i32 to vector<16xi32>
          %parallel_loop3A_218 = arith.addi %parallel_loop3A_211, %parallel_loop3A_217 : vector<16xi32>
          %parallel_loop3A_219 = tpu.vector_load_idx %arg6[%parallel_loop3A_218] : memref<4096xf32, #tpu.memory_space<vmem>>[vector<16xi32>], vector<16xf32>,
          %parallel_loop3A_220 = arith.constant 3072 : i32
          %parallel_loop3A_221 = vector.broadcast %parallel_loop3A_220 : i32 to vector<16xi32>
          %parallel_loop3A_222 = arith.addi %parallel_loop3A_211, %parallel_loop3A_221 : vector<16xi32>
          %parallel_loop3A_223 = tpu.vector_load_idx %arg6[%parallel_loop3A_222] : memref<4096xf32, #tpu.memory_space<vmem>>[vector<16xi32>], vector<16xf32>,
          %parallel_loop3A_224 = arith.mulf %parallel_loop3A_215, %parallel_loop3A_157 : vector<16xf32>
          %parallel_loop3A_225 = arith.addf %parallel_loop3A_224, %parallel_loop3A_219 : vector<16xf32>
          %parallel_loop3A_226 = arith.constant 16 : i32
          %parallel_loop3A_227 = arith.muli %parallel_loop3A_152, %parallel_loop3A_226 : i32
          %parallel_loop3A_228 = arith.index_cast %add3A_147 : i32 to index
          %parallel_loop3A_229 = arith.index_cast %parallel_loop3A_227 : i32 to index
          %parallel_loop3A_230 = tpu.vector_load %arg9[%parallel_loop3A_228, %parallel_loop3A_229] {strides = array<i32>} : memref<16x1024xf32, #tpu.memory_space<vmem>>, vector<16xf32>,
          tpu.vector_store %arg9[%parallel_loop3A_228, %parallel_loop3A_229], %parallel_loop3A_225 {strides = array<i32>} : memref<16x1024xf32, #tpu.memory_space<vmem>>, vector<16xf32>,
          %parallel_loop3A_231 = arith.constant 16 : i32
          %parallel_loop3A_232 = arith.muli %parallel_loop3A_152, %parallel_loop3A_231 : i32
          %parallel_loop3A_233 = arith.index_cast %add3A_147 : i32 to index
          %parallel_loop3A_234 = arith.index_cast %parallel_loop3A_232 : i32 to index
          %parallel_loop3A_235 = tpu.vector_load %arg11[%parallel_loop3A_233, %parallel_loop3A_234] {strides = array<i32>} : memref<16x1024xf32, #tpu.memory_space<vmem>>, vector<16xf32>,
          tpu.vector_store %arg11[%parallel_loop3A_233, %parallel_loop3A_234], %parallel_loop3A_223 {strides = array<i32>} : memref<16x1024xf32, #tpu.memory_space<vmem>>, vector<16xf32>,
        } {sc.loop_unroll_factor = 8 : i64, sc.parallel_access}
      }
      %scan3A_93 = arith.constant 16 : i32
      %dma_start3A_94 = arith.constant 0 : i32
      %dma_start3A_95 = tpu.memref_slice %arg4[%dma_start3A_94, %mul3A_70] : memref<16x1000000xf32, #tpu.memory_space<hbm>> -> memref<16x1024xf32, #tpu.memory_space<hbm>>
      %dma_start3A_96 = arith.constant 0 : i32
      %dma_start3A_97 = tpu.memref_slice %arg4[%dma_start3A_96, %mul3A_70] : memref<16x1000000xf32, #tpu.memory_space<hbm>> -> memref<16x1024xf32, #tpu.memory_space<hbm>>
      tpu.enqueue_dma source(%arg9 : memref<16x1024xf32, #tpu.memory_space<vmem>>) target(%dma_start3A_97 : memref<16x1024xf32, #tpu.memory_space<hbm>>) target_semaphore(%arg15 : memref<!tpu.dma_semaphore, #tpu.memory_space<semaphore_mem>>)
      %dma_start3A_98 = arith.constant 0 : i32
      %dma_start3A_99 = tpu.memref_slice %arg5[%dma_start3A_98, %mul3A_70] : memref<16x1000000xf32, #tpu.memory_space<hbm>> -> memref<16x1024xf32, #tpu.memory_space<hbm>>
      %dma_start3A_100 = arith.constant 0 : i32
      %dma_start3A_101 = tpu.memref_slice %arg5[%dma_start3A_100, %mul3A_70] : memref<16x1000000xf32, #tpu.memory_space<hbm>> -> memref<16x1024xf32, #tpu.memory_space<hbm>>
      tpu.enqueue_dma source(%arg11 : memref<16x1024xf32, #tpu.memory_space<vmem>>) target(%dma_start3A_101 : memref<16x1024xf32, #tpu.memory_space<hbm>>) target_semaphore(%arg15 : memref<!tpu.dma_semaphore, #tpu.memory_space<semaphore_mem>>)
      %add3A_102 = arith.constant 1 : i32
      %add3A_103 = arith.addi %add3A_63, %add3A_102 : i32
      %mul3A_104 = arith.constant 8 : i32
      %mul3A_105 = arith.muli %add3A_103, %mul3A_104 : i32
      %add3A_106 = arith.addi %add3A_6, %mul3A_105 : i32
      %mul3A_107 = arith.constant 128 : i32
      %mul3A_108 = arith.muli %add3A_106, %mul3A_107 : i32
      %add3A_109 = arith.constant 1 : i32
      %add3A_110 = arith.addi %add3A_103, %add3A_109 : i32
      %lt3A_111 = arith.constant 30 : i32
      %lt3A_112 = arith.cmpi slt, %add3A_110, %lt3A_111 : i32
      %convert_element_type3A_113 = arith.extui %lt3A_112 : i1 to i32
      %cond3A_114 = arith.constant 0 : i32
      %cond3A_115 = arith.cmpi ne, %convert_element_type3A_113, %cond3A_114 : i32
      scf.if %cond3A_115 {
        %add3A_143 = arith.constant 1 : i32
        %add3A_144 = arith.addi %add3A_103, %add3A_143 : i32
        %mul3A_145 = arith.constant 8 : i32
        %mul3A_146 = arith.muli %add3A_144, %mul3A_145 : i32
        %add3A_147 = arith.addi %add3A_6, %mul3A_146 : i32
        %mul3A_148 = arith.constant 128 : i32
        %mul3A_149 = arith.muli %add3A_147, %mul3A_148 : i32
        %dma_start3A_150 = arith.constant 0 : i32
        %dma_start3A_151 = tpu.memref_slice %arg2[%dma_start3A_150, %mul3A_149] : memref<16x1000000xf32, #tpu.memory_space<hbm>> -> memref<16x1024xf32, #tpu.memory_space<hbm>>
        %dma_start3A_152 = arith.constant 0 : i32
        %dma_start3A_153 = tpu.memref_slice %arg2[%dma_start3A_152, %mul3A_149] : memref<16x1000000xf32, #tpu.memory_space<hbm>> -> memref<16x1024xf32, #tpu.memory_space<hbm>>
        tpu.enqueue_dma source(%dma_start3A_153 : memref<16x1024xf32, #tpu.memory_space<hbm>>) target(%arg7 : memref<16x1024xf32, #tpu.memory_space<vmem>>) target_semaphore(%arg13 : memref<!tpu.dma_semaphore, #tpu.memory_space<semaphore_mem>>)
      } else {
      }
      %mul3A_116 = arith.constant 8 : i32
      %mul3A_117 = arith.muli %add3A_103, %mul3A_116 : i32
      %add3A_118 = arith.addi %add3A_6, %mul3A_117 : i32
      %mul3A_119 = arith.constant 128 : i32
      %mul3A_120 = arith.muli %add3A_118, %mul3A_119 : i32
      %dma_wait3A_121 = arith.constant 0 : i32
      %dma_wait3A_122 = tpu.memref_slice %arg2[%dma_wait3A_121, %mul3A_120] : memref<16x1000000xf32, #tpu.memory_space<hbm>> -> memref<16x1024xf32, #tpu.memory_space<hbm>>
      %dma_wait3A_123 = arith.constant 0 : i32
      %dma_wait3A_124 = tpu.memref_slice %arg2[%dma_wait3A_123, %mul3A_120] : memref<16x1000000xf32, #tpu.memory_space<hbm>> -> memref<16x1024xf32, #tpu.memory_space<hbm>>
      tpu.wait_dma2 semaphore(%arg14 : memref<!tpu.dma_semaphore, #tpu.memory_space<semaphore_mem>>) src(%dma_wait3A_124 : memref<16x1024xf32, #tpu.memory_space<hbm>>) dst(%arg8 : memref<16x1024xf32, #tpu.memory_space<vmem>>)
      %ge3A_125 = arith.constant 2 : i32
      %ge3A_126 = arith.cmpi sge, %add3A_103, %ge3A_125 : i32
      %convert_element_type3A_127 = arith.extui %ge3A_126 : i1 to i32
      %cond3A_128 = arith.constant 0 : i32
      %cond3A_129 = arith.cmpi ne, %convert_element_type3A_127, %cond3A_128 : i32
      scf.if %cond3A_129 {
        %dma_wait3A_143 = arith.constant 0 : i32
        %dma_wait3A_144 = tpu.memref_slice %arg4[%dma_wait3A_143, %mul3A_108] : memref<16x1000000xf32, #tpu.memory_space<hbm>> -> memref<16x1024xf32, #tpu.memory_space<hbm>>
        %dma_wait3A_145 = arith.constant 0 : i32
        %dma_wait3A_146 = tpu.memref_slice %arg4[%dma_wait3A_145, %mul3A_108] : memref<16x1000000xf32, #tpu.memory_space<hbm>> -> memref<16x1024xf32, #tpu.memory_space<hbm>>
        tpu.wait_dma2 semaphore(%arg16 : memref<!tpu.dma_semaphore, #tpu.memory_space<semaphore_mem>>) src(%arg10 : memref<16x1024xf32, #tpu.memory_space<vmem>>) dst(%dma_wait3A_146 : memref<16x1024xf32, #tpu.memory_space<hbm>>)
        %dma_wait3A_147 = arith.constant 0 : i32
        %dma_wait3A_148 = tpu.memref_slice %arg5[%dma_wait3A_147, %mul3A_108] : memref<16x1000000xf32, #tpu.memory_space<hbm>> -> memref<16x1024xf32, #tpu.memory_space<hbm>>
        %dma_wait3A_149 = arith.constant 0 : i32
        %dma_wait3A_150 = tpu.memref_slice %arg5[%dma_wait3A_149, %mul3A_108] : memref<16x1000000xf32, #tpu.memory_space<hbm>> -> memref<16x1024xf32, #tpu.memory_space<hbm>>
        tpu.wait_dma2 semaphore(%arg16 : memref<!tpu.dma_semaphore, #tpu.memory_space<semaphore_mem>>) src(%arg12 : memref<16x1024xf32, #tpu.memory_space<vmem>>) dst(%dma_wait3A_150 : memref<16x1024xf32, #tpu.memory_space<hbm>>)
      } else {
      }
      %scan3A_130 = arith.constant 0 : i32
      %scan3A_131 = arith.constant 16 : i32
      %scan3A_132 = arith.addi %scan3A_130, %scan3A_131 : i32
      %scan3A_133 = arith.constant 1 : i32
      scf.for %scan3A_143 = %scan3A_130 to %scan3A_132 step %scan3A_133  : i32 {
        %mul3A_144 = arith.constant 1 : i32
        %mul3A_145 = arith.muli %scan3A_143, %mul3A_144 : i32
        %add3A_146 = arith.constant 0 : i32
        %add3A_147 = arith.addi %add3A_146, %mul3A_145 : i32
        %mul3A_148 = arith.constant 64 : i32
        %mul3A_149 = arith.muli %add3A_147, %mul3A_148 : i32
        %broadcast_in_dim3A = vector.broadcast %mul3A_149 : i32 to vector<16xi32>
        %parallel_loop3A = arith.constant 0 : i32
        %parallel_loop3A_150 = arith.constant 64 : i32
        %parallel_loop3A_151 = arith.constant 1 : i32
        scf.for %parallel_loop3A_152 = %parallel_loop3A to %parallel_loop3A_150 step %parallel_loop3A_151  : i32 {
          %parallel_loop3A_153 = arith.constant 16 : i32
          %parallel_loop3A_154 = arith.muli %parallel_loop3A_152, %parallel_loop3A_153 : i32
          %parallel_loop3A_155 = arith.index_cast %add3A_147 : i32 to index
          %parallel_loop3A_156 = arith.index_cast %parallel_loop3A_154 : i32 to index
          %parallel_loop3A_157 = tpu.vector_load %arg8[%parallel_loop3A_155, %parallel_loop3A_156] {strides = array<i32>} : memref<16x1024xf32, #tpu.memory_space<vmem>>, vector<16xf32>,
          %parallel_loop3A_158 = arith.constant 31 : i32
          %parallel_loop3A_159 = vector.broadcast %parallel_loop3A_158 : i32 to vector<16xi32>
          %parallel_loop3A_160 = arith.addi %broadcast_in_dim3A, %parallel_loop3A_159 : vector<16xi32>
          %parallel_loop3A_161 = tpu.vector_load_idx %arg6[%parallel_loop3A_160] : memref<4096xf32, #tpu.memory_space<vmem>>[vector<16xi32>], vector<16xf32>,
          %parallel_loop3A_162 = arith.cmpf olt, %parallel_loop3A_161, %parallel_loop3A_157 : vector<16xf32>
          %parallel_loop3A_163 = arith.constant 32 : i32
          %parallel_loop3A_164 = vector.broadcast %parallel_loop3A_163 : i32 to vector<16xi32>
          %parallel_loop3A_165 = arith.addi %broadcast_in_dim3A, %parallel_loop3A_164 : vector<16xi32>
          %parallel_loop3A_166 = arith.select %parallel_loop3A_162, %parallel_loop3A_165, %broadcast_in_dim3A : vector<16xi1>, vector<16xi32>
          %parallel_loop3A_167 = arith.constant 15 : i32
          %parallel_loop3A_168 = vector.broadcast %parallel_loop3A_167 : i32 to vector<16xi32>
          %parallel_loop3A_169 = arith.addi %parallel_loop3A_166, %parallel_loop3A_168 : vector<16xi32>
          %parallel_loop3A_170 = tpu.vector_load_idx %arg6[%parallel_loop3A_169] : memref<4096xf32, #tpu.memory_space<vmem>>[vector<16xi32>], vector<16xf32>,
          %parallel_loop3A_171 = arith.cmpf olt, %parallel_loop3A_170, %parallel_loop3A_157 : vector<16xf32>
          %parallel_loop3A_172 = arith.constant 16 : i32
          %parallel_loop3A_173 = vector.broadcast %parallel_loop3A_172 : i32 to vector<16xi32>
          %parallel_loop3A_174 = arith.addi %parallel_loop3A_166, %parallel_loop3A_173 : vector<16xi32>
          %parallel_loop3A_175 = arith.select %parallel_loop3A_171, %parallel_loop3A_174, %parallel_loop3A_166 : vector<16xi1>, vector<16xi32>
          %parallel_loop3A_176 = arith.constant 7 : i32
          %parallel_loop3A_177 = vector.broadcast %parallel_loop3A_176 : i32 to vector<16xi32>
          %parallel_loop3A_178 = arith.addi %parallel_loop3A_175, %parallel_loop3A_177 : vector<16xi32>
          %parallel_loop3A_179 = tpu.vector_load_idx %arg6[%parallel_loop3A_178] : memref<4096xf32, #tpu.memory_space<vmem>>[vector<16xi32>], vector<16xf32>,
          %parallel_loop3A_180 = arith.cmpf olt, %parallel_loop3A_179, %parallel_loop3A_157 : vector<16xf32>
          %parallel_loop3A_181 = arith.constant 8 : i32
          %parallel_loop3A_182 = vector.broadcast %parallel_loop3A_181 : i32 to vector<16xi32>
          %parallel_loop3A_183 = arith.addi %parallel_loop3A_175, %parallel_loop3A_182 : vector<16xi32>
          %parallel_loop3A_184 = arith.select %parallel_loop3A_180, %parallel_loop3A_183, %parallel_loop3A_175 : vector<16xi1>, vector<16xi32>
          %parallel_loop3A_185 = arith.constant 3 : i32
          %parallel_loop3A_186 = vector.broadcast %parallel_loop3A_185 : i32 to vector<16xi32>
          %parallel_loop3A_187 = arith.addi %parallel_loop3A_184, %parallel_loop3A_186 : vector<16xi32>
          %parallel_loop3A_188 = tpu.vector_load_idx %arg6[%parallel_loop3A_187] : memref<4096xf32, #tpu.memory_space<vmem>>[vector<16xi32>], vector<16xf32>,
          %parallel_loop3A_189 = arith.cmpf olt, %parallel_loop3A_188, %parallel_loop3A_157 : vector<16xf32>
          %parallel_loop3A_190 = arith.constant 4 : i32
          %parallel_loop3A_191 = vector.broadcast %parallel_loop3A_190 : i32 to vector<16xi32>
          %parallel_loop3A_192 = arith.addi %parallel_loop3A_184, %parallel_loop3A_191 : vector<16xi32>
          %parallel_loop3A_193 = arith.select %parallel_loop3A_189, %parallel_loop3A_192, %parallel_loop3A_184 : vector<16xi1>, vector<16xi32>
          %parallel_loop3A_194 = arith.constant 1 : i32
          %parallel_loop3A_195 = vector.broadcast %parallel_loop3A_194 : i32 to vector<16xi32>
          %parallel_loop3A_196 = arith.addi %parallel_loop3A_193, %parallel_loop3A_195 : vector<16xi32>
          %parallel_loop3A_197 = tpu.vector_load_idx %arg6[%parallel_loop3A_196] : memref<4096xf32, #tpu.memory_space<vmem>>[vector<16xi32>], vector<16xf32>,
          %parallel_loop3A_198 = arith.cmpf olt, %parallel_loop3A_197, %parallel_loop3A_157 : vector<16xf32>
          %parallel_loop3A_199 = arith.constant 2 : i32
          %parallel_loop3A_200 = vector.broadcast %parallel_loop3A_199 : i32 to vector<16xi32>
          %parallel_loop3A_201 = arith.addi %parallel_loop3A_193, %parallel_loop3A_200 : vector<16xi32>
          %parallel_loop3A_202 = arith.select %parallel_loop3A_198, %parallel_loop3A_201, %parallel_loop3A_193 : vector<16xi1>, vector<16xi32>
          %parallel_loop3A_203 = arith.constant 0 : i32
          %parallel_loop3A_204 = vector.broadcast %parallel_loop3A_203 : i32 to vector<16xi32>
          %parallel_loop3A_205 = arith.addi %parallel_loop3A_202, %parallel_loop3A_204 : vector<16xi32>
          %parallel_loop3A_206 = tpu.vector_load_idx %arg6[%parallel_loop3A_205] : memref<4096xf32, #tpu.memory_space<vmem>>[vector<16xi32>], vector<16xf32>,
          %parallel_loop3A_207 = arith.cmpf olt, %parallel_loop3A_206, %parallel_loop3A_157 : vector<16xf32>
          %parallel_loop3A_208 = arith.constant 1 : i32
          %parallel_loop3A_209 = vector.broadcast %parallel_loop3A_208 : i32 to vector<16xi32>
          %parallel_loop3A_210 = arith.addi %parallel_loop3A_202, %parallel_loop3A_209 : vector<16xi32>
          %parallel_loop3A_211 = arith.select %parallel_loop3A_207, %parallel_loop3A_210, %parallel_loop3A_202 : vector<16xi1>, vector<16xi32>
          %parallel_loop3A_212 = arith.constant 1024 : i32
          %parallel_loop3A_213 = vector.broadcast %parallel_loop3A_212 : i32 to vector<16xi32>
          %parallel_loop3A_214 = arith.addi %parallel_loop3A_211, %parallel_loop3A_213 : vector<16xi32>
          %parallel_loop3A_215 = tpu.vector_load_idx %arg6[%parallel_loop3A_214] : memref<4096xf32, #tpu.memory_space<vmem>>[vector<16xi32>], vector<16xf32>,
          %parallel_loop3A_216 = arith.constant 2048 : i32
          %parallel_loop3A_217 = vector.broadcast %parallel_loop3A_216 : i32 to vector<16xi32>
          %parallel_loop3A_218 = arith.addi %parallel_loop3A_211, %parallel_loop3A_217 : vector<16xi32>
          %parallel_loop3A_219 = tpu.vector_load_idx %arg6[%parallel_loop3A_218] : memref<4096xf32, #tpu.memory_space<vmem>>[vector<16xi32>], vector<16xf32>,
          %parallel_loop3A_220 = arith.constant 3072 : i32
          %parallel_loop3A_221 = vector.broadcast %parallel_loop3A_220 : i32 to vector<16xi32>
          %parallel_loop3A_222 = arith.addi %parallel_loop3A_211, %parallel_loop3A_221 : vector<16xi32>
          %parallel_loop3A_223 = tpu.vector_load_idx %arg6[%parallel_loop3A_222] : memref<4096xf32, #tpu.memory_space<vmem>>[vector<16xi32>], vector<16xf32>,
          %parallel_loop3A_224 = arith.mulf %parallel_loop3A_215, %parallel_loop3A_157 : vector<16xf32>
          %parallel_loop3A_225 = arith.addf %parallel_loop3A_224, %parallel_loop3A_219 : vector<16xf32>
          %parallel_loop3A_226 = arith.constant 16 : i32
          %parallel_loop3A_227 = arith.muli %parallel_loop3A_152, %parallel_loop3A_226 : i32
          %parallel_loop3A_228 = arith.index_cast %add3A_147 : i32 to index
          %parallel_loop3A_229 = arith.index_cast %parallel_loop3A_227 : i32 to index
          %parallel_loop3A_230 = tpu.vector_load %arg10[%parallel_loop3A_228, %parallel_loop3A_229] {strides = array<i32>} : memref<16x1024xf32, #tpu.memory_space<vmem>>, vector<16xf32>,
          tpu.vector_store %arg10[%parallel_loop3A_228, %parallel_loop3A_229], %parallel_loop3A_225 {strides = array<i32>} : memref<16x1024xf32, #tpu.memory_space<vmem>>, vector<16xf32>,
          %parallel_loop3A_231 = arith.constant 16 : i32
          %parallel_loop3A_232 = arith.muli %parallel_loop3A_152, %parallel_loop3A_231 : i32
          %parallel_loop3A_233 = arith.index_cast %add3A_147 : i32 to index
          %parallel_loop3A_234 = arith.index_cast %parallel_loop3A_232 : i32 to index
          %parallel_loop3A_235 = tpu.vector_load %arg12[%parallel_loop3A_233, %parallel_loop3A_234] {strides = array<i32>} : memref<16x1024xf32, #tpu.memory_space<vmem>>, vector<16xf32>,
          tpu.vector_store %arg12[%parallel_loop3A_233, %parallel_loop3A_234], %parallel_loop3A_223 {strides = array<i32>} : memref<16x1024xf32, #tpu.memory_space<vmem>>, vector<16xf32>,
        } {sc.loop_unroll_factor = 8 : i64, sc.parallel_access}
      }
      %scan3A_134 = arith.constant 16 : i32
      %dma_start3A_135 = arith.constant 0 : i32
      %dma_start3A_136 = tpu.memref_slice %arg4[%dma_start3A_135, %mul3A_108] : memref<16x1000000xf32, #tpu.memory_space<hbm>> -> memref<16x1024xf32, #tpu.memory_space<hbm>>
      %dma_start3A_137 = arith.constant 0 : i32
      %dma_start3A_138 = tpu.memref_slice %arg4[%dma_start3A_137, %mul3A_108] : memref<16x1000000xf32, #tpu.memory_space<hbm>> -> memref<16x1024xf32, #tpu.memory_space<hbm>>
      tpu.enqueue_dma source(%arg10 : memref<16x1024xf32, #tpu.memory_space<vmem>>) target(%dma_start3A_138 : memref<16x1024xf32, #tpu.memory_space<hbm>>) target_semaphore(%arg16 : memref<!tpu.dma_semaphore, #tpu.memory_space<semaphore_mem>>)
      %dma_start3A_139 = arith.constant 0 : i32
      %dma_start3A_140 = tpu.memref_slice %arg5[%dma_start3A_139, %mul3A_108] : memref<16x1000000xf32, #tpu.memory_space<hbm>> -> memref<16x1024xf32, #tpu.memory_space<hbm>>
      %dma_start3A_141 = arith.constant 0 : i32
      %dma_start3A_142 = tpu.memref_slice %arg5[%dma_start3A_141, %mul3A_108] : memref<16x1000000xf32, #tpu.memory_space<hbm>> -> memref<16x1024xf32, #tpu.memory_space<hbm>>
      tpu.enqueue_dma source(%arg12 : memref<16x1024xf32, #tpu.memory_space<vmem>>) target(%dma_start3A_142 : memref<16x1024xf32, #tpu.memory_space<hbm>>) target_semaphore(%arg16 : memref<!tpu.dma_semaphore, #tpu.memory_space<semaphore_mem>>)
    }
    %scan3A_18 = arith.constant 15 : i32
    %dma_wait3A = arith.constant 0 : i32
    %dma_wait3A_19 = arith.constant 0 : i32
    %dma_wait3A_20 = tpu.memref_slice %arg4[%dma_wait3A, %dma_wait3A_19] : memref<16x1000000xf32, #tpu.memory_space<hbm>> -> memref<16x1024xf32, #tpu.memory_space<hbm>>
    %dma_wait3A_21 = arith.constant 0 : i32
    %dma_wait3A_22 = arith.constant 0 : i32
    %dma_wait3A_23 = tpu.memref_slice %arg4[%dma_wait3A_21, %dma_wait3A_22] : memref<16x1000000xf32, #tpu.memory_space<hbm>> -> memref<16x1024xf32, #tpu.memory_space<hbm>>
    tpu.wait_dma2 semaphore(%arg15 : memref<!tpu.dma_semaphore, #tpu.memory_space<semaphore_mem>>) src(%arg9 : memref<16x1024xf32, #tpu.memory_space<vmem>>) dst(%dma_wait3A_23 : memref<16x1024xf32, #tpu.memory_space<hbm>>)
    %dma_wait3A_24 = arith.constant 0 : i32
    %dma_wait3A_25 = arith.constant 0 : i32
    %dma_wait3A_26 = tpu.memref_slice %arg5[%dma_wait3A_24, %dma_wait3A_25] : memref<16x1000000xf32, #tpu.memory_space<hbm>> -> memref<16x1024xf32, #tpu.memory_space<hbm>>
    %dma_wait3A_27 = arith.constant 0 : i32
    %dma_wait3A_28 = arith.constant 0 : i32
    %dma_wait3A_29 = tpu.memref_slice %arg5[%dma_wait3A_27, %dma_wait3A_28] : memref<16x1000000xf32, #tpu.memory_space<hbm>> -> memref<16x1024xf32, #tpu.memory_space<hbm>>
    tpu.wait_dma2 semaphore(%arg15 : memref<!tpu.dma_semaphore, #tpu.memory_space<semaphore_mem>>) src(%arg11 : memref<16x1024xf32, #tpu.memory_space<vmem>>) dst(%dma_wait3A_29 : memref<16x1024xf32, #tpu.memory_space<hbm>>)
    %dma_wait3A_30 = arith.constant 0 : i32
    %dma_wait3A_31 = arith.constant 0 : i32
    %dma_wait3A_32 = tpu.memref_slice %arg4[%dma_wait3A_30, %dma_wait3A_31] : memref<16x1000000xf32, #tpu.memory_space<hbm>> -> memref<16x1024xf32, #tpu.memory_space<hbm>>
    %dma_wait3A_33 = arith.constant 0 : i32
    %dma_wait3A_34 = arith.constant 0 : i32
    %dma_wait3A_35 = tpu.memref_slice %arg4[%dma_wait3A_33, %dma_wait3A_34] : memref<16x1000000xf32, #tpu.memory_space<hbm>> -> memref<16x1024xf32, #tpu.memory_space<hbm>>
    tpu.wait_dma2 semaphore(%arg16 : memref<!tpu.dma_semaphore, #tpu.memory_space<semaphore_mem>>) src(%arg10 : memref<16x1024xf32, #tpu.memory_space<vmem>>) dst(%dma_wait3A_35 : memref<16x1024xf32, #tpu.memory_space<hbm>>)
    %dma_wait3A_36 = arith.constant 0 : i32
    %dma_wait3A_37 = arith.constant 0 : i32
    %dma_wait3A_38 = tpu.memref_slice %arg5[%dma_wait3A_36, %dma_wait3A_37] : memref<16x1000000xf32, #tpu.memory_space<hbm>> -> memref<16x1024xf32, #tpu.memory_space<hbm>>
    %dma_wait3A_39 = arith.constant 0 : i32
    %dma_wait3A_40 = arith.constant 0 : i32
    %dma_wait3A_41 = tpu.memref_slice %arg5[%dma_wait3A_39, %dma_wait3A_40] : memref<16x1000000xf32, #tpu.memory_space<hbm>> -> memref<16x1024xf32, #tpu.memory_space<hbm>>
    tpu.wait_dma2 semaphore(%arg16 : memref<!tpu.dma_semaphore, #tpu.memory_space<semaphore_mem>>) src(%arg12 : memref<16x1024xf32, #tpu.memory_space<vmem>>) dst(%dma_wait3A_41 : memref<16x1024xf32, #tpu.memory_space<hbm>>)
    %sub3A_42 = arith.constant 0 : i32
    %sub3A_43 = arith.subi %sub3A_7, %sub3A_42 : i32
    %sub3A_44 = arith.constant 1 : i32
    %sub3A_45 = arith.constant 1 : i32
    %sub3A_46 = arith.subi %sub3A_44, %sub3A_45 : i32
    %add3A_47 = arith.addi %sub3A_43, %sub3A_46 : i32
    %div3A = arith.constant 1 : i32
    %div3A_48 = arith.divsi %add3A_47, %div3A : i32
    %while3A = arith.constant 1 : i32
    %while3A_49 = arith.constant 0 : i32
    %while3A_50 = arith.constant 0 : i32
    %while3A_51 = arith.subi %div3A_48, %while3A_50 : i32
    %while3A_52 = arith.addi %while3A_50, %while3A_51 : i32
    %while3A_53 = arith.constant 1 : i32
    %while3A_54 = arith.divsi %while3A_51, %while3A_53 : i32
    %while3A_55 = arith.muli %while3A_54, %while3A_53 : i32
    %while3A_56 = arith.addi %while3A_50, %while3A_55 : i32
    %while3A_57 = arith.constant 1 : i32
    scf.for %while3A_59 = %while3A_50 to %while3A_56 step %while3A_57  : i32 {
      %mul3A_60 = arith.muli %while3A_59, %while3A : i32
      %add3A_61 = arith.addi %while3A_49, %mul3A_60 : i32
      %add3A_62 = arith.constant 240 : i32
      %add3A_63 = arith.addi %add3A_6, %add3A_62 : i32
      %add3A_64 = arith.addi %add3A_63, %add3A_61 : i32
      %mul3A_65 = arith.constant 128 : i32
      %mul3A_66 = arith.muli %add3A_64, %mul3A_65 : i32
      "tpu.region"() ({
        %run_scoped3A = tpu.sem_alloc : memref<!tpu.dma_semaphore, #tpu.memory_space<semaphore_mem>>
        %dma_start3A_72 = arith.constant 0 : i32
        %dma_start3A_73 = arith.constant 0 : i32
        %dma_start3A_74 = tpu.memref_slice %arg7[%dma_start3A_72, %dma_start3A_73] : memref<16x1024xf32, #tpu.memory_space<vmem>> -> memref<16x128xf32, #tpu.memory_space<vmem>>
        %dma_start3A_75 = arith.constant 0 : i32
        %dma_start3A_76 = tpu.memref_slice %arg2[%dma_start3A_75, %mul3A_66] : memref<16x1000000xf32, #tpu.memory_space<hbm>> -> memref<16x128xf32, #tpu.memory_space<hbm>>
        %dma_start3A_77 = arith.constant 0 : i32
        %dma_start3A_78 = arith.constant 0 : i32
        %dma_start3A_79 = tpu.memref_slice %arg7[%dma_start3A_77, %dma_start3A_78] : memref<16x1024xf32, #tpu.memory_space<vmem>> -> memref<16x128xf32, #tpu.memory_space<vmem>>
        %dma_start3A_80 = arith.constant 0 : i32
        %dma_start3A_81 = tpu.memref_slice %arg2[%dma_start3A_80, %mul3A_66] : memref<16x1000000xf32, #tpu.memory_space<hbm>> -> memref<16x128xf32, #tpu.memory_space<hbm>>
        tpu.enqueue_dma source(%dma_start3A_81 : memref<16x128xf32, #tpu.memory_space<hbm>>) target(%dma_start3A_79 : memref<16x128xf32, #tpu.memory_space<vmem>>) target_semaphore(%run_scoped3A : memref<!tpu.dma_semaphore, #tpu.memory_space<semaphore_mem>>)
        %dma_wait3A_82 = arith.constant 0 : i32
        %dma_wait3A_83 = arith.constant 0 : i32
        %dma_wait3A_84 = tpu.memref_slice %arg7[%dma_wait3A_82, %dma_wait3A_83] : memref<16x1024xf32, #tpu.memory_space<vmem>> -> memref<16x128xf32, #tpu.memory_space<vmem>>
        %dma_wait3A_85 = arith.constant 0 : i32
        %dma_wait3A_86 = tpu.memref_slice %arg2[%dma_wait3A_85, %mul3A_66] : memref<16x1000000xf32, #tpu.memory_space<hbm>> -> memref<16x128xf32, #tpu.memory_space<hbm>>
        %dma_wait3A_87 = arith.constant 0 : i32
        %dma_wait3A_88 = arith.constant 0 : i32
        %dma_wait3A_89 = tpu.memref_slice %arg7[%dma_wait3A_87, %dma_wait3A_88] : memref<16x1024xf32, #tpu.memory_space<vmem>> -> memref<16x128xf32, #tpu.memory_space<vmem>>
        %dma_wait3A_90 = arith.constant 0 : i32
        %dma_wait3A_91 = tpu.memref_slice %arg2[%dma_wait3A_90, %mul3A_66] : memref<16x1000000xf32, #tpu.memory_space<hbm>> -> memref<16x128xf32, #tpu.memory_space<hbm>>
        tpu.wait_dma2 semaphore(%run_scoped3A : memref<!tpu.dma_semaphore, #tpu.memory_space<semaphore_mem>>) src(%dma_wait3A_91 : memref<16x128xf32, #tpu.memory_space<hbm>>) dst(%dma_wait3A_89 : memref<16x128xf32, #tpu.memory_space<vmem>>)
        tpu.yield
      }) : () -> ()
      %scan3A_67 = arith.constant 0 : i32
      %scan3A_68 = arith.constant 16 : i32
      %scan3A_69 = arith.addi %scan3A_67, %scan3A_68 : i32
      %scan3A_70 = arith.constant 1 : i32
      scf.for %scan3A_72 = %scan3A_67 to %scan3A_69 step %scan3A_70  : i32 {
        %mul3A_73 = arith.constant 1 : i32
        %mul3A_74 = arith.muli %scan3A_72, %mul3A_73 : i32
        %add3A_75 = arith.constant 0 : i32
        %add3A_76 = arith.addi %add3A_75, %mul3A_74 : i32
        %mul3A_77 = arith.constant 64 : i32
        %mul3A_78 = arith.muli %add3A_76, %mul3A_77 : i32
        %broadcast_in_dim3A = vector.broadcast %mul3A_78 : i32 to vector<16xi32>
        %parallel_loop3A = arith.constant 0 : i32
        %parallel_loop3A_79 = arith.constant 8 : i32
        %parallel_loop3A_80 = arith.constant 1 : i32
        scf.for %parallel_loop3A_81 = %parallel_loop3A to %parallel_loop3A_79 step %parallel_loop3A_80  : i32 {
          %parallel_loop3A_82 = arith.constant 16 : i32
          %parallel_loop3A_83 = arith.muli %parallel_loop3A_81, %parallel_loop3A_82 : i32
          %parallel_loop3A_84 = arith.index_cast %add3A_76 : i32 to index
          %parallel_loop3A_85 = arith.index_cast %parallel_loop3A_83 : i32 to index
          %parallel_loop3A_86 = tpu.vector_load %arg7[%parallel_loop3A_84, %parallel_loop3A_85] {strides = array<i32>} : memref<16x1024xf32, #tpu.memory_space<vmem>>, vector<16xf32>,
          %parallel_loop3A_87 = arith.constant 31 : i32
          %parallel_loop3A_88 = vector.broadcast %parallel_loop3A_87 : i32 to vector<16xi32>
          %parallel_loop3A_89 = arith.addi %broadcast_in_dim3A, %parallel_loop3A_88 : vector<16xi32>
          %parallel_loop3A_90 = tpu.vector_load_idx %arg6[%parallel_loop3A_89] : memref<4096xf32, #tpu.memory_space<vmem>>[vector<16xi32>], vector<16xf32>,
          %parallel_loop3A_91 = arith.cmpf olt, %parallel_loop3A_90, %parallel_loop3A_86 : vector<16xf32>
          %parallel_loop3A_92 = arith.constant 32 : i32
          %parallel_loop3A_93 = vector.broadcast %parallel_loop3A_92 : i32 to vector<16xi32>
          %parallel_loop3A_94 = arith.addi %broadcast_in_dim3A, %parallel_loop3A_93 : vector<16xi32>
          %parallel_loop3A_95 = arith.select %parallel_loop3A_91, %parallel_loop3A_94, %broadcast_in_dim3A : vector<16xi1>, vector<16xi32>
          %parallel_loop3A_96 = arith.constant 15 : i32
          %parallel_loop3A_97 = vector.broadcast %parallel_loop3A_96 : i32 to vector<16xi32>
          %parallel_loop3A_98 = arith.addi %parallel_loop3A_95, %parallel_loop3A_97 : vector<16xi32>
          %parallel_loop3A_99 = tpu.vector_load_idx %arg6[%parallel_loop3A_98] : memref<4096xf32, #tpu.memory_space<vmem>>[vector<16xi32>], vector<16xf32>,
          %parallel_loop3A_100 = arith.cmpf olt, %parallel_loop3A_99, %parallel_loop3A_86 : vector<16xf32>
          %parallel_loop3A_101 = arith.constant 16 : i32
          %parallel_loop3A_102 = vector.broadcast %parallel_loop3A_101 : i32 to vector<16xi32>
          %parallel_loop3A_103 = arith.addi %parallel_loop3A_95, %parallel_loop3A_102 : vector<16xi32>
          %parallel_loop3A_104 = arith.select %parallel_loop3A_100, %parallel_loop3A_103, %parallel_loop3A_95 : vector<16xi1>, vector<16xi32>
          %parallel_loop3A_105 = arith.constant 7 : i32
          %parallel_loop3A_106 = vector.broadcast %parallel_loop3A_105 : i32 to vector<16xi32>
          %parallel_loop3A_107 = arith.addi %parallel_loop3A_104, %parallel_loop3A_106 : vector<16xi32>
          %parallel_loop3A_108 = tpu.vector_load_idx %arg6[%parallel_loop3A_107] : memref<4096xf32, #tpu.memory_space<vmem>>[vector<16xi32>], vector<16xf32>,
          %parallel_loop3A_109 = arith.cmpf olt, %parallel_loop3A_108, %parallel_loop3A_86 : vector<16xf32>
          %parallel_loop3A_110 = arith.constant 8 : i32
          %parallel_loop3A_111 = vector.broadcast %parallel_loop3A_110 : i32 to vector<16xi32>
          %parallel_loop3A_112 = arith.addi %parallel_loop3A_104, %parallel_loop3A_111 : vector<16xi32>
          %parallel_loop3A_113 = arith.select %parallel_loop3A_109, %parallel_loop3A_112, %parallel_loop3A_104 : vector<16xi1>, vector<16xi32>
          %parallel_loop3A_114 = arith.constant 3 : i32
          %parallel_loop3A_115 = vector.broadcast %parallel_loop3A_114 : i32 to vector<16xi32>
          %parallel_loop3A_116 = arith.addi %parallel_loop3A_113, %parallel_loop3A_115 : vector<16xi32>
          %parallel_loop3A_117 = tpu.vector_load_idx %arg6[%parallel_loop3A_116] : memref<4096xf32, #tpu.memory_space<vmem>>[vector<16xi32>], vector<16xf32>,
          %parallel_loop3A_118 = arith.cmpf olt, %parallel_loop3A_117, %parallel_loop3A_86 : vector<16xf32>
          %parallel_loop3A_119 = arith.constant 4 : i32
          %parallel_loop3A_120 = vector.broadcast %parallel_loop3A_119 : i32 to vector<16xi32>
          %parallel_loop3A_121 = arith.addi %parallel_loop3A_113, %parallel_loop3A_120 : vector<16xi32>
          %parallel_loop3A_122 = arith.select %parallel_loop3A_118, %parallel_loop3A_121, %parallel_loop3A_113 : vector<16xi1>, vector<16xi32>
          %parallel_loop3A_123 = arith.constant 1 : i32
          %parallel_loop3A_124 = vector.broadcast %parallel_loop3A_123 : i32 to vector<16xi32>
          %parallel_loop3A_125 = arith.addi %parallel_loop3A_122, %parallel_loop3A_124 : vector<16xi32>
          %parallel_loop3A_126 = tpu.vector_load_idx %arg6[%parallel_loop3A_125] : memref<4096xf32, #tpu.memory_space<vmem>>[vector<16xi32>], vector<16xf32>,
          %parallel_loop3A_127 = arith.cmpf olt, %parallel_loop3A_126, %parallel_loop3A_86 : vector<16xf32>
          %parallel_loop3A_128 = arith.constant 2 : i32
          %parallel_loop3A_129 = vector.broadcast %parallel_loop3A_128 : i32 to vector<16xi32>
          %parallel_loop3A_130 = arith.addi %parallel_loop3A_122, %parallel_loop3A_129 : vector<16xi32>
          %parallel_loop3A_131 = arith.select %parallel_loop3A_127, %parallel_loop3A_130, %parallel_loop3A_122 : vector<16xi1>, vector<16xi32>
          %parallel_loop3A_132 = arith.constant 0 : i32
          %parallel_loop3A_133 = vector.broadcast %parallel_loop3A_132 : i32 to vector<16xi32>
          %parallel_loop3A_134 = arith.addi %parallel_loop3A_131, %parallel_loop3A_133 : vector<16xi32>
          %parallel_loop3A_135 = tpu.vector_load_idx %arg6[%parallel_loop3A_134] : memref<4096xf32, #tpu.memory_space<vmem>>[vector<16xi32>], vector<16xf32>,
          %parallel_loop3A_136 = arith.cmpf olt, %parallel_loop3A_135, %parallel_loop3A_86 : vector<16xf32>
          %parallel_loop3A_137 = arith.constant 1 : i32
          %parallel_loop3A_138 = vector.broadcast %parallel_loop3A_137 : i32 to vector<16xi32>
          %parallel_loop3A_139 = arith.addi %parallel_loop3A_131, %parallel_loop3A_138 : vector<16xi32>
          %parallel_loop3A_140 = arith.select %parallel_loop3A_136, %parallel_loop3A_139, %parallel_loop3A_131 : vector<16xi1>, vector<16xi32>
          %parallel_loop3A_141 = arith.constant 1024 : i32
          %parallel_loop3A_142 = vector.broadcast %parallel_loop3A_141 : i32 to vector<16xi32>
          %parallel_loop3A_143 = arith.addi %parallel_loop3A_140, %parallel_loop3A_142 : vector<16xi32>
          %parallel_loop3A_144 = tpu.vector_load_idx %arg6[%parallel_loop3A_143] : memref<4096xf32, #tpu.memory_space<vmem>>[vector<16xi32>], vector<16xf32>,
          %parallel_loop3A_145 = arith.constant 2048 : i32
          %parallel_loop3A_146 = vector.broadcast %parallel_loop3A_145 : i32 to vector<16xi32>
          %parallel_loop3A_147 = arith.addi %parallel_loop3A_140, %parallel_loop3A_146 : vector<16xi32>
          %parallel_loop3A_148 = tpu.vector_load_idx %arg6[%parallel_loop3A_147] : memref<4096xf32, #tpu.memory_space<vmem>>[vector<16xi32>], vector<16xf32>,
          %parallel_loop3A_149 = arith.constant 3072 : i32
          %parallel_loop3A_150 = vector.broadcast %parallel_loop3A_149 : i32 to vector<16xi32>
          %parallel_loop3A_151 = arith.addi %parallel_loop3A_140, %parallel_loop3A_150 : vector<16xi32>
          %parallel_loop3A_152 = tpu.vector_load_idx %arg6[%parallel_loop3A_151] : memref<4096xf32, #tpu.memory_space<vmem>>[vector<16xi32>], vector<16xf32>,
          %parallel_loop3A_153 = arith.mulf %parallel_loop3A_144, %parallel_loop3A_86 : vector<16xf32>
          %parallel_loop3A_154 = arith.addf %parallel_loop3A_153, %parallel_loop3A_148 : vector<16xf32>
          %parallel_loop3A_155 = arith.constant 16 : i32
          %parallel_loop3A_156 = arith.muli %parallel_loop3A_81, %parallel_loop3A_155 : i32
          %parallel_loop3A_157 = arith.index_cast %add3A_76 : i32 to index
          %parallel_loop3A_158 = arith.index_cast %parallel_loop3A_156 : i32 to index
          %parallel_loop3A_159 = tpu.vector_load %arg9[%parallel_loop3A_157, %parallel_loop3A_158] {strides = array<i32>} : memref<16x1024xf32, #tpu.memory_space<vmem>>, vector<16xf32>,
          tpu.vector_store %arg9[%parallel_loop3A_157, %parallel_loop3A_158], %parallel_loop3A_154 {strides = array<i32>} : memref<16x1024xf32, #tpu.memory_space<vmem>>, vector<16xf32>,
          %parallel_loop3A_160 = arith.constant 16 : i32
          %parallel_loop3A_161 = arith.muli %parallel_loop3A_81, %parallel_loop3A_160 : i32
          %parallel_loop3A_162 = arith.index_cast %add3A_76 : i32 to index
          %parallel_loop3A_163 = arith.index_cast %parallel_loop3A_161 : i32 to index
          %parallel_loop3A_164 = tpu.vector_load %arg11[%parallel_loop3A_162, %parallel_loop3A_163] {strides = array<i32>} : memref<16x1024xf32, #tpu.memory_space<vmem>>, vector<16xf32>,
          tpu.vector_store %arg11[%parallel_loop3A_162, %parallel_loop3A_163], %parallel_loop3A_152 {strides = array<i32>} : memref<16x1024xf32, #tpu.memory_space<vmem>>, vector<16xf32>,
        } {sc.loop_unroll_factor = 8 : i64, sc.parallel_access}
      }
      %scan3A_71 = arith.constant 16 : i32
      "tpu.region"() ({
        %run_scoped3A = tpu.sem_alloc : memref<!tpu.dma_semaphore, #tpu.memory_space<semaphore_mem>>
        %dma_start3A_72 = arith.constant 0 : i32
        %dma_start3A_73 = arith.constant 0 : i32
        %dma_start3A_74 = tpu.memref_slice %arg9[%dma_start3A_72, %dma_start3A_73] : memref<16x1024xf32, #tpu.memory_space<vmem>> -> memref<16x128xf32, #tpu.memory_space<vmem>>
        %dma_start3A_75 = arith.constant 0 : i32
        %dma_start3A_76 = tpu.memref_slice %arg4[%dma_start3A_75, %mul3A_66] : memref<16x1000000xf32, #tpu.memory_space<hbm>> -> memref<16x128xf32, #tpu.memory_space<hbm>>
        %dma_start3A_77 = arith.constant 0 : i32
        %dma_start3A_78 = tpu.memref_slice %arg4[%dma_start3A_77, %mul3A_66] : memref<16x1000000xf32, #tpu.memory_space<hbm>> -> memref<16x128xf32, #tpu.memory_space<hbm>>
        %dma_start3A_79 = arith.constant 0 : i32
        %dma_start3A_80 = arith.constant 0 : i32
        %dma_start3A_81 = tpu.memref_slice %arg9[%dma_start3A_79, %dma_start3A_80] : memref<16x1024xf32, #tpu.memory_space<vmem>> -> memref<16x128xf32, #tpu.memory_space<vmem>>
        tpu.enqueue_dma source(%dma_start3A_81 : memref<16x128xf32, #tpu.memory_space<vmem>>) target(%dma_start3A_78 : memref<16x128xf32, #tpu.memory_space<hbm>>) target_semaphore(%run_scoped3A : memref<!tpu.dma_semaphore, #tpu.memory_space<semaphore_mem>>)
        %dma_wait3A_82 = arith.constant 0 : i32
        %dma_wait3A_83 = arith.constant 0 : i32
        %dma_wait3A_84 = tpu.memref_slice %arg9[%dma_wait3A_82, %dma_wait3A_83] : memref<16x1024xf32, #tpu.memory_space<vmem>> -> memref<16x128xf32, #tpu.memory_space<vmem>>
        %dma_wait3A_85 = arith.constant 0 : i32
        %dma_wait3A_86 = tpu.memref_slice %arg4[%dma_wait3A_85, %mul3A_66] : memref<16x1000000xf32, #tpu.memory_space<hbm>> -> memref<16x128xf32, #tpu.memory_space<hbm>>
        %dma_wait3A_87 = arith.constant 0 : i32
        %dma_wait3A_88 = tpu.memref_slice %arg4[%dma_wait3A_87, %mul3A_66] : memref<16x1000000xf32, #tpu.memory_space<hbm>> -> memref<16x128xf32, #tpu.memory_space<hbm>>
        %dma_wait3A_89 = arith.constant 0 : i32
        %dma_wait3A_90 = arith.constant 0 : i32
        %dma_wait3A_91 = tpu.memref_slice %arg9[%dma_wait3A_89, %dma_wait3A_90] : memref<16x1024xf32, #tpu.memory_space<vmem>> -> memref<16x128xf32, #tpu.memory_space<vmem>>
        tpu.wait_dma2 semaphore(%run_scoped3A : memref<!tpu.dma_semaphore, #tpu.memory_space<semaphore_mem>>) src(%dma_wait3A_91 : memref<16x128xf32, #tpu.memory_space<vmem>>) dst(%dma_wait3A_88 : memref<16x128xf32, #tpu.memory_space<hbm>>)
        tpu.yield
      }) : () -> ()
      "tpu.region"() ({
        %run_scoped3A = tpu.sem_alloc : memref<!tpu.dma_semaphore, #tpu.memory_space<semaphore_mem>>
        %dma_start3A_72 = arith.constant 0 : i32
        %dma_start3A_73 = arith.constant 0 : i32
        %dma_start3A_74 = tpu.memref_slice %arg11[%dma_start3A_72, %dma_start3A_73] : memref<16x1024xf32, #tpu.memory_space<vmem>> -> memref<16x128xf32, #tpu.memory_space<vmem>>
        %dma_start3A_75 = arith.constant 0 : i32
        %dma_start3A_76 = tpu.memref_slice %arg5[%dma_start3A_75, %mul3A_66] : memref<16x1000000xf32, #tpu.memory_space<hbm>> -> memref<16x128xf32, #tpu.memory_space<hbm>>
        %dma_start3A_77 = arith.constant 0 : i32
        %dma_start3A_78 = tpu.memref_slice %arg5[%dma_start3A_77, %mul3A_66] : memref<16x1000000xf32, #tpu.memory_space<hbm>> -> memref<16x128xf32, #tpu.memory_space<hbm>>
        %dma_start3A_79 = arith.constant 0 : i32
        %dma_start3A_80 = arith.constant 0 : i32
        %dma_start3A_81 = tpu.memref_slice %arg11[%dma_start3A_79, %dma_start3A_80] : memref<16x1024xf32, #tpu.memory_space<vmem>> -> memref<16x128xf32, #tpu.memory_space<vmem>>
        tpu.enqueue_dma source(%dma_start3A_81 : memref<16x128xf32, #tpu.memory_space<vmem>>) target(%dma_start3A_78 : memref<16x128xf32, #tpu.memory_space<hbm>>) target_semaphore(%run_scoped3A : memref<!tpu.dma_semaphore, #tpu.memory_space<semaphore_mem>>)
        %dma_wait3A_82 = arith.constant 0 : i32
        %dma_wait3A_83 = arith.constant 0 : i32
        %dma_wait3A_84 = tpu.memref_slice %arg11[%dma_wait3A_82, %dma_wait3A_83] : memref<16x1024xf32, #tpu.memory_space<vmem>> -> memref<16x128xf32, #tpu.memory_space<vmem>>
        %dma_wait3A_85 = arith.constant 0 : i32
        %dma_wait3A_86 = tpu.memref_slice %arg5[%dma_wait3A_85, %mul3A_66] : memref<16x1000000xf32, #tpu.memory_space<hbm>> -> memref<16x128xf32, #tpu.memory_space<hbm>>
        %dma_wait3A_87 = arith.constant 0 : i32
        %dma_wait3A_88 = tpu.memref_slice %arg5[%dma_wait3A_87, %mul3A_66] : memref<16x1000000xf32, #tpu.memory_space<hbm>> -> memref<16x128xf32, #tpu.memory_space<hbm>>
        %dma_wait3A_89 = arith.constant 0 : i32
        %dma_wait3A_90 = arith.constant 0 : i32
        %dma_wait3A_91 = tpu.memref_slice %arg11[%dma_wait3A_89, %dma_wait3A_90] : memref<16x1024xf32, #tpu.memory_space<vmem>> -> memref<16x128xf32, #tpu.memory_space<vmem>>
        tpu.wait_dma2 semaphore(%run_scoped3A : memref<!tpu.dma_semaphore, #tpu.memory_space<semaphore_mem>>) src(%dma_wait3A_91 : memref<16x128xf32, #tpu.memory_space<vmem>>) dst(%dma_wait3A_88 : memref<16x128xf32, #tpu.memory_space<hbm>>)
        tpu.yield
      }) : () -> ()
    }
    %while3A_58 = arith.constant 1 : i32
    scf.for %while3A_59 = %while3A_56 to %while3A_52 step %while3A_58  : i32 {
      %mul3A_60 = arith.muli %while3A_59, %while3A : i32
      %add3A_61 = arith.addi %while3A_49, %mul3A_60 : i32
      %add3A_62 = arith.constant 240 : i32
      %add3A_63 = arith.addi %add3A_6, %add3A_62 : i32
      %add3A_64 = arith.addi %add3A_63, %add3A_61 : i32
      %mul3A_65 = arith.constant 128 : i32
      %mul3A_66 = arith.muli %add3A_64, %mul3A_65 : i32
      "tpu.region"() ({
        %run_scoped3A = tpu.sem_alloc : memref<!tpu.dma_semaphore, #tpu.memory_space<semaphore_mem>>
        %dma_start3A_72 = arith.constant 0 : i32
        %dma_start3A_73 = arith.constant 0 : i32
        %dma_start3A_74 = tpu.memref_slice %arg7[%dma_start3A_72, %dma_start3A_73] : memref<16x1024xf32, #tpu.memory_space<vmem>> -> memref<16x128xf32, #tpu.memory_space<vmem>>
        %dma_start3A_75 = arith.constant 0 : i32
        %dma_start3A_76 = tpu.memref_slice %arg2[%dma_start3A_75, %mul3A_66] : memref<16x1000000xf32, #tpu.memory_space<hbm>> -> memref<16x128xf32, #tpu.memory_space<hbm>>
        %dma_start3A_77 = arith.constant 0 : i32
        %dma_start3A_78 = arith.constant 0 : i32
        %dma_start3A_79 = tpu.memref_slice %arg7[%dma_start3A_77, %dma_start3A_78] : memref<16x1024xf32, #tpu.memory_space<vmem>> -> memref<16x128xf32, #tpu.memory_space<vmem>>
        %dma_start3A_80 = arith.constant 0 : i32
        %dma_start3A_81 = tpu.memref_slice %arg2[%dma_start3A_80, %mul3A_66] : memref<16x1000000xf32, #tpu.memory_space<hbm>> -> memref<16x128xf32, #tpu.memory_space<hbm>>
        tpu.enqueue_dma source(%dma_start3A_81 : memref<16x128xf32, #tpu.memory_space<hbm>>) target(%dma_start3A_79 : memref<16x128xf32, #tpu.memory_space<vmem>>) target_semaphore(%run_scoped3A : memref<!tpu.dma_semaphore, #tpu.memory_space<semaphore_mem>>)
        %dma_wait3A_82 = arith.constant 0 : i32
        %dma_wait3A_83 = arith.constant 0 : i32
        %dma_wait3A_84 = tpu.memref_slice %arg7[%dma_wait3A_82, %dma_wait3A_83] : memref<16x1024xf32, #tpu.memory_space<vmem>> -> memref<16x128xf32, #tpu.memory_space<vmem>>
        %dma_wait3A_85 = arith.constant 0 : i32
        %dma_wait3A_86 = tpu.memref_slice %arg2[%dma_wait3A_85, %mul3A_66] : memref<16x1000000xf32, #tpu.memory_space<hbm>> -> memref<16x128xf32, #tpu.memory_space<hbm>>
        %dma_wait3A_87 = arith.constant 0 : i32
        %dma_wait3A_88 = arith.constant 0 : i32
        %dma_wait3A_89 = tpu.memref_slice %arg7[%dma_wait3A_87, %dma_wait3A_88] : memref<16x1024xf32, #tpu.memory_space<vmem>> -> memref<16x128xf32, #tpu.memory_space<vmem>>
        %dma_wait3A_90 = arith.constant 0 : i32
        %dma_wait3A_91 = tpu.memref_slice %arg2[%dma_wait3A_90, %mul3A_66] : memref<16x1000000xf32, #tpu.memory_space<hbm>> -> memref<16x128xf32, #tpu.memory_space<hbm>>
        tpu.wait_dma2 semaphore(%run_scoped3A : memref<!tpu.dma_semaphore, #tpu.memory_space<semaphore_mem>>) src(%dma_wait3A_91 : memref<16x128xf32, #tpu.memory_space<hbm>>) dst(%dma_wait3A_89 : memref<16x128xf32, #tpu.memory_space<vmem>>)
        tpu.yield
      }) : () -> ()
      %scan3A_67 = arith.constant 0 : i32
      %scan3A_68 = arith.constant 16 : i32
      %scan3A_69 = arith.addi %scan3A_67, %scan3A_68 : i32
      %scan3A_70 = arith.constant 1 : i32
      scf.for %scan3A_72 = %scan3A_67 to %scan3A_69 step %scan3A_70  : i32 {
        %mul3A_73 = arith.constant 1 : i32
        %mul3A_74 = arith.muli %scan3A_72, %mul3A_73 : i32
        %add3A_75 = arith.constant 0 : i32
        %add3A_76 = arith.addi %add3A_75, %mul3A_74 : i32
        %mul3A_77 = arith.constant 64 : i32
        %mul3A_78 = arith.muli %add3A_76, %mul3A_77 : i32
        %broadcast_in_dim3A = vector.broadcast %mul3A_78 : i32 to vector<16xi32>
        %parallel_loop3A = arith.constant 0 : i32
        %parallel_loop3A_79 = arith.constant 8 : i32
        %parallel_loop3A_80 = arith.constant 1 : i32
        scf.for %parallel_loop3A_81 = %parallel_loop3A to %parallel_loop3A_79 step %parallel_loop3A_80  : i32 {
          %parallel_loop3A_82 = arith.constant 16 : i32
          %parallel_loop3A_83 = arith.muli %parallel_loop3A_81, %parallel_loop3A_82 : i32
          %parallel_loop3A_84 = arith.index_cast %add3A_76 : i32 to index
          %parallel_loop3A_85 = arith.index_cast %parallel_loop3A_83 : i32 to index
          %parallel_loop3A_86 = tpu.vector_load %arg7[%parallel_loop3A_84, %parallel_loop3A_85] {strides = array<i32>} : memref<16x1024xf32, #tpu.memory_space<vmem>>, vector<16xf32>,
          %parallel_loop3A_87 = arith.constant 31 : i32
          %parallel_loop3A_88 = vector.broadcast %parallel_loop3A_87 : i32 to vector<16xi32>
          %parallel_loop3A_89 = arith.addi %broadcast_in_dim3A, %parallel_loop3A_88 : vector<16xi32>
          %parallel_loop3A_90 = tpu.vector_load_idx %arg6[%parallel_loop3A_89] : memref<4096xf32, #tpu.memory_space<vmem>>[vector<16xi32>], vector<16xf32>,
          %parallel_loop3A_91 = arith.cmpf olt, %parallel_loop3A_90, %parallel_loop3A_86 : vector<16xf32>
          %parallel_loop3A_92 = arith.constant 32 : i32
          %parallel_loop3A_93 = vector.broadcast %parallel_loop3A_92 : i32 to vector<16xi32>
          %parallel_loop3A_94 = arith.addi %broadcast_in_dim3A, %parallel_loop3A_93 : vector<16xi32>
          %parallel_loop3A_95 = arith.select %parallel_loop3A_91, %parallel_loop3A_94, %broadcast_in_dim3A : vector<16xi1>, vector<16xi32>
          %parallel_loop3A_96 = arith.constant 15 : i32
          %parallel_loop3A_97 = vector.broadcast %parallel_loop3A_96 : i32 to vector<16xi32>
          %parallel_loop3A_98 = arith.addi %parallel_loop3A_95, %parallel_loop3A_97 : vector<16xi32>
          %parallel_loop3A_99 = tpu.vector_load_idx %arg6[%parallel_loop3A_98] : memref<4096xf32, #tpu.memory_space<vmem>>[vector<16xi32>], vector<16xf32>,
          %parallel_loop3A_100 = arith.cmpf olt, %parallel_loop3A_99, %parallel_loop3A_86 : vector<16xf32>
          %parallel_loop3A_101 = arith.constant 16 : i32
          %parallel_loop3A_102 = vector.broadcast %parallel_loop3A_101 : i32 to vector<16xi32>
          %parallel_loop3A_103 = arith.addi %parallel_loop3A_95, %parallel_loop3A_102 : vector<16xi32>
          %parallel_loop3A_104 = arith.select %parallel_loop3A_100, %parallel_loop3A_103, %parallel_loop3A_95 : vector<16xi1>, vector<16xi32>
          %parallel_loop3A_105 = arith.constant 7 : i32
          %parallel_loop3A_106 = vector.broadcast %parallel_loop3A_105 : i32 to vector<16xi32>
          %parallel_loop3A_107 = arith.addi %parallel_loop3A_104, %parallel_loop3A_106 : vector<16xi32>
          %parallel_loop3A_108 = tpu.vector_load_idx %arg6[%parallel_loop3A_107] : memref<4096xf32, #tpu.memory_space<vmem>>[vector<16xi32>], vector<16xf32>,
          %parallel_loop3A_109 = arith.cmpf olt, %parallel_loop3A_108, %parallel_loop3A_86 : vector<16xf32>
          %parallel_loop3A_110 = arith.constant 8 : i32
          %parallel_loop3A_111 = vector.broadcast %parallel_loop3A_110 : i32 to vector<16xi32>
          %parallel_loop3A_112 = arith.addi %parallel_loop3A_104, %parallel_loop3A_111 : vector<16xi32>
          %parallel_loop3A_113 = arith.select %parallel_loop3A_109, %parallel_loop3A_112, %parallel_loop3A_104 : vector<16xi1>, vector<16xi32>
          %parallel_loop3A_114 = arith.constant 3 : i32
          %parallel_loop3A_115 = vector.broadcast %parallel_loop3A_114 : i32 to vector<16xi32>
          %parallel_loop3A_116 = arith.addi %parallel_loop3A_113, %parallel_loop3A_115 : vector<16xi32>
          %parallel_loop3A_117 = tpu.vector_load_idx %arg6[%parallel_loop3A_116] : memref<4096xf32, #tpu.memory_space<vmem>>[vector<16xi32>], vector<16xf32>,
          %parallel_loop3A_118 = arith.cmpf olt, %parallel_loop3A_117, %parallel_loop3A_86 : vector<16xf32>
          %parallel_loop3A_119 = arith.constant 4 : i32
          %parallel_loop3A_120 = vector.broadcast %parallel_loop3A_119 : i32 to vector<16xi32>
          %parallel_loop3A_121 = arith.addi %parallel_loop3A_113, %parallel_loop3A_120 : vector<16xi32>
          %parallel_loop3A_122 = arith.select %parallel_loop3A_118, %parallel_loop3A_121, %parallel_loop3A_113 : vector<16xi1>, vector<16xi32>
          %parallel_loop3A_123 = arith.constant 1 : i32
          %parallel_loop3A_124 = vector.broadcast %parallel_loop3A_123 : i32 to vector<16xi32>
          %parallel_loop3A_125 = arith.addi %parallel_loop3A_122, %parallel_loop3A_124 : vector<16xi32>
          %parallel_loop3A_126 = tpu.vector_load_idx %arg6[%parallel_loop3A_125] : memref<4096xf32, #tpu.memory_space<vmem>>[vector<16xi32>], vector<16xf32>,
          %parallel_loop3A_127 = arith.cmpf olt, %parallel_loop3A_126, %parallel_loop3A_86 : vector<16xf32>
          %parallel_loop3A_128 = arith.constant 2 : i32
          %parallel_loop3A_129 = vector.broadcast %parallel_loop3A_128 : i32 to vector<16xi32>
          %parallel_loop3A_130 = arith.addi %parallel_loop3A_122, %parallel_loop3A_129 : vector<16xi32>
          %parallel_loop3A_131 = arith.select %parallel_loop3A_127, %parallel_loop3A_130, %parallel_loop3A_122 : vector<16xi1>, vector<16xi32>
          %parallel_loop3A_132 = arith.constant 0 : i32
          %parallel_loop3A_133 = vector.broadcast %parallel_loop3A_132 : i32 to vector<16xi32>
          %parallel_loop3A_134 = arith.addi %parallel_loop3A_131, %parallel_loop3A_133 : vector<16xi32>
          %parallel_loop3A_135 = tpu.vector_load_idx %arg6[%parallel_loop3A_134] : memref<4096xf32, #tpu.memory_space<vmem>>[vector<16xi32>], vector<16xf32>,
          %parallel_loop3A_136 = arith.cmpf olt, %parallel_loop3A_135, %parallel_loop3A_86 : vector<16xf32>
          %parallel_loop3A_137 = arith.constant 1 : i32
          %parallel_loop3A_138 = vector.broadcast %parallel_loop3A_137 : i32 to vector<16xi32>
          %parallel_loop3A_139 = arith.addi %parallel_loop3A_131, %parallel_loop3A_138 : vector<16xi32>
          %parallel_loop3A_140 = arith.select %parallel_loop3A_136, %parallel_loop3A_139, %parallel_loop3A_131 : vector<16xi1>, vector<16xi32>
          %parallel_loop3A_141 = arith.constant 1024 : i32
          %parallel_loop3A_142 = vector.broadcast %parallel_loop3A_141 : i32 to vector<16xi32>
          %parallel_loop3A_143 = arith.addi %parallel_loop3A_140, %parallel_loop3A_142 : vector<16xi32>
          %parallel_loop3A_144 = tpu.vector_load_idx %arg6[%parallel_loop3A_143] : memref<4096xf32, #tpu.memory_space<vmem>>[vector<16xi32>], vector<16xf32>,
          %parallel_loop3A_145 = arith.constant 2048 : i32
          %parallel_loop3A_146 = vector.broadcast %parallel_loop3A_145 : i32 to vector<16xi32>
          %parallel_loop3A_147 = arith.addi %parallel_loop3A_140, %parallel_loop3A_146 : vector<16xi32>
          %parallel_loop3A_148 = tpu.vector_load_idx %arg6[%parallel_loop3A_147] : memref<4096xf32, #tpu.memory_space<vmem>>[vector<16xi32>], vector<16xf32>,
          %parallel_loop3A_149 = arith.constant 3072 : i32
          %parallel_loop3A_150 = vector.broadcast %parallel_loop3A_149 : i32 to vector<16xi32>
          %parallel_loop3A_151 = arith.addi %parallel_loop3A_140, %parallel_loop3A_150 : vector<16xi32>
          %parallel_loop3A_152 = tpu.vector_load_idx %arg6[%parallel_loop3A_151] : memref<4096xf32, #tpu.memory_space<vmem>>[vector<16xi32>], vector<16xf32>,
          %parallel_loop3A_153 = arith.mulf %parallel_loop3A_144, %parallel_loop3A_86 : vector<16xf32>
          %parallel_loop3A_154 = arith.addf %parallel_loop3A_153, %parallel_loop3A_148 : vector<16xf32>
          %parallel_loop3A_155 = arith.constant 16 : i32
          %parallel_loop3A_156 = arith.muli %parallel_loop3A_81, %parallel_loop3A_155 : i32
          %parallel_loop3A_157 = arith.index_cast %add3A_76 : i32 to index
          %parallel_loop3A_158 = arith.index_cast %parallel_loop3A_156 : i32 to index
          %parallel_loop3A_159 = tpu.vector_load %arg9[%parallel_loop3A_157, %parallel_loop3A_158] {strides = array<i32>} : memref<16x1024xf32, #tpu.memory_space<vmem>>, vector<16xf32>,
          tpu.vector_store %arg9[%parallel_loop3A_157, %parallel_loop3A_158], %parallel_loop3A_154 {strides = array<i32>} : memref<16x1024xf32, #tpu.memory_space<vmem>>, vector<16xf32>,
          %parallel_loop3A_160 = arith.constant 16 : i32
          %parallel_loop3A_161 = arith.muli %parallel_loop3A_81, %parallel_loop3A_160 : i32
          %parallel_loop3A_162 = arith.index_cast %add3A_76 : i32 to index
          %parallel_loop3A_163 = arith.index_cast %parallel_loop3A_161 : i32 to index
          %parallel_loop3A_164 = tpu.vector_load %arg11[%parallel_loop3A_162, %parallel_loop3A_163] {strides = array<i32>} : memref<16x1024xf32, #tpu.memory_space<vmem>>, vector<16xf32>,
          tpu.vector_store %arg11[%parallel_loop3A_162, %parallel_loop3A_163], %parallel_loop3A_152 {strides = array<i32>} : memref<16x1024xf32, #tpu.memory_space<vmem>>, vector<16xf32>,
        } {sc.loop_unroll_factor = 8 : i64, sc.parallel_access}
      }
      %scan3A_71 = arith.constant 16 : i32
      "tpu.region"() ({
        %run_scoped3A = tpu.sem_alloc : memref<!tpu.dma_semaphore, #tpu.memory_space<semaphore_mem>>
        %dma_start3A_72 = arith.constant 0 : i32
        %dma_start3A_73 = arith.constant 0 : i32
        %dma_start3A_74 = tpu.memref_slice %arg9[%dma_start3A_72, %dma_start3A_73] : memref<16x1024xf32, #tpu.memory_space<vmem>> -> memref<16x128xf32, #tpu.memory_space<vmem>>
        %dma_start3A_75 = arith.constant 0 : i32
        %dma_start3A_76 = tpu.memref_slice %arg4[%dma_start3A_75, %mul3A_66] : memref<16x1000000xf32, #tpu.memory_space<hbm>> -> memref<16x128xf32, #tpu.memory_space<hbm>>
        %dma_start3A_77 = arith.constant 0 : i32
        %dma_start3A_78 = tpu.memref_slice %arg4[%dma_start3A_77, %mul3A_66] : memref<16x1000000xf32, #tpu.memory_space<hbm>> -> memref<16x128xf32, #tpu.memory_space<hbm>>
        %dma_start3A_79 = arith.constant 0 : i32
        %dma_start3A_80 = arith.constant 0 : i32
        %dma_start3A_81 = tpu.memref_slice %arg9[%dma_start3A_79, %dma_start3A_80] : memref<16x1024xf32, #tpu.memory_space<vmem>> -> memref<16x128xf32, #tpu.memory_space<vmem>>
        tpu.enqueue_dma source(%dma_start3A_81 : memref<16x128xf32, #tpu.memory_space<vmem>>) target(%dma_start3A_78 : memref<16x128xf32, #tpu.memory_space<hbm>>) target_semaphore(%run_scoped3A : memref<!tpu.dma_semaphore, #tpu.memory_space<semaphore_mem>>)
        %dma_wait3A_82 = arith.constant 0 : i32
        %dma_wait3A_83 = arith.constant 0 : i32
        %dma_wait3A_84 = tpu.memref_slice %arg9[%dma_wait3A_82, %dma_wait3A_83] : memref<16x1024xf32, #tpu.memory_space<vmem>> -> memref<16x128xf32, #tpu.memory_space<vmem>>
        %dma_wait3A_85 = arith.constant 0 : i32
        %dma_wait3A_86 = tpu.memref_slice %arg4[%dma_wait3A_85, %mul3A_66] : memref<16x1000000xf32, #tpu.memory_space<hbm>> -> memref<16x128xf32, #tpu.memory_space<hbm>>
        %dma_wait3A_87 = arith.constant 0 : i32
        %dma_wait3A_88 = tpu.memref_slice %arg4[%dma_wait3A_87, %mul3A_66] : memref<16x1000000xf32, #tpu.memory_space<hbm>> -> memref<16x128xf32, #tpu.memory_space<hbm>>
        %dma_wait3A_89 = arith.constant 0 : i32
        %dma_wait3A_90 = arith.constant 0 : i32
        %dma_wait3A_91 = tpu.memref_slice %arg9[%dma_wait3A_89, %dma_wait3A_90] : memref<16x1024xf32, #tpu.memory_space<vmem>> -> memref<16x128xf32, #tpu.memory_space<vmem>>
        tpu.wait_dma2 semaphore(%run_scoped3A : memref<!tpu.dma_semaphore, #tpu.memory_space<semaphore_mem>>) src(%dma_wait3A_91 : memref<16x128xf32, #tpu.memory_space<vmem>>) dst(%dma_wait3A_88 : memref<16x128xf32, #tpu.memory_space<hbm>>)
        tpu.yield
      }) : () -> ()
      "tpu.region"() ({
        %run_scoped3A = tpu.sem_alloc : memref<!tpu.dma_semaphore, #tpu.memory_space<semaphore_mem>>
        %dma_start3A_72 = arith.constant 0 : i32
        %dma_start3A_73 = arith.constant 0 : i32
        %dma_start3A_74 = tpu.memref_slice %arg11[%dma_start3A_72, %dma_start3A_73] : memref<16x1024xf32, #tpu.memory_space<vmem>> -> memref<16x128xf32, #tpu.memory_space<vmem>>
        %dma_start3A_75 = arith.constant 0 : i32
        %dma_start3A_76 = tpu.memref_slice %arg5[%dma_start3A_75, %mul3A_66] : memref<16x1000000xf32, #tpu.memory_space<hbm>> -> memref<16x128xf32, #tpu.memory_space<hbm>>
        %dma_start3A_77 = arith.constant 0 : i32
        %dma_start3A_78 = tpu.memref_slice %arg5[%dma_start3A_77, %mul3A_66] : memref<16x1000000xf32, #tpu.memory_space<hbm>> -> memref<16x128xf32, #tpu.memory_space<hbm>>
        %dma_start3A_79 = arith.constant 0 : i32
        %dma_start3A_80 = arith.constant 0 : i32
        %dma_start3A_81 = tpu.memref_slice %arg11[%dma_start3A_79, %dma_start3A_80] : memref<16x1024xf32, #tpu.memory_space<vmem>> -> memref<16x128xf32, #tpu.memory_space<vmem>>
        tpu.enqueue_dma source(%dma_start3A_81 : memref<16x128xf32, #tpu.memory_space<vmem>>) target(%dma_start3A_78 : memref<16x128xf32, #tpu.memory_space<hbm>>) target_semaphore(%run_scoped3A : memref<!tpu.dma_semaphore, #tpu.memory_space<semaphore_mem>>)
        %dma_wait3A_82 = arith.constant 0 : i32
        %dma_wait3A_83 = arith.constant 0 : i32
        %dma_wait3A_84 = tpu.memref_slice %arg11[%dma_wait3A_82, %dma_wait3A_83] : memref<16x1024xf32, #tpu.memory_space<vmem>> -> memref<16x128xf32, #tpu.memory_space<vmem>>
        %dma_wait3A_85 = arith.constant 0 : i32
        %dma_wait3A_86 = tpu.memref_slice %arg5[%dma_wait3A_85, %mul3A_66] : memref<16x1000000xf32, #tpu.memory_space<hbm>> -> memref<16x128xf32, #tpu.memory_space<hbm>>
        %dma_wait3A_87 = arith.constant 0 : i32
        %dma_wait3A_88 = tpu.memref_slice %arg5[%dma_wait3A_87, %mul3A_66] : memref<16x1000000xf32, #tpu.memory_space<hbm>> -> memref<16x128xf32, #tpu.memory_space<hbm>>
        %dma_wait3A_89 = arith.constant 0 : i32
        %dma_wait3A_90 = arith.constant 0 : i32
        %dma_wait3A_91 = tpu.memref_slice %arg11[%dma_wait3A_89, %dma_wait3A_90] : memref<16x1024xf32, #tpu.memory_space<vmem>> -> memref<16x128xf32, #tpu.memory_space<vmem>>
        tpu.wait_dma2 semaphore(%run_scoped3A : memref<!tpu.dma_semaphore, #tpu.memory_space<semaphore_mem>>) src(%dma_wait3A_91 : memref<16x128xf32, #tpu.memory_space<vmem>>) dst(%dma_wait3A_88 : memref<16x128xf32, #tpu.memory_space<hbm>>)
        tpu.yield
      }) : () -> ()
    }
    return
  }
}

module attributes {stable_mosaic.version = 14 : i64} {
  func.func @_tables_body(%arg0: memref<16x1xf32, #tpu.memory_space<vmem>>, %arg1: memref<16x1xf32, #tpu.memory_space<vmem>>, %arg2: memref<16x63xf32, #tpu.memory_space<vmem>>, %arg3: memref<16x63xf32, #tpu.memory_space<vmem>>, %arg4: memref<16x64xf32, #tpu.memory_space<vmem>>, %arg5: memref<64x64xf32, #tpu.memory_space<vmem>>, %arg6: memref<16x64xf32, #tpu.memory_space<vmem>>, %arg7: memref<16x64xf32, #tpu.memory_space<vmem>>) attributes {dimension_semantics = [], scalar_prefetch = 0 : i64, scratch_operands = 0 : i64, tpu.core_type = #tpu.core_type<tc>} {
    %get3A = arith.constant 0 : index
    %get3A_0 = arith.constant 0 : index
    %get3A_1 = vector.load %arg2[%get3A, %get3A_0] : memref<16x63xf32, #tpu.memory_space<vmem>>, vector<16x63xf32>
    %get3A_2 = arith.constant 0 : index
    %get3A_3 = arith.constant 0 : index
    %get3A_4 = vector.load %arg3[%get3A_2, %get3A_3] : memref<16x63xf32, #tpu.memory_space<vmem>>, vector<16x63xf32>
    %exp3A = math.exp %get3A_1 : vector<16x63xf32>
    %exp3A_5 = math.exp %get3A_4 : vector<16x63xf32>
    %iota3A = tpu.iota {dimensions = array<i32: 0>} : vector<63x64xi32>
    %iota3A_6 = tpu.iota {dimensions = array<i32: 1>} : vector<63x64xi32>
    %lt3A = arith.cmpi slt, %iota3A, %iota3A_6 : vector<63x64xi32>
    %convert_element_type3A = arith.extui %lt3A : vector<63x64xi1> to vector<63x64xi32>
    %convert_element_type3A_7 = arith.sitofp %convert_element_type3A : vector<63x64xi32> to vector<63x64xf32>
    %get3A_8 = arith.constant 0 : index
    %get3A_9 = arith.constant 0 : index
    %get3A_10 = vector.load %arg0[%get3A_8, %get3A_9] : memref<16x1xf32, #tpu.memory_space<vmem>>, vector<16x1xf32>
    %dot_general3A = arith.constant dense<0.000000e+00> : vector<16x64xf32>
    %dot_general3A_11 = tpu.matmul %exp3A, %convert_element_type3A_7, %dot_general3A {dimension_numbers = #tpu.dot_dimension_numbers<[1], [0], [0], [1], [0, 0, 1, 1], [], []>, transpose_lhs_hint = false} : vector<16x63xf32>, vector<63x64xf32>, vector<16x64xf32> -> vector<16x64xf32>
    %add3A = vector.broadcast %get3A_10 : vector<16x1xf32> to vector<16x64xf32>
    %add3A_12 = arith.addf %add3A, %dot_general3A_11 : vector<16x64xf32>
    %get3A_13 = arith.constant 0 : index
    %get3A_14 = arith.constant 0 : index
    %get3A_15 = vector.load %arg1[%get3A_13, %get3A_14] : memref<16x1xf32, #tpu.memory_space<vmem>>, vector<16x1xf32>
    %dot_general3A_16 = arith.constant dense<0.000000e+00> : vector<16x64xf32>
    %dot_general3A_17 = tpu.matmul %exp3A_5, %convert_element_type3A_7, %dot_general3A_16 {dimension_numbers = #tpu.dot_dimension_numbers<[1], [0], [0], [1], [0, 0, 1, 1], [], []>, transpose_lhs_hint = false} : vector<16x63xf32>, vector<63x64xf32>, vector<16x64xf32> -> vector<16x64xf32>
    %add3A_18 = vector.broadcast %get3A_15 : vector<16x1xf32> to vector<16x64xf32>
    %add3A_19 = arith.addf %add3A_18, %dot_general3A_17 : vector<16x64xf32>
    %slice3A = vector.extract_strided_slice %add3A_19 {offsets = [0, 1], sizes = [16, 63], strides = [1, 1]} : vector<16x64xf32> to vector<16x63xf32>
    %slice3A_20 = vector.extract_strided_slice %add3A_19 {offsets = [0, 0], sizes = [16, 63], strides = [1, 1]} : vector<16x64xf32> to vector<16x63xf32>
    %sub3A = arith.subf %slice3A, %slice3A_20 : vector<16x63xf32>
    %slice3A_21 = vector.extract_strided_slice %add3A_12 {offsets = [0, 1], sizes = [16, 63], strides = [1, 1]} : vector<16x64xf32> to vector<16x63xf32>
    %slice3A_22 = vector.extract_strided_slice %add3A_12 {offsets = [0, 0], sizes = [16, 63], strides = [1, 1]} : vector<16x64xf32> to vector<16x63xf32>
    %sub3A_23 = arith.subf %slice3A_21, %slice3A_22 : vector<16x63xf32>
    %div3A = arith.divf %sub3A, %sub3A_23 : vector<16x63xf32>
    %log3A = math.log %div3A : vector<16x63xf32>
    %slice3A_24 = vector.extract_strided_slice %add3A_19 {offsets = [0, 0], sizes = [16, 63], strides = [1, 1]} : vector<16x64xf32> to vector<16x63xf32>
    %slice3A_25 = vector.extract_strided_slice %add3A_12 {offsets = [0, 0], sizes = [16, 63], strides = [1, 1]} : vector<16x64xf32> to vector<16x63xf32>
    %mul3A = arith.mulf %div3A, %slice3A_25 : vector<16x63xf32>
    %sub3A_26 = arith.subf %slice3A_24, %mul3A : vector<16x63xf32>
    %broadcast_in_dim3A = arith.constant 0x7F800000 : f32
    %broadcast_in_dim3A_27 = vector.broadcast %broadcast_in_dim3A : f32 to vector<16x2xf32>
    %broadcast_in_dim3A_28 = arith.constant 0.000000e+00 : f32
    %broadcast_in_dim3A_29 = vector.broadcast %broadcast_in_dim3A_28 : f32 to vector<16x1xf32>
    %slice3A_30 = vector.extract_strided_slice %add3A_12 {offsets = [0, 1], sizes = [16, 62], strides = [1, 1]} : vector<16x64xf32> to vector<16x62xf32>
    %concatenate3A = tpu.concatenate %slice3A_30, %broadcast_in_dim3A_27 in 1 : vector<16x62xf32>, vector<16x2xf32> -> vector<16x64xf32>
    %add3A_31 = arith.constant 1.000000e+00 : f32
    %add3A_32 = vector.broadcast %add3A_31 : f32 to vector<16x1xf32>
    %add3A_33 = arith.addf %broadcast_in_dim3A_29, %add3A_32 : vector<16x1xf32>
    %concatenate3A_34 = tpu.concatenate %div3A, %add3A_33 in 1 : vector<16x63xf32>, vector<16x1xf32> -> vector<16x64xf32>
    %concatenate3A_35 = tpu.concatenate %sub3A_26, %broadcast_in_dim3A_29 in 1 : vector<16x63xf32>, vector<16x1xf32> -> vector<16x64xf32>
    %concatenate3A_36 = tpu.concatenate %log3A, %broadcast_in_dim3A_29 in 1 : vector<16x63xf32>, vector<16x1xf32> -> vector<16x64xf32>
    %concatenate3A_37 = tpu.concatenate %concatenate3A, %concatenate3A_34, %concatenate3A_35, %concatenate3A_36 in 0 : vector<16x64xf32>, vector<16x64xf32>, vector<16x64xf32>, vector<16x64xf32> -> vector<64x64xf32>
    %swap3A = arith.constant 0 : index
    %swap3A_38 = arith.constant 0 : index
    %swap3A_39 = vector.load %arg5[%swap3A, %swap3A_38] : memref<64x64xf32, #tpu.memory_space<vmem>>, vector<64x64xf32>
    tpu.vector_store %arg5[%swap3A, %swap3A_38], %concatenate3A_37 {strides = array<i32>} : memref<64x64xf32, #tpu.memory_space<vmem>>, vector<64x64xf32>,
    %get3A_40 = arith.constant 0 : index
    %get3A_41 = arith.constant 0 : index
    %get3A_42 = vector.load %arg4[%get3A_40, %get3A_41] : memref<16x64xf32, #tpu.memory_space<vmem>>, vector<16x64xf32>
    %slice3A_43 = vector.extract_strided_slice %div3A {offsets = [0, 0], sizes = [16, 1], strides = [1, 1]} : vector<16x63xf32> to vector<16x1xf32>
    %broadcast_in_dim3A_44 = vector.shape_cast %slice3A_43 : vector<16x1xf32> to vector<16x1xf32>
    %broadcast_in_dim3A_45 = vector.broadcast %broadcast_in_dim3A_44 : vector<16x1xf32> to vector<16x64xf32>
    %slice3A_46 = vector.extract_strided_slice %sub3A_26 {offsets = [0, 0], sizes = [16, 1], strides = [1, 1]} : vector<16x63xf32> to vector<16x1xf32>
    %broadcast_in_dim3A_47 = vector.shape_cast %slice3A_46 : vector<16x1xf32> to vector<16x1xf32>
    %broadcast_in_dim3A_48 = vector.broadcast %broadcast_in_dim3A_47 : vector<16x1xf32> to vector<16x64xf32>
    %slice3A_49 = vector.extract_strided_slice %log3A {offsets = [0, 0], sizes = [16, 1], strides = [1, 1]} : vector<16x63xf32> to vector<16x1xf32>
    %broadcast_in_dim3A_50 = vector.shape_cast %slice3A_49 : vector<16x1xf32> to vector<16x1xf32>
    %broadcast_in_dim3A_51 = vector.broadcast %broadcast_in_dim3A_50 : vector<16x1xf32> to vector<16x64xf32>
    %slice3A_52 = vector.extract_strided_slice %add3A_12 {offsets = [0, 1], sizes = [16, 1], strides = [1, 1]} : vector<16x64xf32> to vector<16x1xf32>
    %lt3A_53 = vector.broadcast %slice3A_52 : vector<16x1xf32> to vector<16x64xf32>
    %lt3A_54 = arith.cmpf olt, %lt3A_53, %get3A_42 : vector<16x64xf32>
    %convert_element_type3A_55 = arith.extui %lt3A_54 : vector<16x64xi1> to vector<16x64xi32>
    %convert_element_type3A_56 = arith.sitofp %convert_element_type3A_55 : vector<16x64xi32> to vector<16x64xf32>
    %slice3A_57 = vector.extract_strided_slice %div3A {offsets = [0, 1], sizes = [16, 1], strides = [1, 1]} : vector<16x63xf32> to vector<16x1xf32>
    %slice3A_58 = vector.extract_strided_slice %div3A {offsets = [0, 0], sizes = [16, 1], strides = [1, 1]} : vector<16x63xf32> to vector<16x1xf32>
    %sub3A_59 = arith.subf %slice3A_57, %slice3A_58 : vector<16x1xf32>
    %mul3A_60 = vector.broadcast %sub3A_59 : vector<16x1xf32> to vector<16x64xf32>
    %mul3A_61 = arith.mulf %mul3A_60, %convert_element_type3A_56 : vector<16x64xf32>
    %add3A_62 = arith.addf %broadcast_in_dim3A_45, %mul3A_61 : vector<16x64xf32>
    %slice3A_63 = vector.extract_strided_slice %sub3A_26 {offsets = [0, 1], sizes = [16, 1], strides = [1, 1]} : vector<16x63xf32> to vector<16x1xf32>
    %slice3A_64 = vector.extract_strided_slice %sub3A_26 {offsets = [0, 0], sizes = [16, 1], strides = [1, 1]} : vector<16x63xf32> to vector<16x1xf32>
    %sub3A_65 = arith.subf %slice3A_63, %slice3A_64 : vector<16x1xf32>
    %mul3A_66 = vector.broadcast %sub3A_65 : vector<16x1xf32> to vector<16x64xf32>
    %mul3A_67 = arith.mulf %mul3A_66, %convert_element_type3A_56 : vector<16x64xf32>
    %add3A_68 = arith.addf %broadcast_in_dim3A_48, %mul3A_67 : vector<16x64xf32>
    %slice3A_69 = vector.extract_strided_slice %log3A {offsets = [0, 1], sizes = [16, 1], strides = [1, 1]} : vector<16x63xf32> to vector<16x1xf32>
    %slice3A_70 = vector.extract_strided_slice %log3A {offsets = [0, 0], sizes = [16, 1], strides = [1, 1]} : vector<16x63xf32> to vector<16x1xf32>
    %sub3A_71 = arith.subf %slice3A_69, %slice3A_70 : vector<16x1xf32>
    %mul3A_72 = vector.broadcast %sub3A_71 : vector<16x1xf32> to vector<16x64xf32>
    %mul3A_73 = arith.mulf %mul3A_72, %convert_element_type3A_56 : vector<16x64xf32>
    %add3A_74 = arith.addf %broadcast_in_dim3A_51, %mul3A_73 : vector<16x64xf32>
    %slice3A_75 = vector.extract_strided_slice %add3A_12 {offsets = [0, 2], sizes = [16, 1], strides = [1, 1]} : vector<16x64xf32> to vector<16x1xf32>
    %lt3A_76 = vector.broadcast %slice3A_75 : vector<16x1xf32> to vector<16x64xf32>
    %lt3A_77 = arith.cmpf olt, %lt3A_76, %get3A_42 : vector<16x64xf32>
    %convert_element_type3A_78 = arith.extui %lt3A_77 : vector<16x64xi1> to vector<16x64xi32>
    %convert_element_type3A_79 = arith.sitofp %convert_element_type3A_78 : vector<16x64xi32> to vector<16x64xf32>
    %slice3A_80 = vector.extract_strided_slice %div3A {offsets = [0, 2], sizes = [16, 1], strides = [1, 1]} : vector<16x63xf32> to vector<16x1xf32>
    %slice3A_81 = vector.extract_strided_slice %div3A {offsets = [0, 1], sizes = [16, 1], strides = [1, 1]} : vector<16x63xf32> to vector<16x1xf32>
    %sub3A_82 = arith.subf %slice3A_80, %slice3A_81 : vector<16x1xf32>
    %mul3A_83 = vector.broadcast %sub3A_82 : vector<16x1xf32> to vector<16x64xf32>
    %mul3A_84 = arith.mulf %mul3A_83, %convert_element_type3A_79 : vector<16x64xf32>
    %add3A_85 = arith.addf %add3A_62, %mul3A_84 : vector<16x64xf32>
    %slice3A_86 = vector.extract_strided_slice %sub3A_26 {offsets = [0, 2], sizes = [16, 1], strides = [1, 1]} : vector<16x63xf32> to vector<16x1xf32>
    %slice3A_87 = vector.extract_strided_slice %sub3A_26 {offsets = [0, 1], sizes = [16, 1], strides = [1, 1]} : vector<16x63xf32> to vector<16x1xf32>
    %sub3A_88 = arith.subf %slice3A_86, %slice3A_87 : vector<16x1xf32>
    %mul3A_89 = vector.broadcast %sub3A_88 : vector<16x1xf32> to vector<16x64xf32>
    %mul3A_90 = arith.mulf %mul3A_89, %convert_element_type3A_79 : vector<16x64xf32>
    %add3A_91 = arith.addf %add3A_68, %mul3A_90 : vector<16x64xf32>
    %slice3A_92 = vector.extract_strided_slice %log3A {offsets = [0, 2], sizes = [16, 1], strides = [1, 1]} : vector<16x63xf32> to vector<16x1xf32>
    %slice3A_93 = vector.extract_strided_slice %log3A {offsets = [0, 1], sizes = [16, 1], strides = [1, 1]} : vector<16x63xf32> to vector<16x1xf32>
    %sub3A_94 = arith.subf %slice3A_92, %slice3A_93 : vector<16x1xf32>
    %mul3A_95 = vector.broadcast %sub3A_94 : vector<16x1xf32> to vector<16x64xf32>
    %mul3A_96 = arith.mulf %mul3A_95, %convert_element_type3A_79 : vector<16x64xf32>
    %add3A_97 = arith.addf %add3A_74, %mul3A_96 : vector<16x64xf32>
    %slice3A_98 = vector.extract_strided_slice %add3A_12 {offsets = [0, 3], sizes = [16, 1], strides = [1, 1]} : vector<16x64xf32> to vector<16x1xf32>
    %lt3A_99 = vector.broadcast %slice3A_98 : vector<16x1xf32> to vector<16x64xf32>
    %lt3A_100 = arith.cmpf olt, %lt3A_99, %get3A_42 : vector<16x64xf32>
    %convert_element_type3A_101 = arith.extui %lt3A_100 : vector<16x64xi1> to vector<16x64xi32>
    %convert_element_type3A_102 = arith.sitofp %convert_element_type3A_101 : vector<16x64xi32> to vector<16x64xf32>
    %slice3A_103 = vector.extract_strided_slice %div3A {offsets = [0, 3], sizes = [16, 1], strides = [1, 1]} : vector<16x63xf32> to vector<16x1xf32>
    %slice3A_104 = vector.extract_strided_slice %div3A {offsets = [0, 2], sizes = [16, 1], strides = [1, 1]} : vector<16x63xf32> to vector<16x1xf32>
    %sub3A_105 = arith.subf %slice3A_103, %slice3A_104 : vector<16x1xf32>
    %mul3A_106 = vector.broadcast %sub3A_105 : vector<16x1xf32> to vector<16x64xf32>
    %mul3A_107 = arith.mulf %mul3A_106, %convert_element_type3A_102 : vector<16x64xf32>
    %add3A_108 = arith.addf %add3A_85, %mul3A_107 : vector<16x64xf32>
    %slice3A_109 = vector.extract_strided_slice %sub3A_26 {offsets = [0, 3], sizes = [16, 1], strides = [1, 1]} : vector<16x63xf32> to vector<16x1xf32>
    %slice3A_110 = vector.extract_strided_slice %sub3A_26 {offsets = [0, 2], sizes = [16, 1], strides = [1, 1]} : vector<16x63xf32> to vector<16x1xf32>
    %sub3A_111 = arith.subf %slice3A_109, %slice3A_110 : vector<16x1xf32>
    %mul3A_112 = vector.broadcast %sub3A_111 : vector<16x1xf32> to vector<16x64xf32>
    %mul3A_113 = arith.mulf %mul3A_112, %convert_element_type3A_102 : vector<16x64xf32>
    %add3A_114 = arith.addf %add3A_91, %mul3A_113 : vector<16x64xf32>
    %slice3A_115 = vector.extract_strided_slice %log3A {offsets = [0, 3], sizes = [16, 1], strides = [1, 1]} : vector<16x63xf32> to vector<16x1xf32>
    %slice3A_116 = vector.extract_strided_slice %log3A {offsets = [0, 2], sizes = [16, 1], strides = [1, 1]} : vector<16x63xf32> to vector<16x1xf32>
    %sub3A_117 = arith.subf %slice3A_115, %slice3A_116 : vector<16x1xf32>
    %mul3A_118 = vector.broadcast %sub3A_117 : vector<16x1xf32> to vector<16x64xf32>
    %mul3A_119 = arith.mulf %mul3A_118, %convert_element_type3A_102 : vector<16x64xf32>
    %add3A_120 = arith.addf %add3A_97, %mul3A_119 : vector<16x64xf32>
    %slice3A_121 = vector.extract_strided_slice %add3A_12 {offsets = [0, 4], sizes = [16, 1], strides = [1, 1]} : vector<16x64xf32> to vector<16x1xf32>
    %lt3A_122 = vector.broadcast %slice3A_121 : vector<16x1xf32> to vector<16x64xf32>
    %lt3A_123 = arith.cmpf olt, %lt3A_122, %get3A_42 : vector<16x64xf32>
    %convert_element_type3A_124 = arith.extui %lt3A_123 : vector<16x64xi1> to vector<16x64xi32>
    %convert_element_type3A_125 = arith.sitofp %convert_element_type3A_124 : vector<16x64xi32> to vector<16x64xf32>
    %slice3A_126 = vector.extract_strided_slice %div3A {offsets = [0, 4], sizes = [16, 1], strides = [1, 1]} : vector<16x63xf32> to vector<16x1xf32>
    %slice3A_127 = vector.extract_strided_slice %div3A {offsets = [0, 3], sizes = [16, 1], strides = [1, 1]} : vector<16x63xf32> to vector<16x1xf32>
    %sub3A_128 = arith.subf %slice3A_126, %slice3A_127 : vector<16x1xf32>
    %mul3A_129 = vector.broadcast %sub3A_128 : vector<16x1xf32> to vector<16x64xf32>
    %mul3A_130 = arith.mulf %mul3A_129, %convert_element_type3A_125 : vector<16x64xf32>
    %add3A_131 = arith.addf %add3A_108, %mul3A_130 : vector<16x64xf32>
    %slice3A_132 = vector.extract_strided_slice %sub3A_26 {offsets = [0, 4], sizes = [16, 1], strides = [1, 1]} : vector<16x63xf32> to vector<16x1xf32>
    %slice3A_133 = vector.extract_strided_slice %sub3A_26 {offsets = [0, 3], sizes = [16, 1], strides = [1, 1]} : vector<16x63xf32> to vector<16x1xf32>
    %sub3A_134 = arith.subf %slice3A_132, %slice3A_133 : vector<16x1xf32>
    %mul3A_135 = vector.broadcast %sub3A_134 : vector<16x1xf32> to vector<16x64xf32>
    %mul3A_136 = arith.mulf %mul3A_135, %convert_element_type3A_125 : vector<16x64xf32>
    %add3A_137 = arith.addf %add3A_114, %mul3A_136 : vector<16x64xf32>
    %slice3A_138 = vector.extract_strided_slice %log3A {offsets = [0, 4], sizes = [16, 1], strides = [1, 1]} : vector<16x63xf32> to vector<16x1xf32>
    %slice3A_139 = vector.extract_strided_slice %log3A {offsets = [0, 3], sizes = [16, 1], strides = [1, 1]} : vector<16x63xf32> to vector<16x1xf32>
    %sub3A_140 = arith.subf %slice3A_138, %slice3A_139 : vector<16x1xf32>
    %mul3A_141 = vector.broadcast %sub3A_140 : vector<16x1xf32> to vector<16x64xf32>
    %mul3A_142 = arith.mulf %mul3A_141, %convert_element_type3A_125 : vector<16x64xf32>
    %add3A_143 = arith.addf %add3A_120, %mul3A_142 : vector<16x64xf32>
    %slice3A_144 = vector.extract_strided_slice %add3A_12 {offsets = [0, 5], sizes = [16, 1], strides = [1, 1]} : vector<16x64xf32> to vector<16x1xf32>
    %lt3A_145 = vector.broadcast %slice3A_144 : vector<16x1xf32> to vector<16x64xf32>
    %lt3A_146 = arith.cmpf olt, %lt3A_145, %get3A_42 : vector<16x64xf32>
    %convert_element_type3A_147 = arith.extui %lt3A_146 : vector<16x64xi1> to vector<16x64xi32>
    %convert_element_type3A_148 = arith.sitofp %convert_element_type3A_147 : vector<16x64xi32> to vector<16x64xf32>
    %slice3A_149 = vector.extract_strided_slice %div3A {offsets = [0, 5], sizes = [16, 1], strides = [1, 1]} : vector<16x63xf32> to vector<16x1xf32>
    %slice3A_150 = vector.extract_strided_slice %div3A {offsets = [0, 4], sizes = [16, 1], strides = [1, 1]} : vector<16x63xf32> to vector<16x1xf32>
    %sub3A_151 = arith.subf %slice3A_149, %slice3A_150 : vector<16x1xf32>
    %mul3A_152 = vector.broadcast %sub3A_151 : vector<16x1xf32> to vector<16x64xf32>
    %mul3A_153 = arith.mulf %mul3A_152, %convert_element_type3A_148 : vector<16x64xf32>
    %add3A_154 = arith.addf %add3A_131, %mul3A_153 : vector<16x64xf32>
    %slice3A_155 = vector.extract_strided_slice %sub3A_26 {offsets = [0, 5], sizes = [16, 1], strides = [1, 1]} : vector<16x63xf32> to vector<16x1xf32>
    %slice3A_156 = vector.extract_strided_slice %sub3A_26 {offsets = [0, 4], sizes = [16, 1], strides = [1, 1]} : vector<16x63xf32> to vector<16x1xf32>
    %sub3A_157 = arith.subf %slice3A_155, %slice3A_156 : vector<16x1xf32>
    %mul3A_158 = vector.broadcast %sub3A_157 : vector<16x1xf32> to vector<16x64xf32>
    %mul3A_159 = arith.mulf %mul3A_158, %convert_element_type3A_148 : vector<16x64xf32>
    %add3A_160 = arith.addf %add3A_137, %mul3A_159 : vector<16x64xf32>
    %slice3A_161 = vector.extract_strided_slice %log3A {offsets = [0, 5], sizes = [16, 1], strides = [1, 1]} : vector<16x63xf32> to vector<16x1xf32>
    %slice3A_162 = vector.extract_strided_slice %log3A {offsets = [0, 4], sizes = [16, 1], strides = [1, 1]} : vector<16x63xf32> to vector<16x1xf32>
    %sub3A_163 = arith.subf %slice3A_161, %slice3A_162 : vector<16x1xf32>
    %mul3A_164 = vector.broadcast %sub3A_163 : vector<16x1xf32> to vector<16x64xf32>
    %mul3A_165 = arith.mulf %mul3A_164, %convert_element_type3A_148 : vector<16x64xf32>
    %add3A_166 = arith.addf %add3A_143, %mul3A_165 : vector<16x64xf32>
    %slice3A_167 = vector.extract_strided_slice %add3A_12 {offsets = [0, 6], sizes = [16, 1], strides = [1, 1]} : vector<16x64xf32> to vector<16x1xf32>
    %lt3A_168 = vector.broadcast %slice3A_167 : vector<16x1xf32> to vector<16x64xf32>
    %lt3A_169 = arith.cmpf olt, %lt3A_168, %get3A_42 : vector<16x64xf32>
    %convert_element_type3A_170 = arith.extui %lt3A_169 : vector<16x64xi1> to vector<16x64xi32>
    %convert_element_type3A_171 = arith.sitofp %convert_element_type3A_170 : vector<16x64xi32> to vector<16x64xf32>
    %slice3A_172 = vector.extract_strided_slice %div3A {offsets = [0, 6], sizes = [16, 1], strides = [1, 1]} : vector<16x63xf32> to vector<16x1xf32>
    %slice3A_173 = vector.extract_strided_slice %div3A {offsets = [0, 5], sizes = [16, 1], strides = [1, 1]} : vector<16x63xf32> to vector<16x1xf32>
    %sub3A_174 = arith.subf %slice3A_172, %slice3A_173 : vector<16x1xf32>
    %mul3A_175 = vector.broadcast %sub3A_174 : vector<16x1xf32> to vector<16x64xf32>
    %mul3A_176 = arith.mulf %mul3A_175, %convert_element_type3A_171 : vector<16x64xf32>
    %add3A_177 = arith.addf %add3A_154, %mul3A_176 : vector<16x64xf32>
    %slice3A_178 = vector.extract_strided_slice %sub3A_26 {offsets = [0, 6], sizes = [16, 1], strides = [1, 1]} : vector<16x63xf32> to vector<16x1xf32>
    %slice3A_179 = vector.extract_strided_slice %sub3A_26 {offsets = [0, 5], sizes = [16, 1], strides = [1, 1]} : vector<16x63xf32> to vector<16x1xf32>
    %sub3A_180 = arith.subf %slice3A_178, %slice3A_179 : vector<16x1xf32>
    %mul3A_181 = vector.broadcast %sub3A_180 : vector<16x1xf32> to vector<16x64xf32>
    %mul3A_182 = arith.mulf %mul3A_181, %convert_element_type3A_171 : vector<16x64xf32>
    %add3A_183 = arith.addf %add3A_160, %mul3A_182 : vector<16x64xf32>
    %slice3A_184 = vector.extract_strided_slice %log3A {offsets = [0, 6], sizes = [16, 1], strides = [1, 1]} : vector<16x63xf32> to vector<16x1xf32>
    %slice3A_185 = vector.extract_strided_slice %log3A {offsets = [0, 5], sizes = [16, 1], strides = [1, 1]} : vector<16x63xf32> to vector<16x1xf32>
    %sub3A_186 = arith.subf %slice3A_184, %slice3A_185 : vector<16x1xf32>
    %mul3A_187 = vector.broadcast %sub3A_186 : vector<16x1xf32> to vector<16x64xf32>
    %mul3A_188 = arith.mulf %mul3A_187, %convert_element_type3A_171 : vector<16x64xf32>
    %add3A_189 = arith.addf %add3A_166, %mul3A_188 : vector<16x64xf32>
    %slice3A_190 = vector.extract_strided_slice %add3A_12 {offsets = [0, 7], sizes = [16, 1], strides = [1, 1]} : vector<16x64xf32> to vector<16x1xf32>
    %lt3A_191 = vector.broadcast %slice3A_190 : vector<16x1xf32> to vector<16x64xf32>
    %lt3A_192 = arith.cmpf olt, %lt3A_191, %get3A_42 : vector<16x64xf32>
    %convert_element_type3A_193 = arith.extui %lt3A_192 : vector<16x64xi1> to vector<16x64xi32>
    %convert_element_type3A_194 = arith.sitofp %convert_element_type3A_193 : vector<16x64xi32> to vector<16x64xf32>
    %slice3A_195 = vector.extract_strided_slice %div3A {offsets = [0, 7], sizes = [16, 1], strides = [1, 1]} : vector<16x63xf32> to vector<16x1xf32>
    %slice3A_196 = vector.extract_strided_slice %div3A {offsets = [0, 6], sizes = [16, 1], strides = [1, 1]} : vector<16x63xf32> to vector<16x1xf32>
    %sub3A_197 = arith.subf %slice3A_195, %slice3A_196 : vector<16x1xf32>
    %mul3A_198 = vector.broadcast %sub3A_197 : vector<16x1xf32> to vector<16x64xf32>
    %mul3A_199 = arith.mulf %mul3A_198, %convert_element_type3A_194 : vector<16x64xf32>
    %add3A_200 = arith.addf %add3A_177, %mul3A_199 : vector<16x64xf32>
    %slice3A_201 = vector.extract_strided_slice %sub3A_26 {offsets = [0, 7], sizes = [16, 1], strides = [1, 1]} : vector<16x63xf32> to vector<16x1xf32>
    %slice3A_202 = vector.extract_strided_slice %sub3A_26 {offsets = [0, 6], sizes = [16, 1], strides = [1, 1]} : vector<16x63xf32> to vector<16x1xf32>
    %sub3A_203 = arith.subf %slice3A_201, %slice3A_202 : vector<16x1xf32>
    %mul3A_204 = vector.broadcast %sub3A_203 : vector<16x1xf32> to vector<16x64xf32>
    %mul3A_205 = arith.mulf %mul3A_204, %convert_element_type3A_194 : vector<16x64xf32>
    %add3A_206 = arith.addf %add3A_183, %mul3A_205 : vector<16x64xf32>
    %slice3A_207 = vector.extract_strided_slice %log3A {offsets = [0, 7], sizes = [16, 1], strides = [1, 1]} : vector<16x63xf32> to vector<16x1xf32>
    %slice3A_208 = vector.extract_strided_slice %log3A {offsets = [0, 6], sizes = [16, 1], strides = [1, 1]} : vector<16x63xf32> to vector<16x1xf32>
    %sub3A_209 = arith.subf %slice3A_207, %slice3A_208 : vector<16x1xf32>
    %mul3A_210 = vector.broadcast %sub3A_209 : vector<16x1xf32> to vector<16x64xf32>
    %mul3A_211 = arith.mulf %mul3A_210, %convert_element_type3A_194 : vector<16x64xf32>
    %add3A_212 = arith.addf %add3A_189, %mul3A_211 : vector<16x64xf32>
    %slice3A_213 = vector.extract_strided_slice %add3A_12 {offsets = [0, 8], sizes = [16, 1], strides = [1, 1]} : vector<16x64xf32> to vector<16x1xf32>
    %lt3A_214 = vector.broadcast %slice3A_213 : vector<16x1xf32> to vector<16x64xf32>
    %lt3A_215 = arith.cmpf olt, %lt3A_214, %get3A_42 : vector<16x64xf32>
    %convert_element_type3A_216 = arith.extui %lt3A_215 : vector<16x64xi1> to vector<16x64xi32>
    %convert_element_type3A_217 = arith.sitofp %convert_element_type3A_216 : vector<16x64xi32> to vector<16x64xf32>
    %slice3A_218 = vector.extract_strided_slice %div3A {offsets = [0, 8], sizes = [16, 1], strides = [1, 1]} : vector<16x63xf32> to vector<16x1xf32>
    %slice3A_219 = vector.extract_strided_slice %div3A {offsets = [0, 7], sizes = [16, 1], strides = [1, 1]} : vector<16x63xf32> to vector<16x1xf32>
    %sub3A_220 = arith.subf %slice3A_218, %slice3A_219 : vector<16x1xf32>
    %mul3A_221 = vector.broadcast %sub3A_220 : vector<16x1xf32> to vector<16x64xf32>
    %mul3A_222 = arith.mulf %mul3A_221, %convert_element_type3A_217 : vector<16x64xf32>
    %add3A_223 = arith.addf %add3A_200, %mul3A_222 : vector<16x64xf32>
    %slice3A_224 = vector.extract_strided_slice %sub3A_26 {offsets = [0, 8], sizes = [16, 1], strides = [1, 1]} : vector<16x63xf32> to vector<16x1xf32>
    %slice3A_225 = vector.extract_strided_slice %sub3A_26 {offsets = [0, 7], sizes = [16, 1], strides = [1, 1]} : vector<16x63xf32> to vector<16x1xf32>
    %sub3A_226 = arith.subf %slice3A_224, %slice3A_225 : vector<16x1xf32>
    %mul3A_227 = vector.broadcast %sub3A_226 : vector<16x1xf32> to vector<16x64xf32>
    %mul3A_228 = arith.mulf %mul3A_227, %convert_element_type3A_217 : vector<16x64xf32>
    %add3A_229 = arith.addf %add3A_206, %mul3A_228 : vector<16x64xf32>
    %slice3A_230 = vector.extract_strided_slice %log3A {offsets = [0, 8], sizes = [16, 1], strides = [1, 1]} : vector<16x63xf32> to vector<16x1xf32>
    %slice3A_231 = vector.extract_strided_slice %log3A {offsets = [0, 7], sizes = [16, 1], strides = [1, 1]} : vector<16x63xf32> to vector<16x1xf32>
    %sub3A_232 = arith.subf %slice3A_230, %slice3A_231 : vector<16x1xf32>
    %mul3A_233 = vector.broadcast %sub3A_232 : vector<16x1xf32> to vector<16x64xf32>
    %mul3A_234 = arith.mulf %mul3A_233, %convert_element_type3A_217 : vector<16x64xf32>
    %add3A_235 = arith.addf %add3A_212, %mul3A_234 : vector<16x64xf32>
    %slice3A_236 = vector.extract_strided_slice %add3A_12 {offsets = [0, 9], sizes = [16, 1], strides = [1, 1]} : vector<16x64xf32> to vector<16x1xf32>
    %lt3A_237 = vector.broadcast %slice3A_236 : vector<16x1xf32> to vector<16x64xf32>
    %lt3A_238 = arith.cmpf olt, %lt3A_237, %get3A_42 : vector<16x64xf32>
    %convert_element_type3A_239 = arith.extui %lt3A_238 : vector<16x64xi1> to vector<16x64xi32>
    %convert_element_type3A_240 = arith.sitofp %convert_element_type3A_239 : vector<16x64xi32> to vector<16x64xf32>
    %slice3A_241 = vector.extract_strided_slice %div3A {offsets = [0, 9], sizes = [16, 1], strides = [1, 1]} : vector<16x63xf32> to vector<16x1xf32>
    %slice3A_242 = vector.extract_strided_slice %div3A {offsets = [0, 8], sizes = [16, 1], strides = [1, 1]} : vector<16x63xf32> to vector<16x1xf32>
    %sub3A_243 = arith.subf %slice3A_241, %slice3A_242 : vector<16x1xf32>
    %mul3A_244 = vector.broadcast %sub3A_243 : vector<16x1xf32> to vector<16x64xf32>
    %mul3A_245 = arith.mulf %mul3A_244, %convert_element_type3A_240 : vector<16x64xf32>
    %add3A_246 = arith.addf %add3A_223, %mul3A_245 : vector<16x64xf32>
    %slice3A_247 = vector.extract_strided_slice %sub3A_26 {offsets = [0, 9], sizes = [16, 1], strides = [1, 1]} : vector<16x63xf32> to vector<16x1xf32>
    %slice3A_248 = vector.extract_strided_slice %sub3A_26 {offsets = [0, 8], sizes = [16, 1], strides = [1, 1]} : vector<16x63xf32> to vector<16x1xf32>
    %sub3A_249 = arith.subf %slice3A_247, %slice3A_248 : vector<16x1xf32>
    %mul3A_250 = vector.broadcast %sub3A_249 : vector<16x1xf32> to vector<16x64xf32>
    %mul3A_251 = arith.mulf %mul3A_250, %convert_element_type3A_240 : vector<16x64xf32>
    %add3A_252 = arith.addf %add3A_229, %mul3A_251 : vector<16x64xf32>
    %slice3A_253 = vector.extract_strided_slice %log3A {offsets = [0, 9], sizes = [16, 1], strides = [1, 1]} : vector<16x63xf32> to vector<16x1xf32>
    %slice3A_254 = vector.extract_strided_slice %log3A {offsets = [0, 8], sizes = [16, 1], strides = [1, 1]} : vector<16x63xf32> to vector<16x1xf32>
    %sub3A_255 = arith.subf %slice3A_253, %slice3A_254 : vector<16x1xf32>
    %mul3A_256 = vector.broadcast %sub3A_255 : vector<16x1xf32> to vector<16x64xf32>
    %mul3A_257 = arith.mulf %mul3A_256, %convert_element_type3A_240 : vector<16x64xf32>
    %add3A_258 = arith.addf %add3A_235, %mul3A_257 : vector<16x64xf32>
    %slice3A_259 = vector.extract_strided_slice %add3A_12 {offsets = [0, 10], sizes = [16, 1], strides = [1, 1]} : vector<16x64xf32> to vector<16x1xf32>
    %lt3A_260 = vector.broadcast %slice3A_259 : vector<16x1xf32> to vector<16x64xf32>
    %lt3A_261 = arith.cmpf olt, %lt3A_260, %get3A_42 : vector<16x64xf32>
    %convert_element_type3A_262 = arith.extui %lt3A_261 : vector<16x64xi1> to vector<16x64xi32>
    %convert_element_type3A_263 = arith.sitofp %convert_element_type3A_262 : vector<16x64xi32> to vector<16x64xf32>
    %slice3A_264 = vector.extract_strided_slice %div3A {offsets = [0, 10], sizes = [16, 1], strides = [1, 1]} : vector<16x63xf32> to vector<16x1xf32>
    %slice3A_265 = vector.extract_strided_slice %div3A {offsets = [0, 9], sizes = [16, 1], strides = [1, 1]} : vector<16x63xf32> to vector<16x1xf32>
    %sub3A_266 = arith.subf %slice3A_264, %slice3A_265 : vector<16x1xf32>
    %mul3A_267 = vector.broadcast %sub3A_266 : vector<16x1xf32> to vector<16x64xf32>
    %mul3A_268 = arith.mulf %mul3A_267, %convert_element_type3A_263 : vector<16x64xf32>
    %add3A_269 = arith.addf %add3A_246, %mul3A_268 : vector<16x64xf32>
    %slice3A_270 = vector.extract_strided_slice %sub3A_26 {offsets = [0, 10], sizes = [16, 1], strides = [1, 1]} : vector<16x63xf32> to vector<16x1xf32>
    %slice3A_271 = vector.extract_strided_slice %sub3A_26 {offsets = [0, 9], sizes = [16, 1], strides = [1, 1]} : vector<16x63xf32> to vector<16x1xf32>
    %sub3A_272 = arith.subf %slice3A_270, %slice3A_271 : vector<16x1xf32>
    %mul3A_273 = vector.broadcast %sub3A_272 : vector<16x1xf32> to vector<16x64xf32>
    %mul3A_274 = arith.mulf %mul3A_273, %convert_element_type3A_263 : vector<16x64xf32>
    %add3A_275 = arith.addf %add3A_252, %mul3A_274 : vector<16x64xf32>
    %slice3A_276 = vector.extract_strided_slice %log3A {offsets = [0, 10], sizes = [16, 1], strides = [1, 1]} : vector<16x63xf32> to vector<16x1xf32>
    %slice3A_277 = vector.extract_strided_slice %log3A {offsets = [0, 9], sizes = [16, 1], strides = [1, 1]} : vector<16x63xf32> to vector<16x1xf32>
    %sub3A_278 = arith.subf %slice3A_276, %slice3A_277 : vector<16x1xf32>
    %mul3A_279 = vector.broadcast %sub3A_278 : vector<16x1xf32> to vector<16x64xf32>
    %mul3A_280 = arith.mulf %mul3A_279, %convert_element_type3A_263 : vector<16x64xf32>
    %add3A_281 = arith.addf %add3A_258, %mul3A_280 : vector<16x64xf32>
    %slice3A_282 = vector.extract_strided_slice %add3A_12 {offsets = [0, 11], sizes = [16, 1], strides = [1, 1]} : vector<16x64xf32> to vector<16x1xf32>
    %lt3A_283 = vector.broadcast %slice3A_282 : vector<16x1xf32> to vector<16x64xf32>
    %lt3A_284 = arith.cmpf olt, %lt3A_283, %get3A_42 : vector<16x64xf32>
    %convert_element_type3A_285 = arith.extui %lt3A_284 : vector<16x64xi1> to vector<16x64xi32>
    %convert_element_type3A_286 = arith.sitofp %convert_element_type3A_285 : vector<16x64xi32> to vector<16x64xf32>
    %slice3A_287 = vector.extract_strided_slice %div3A {offsets = [0, 11], sizes = [16, 1], strides = [1, 1]} : vector<16x63xf32> to vector<16x1xf32>
    %slice3A_288 = vector.extract_strided_slice %div3A {offsets = [0, 10], sizes = [16, 1], strides = [1, 1]} : vector<16x63xf32> to vector<16x1xf32>
    %sub3A_289 = arith.subf %slice3A_287, %slice3A_288 : vector<16x1xf32>
    %mul3A_290 = vector.broadcast %sub3A_289 : vector<16x1xf32> to vector<16x64xf32>
    %mul3A_291 = arith.mulf %mul3A_290, %convert_element_type3A_286 : vector<16x64xf32>
    %add3A_292 = arith.addf %add3A_269, %mul3A_291 : vector<16x64xf32>
    %slice3A_293 = vector.extract_strided_slice %sub3A_26 {offsets = [0, 11], sizes = [16, 1], strides = [1, 1]} : vector<16x63xf32> to vector<16x1xf32>
    %slice3A_294 = vector.extract_strided_slice %sub3A_26 {offsets = [0, 10], sizes = [16, 1], strides = [1, 1]} : vector<16x63xf32> to vector<16x1xf32>
    %sub3A_295 = arith.subf %slice3A_293, %slice3A_294 : vector<16x1xf32>
    %mul3A_296 = vector.broadcast %sub3A_295 : vector<16x1xf32> to vector<16x64xf32>
    %mul3A_297 = arith.mulf %mul3A_296, %convert_element_type3A_286 : vector<16x64xf32>
    %add3A_298 = arith.addf %add3A_275, %mul3A_297 : vector<16x64xf32>
    %slice3A_299 = vector.extract_strided_slice %log3A {offsets = [0, 11], sizes = [16, 1], strides = [1, 1]} : vector<16x63xf32> to vector<16x1xf32>
    %slice3A_300 = vector.extract_strided_slice %log3A {offsets = [0, 10], sizes = [16, 1], strides = [1, 1]} : vector<16x63xf32> to vector<16x1xf32>
    %sub3A_301 = arith.subf %slice3A_299, %slice3A_300 : vector<16x1xf32>
    %mul3A_302 = vector.broadcast %sub3A_301 : vector<16x1xf32> to vector<16x64xf32>
    %mul3A_303 = arith.mulf %mul3A_302, %convert_element_type3A_286 : vector<16x64xf32>
    %add3A_304 = arith.addf %add3A_281, %mul3A_303 : vector<16x64xf32>
    %slice3A_305 = vector.extract_strided_slice %add3A_12 {offsets = [0, 12], sizes = [16, 1], strides = [1, 1]} : vector<16x64xf32> to vector<16x1xf32>
    %lt3A_306 = vector.broadcast %slice3A_305 : vector<16x1xf32> to vector<16x64xf32>
    %lt3A_307 = arith.cmpf olt, %lt3A_306, %get3A_42 : vector<16x64xf32>
    %convert_element_type3A_308 = arith.extui %lt3A_307 : vector<16x64xi1> to vector<16x64xi32>
    %convert_element_type3A_309 = arith.sitofp %convert_element_type3A_308 : vector<16x64xi32> to vector<16x64xf32>
    %slice3A_310 = vector.extract_strided_slice %div3A {offsets = [0, 12], sizes = [16, 1], strides = [1, 1]} : vector<16x63xf32> to vector<16x1xf32>
    %slice3A_311 = vector.extract_strided_slice %div3A {offsets = [0, 11], sizes = [16, 1], strides = [1, 1]} : vector<16x63xf32> to vector<16x1xf32>
    %sub3A_312 = arith.subf %slice3A_310, %slice3A_311 : vector<16x1xf32>
    %mul3A_313 = vector.broadcast %sub3A_312 : vector<16x1xf32> to vector<16x64xf32>
    %mul3A_314 = arith.mulf %mul3A_313, %convert_element_type3A_309 : vector<16x64xf32>
    %add3A_315 = arith.addf %add3A_292, %mul3A_314 : vector<16x64xf32>
    %slice3A_316 = vector.extract_strided_slice %sub3A_26 {offsets = [0, 12], sizes = [16, 1], strides = [1, 1]} : vector<16x63xf32> to vector<16x1xf32>
    %slice3A_317 = vector.extract_strided_slice %sub3A_26 {offsets = [0, 11], sizes = [16, 1], strides = [1, 1]} : vector<16x63xf32> to vector<16x1xf32>
    %sub3A_318 = arith.subf %slice3A_316, %slice3A_317 : vector<16x1xf32>
    %mul3A_319 = vector.broadcast %sub3A_318 : vector<16x1xf32> to vector<16x64xf32>
    %mul3A_320 = arith.mulf %mul3A_319, %convert_element_type3A_309 : vector<16x64xf32>
    %add3A_321 = arith.addf %add3A_298, %mul3A_320 : vector<16x64xf32>
    %slice3A_322 = vector.extract_strided_slice %log3A {offsets = [0, 12], sizes = [16, 1], strides = [1, 1]} : vector<16x63xf32> to vector<16x1xf32>
    %slice3A_323 = vector.extract_strided_slice %log3A {offsets = [0, 11], sizes = [16, 1], strides = [1, 1]} : vector<16x63xf32> to vector<16x1xf32>
    %sub3A_324 = arith.subf %slice3A_322, %slice3A_323 : vector<16x1xf32>
    %mul3A_325 = vector.broadcast %sub3A_324 : vector<16x1xf32> to vector<16x64xf32>
    %mul3A_326 = arith.mulf %mul3A_325, %convert_element_type3A_309 : vector<16x64xf32>
    %add3A_327 = arith.addf %add3A_304, %mul3A_326 : vector<16x64xf32>
    %slice3A_328 = vector.extract_strided_slice %add3A_12 {offsets = [0, 13], sizes = [16, 1], strides = [1, 1]} : vector<16x64xf32> to vector<16x1xf32>
    %lt3A_329 = vector.broadcast %slice3A_328 : vector<16x1xf32> to vector<16x64xf32>
    %lt3A_330 = arith.cmpf olt, %lt3A_329, %get3A_42 : vector<16x64xf32>
    %convert_element_type3A_331 = arith.extui %lt3A_330 : vector<16x64xi1> to vector<16x64xi32>
    %convert_element_type3A_332 = arith.sitofp %convert_element_type3A_331 : vector<16x64xi32> to vector<16x64xf32>
    %slice3A_333 = vector.extract_strided_slice %div3A {offsets = [0, 13], sizes = [16, 1], strides = [1, 1]} : vector<16x63xf32> to vector<16x1xf32>
    %slice3A_334 = vector.extract_strided_slice %div3A {offsets = [0, 12], sizes = [16, 1], strides = [1, 1]} : vector<16x63xf32> to vector<16x1xf32>
    %sub3A_335 = arith.subf %slice3A_333, %slice3A_334 : vector<16x1xf32>
    %mul3A_336 = vector.broadcast %sub3A_335 : vector<16x1xf32> to vector<16x64xf32>
    %mul3A_337 = arith.mulf %mul3A_336, %convert_element_type3A_332 : vector<16x64xf32>
    %add3A_338 = arith.addf %add3A_315, %mul3A_337 : vector<16x64xf32>
    %slice3A_339 = vector.extract_strided_slice %sub3A_26 {offsets = [0, 13], sizes = [16, 1], strides = [1, 1]} : vector<16x63xf32> to vector<16x1xf32>
    %slice3A_340 = vector.extract_strided_slice %sub3A_26 {offsets = [0, 12], sizes = [16, 1], strides = [1, 1]} : vector<16x63xf32> to vector<16x1xf32>
    %sub3A_341 = arith.subf %slice3A_339, %slice3A_340 : vector<16x1xf32>
    %mul3A_342 = vector.broadcast %sub3A_341 : vector<16x1xf32> to vector<16x64xf32>
    %mul3A_343 = arith.mulf %mul3A_342, %convert_element_type3A_332 : vector<16x64xf32>
    %add3A_344 = arith.addf %add3A_321, %mul3A_343 : vector<16x64xf32>
    %slice3A_345 = vector.extract_strided_slice %log3A {offsets = [0, 13], sizes = [16, 1], strides = [1, 1]} : vector<16x63xf32> to vector<16x1xf32>
    %slice3A_346 = vector.extract_strided_slice %log3A {offsets = [0, 12], sizes = [16, 1], strides = [1, 1]} : vector<16x63xf32> to vector<16x1xf32>
    %sub3A_347 = arith.subf %slice3A_345, %slice3A_346 : vector<16x1xf32>
    %mul3A_348 = vector.broadcast %sub3A_347 : vector<16x1xf32> to vector<16x64xf32>
    %mul3A_349 = arith.mulf %mul3A_348, %convert_element_type3A_332 : vector<16x64xf32>
    %add3A_350 = arith.addf %add3A_327, %mul3A_349 : vector<16x64xf32>
    %slice3A_351 = vector.extract_strided_slice %add3A_12 {offsets = [0, 14], sizes = [16, 1], strides = [1, 1]} : vector<16x64xf32> to vector<16x1xf32>
    %lt3A_352 = vector.broadcast %slice3A_351 : vector<16x1xf32> to vector<16x64xf32>
    %lt3A_353 = arith.cmpf olt, %lt3A_352, %get3A_42 : vector<16x64xf32>
    %convert_element_type3A_354 = arith.extui %lt3A_353 : vector<16x64xi1> to vector<16x64xi32>
    %convert_element_type3A_355 = arith.sitofp %convert_element_type3A_354 : vector<16x64xi32> to vector<16x64xf32>
    %slice3A_356 = vector.extract_strided_slice %div3A {offsets = [0, 14], sizes = [16, 1], strides = [1, 1]} : vector<16x63xf32> to vector<16x1xf32>
    %slice3A_357 = vector.extract_strided_slice %div3A {offsets = [0, 13], sizes = [16, 1], strides = [1, 1]} : vector<16x63xf32> to vector<16x1xf32>
    %sub3A_358 = arith.subf %slice3A_356, %slice3A_357 : vector<16x1xf32>
    %mul3A_359 = vector.broadcast %sub3A_358 : vector<16x1xf32> to vector<16x64xf32>
    %mul3A_360 = arith.mulf %mul3A_359, %convert_element_type3A_355 : vector<16x64xf32>
    %add3A_361 = arith.addf %add3A_338, %mul3A_360 : vector<16x64xf32>
    %slice3A_362 = vector.extract_strided_slice %sub3A_26 {offsets = [0, 14], sizes = [16, 1], strides = [1, 1]} : vector<16x63xf32> to vector<16x1xf32>
    %slice3A_363 = vector.extract_strided_slice %sub3A_26 {offsets = [0, 13], sizes = [16, 1], strides = [1, 1]} : vector<16x63xf32> to vector<16x1xf32>
    %sub3A_364 = arith.subf %slice3A_362, %slice3A_363 : vector<16x1xf32>
    %mul3A_365 = vector.broadcast %sub3A_364 : vector<16x1xf32> to vector<16x64xf32>
    %mul3A_366 = arith.mulf %mul3A_365, %convert_element_type3A_355 : vector<16x64xf32>
    %add3A_367 = arith.addf %add3A_344, %mul3A_366 : vector<16x64xf32>
    %slice3A_368 = vector.extract_strided_slice %log3A {offsets = [0, 14], sizes = [16, 1], strides = [1, 1]} : vector<16x63xf32> to vector<16x1xf32>
    %slice3A_369 = vector.extract_strided_slice %log3A {offsets = [0, 13], sizes = [16, 1], strides = [1, 1]} : vector<16x63xf32> to vector<16x1xf32>
    %sub3A_370 = arith.subf %slice3A_368, %slice3A_369 : vector<16x1xf32>
    %mul3A_371 = vector.broadcast %sub3A_370 : vector<16x1xf32> to vector<16x64xf32>
    %mul3A_372 = arith.mulf %mul3A_371, %convert_element_type3A_355 : vector<16x64xf32>
    %add3A_373 = arith.addf %add3A_350, %mul3A_372 : vector<16x64xf32>
    %slice3A_374 = vector.extract_strided_slice %add3A_12 {offsets = [0, 15], sizes = [16, 1], strides = [1, 1]} : vector<16x64xf32> to vector<16x1xf32>
    %lt3A_375 = vector.broadcast %slice3A_374 : vector<16x1xf32> to vector<16x64xf32>
    %lt3A_376 = arith.cmpf olt, %lt3A_375, %get3A_42 : vector<16x64xf32>
    %convert_element_type3A_377 = arith.extui %lt3A_376 : vector<16x64xi1> to vector<16x64xi32>
    %convert_element_type3A_378 = arith.sitofp %convert_element_type3A_377 : vector<16x64xi32> to vector<16x64xf32>
    %slice3A_379 = vector.extract_strided_slice %div3A {offsets = [0, 15], sizes = [16, 1], strides = [1, 1]} : vector<16x63xf32> to vector<16x1xf32>
    %slice3A_380 = vector.extract_strided_slice %div3A {offsets = [0, 14], sizes = [16, 1], strides = [1, 1]} : vector<16x63xf32> to vector<16x1xf32>
    %sub3A_381 = arith.subf %slice3A_379, %slice3A_380 : vector<16x1xf32>
    %mul3A_382 = vector.broadcast %sub3A_381 : vector<16x1xf32> to vector<16x64xf32>
    %mul3A_383 = arith.mulf %mul3A_382, %convert_element_type3A_378 : vector<16x64xf32>
    %add3A_384 = arith.addf %add3A_361, %mul3A_383 : vector<16x64xf32>
    %slice3A_385 = vector.extract_strided_slice %sub3A_26 {offsets = [0, 15], sizes = [16, 1], strides = [1, 1]} : vector<16x63xf32> to vector<16x1xf32>
    %slice3A_386 = vector.extract_strided_slice %sub3A_26 {offsets = [0, 14], sizes = [16, 1], strides = [1, 1]} : vector<16x63xf32> to vector<16x1xf32>
    %sub3A_387 = arith.subf %slice3A_385, %slice3A_386 : vector<16x1xf32>
    %mul3A_388 = vector.broadcast %sub3A_387 : vector<16x1xf32> to vector<16x64xf32>
    %mul3A_389 = arith.mulf %mul3A_388, %convert_element_type3A_378 : vector<16x64xf32>
    %add3A_390 = arith.addf %add3A_367, %mul3A_389 : vector<16x64xf32>
    %slice3A_391 = vector.extract_strided_slice %log3A {offsets = [0, 15], sizes = [16, 1], strides = [1, 1]} : vector<16x63xf32> to vector<16x1xf32>
    %slice3A_392 = vector.extract_strided_slice %log3A {offsets = [0, 14], sizes = [16, 1], strides = [1, 1]} : vector<16x63xf32> to vector<16x1xf32>
    %sub3A_393 = arith.subf %slice3A_391, %slice3A_392 : vector<16x1xf32>
    %mul3A_394 = vector.broadcast %sub3A_393 : vector<16x1xf32> to vector<16x64xf32>
    %mul3A_395 = arith.mulf %mul3A_394, %convert_element_type3A_378 : vector<16x64xf32>
    %add3A_396 = arith.addf %add3A_373, %mul3A_395 : vector<16x64xf32>
    %slice3A_397 = vector.extract_strided_slice %add3A_12 {offsets = [0, 16], sizes = [16, 1], strides = [1, 1]} : vector<16x64xf32> to vector<16x1xf32>
    %lt3A_398 = vector.broadcast %slice3A_397 : vector<16x1xf32> to vector<16x64xf32>
    %lt3A_399 = arith.cmpf olt, %lt3A_398, %get3A_42 : vector<16x64xf32>
    %convert_element_type3A_400 = arith.extui %lt3A_399 : vector<16x64xi1> to vector<16x64xi32>
    %convert_element_type3A_401 = arith.sitofp %convert_element_type3A_400 : vector<16x64xi32> to vector<16x64xf32>
    %slice3A_402 = vector.extract_strided_slice %div3A {offsets = [0, 16], sizes = [16, 1], strides = [1, 1]} : vector<16x63xf32> to vector<16x1xf32>
    %slice3A_403 = vector.extract_strided_slice %div3A {offsets = [0, 15], sizes = [16, 1], strides = [1, 1]} : vector<16x63xf32> to vector<16x1xf32>
    %sub3A_404 = arith.subf %slice3A_402, %slice3A_403 : vector<16x1xf32>
    %mul3A_405 = vector.broadcast %sub3A_404 : vector<16x1xf32> to vector<16x64xf32>
    %mul3A_406 = arith.mulf %mul3A_405, %convert_element_type3A_401 : vector<16x64xf32>
    %add3A_407 = arith.addf %add3A_384, %mul3A_406 : vector<16x64xf32>
    %slice3A_408 = vector.extract_strided_slice %sub3A_26 {offsets = [0, 16], sizes = [16, 1], strides = [1, 1]} : vector<16x63xf32> to vector<16x1xf32>
    %slice3A_409 = vector.extract_strided_slice %sub3A_26 {offsets = [0, 15], sizes = [16, 1], strides = [1, 1]} : vector<16x63xf32> to vector<16x1xf32>
    %sub3A_410 = arith.subf %slice3A_408, %slice3A_409 : vector<16x1xf32>
    %mul3A_411 = vector.broadcast %sub3A_410 : vector<16x1xf32> to vector<16x64xf32>
    %mul3A_412 = arith.mulf %mul3A_411, %convert_element_type3A_401 : vector<16x64xf32>
    %add3A_413 = arith.addf %add3A_390, %mul3A_412 : vector<16x64xf32>
    %slice3A_414 = vector.extract_strided_slice %log3A {offsets = [0, 16], sizes = [16, 1], strides = [1, 1]} : vector<16x63xf32> to vector<16x1xf32>
    %slice3A_415 = vector.extract_strided_slice %log3A {offsets = [0, 15], sizes = [16, 1], strides = [1, 1]} : vector<16x63xf32> to vector<16x1xf32>
    %sub3A_416 = arith.subf %slice3A_414, %slice3A_415 : vector<16x1xf32>
    %mul3A_417 = vector.broadcast %sub3A_416 : vector<16x1xf32> to vector<16x64xf32>
    %mul3A_418 = arith.mulf %mul3A_417, %convert_element_type3A_401 : vector<16x64xf32>
    %add3A_419 = arith.addf %add3A_396, %mul3A_418 : vector<16x64xf32>
    %slice3A_420 = vector.extract_strided_slice %add3A_12 {offsets = [0, 17], sizes = [16, 1], strides = [1, 1]} : vector<16x64xf32> to vector<16x1xf32>
    %lt3A_421 = vector.broadcast %slice3A_420 : vector<16x1xf32> to vector<16x64xf32>
    %lt3A_422 = arith.cmpf olt, %lt3A_421, %get3A_42 : vector<16x64xf32>
    %convert_element_type3A_423 = arith.extui %lt3A_422 : vector<16x64xi1> to vector<16x64xi32>
    %convert_element_type3A_424 = arith.sitofp %convert_element_type3A_423 : vector<16x64xi32> to vector<16x64xf32>
    %slice3A_425 = vector.extract_strided_slice %div3A {offsets = [0, 17], sizes = [16, 1], strides = [1, 1]} : vector<16x63xf32> to vector<16x1xf32>
    %slice3A_426 = vector.extract_strided_slice %div3A {offsets = [0, 16], sizes = [16, 1], strides = [1, 1]} : vector<16x63xf32> to vector<16x1xf32>
    %sub3A_427 = arith.subf %slice3A_425, %slice3A_426 : vector<16x1xf32>
    %mul3A_428 = vector.broadcast %sub3A_427 : vector<16x1xf32> to vector<16x64xf32>
    %mul3A_429 = arith.mulf %mul3A_428, %convert_element_type3A_424 : vector<16x64xf32>
    %add3A_430 = arith.addf %add3A_407, %mul3A_429 : vector<16x64xf32>
    %slice3A_431 = vector.extract_strided_slice %sub3A_26 {offsets = [0, 17], sizes = [16, 1], strides = [1, 1]} : vector<16x63xf32> to vector<16x1xf32>
    %slice3A_432 = vector.extract_strided_slice %sub3A_26 {offsets = [0, 16], sizes = [16, 1], strides = [1, 1]} : vector<16x63xf32> to vector<16x1xf32>
    %sub3A_433 = arith.subf %slice3A_431, %slice3A_432 : vector<16x1xf32>
    %mul3A_434 = vector.broadcast %sub3A_433 : vector<16x1xf32> to vector<16x64xf32>
    %mul3A_435 = arith.mulf %mul3A_434, %convert_element_type3A_424 : vector<16x64xf32>
    %add3A_436 = arith.addf %add3A_413, %mul3A_435 : vector<16x64xf32>
    %slice3A_437 = vector.extract_strided_slice %log3A {offsets = [0, 17], sizes = [16, 1], strides = [1, 1]} : vector<16x63xf32> to vector<16x1xf32>
    %slice3A_438 = vector.extract_strided_slice %log3A {offsets = [0, 16], sizes = [16, 1], strides = [1, 1]} : vector<16x63xf32> to vector<16x1xf32>
    %sub3A_439 = arith.subf %slice3A_437, %slice3A_438 : vector<16x1xf32>
    %mul3A_440 = vector.broadcast %sub3A_439 : vector<16x1xf32> to vector<16x64xf32>
    %mul3A_441 = arith.mulf %mul3A_440, %convert_element_type3A_424 : vector<16x64xf32>
    %add3A_442 = arith.addf %add3A_419, %mul3A_441 : vector<16x64xf32>
    %slice3A_443 = vector.extract_strided_slice %add3A_12 {offsets = [0, 18], sizes = [16, 1], strides = [1, 1]} : vector<16x64xf32> to vector<16x1xf32>
    %lt3A_444 = vector.broadcast %slice3A_443 : vector<16x1xf32> to vector<16x64xf32>
    %lt3A_445 = arith.cmpf olt, %lt3A_444, %get3A_42 : vector<16x64xf32>
    %convert_element_type3A_446 = arith.extui %lt3A_445 : vector<16x64xi1> to vector<16x64xi32>
    %convert_element_type3A_447 = arith.sitofp %convert_element_type3A_446 : vector<16x64xi32> to vector<16x64xf32>
    %slice3A_448 = vector.extract_strided_slice %div3A {offsets = [0, 18], sizes = [16, 1], strides = [1, 1]} : vector<16x63xf32> to vector<16x1xf32>
    %slice3A_449 = vector.extract_strided_slice %div3A {offsets = [0, 17], sizes = [16, 1], strides = [1, 1]} : vector<16x63xf32> to vector<16x1xf32>
    %sub3A_450 = arith.subf %slice3A_448, %slice3A_449 : vector<16x1xf32>
    %mul3A_451 = vector.broadcast %sub3A_450 : vector<16x1xf32> to vector<16x64xf32>
    %mul3A_452 = arith.mulf %mul3A_451, %convert_element_type3A_447 : vector<16x64xf32>
    %add3A_453 = arith.addf %add3A_430, %mul3A_452 : vector<16x64xf32>
    %slice3A_454 = vector.extract_strided_slice %sub3A_26 {offsets = [0, 18], sizes = [16, 1], strides = [1, 1]} : vector<16x63xf32> to vector<16x1xf32>
    %slice3A_455 = vector.extract_strided_slice %sub3A_26 {offsets = [0, 17], sizes = [16, 1], strides = [1, 1]} : vector<16x63xf32> to vector<16x1xf32>
    %sub3A_456 = arith.subf %slice3A_454, %slice3A_455 : vector<16x1xf32>
    %mul3A_457 = vector.broadcast %sub3A_456 : vector<16x1xf32> to vector<16x64xf32>
    %mul3A_458 = arith.mulf %mul3A_457, %convert_element_type3A_447 : vector<16x64xf32>
    %add3A_459 = arith.addf %add3A_436, %mul3A_458 : vector<16x64xf32>
    %slice3A_460 = vector.extract_strided_slice %log3A {offsets = [0, 18], sizes = [16, 1], strides = [1, 1]} : vector<16x63xf32> to vector<16x1xf32>
    %slice3A_461 = vector.extract_strided_slice %log3A {offsets = [0, 17], sizes = [16, 1], strides = [1, 1]} : vector<16x63xf32> to vector<16x1xf32>
    %sub3A_462 = arith.subf %slice3A_460, %slice3A_461 : vector<16x1xf32>
    %mul3A_463 = vector.broadcast %sub3A_462 : vector<16x1xf32> to vector<16x64xf32>
    %mul3A_464 = arith.mulf %mul3A_463, %convert_element_type3A_447 : vector<16x64xf32>
    %add3A_465 = arith.addf %add3A_442, %mul3A_464 : vector<16x64xf32>
    %slice3A_466 = vector.extract_strided_slice %add3A_12 {offsets = [0, 19], sizes = [16, 1], strides = [1, 1]} : vector<16x64xf32> to vector<16x1xf32>
    %lt3A_467 = vector.broadcast %slice3A_466 : vector<16x1xf32> to vector<16x64xf32>
    %lt3A_468 = arith.cmpf olt, %lt3A_467, %get3A_42 : vector<16x64xf32>
    %convert_element_type3A_469 = arith.extui %lt3A_468 : vector<16x64xi1> to vector<16x64xi32>
    %convert_element_type3A_470 = arith.sitofp %convert_element_type3A_469 : vector<16x64xi32> to vector<16x64xf32>
    %slice3A_471 = vector.extract_strided_slice %div3A {offsets = [0, 19], sizes = [16, 1], strides = [1, 1]} : vector<16x63xf32> to vector<16x1xf32>
    %slice3A_472 = vector.extract_strided_slice %div3A {offsets = [0, 18], sizes = [16, 1], strides = [1, 1]} : vector<16x63xf32> to vector<16x1xf32>
    %sub3A_473 = arith.subf %slice3A_471, %slice3A_472 : vector<16x1xf32>
    %mul3A_474 = vector.broadcast %sub3A_473 : vector<16x1xf32> to vector<16x64xf32>
    %mul3A_475 = arith.mulf %mul3A_474, %convert_element_type3A_470 : vector<16x64xf32>
    %add3A_476 = arith.addf %add3A_453, %mul3A_475 : vector<16x64xf32>
    %slice3A_477 = vector.extract_strided_slice %sub3A_26 {offsets = [0, 19], sizes = [16, 1], strides = [1, 1]} : vector<16x63xf32> to vector<16x1xf32>
    %slice3A_478 = vector.extract_strided_slice %sub3A_26 {offsets = [0, 18], sizes = [16, 1], strides = [1, 1]} : vector<16x63xf32> to vector<16x1xf32>
    %sub3A_479 = arith.subf %slice3A_477, %slice3A_478 : vector<16x1xf32>
    %mul3A_480 = vector.broadcast %sub3A_479 : vector<16x1xf32> to vector<16x64xf32>
    %mul3A_481 = arith.mulf %mul3A_480, %convert_element_type3A_470 : vector<16x64xf32>
    %add3A_482 = arith.addf %add3A_459, %mul3A_481 : vector<16x64xf32>
    %slice3A_483 = vector.extract_strided_slice %log3A {offsets = [0, 19], sizes = [16, 1], strides = [1, 1]} : vector<16x63xf32> to vector<16x1xf32>
    %slice3A_484 = vector.extract_strided_slice %log3A {offsets = [0, 18], sizes = [16, 1], strides = [1, 1]} : vector<16x63xf32> to vector<16x1xf32>
    %sub3A_485 = arith.subf %slice3A_483, %slice3A_484 : vector<16x1xf32>
    %mul3A_486 = vector.broadcast %sub3A_485 : vector<16x1xf32> to vector<16x64xf32>
    %mul3A_487 = arith.mulf %mul3A_486, %convert_element_type3A_470 : vector<16x64xf32>
    %add3A_488 = arith.addf %add3A_465, %mul3A_487 : vector<16x64xf32>
    %slice3A_489 = vector.extract_strided_slice %add3A_12 {offsets = [0, 20], sizes = [16, 1], strides = [1, 1]} : vector<16x64xf32> to vector<16x1xf32>
    %lt3A_490 = vector.broadcast %slice3A_489 : vector<16x1xf32> to vector<16x64xf32>
    %lt3A_491 = arith.cmpf olt, %lt3A_490, %get3A_42 : vector<16x64xf32>
    %convert_element_type3A_492 = arith.extui %lt3A_491 : vector<16x64xi1> to vector<16x64xi32>
    %convert_element_type3A_493 = arith.sitofp %convert_element_type3A_492 : vector<16x64xi32> to vector<16x64xf32>
    %slice3A_494 = vector.extract_strided_slice %div3A {offsets = [0, 20], sizes = [16, 1], strides = [1, 1]} : vector<16x63xf32> to vector<16x1xf32>
    %slice3A_495 = vector.extract_strided_slice %div3A {offsets = [0, 19], sizes = [16, 1], strides = [1, 1]} : vector<16x63xf32> to vector<16x1xf32>
    %sub3A_496 = arith.subf %slice3A_494, %slice3A_495 : vector<16x1xf32>
    %mul3A_497 = vector.broadcast %sub3A_496 : vector<16x1xf32> to vector<16x64xf32>
    %mul3A_498 = arith.mulf %mul3A_497, %convert_element_type3A_493 : vector<16x64xf32>
    %add3A_499 = arith.addf %add3A_476, %mul3A_498 : vector<16x64xf32>
    %slice3A_500 = vector.extract_strided_slice %sub3A_26 {offsets = [0, 20], sizes = [16, 1], strides = [1, 1]} : vector<16x63xf32> to vector<16x1xf32>
    %slice3A_501 = vector.extract_strided_slice %sub3A_26 {offsets = [0, 19], sizes = [16, 1], strides = [1, 1]} : vector<16x63xf32> to vector<16x1xf32>
    %sub3A_502 = arith.subf %slice3A_500, %slice3A_501 : vector<16x1xf32>
    %mul3A_503 = vector.broadcast %sub3A_502 : vector<16x1xf32> to vector<16x64xf32>
    %mul3A_504 = arith.mulf %mul3A_503, %convert_element_type3A_493 : vector<16x64xf32>
    %add3A_505 = arith.addf %add3A_482, %mul3A_504 : vector<16x64xf32>
    %slice3A_506 = vector.extract_strided_slice %log3A {offsets = [0, 20], sizes = [16, 1], strides = [1, 1]} : vector<16x63xf32> to vector<16x1xf32>
    %slice3A_507 = vector.extract_strided_slice %log3A {offsets = [0, 19], sizes = [16, 1], strides = [1, 1]} : vector<16x63xf32> to vector<16x1xf32>
    %sub3A_508 = arith.subf %slice3A_506, %slice3A_507 : vector<16x1xf32>
    %mul3A_509 = vector.broadcast %sub3A_508 : vector<16x1xf32> to vector<16x64xf32>
    %mul3A_510 = arith.mulf %mul3A_509, %convert_element_type3A_493 : vector<16x64xf32>
    %add3A_511 = arith.addf %add3A_488, %mul3A_510 : vector<16x64xf32>
    %slice3A_512 = vector.extract_strided_slice %add3A_12 {offsets = [0, 21], sizes = [16, 1], strides = [1, 1]} : vector<16x64xf32> to vector<16x1xf32>
    %lt3A_513 = vector.broadcast %slice3A_512 : vector<16x1xf32> to vector<16x64xf32>
    %lt3A_514 = arith.cmpf olt, %lt3A_513, %get3A_42 : vector<16x64xf32>
    %convert_element_type3A_515 = arith.extui %lt3A_514 : vector<16x64xi1> to vector<16x64xi32>
    %convert_element_type3A_516 = arith.sitofp %convert_element_type3A_515 : vector<16x64xi32> to vector<16x64xf32>
    %slice3A_517 = vector.extract_strided_slice %div3A {offsets = [0, 21], sizes = [16, 1], strides = [1, 1]} : vector<16x63xf32> to vector<16x1xf32>
    %slice3A_518 = vector.extract_strided_slice %div3A {offsets = [0, 20], sizes = [16, 1], strides = [1, 1]} : vector<16x63xf32> to vector<16x1xf32>
    %sub3A_519 = arith.subf %slice3A_517, %slice3A_518 : vector<16x1xf32>
    %mul3A_520 = vector.broadcast %sub3A_519 : vector<16x1xf32> to vector<16x64xf32>
    %mul3A_521 = arith.mulf %mul3A_520, %convert_element_type3A_516 : vector<16x64xf32>
    %add3A_522 = arith.addf %add3A_499, %mul3A_521 : vector<16x64xf32>
    %slice3A_523 = vector.extract_strided_slice %sub3A_26 {offsets = [0, 21], sizes = [16, 1], strides = [1, 1]} : vector<16x63xf32> to vector<16x1xf32>
    %slice3A_524 = vector.extract_strided_slice %sub3A_26 {offsets = [0, 20], sizes = [16, 1], strides = [1, 1]} : vector<16x63xf32> to vector<16x1xf32>
    %sub3A_525 = arith.subf %slice3A_523, %slice3A_524 : vector<16x1xf32>
    %mul3A_526 = vector.broadcast %sub3A_525 : vector<16x1xf32> to vector<16x64xf32>
    %mul3A_527 = arith.mulf %mul3A_526, %convert_element_type3A_516 : vector<16x64xf32>
    %add3A_528 = arith.addf %add3A_505, %mul3A_527 : vector<16x64xf32>
    %slice3A_529 = vector.extract_strided_slice %log3A {offsets = [0, 21], sizes = [16, 1], strides = [1, 1]} : vector<16x63xf32> to vector<16x1xf32>
    %slice3A_530 = vector.extract_strided_slice %log3A {offsets = [0, 20], sizes = [16, 1], strides = [1, 1]} : vector<16x63xf32> to vector<16x1xf32>
    %sub3A_531 = arith.subf %slice3A_529, %slice3A_530 : vector<16x1xf32>
    %mul3A_532 = vector.broadcast %sub3A_531 : vector<16x1xf32> to vector<16x64xf32>
    %mul3A_533 = arith.mulf %mul3A_532, %convert_element_type3A_516 : vector<16x64xf32>
    %add3A_534 = arith.addf %add3A_511, %mul3A_533 : vector<16x64xf32>
    %slice3A_535 = vector.extract_strided_slice %add3A_12 {offsets = [0, 22], sizes = [16, 1], strides = [1, 1]} : vector<16x64xf32> to vector<16x1xf32>
    %lt3A_536 = vector.broadcast %slice3A_535 : vector<16x1xf32> to vector<16x64xf32>
    %lt3A_537 = arith.cmpf olt, %lt3A_536, %get3A_42 : vector<16x64xf32>
    %convert_element_type3A_538 = arith.extui %lt3A_537 : vector<16x64xi1> to vector<16x64xi32>
    %convert_element_type3A_539 = arith.sitofp %convert_element_type3A_538 : vector<16x64xi32> to vector<16x64xf32>
    %slice3A_540 = vector.extract_strided_slice %div3A {offsets = [0, 22], sizes = [16, 1], strides = [1, 1]} : vector<16x63xf32> to vector<16x1xf32>
    %slice3A_541 = vector.extract_strided_slice %div3A {offsets = [0, 21], sizes = [16, 1], strides = [1, 1]} : vector<16x63xf32> to vector<16x1xf32>
    %sub3A_542 = arith.subf %slice3A_540, %slice3A_541 : vector<16x1xf32>
    %mul3A_543 = vector.broadcast %sub3A_542 : vector<16x1xf32> to vector<16x64xf32>
    %mul3A_544 = arith.mulf %mul3A_543, %convert_element_type3A_539 : vector<16x64xf32>
    %add3A_545 = arith.addf %add3A_522, %mul3A_544 : vector<16x64xf32>
    %slice3A_546 = vector.extract_strided_slice %sub3A_26 {offsets = [0, 22], sizes = [16, 1], strides = [1, 1]} : vector<16x63xf32> to vector<16x1xf32>
    %slice3A_547 = vector.extract_strided_slice %sub3A_26 {offsets = [0, 21], sizes = [16, 1], strides = [1, 1]} : vector<16x63xf32> to vector<16x1xf32>
    %sub3A_548 = arith.subf %slice3A_546, %slice3A_547 : vector<16x1xf32>
    %mul3A_549 = vector.broadcast %sub3A_548 : vector<16x1xf32> to vector<16x64xf32>
    %mul3A_550 = arith.mulf %mul3A_549, %convert_element_type3A_539 : vector<16x64xf32>
    %add3A_551 = arith.addf %add3A_528, %mul3A_550 : vector<16x64xf32>
    %slice3A_552 = vector.extract_strided_slice %log3A {offsets = [0, 22], sizes = [16, 1], strides = [1, 1]} : vector<16x63xf32> to vector<16x1xf32>
    %slice3A_553 = vector.extract_strided_slice %log3A {offsets = [0, 21], sizes = [16, 1], strides = [1, 1]} : vector<16x63xf32> to vector<16x1xf32>
    %sub3A_554 = arith.subf %slice3A_552, %slice3A_553 : vector<16x1xf32>
    %mul3A_555 = vector.broadcast %sub3A_554 : vector<16x1xf32> to vector<16x64xf32>
    %mul3A_556 = arith.mulf %mul3A_555, %convert_element_type3A_539 : vector<16x64xf32>
    %add3A_557 = arith.addf %add3A_534, %mul3A_556 : vector<16x64xf32>
    %slice3A_558 = vector.extract_strided_slice %add3A_12 {offsets = [0, 23], sizes = [16, 1], strides = [1, 1]} : vector<16x64xf32> to vector<16x1xf32>
    %lt3A_559 = vector.broadcast %slice3A_558 : vector<16x1xf32> to vector<16x64xf32>
    %lt3A_560 = arith.cmpf olt, %lt3A_559, %get3A_42 : vector<16x64xf32>
    %convert_element_type3A_561 = arith.extui %lt3A_560 : vector<16x64xi1> to vector<16x64xi32>
    %convert_element_type3A_562 = arith.sitofp %convert_element_type3A_561 : vector<16x64xi32> to vector<16x64xf32>
    %slice3A_563 = vector.extract_strided_slice %div3A {offsets = [0, 23], sizes = [16, 1], strides = [1, 1]} : vector<16x63xf32> to vector<16x1xf32>
    %slice3A_564 = vector.extract_strided_slice %div3A {offsets = [0, 22], sizes = [16, 1], strides = [1, 1]} : vector<16x63xf32> to vector<16x1xf32>
    %sub3A_565 = arith.subf %slice3A_563, %slice3A_564 : vector<16x1xf32>
    %mul3A_566 = vector.broadcast %sub3A_565 : vector<16x1xf32> to vector<16x64xf32>
    %mul3A_567 = arith.mulf %mul3A_566, %convert_element_type3A_562 : vector<16x64xf32>
    %add3A_568 = arith.addf %add3A_545, %mul3A_567 : vector<16x64xf32>
    %slice3A_569 = vector.extract_strided_slice %sub3A_26 {offsets = [0, 23], sizes = [16, 1], strides = [1, 1]} : vector<16x63xf32> to vector<16x1xf32>
    %slice3A_570 = vector.extract_strided_slice %sub3A_26 {offsets = [0, 22], sizes = [16, 1], strides = [1, 1]} : vector<16x63xf32> to vector<16x1xf32>
    %sub3A_571 = arith.subf %slice3A_569, %slice3A_570 : vector<16x1xf32>
    %mul3A_572 = vector.broadcast %sub3A_571 : vector<16x1xf32> to vector<16x64xf32>
    %mul3A_573 = arith.mulf %mul3A_572, %convert_element_type3A_562 : vector<16x64xf32>
    %add3A_574 = arith.addf %add3A_551, %mul3A_573 : vector<16x64xf32>
    %slice3A_575 = vector.extract_strided_slice %log3A {offsets = [0, 23], sizes = [16, 1], strides = [1, 1]} : vector<16x63xf32> to vector<16x1xf32>
    %slice3A_576 = vector.extract_strided_slice %log3A {offsets = [0, 22], sizes = [16, 1], strides = [1, 1]} : vector<16x63xf32> to vector<16x1xf32>
    %sub3A_577 = arith.subf %slice3A_575, %slice3A_576 : vector<16x1xf32>
    %mul3A_578 = vector.broadcast %sub3A_577 : vector<16x1xf32> to vector<16x64xf32>
    %mul3A_579 = arith.mulf %mul3A_578, %convert_element_type3A_562 : vector<16x64xf32>
    %add3A_580 = arith.addf %add3A_557, %mul3A_579 : vector<16x64xf32>
    %slice3A_581 = vector.extract_strided_slice %add3A_12 {offsets = [0, 24], sizes = [16, 1], strides = [1, 1]} : vector<16x64xf32> to vector<16x1xf32>
    %lt3A_582 = vector.broadcast %slice3A_581 : vector<16x1xf32> to vector<16x64xf32>
    %lt3A_583 = arith.cmpf olt, %lt3A_582, %get3A_42 : vector<16x64xf32>
    %convert_element_type3A_584 = arith.extui %lt3A_583 : vector<16x64xi1> to vector<16x64xi32>
    %convert_element_type3A_585 = arith.sitofp %convert_element_type3A_584 : vector<16x64xi32> to vector<16x64xf32>
    %slice3A_586 = vector.extract_strided_slice %div3A {offsets = [0, 24], sizes = [16, 1], strides = [1, 1]} : vector<16x63xf32> to vector<16x1xf32>
    %slice3A_587 = vector.extract_strided_slice %div3A {offsets = [0, 23], sizes = [16, 1], strides = [1, 1]} : vector<16x63xf32> to vector<16x1xf32>
    %sub3A_588 = arith.subf %slice3A_586, %slice3A_587 : vector<16x1xf32>
    %mul3A_589 = vector.broadcast %sub3A_588 : vector<16x1xf32> to vector<16x64xf32>
    %mul3A_590 = arith.mulf %mul3A_589, %convert_element_type3A_585 : vector<16x64xf32>
    %add3A_591 = arith.addf %add3A_568, %mul3A_590 : vector<16x64xf32>
    %slice3A_592 = vector.extract_strided_slice %sub3A_26 {offsets = [0, 24], sizes = [16, 1], strides = [1, 1]} : vector<16x63xf32> to vector<16x1xf32>
    %slice3A_593 = vector.extract_strided_slice %sub3A_26 {offsets = [0, 23], sizes = [16, 1], strides = [1, 1]} : vector<16x63xf32> to vector<16x1xf32>
    %sub3A_594 = arith.subf %slice3A_592, %slice3A_593 : vector<16x1xf32>
    %mul3A_595 = vector.broadcast %sub3A_594 : vector<16x1xf32> to vector<16x64xf32>
    %mul3A_596 = arith.mulf %mul3A_595, %convert_element_type3A_585 : vector<16x64xf32>
    %add3A_597 = arith.addf %add3A_574, %mul3A_596 : vector<16x64xf32>
    %slice3A_598 = vector.extract_strided_slice %log3A {offsets = [0, 24], sizes = [16, 1], strides = [1, 1]} : vector<16x63xf32> to vector<16x1xf32>
    %slice3A_599 = vector.extract_strided_slice %log3A {offsets = [0, 23], sizes = [16, 1], strides = [1, 1]} : vector<16x63xf32> to vector<16x1xf32>
    %sub3A_600 = arith.subf %slice3A_598, %slice3A_599 : vector<16x1xf32>
    %mul3A_601 = vector.broadcast %sub3A_600 : vector<16x1xf32> to vector<16x64xf32>
    %mul3A_602 = arith.mulf %mul3A_601, %convert_element_type3A_585 : vector<16x64xf32>
    %add3A_603 = arith.addf %add3A_580, %mul3A_602 : vector<16x64xf32>
    %slice3A_604 = vector.extract_strided_slice %add3A_12 {offsets = [0, 25], sizes = [16, 1], strides = [1, 1]} : vector<16x64xf32> to vector<16x1xf32>
    %lt3A_605 = vector.broadcast %slice3A_604 : vector<16x1xf32> to vector<16x64xf32>
    %lt3A_606 = arith.cmpf olt, %lt3A_605, %get3A_42 : vector<16x64xf32>
    %convert_element_type3A_607 = arith.extui %lt3A_606 : vector<16x64xi1> to vector<16x64xi32>
    %convert_element_type3A_608 = arith.sitofp %convert_element_type3A_607 : vector<16x64xi32> to vector<16x64xf32>
    %slice3A_609 = vector.extract_strided_slice %div3A {offsets = [0, 25], sizes = [16, 1], strides = [1, 1]} : vector<16x63xf32> to vector<16x1xf32>
    %slice3A_610 = vector.extract_strided_slice %div3A {offsets = [0, 24], sizes = [16, 1], strides = [1, 1]} : vector<16x63xf32> to vector<16x1xf32>
    %sub3A_611 = arith.subf %slice3A_609, %slice3A_610 : vector<16x1xf32>
    %mul3A_612 = vector.broadcast %sub3A_611 : vector<16x1xf32> to vector<16x64xf32>
    %mul3A_613 = arith.mulf %mul3A_612, %convert_element_type3A_608 : vector<16x64xf32>
    %add3A_614 = arith.addf %add3A_591, %mul3A_613 : vector<16x64xf32>
    %slice3A_615 = vector.extract_strided_slice %sub3A_26 {offsets = [0, 25], sizes = [16, 1], strides = [1, 1]} : vector<16x63xf32> to vector<16x1xf32>
    %slice3A_616 = vector.extract_strided_slice %sub3A_26 {offsets = [0, 24], sizes = [16, 1], strides = [1, 1]} : vector<16x63xf32> to vector<16x1xf32>
    %sub3A_617 = arith.subf %slice3A_615, %slice3A_616 : vector<16x1xf32>
    %mul3A_618 = vector.broadcast %sub3A_617 : vector<16x1xf32> to vector<16x64xf32>
    %mul3A_619 = arith.mulf %mul3A_618, %convert_element_type3A_608 : vector<16x64xf32>
    %add3A_620 = arith.addf %add3A_597, %mul3A_619 : vector<16x64xf32>
    %slice3A_621 = vector.extract_strided_slice %log3A {offsets = [0, 25], sizes = [16, 1], strides = [1, 1]} : vector<16x63xf32> to vector<16x1xf32>
    %slice3A_622 = vector.extract_strided_slice %log3A {offsets = [0, 24], sizes = [16, 1], strides = [1, 1]} : vector<16x63xf32> to vector<16x1xf32>
    %sub3A_623 = arith.subf %slice3A_621, %slice3A_622 : vector<16x1xf32>
    %mul3A_624 = vector.broadcast %sub3A_623 : vector<16x1xf32> to vector<16x64xf32>
    %mul3A_625 = arith.mulf %mul3A_624, %convert_element_type3A_608 : vector<16x64xf32>
    %add3A_626 = arith.addf %add3A_603, %mul3A_625 : vector<16x64xf32>
    %slice3A_627 = vector.extract_strided_slice %add3A_12 {offsets = [0, 26], sizes = [16, 1], strides = [1, 1]} : vector<16x64xf32> to vector<16x1xf32>
    %lt3A_628 = vector.broadcast %slice3A_627 : vector<16x1xf32> to vector<16x64xf32>
    %lt3A_629 = arith.cmpf olt, %lt3A_628, %get3A_42 : vector<16x64xf32>
    %convert_element_type3A_630 = arith.extui %lt3A_629 : vector<16x64xi1> to vector<16x64xi32>
    %convert_element_type3A_631 = arith.sitofp %convert_element_type3A_630 : vector<16x64xi32> to vector<16x64xf32>
    %slice3A_632 = vector.extract_strided_slice %div3A {offsets = [0, 26], sizes = [16, 1], strides = [1, 1]} : vector<16x63xf32> to vector<16x1xf32>
    %slice3A_633 = vector.extract_strided_slice %div3A {offsets = [0, 25], sizes = [16, 1], strides = [1, 1]} : vector<16x63xf32> to vector<16x1xf32>
    %sub3A_634 = arith.subf %slice3A_632, %slice3A_633 : vector<16x1xf32>
    %mul3A_635 = vector.broadcast %sub3A_634 : vector<16x1xf32> to vector<16x64xf32>
    %mul3A_636 = arith.mulf %mul3A_635, %convert_element_type3A_631 : vector<16x64xf32>
    %add3A_637 = arith.addf %add3A_614, %mul3A_636 : vector<16x64xf32>
    %slice3A_638 = vector.extract_strided_slice %sub3A_26 {offsets = [0, 26], sizes = [16, 1], strides = [1, 1]} : vector<16x63xf32> to vector<16x1xf32>
    %slice3A_639 = vector.extract_strided_slice %sub3A_26 {offsets = [0, 25], sizes = [16, 1], strides = [1, 1]} : vector<16x63xf32> to vector<16x1xf32>
    %sub3A_640 = arith.subf %slice3A_638, %slice3A_639 : vector<16x1xf32>
    %mul3A_641 = vector.broadcast %sub3A_640 : vector<16x1xf32> to vector<16x64xf32>
    %mul3A_642 = arith.mulf %mul3A_641, %convert_element_type3A_631 : vector<16x64xf32>
    %add3A_643 = arith.addf %add3A_620, %mul3A_642 : vector<16x64xf32>
    %slice3A_644 = vector.extract_strided_slice %log3A {offsets = [0, 26], sizes = [16, 1], strides = [1, 1]} : vector<16x63xf32> to vector<16x1xf32>
    %slice3A_645 = vector.extract_strided_slice %log3A {offsets = [0, 25], sizes = [16, 1], strides = [1, 1]} : vector<16x63xf32> to vector<16x1xf32>
    %sub3A_646 = arith.subf %slice3A_644, %slice3A_645 : vector<16x1xf32>
    %mul3A_647 = vector.broadcast %sub3A_646 : vector<16x1xf32> to vector<16x64xf32>
    %mul3A_648 = arith.mulf %mul3A_647, %convert_element_type3A_631 : vector<16x64xf32>
    %add3A_649 = arith.addf %add3A_626, %mul3A_648 : vector<16x64xf32>
    %slice3A_650 = vector.extract_strided_slice %add3A_12 {offsets = [0, 27], sizes = [16, 1], strides = [1, 1]} : vector<16x64xf32> to vector<16x1xf32>
    %lt3A_651 = vector.broadcast %slice3A_650 : vector<16x1xf32> to vector<16x64xf32>
    %lt3A_652 = arith.cmpf olt, %lt3A_651, %get3A_42 : vector<16x64xf32>
    %convert_element_type3A_653 = arith.extui %lt3A_652 : vector<16x64xi1> to vector<16x64xi32>
    %convert_element_type3A_654 = arith.sitofp %convert_element_type3A_653 : vector<16x64xi32> to vector<16x64xf32>
    %slice3A_655 = vector.extract_strided_slice %div3A {offsets = [0, 27], sizes = [16, 1], strides = [1, 1]} : vector<16x63xf32> to vector<16x1xf32>
    %slice3A_656 = vector.extract_strided_slice %div3A {offsets = [0, 26], sizes = [16, 1], strides = [1, 1]} : vector<16x63xf32> to vector<16x1xf32>
    %sub3A_657 = arith.subf %slice3A_655, %slice3A_656 : vector<16x1xf32>
    %mul3A_658 = vector.broadcast %sub3A_657 : vector<16x1xf32> to vector<16x64xf32>
    %mul3A_659 = arith.mulf %mul3A_658, %convert_element_type3A_654 : vector<16x64xf32>
    %add3A_660 = arith.addf %add3A_637, %mul3A_659 : vector<16x64xf32>
    %slice3A_661 = vector.extract_strided_slice %sub3A_26 {offsets = [0, 27], sizes = [16, 1], strides = [1, 1]} : vector<16x63xf32> to vector<16x1xf32>
    %slice3A_662 = vector.extract_strided_slice %sub3A_26 {offsets = [0, 26], sizes = [16, 1], strides = [1, 1]} : vector<16x63xf32> to vector<16x1xf32>
    %sub3A_663 = arith.subf %slice3A_661, %slice3A_662 : vector<16x1xf32>
    %mul3A_664 = vector.broadcast %sub3A_663 : vector<16x1xf32> to vector<16x64xf32>
    %mul3A_665 = arith.mulf %mul3A_664, %convert_element_type3A_654 : vector<16x64xf32>
    %add3A_666 = arith.addf %add3A_643, %mul3A_665 : vector<16x64xf32>
    %slice3A_667 = vector.extract_strided_slice %log3A {offsets = [0, 27], sizes = [16, 1], strides = [1, 1]} : vector<16x63xf32> to vector<16x1xf32>
    %slice3A_668 = vector.extract_strided_slice %log3A {offsets = [0, 26], sizes = [16, 1], strides = [1, 1]} : vector<16x63xf32> to vector<16x1xf32>
    %sub3A_669 = arith.subf %slice3A_667, %slice3A_668 : vector<16x1xf32>
    %mul3A_670 = vector.broadcast %sub3A_669 : vector<16x1xf32> to vector<16x64xf32>
    %mul3A_671 = arith.mulf %mul3A_670, %convert_element_type3A_654 : vector<16x64xf32>
    %add3A_672 = arith.addf %add3A_649, %mul3A_671 : vector<16x64xf32>
    %slice3A_673 = vector.extract_strided_slice %add3A_12 {offsets = [0, 28], sizes = [16, 1], strides = [1, 1]} : vector<16x64xf32> to vector<16x1xf32>
    %lt3A_674 = vector.broadcast %slice3A_673 : vector<16x1xf32> to vector<16x64xf32>
    %lt3A_675 = arith.cmpf olt, %lt3A_674, %get3A_42 : vector<16x64xf32>
    %convert_element_type3A_676 = arith.extui %lt3A_675 : vector<16x64xi1> to vector<16x64xi32>
    %convert_element_type3A_677 = arith.sitofp %convert_element_type3A_676 : vector<16x64xi32> to vector<16x64xf32>
    %slice3A_678 = vector.extract_strided_slice %div3A {offsets = [0, 28], sizes = [16, 1], strides = [1, 1]} : vector<16x63xf32> to vector<16x1xf32>
    %slice3A_679 = vector.extract_strided_slice %div3A {offsets = [0, 27], sizes = [16, 1], strides = [1, 1]} : vector<16x63xf32> to vector<16x1xf32>
    %sub3A_680 = arith.subf %slice3A_678, %slice3A_679 : vector<16x1xf32>
    %mul3A_681 = vector.broadcast %sub3A_680 : vector<16x1xf32> to vector<16x64xf32>
    %mul3A_682 = arith.mulf %mul3A_681, %convert_element_type3A_677 : vector<16x64xf32>
    %add3A_683 = arith.addf %add3A_660, %mul3A_682 : vector<16x64xf32>
    %slice3A_684 = vector.extract_strided_slice %sub3A_26 {offsets = [0, 28], sizes = [16, 1], strides = [1, 1]} : vector<16x63xf32> to vector<16x1xf32>
    %slice3A_685 = vector.extract_strided_slice %sub3A_26 {offsets = [0, 27], sizes = [16, 1], strides = [1, 1]} : vector<16x63xf32> to vector<16x1xf32>
    %sub3A_686 = arith.subf %slice3A_684, %slice3A_685 : vector<16x1xf32>
    %mul3A_687 = vector.broadcast %sub3A_686 : vector<16x1xf32> to vector<16x64xf32>
    %mul3A_688 = arith.mulf %mul3A_687, %convert_element_type3A_677 : vector<16x64xf32>
    %add3A_689 = arith.addf %add3A_666, %mul3A_688 : vector<16x64xf32>
    %slice3A_690 = vector.extract_strided_slice %log3A {offsets = [0, 28], sizes = [16, 1], strides = [1, 1]} : vector<16x63xf32> to vector<16x1xf32>
    %slice3A_691 = vector.extract_strided_slice %log3A {offsets = [0, 27], sizes = [16, 1], strides = [1, 1]} : vector<16x63xf32> to vector<16x1xf32>
    %sub3A_692 = arith.subf %slice3A_690, %slice3A_691 : vector<16x1xf32>
    %mul3A_693 = vector.broadcast %sub3A_692 : vector<16x1xf32> to vector<16x64xf32>
    %mul3A_694 = arith.mulf %mul3A_693, %convert_element_type3A_677 : vector<16x64xf32>
    %add3A_695 = arith.addf %add3A_672, %mul3A_694 : vector<16x64xf32>
    %slice3A_696 = vector.extract_strided_slice %add3A_12 {offsets = [0, 29], sizes = [16, 1], strides = [1, 1]} : vector<16x64xf32> to vector<16x1xf32>
    %lt3A_697 = vector.broadcast %slice3A_696 : vector<16x1xf32> to vector<16x64xf32>
    %lt3A_698 = arith.cmpf olt, %lt3A_697, %get3A_42 : vector<16x64xf32>
    %convert_element_type3A_699 = arith.extui %lt3A_698 : vector<16x64xi1> to vector<16x64xi32>
    %convert_element_type3A_700 = arith.sitofp %convert_element_type3A_699 : vector<16x64xi32> to vector<16x64xf32>
    %slice3A_701 = vector.extract_strided_slice %div3A {offsets = [0, 29], sizes = [16, 1], strides = [1, 1]} : vector<16x63xf32> to vector<16x1xf32>
    %slice3A_702 = vector.extract_strided_slice %div3A {offsets = [0, 28], sizes = [16, 1], strides = [1, 1]} : vector<16x63xf32> to vector<16x1xf32>
    %sub3A_703 = arith.subf %slice3A_701, %slice3A_702 : vector<16x1xf32>
    %mul3A_704 = vector.broadcast %sub3A_703 : vector<16x1xf32> to vector<16x64xf32>
    %mul3A_705 = arith.mulf %mul3A_704, %convert_element_type3A_700 : vector<16x64xf32>
    %add3A_706 = arith.addf %add3A_683, %mul3A_705 : vector<16x64xf32>
    %slice3A_707 = vector.extract_strided_slice %sub3A_26 {offsets = [0, 29], sizes = [16, 1], strides = [1, 1]} : vector<16x63xf32> to vector<16x1xf32>
    %slice3A_708 = vector.extract_strided_slice %sub3A_26 {offsets = [0, 28], sizes = [16, 1], strides = [1, 1]} : vector<16x63xf32> to vector<16x1xf32>
    %sub3A_709 = arith.subf %slice3A_707, %slice3A_708 : vector<16x1xf32>
    %mul3A_710 = vector.broadcast %sub3A_709 : vector<16x1xf32> to vector<16x64xf32>
    %mul3A_711 = arith.mulf %mul3A_710, %convert_element_type3A_700 : vector<16x64xf32>
    %add3A_712 = arith.addf %add3A_689, %mul3A_711 : vector<16x64xf32>
    %slice3A_713 = vector.extract_strided_slice %log3A {offsets = [0, 29], sizes = [16, 1], strides = [1, 1]} : vector<16x63xf32> to vector<16x1xf32>
    %slice3A_714 = vector.extract_strided_slice %log3A {offsets = [0, 28], sizes = [16, 1], strides = [1, 1]} : vector<16x63xf32> to vector<16x1xf32>
    %sub3A_715 = arith.subf %slice3A_713, %slice3A_714 : vector<16x1xf32>
    %mul3A_716 = vector.broadcast %sub3A_715 : vector<16x1xf32> to vector<16x64xf32>
    %mul3A_717 = arith.mulf %mul3A_716, %convert_element_type3A_700 : vector<16x64xf32>
    %add3A_718 = arith.addf %add3A_695, %mul3A_717 : vector<16x64xf32>
    %slice3A_719 = vector.extract_strided_slice %add3A_12 {offsets = [0, 30], sizes = [16, 1], strides = [1, 1]} : vector<16x64xf32> to vector<16x1xf32>
    %lt3A_720 = vector.broadcast %slice3A_719 : vector<16x1xf32> to vector<16x64xf32>
    %lt3A_721 = arith.cmpf olt, %lt3A_720, %get3A_42 : vector<16x64xf32>
    %convert_element_type3A_722 = arith.extui %lt3A_721 : vector<16x64xi1> to vector<16x64xi32>
    %convert_element_type3A_723 = arith.sitofp %convert_element_type3A_722 : vector<16x64xi32> to vector<16x64xf32>
    %slice3A_724 = vector.extract_strided_slice %div3A {offsets = [0, 30], sizes = [16, 1], strides = [1, 1]} : vector<16x63xf32> to vector<16x1xf32>
    %slice3A_725 = vector.extract_strided_slice %div3A {offsets = [0, 29], sizes = [16, 1], strides = [1, 1]} : vector<16x63xf32> to vector<16x1xf32>
    %sub3A_726 = arith.subf %slice3A_724, %slice3A_725 : vector<16x1xf32>
    %mul3A_727 = vector.broadcast %sub3A_726 : vector<16x1xf32> to vector<16x64xf32>
    %mul3A_728 = arith.mulf %mul3A_727, %convert_element_type3A_723 : vector<16x64xf32>
    %add3A_729 = arith.addf %add3A_706, %mul3A_728 : vector<16x64xf32>
    %slice3A_730 = vector.extract_strided_slice %sub3A_26 {offsets = [0, 30], sizes = [16, 1], strides = [1, 1]} : vector<16x63xf32> to vector<16x1xf32>
    %slice3A_731 = vector.extract_strided_slice %sub3A_26 {offsets = [0, 29], sizes = [16, 1], strides = [1, 1]} : vector<16x63xf32> to vector<16x1xf32>
    %sub3A_732 = arith.subf %slice3A_730, %slice3A_731 : vector<16x1xf32>
    %mul3A_733 = vector.broadcast %sub3A_732 : vector<16x1xf32> to vector<16x64xf32>
    %mul3A_734 = arith.mulf %mul3A_733, %convert_element_type3A_723 : vector<16x64xf32>
    %add3A_735 = arith.addf %add3A_712, %mul3A_734 : vector<16x64xf32>
    %slice3A_736 = vector.extract_strided_slice %log3A {offsets = [0, 30], sizes = [16, 1], strides = [1, 1]} : vector<16x63xf32> to vector<16x1xf32>
    %slice3A_737 = vector.extract_strided_slice %log3A {offsets = [0, 29], sizes = [16, 1], strides = [1, 1]} : vector<16x63xf32> to vector<16x1xf32>
    %sub3A_738 = arith.subf %slice3A_736, %slice3A_737 : vector<16x1xf32>
    %mul3A_739 = vector.broadcast %sub3A_738 : vector<16x1xf32> to vector<16x64xf32>
    %mul3A_740 = arith.mulf %mul3A_739, %convert_element_type3A_723 : vector<16x64xf32>
    %add3A_741 = arith.addf %add3A_718, %mul3A_740 : vector<16x64xf32>
    %slice3A_742 = vector.extract_strided_slice %add3A_12 {offsets = [0, 31], sizes = [16, 1], strides = [1, 1]} : vector<16x64xf32> to vector<16x1xf32>
    %lt3A_743 = vector.broadcast %slice3A_742 : vector<16x1xf32> to vector<16x64xf32>
    %lt3A_744 = arith.cmpf olt, %lt3A_743, %get3A_42 : vector<16x64xf32>
    %convert_element_type3A_745 = arith.extui %lt3A_744 : vector<16x64xi1> to vector<16x64xi32>
    %convert_element_type3A_746 = arith.sitofp %convert_element_type3A_745 : vector<16x64xi32> to vector<16x64xf32>
    %slice3A_747 = vector.extract_strided_slice %div3A {offsets = [0, 31], sizes = [16, 1], strides = [1, 1]} : vector<16x63xf32> to vector<16x1xf32>
    %slice3A_748 = vector.extract_strided_slice %div3A {offsets = [0, 30], sizes = [16, 1], strides = [1, 1]} : vector<16x63xf32> to vector<16x1xf32>
    %sub3A_749 = arith.subf %slice3A_747, %slice3A_748 : vector<16x1xf32>
    %mul3A_750 = vector.broadcast %sub3A_749 : vector<16x1xf32> to vector<16x64xf32>
    %mul3A_751 = arith.mulf %mul3A_750, %convert_element_type3A_746 : vector<16x64xf32>
    %add3A_752 = arith.addf %add3A_729, %mul3A_751 : vector<16x64xf32>
    %slice3A_753 = vector.extract_strided_slice %sub3A_26 {offsets = [0, 31], sizes = [16, 1], strides = [1, 1]} : vector<16x63xf32> to vector<16x1xf32>
    %slice3A_754 = vector.extract_strided_slice %sub3A_26 {offsets = [0, 30], sizes = [16, 1], strides = [1, 1]} : vector<16x63xf32> to vector<16x1xf32>
    %sub3A_755 = arith.subf %slice3A_753, %slice3A_754 : vector<16x1xf32>
    %mul3A_756 = vector.broadcast %sub3A_755 : vector<16x1xf32> to vector<16x64xf32>
    %mul3A_757 = arith.mulf %mul3A_756, %convert_element_type3A_746 : vector<16x64xf32>
    %add3A_758 = arith.addf %add3A_735, %mul3A_757 : vector<16x64xf32>
    %slice3A_759 = vector.extract_strided_slice %log3A {offsets = [0, 31], sizes = [16, 1], strides = [1, 1]} : vector<16x63xf32> to vector<16x1xf32>
    %slice3A_760 = vector.extract_strided_slice %log3A {offsets = [0, 30], sizes = [16, 1], strides = [1, 1]} : vector<16x63xf32> to vector<16x1xf32>
    %sub3A_761 = arith.subf %slice3A_759, %slice3A_760 : vector<16x1xf32>
    %mul3A_762 = vector.broadcast %sub3A_761 : vector<16x1xf32> to vector<16x64xf32>
    %mul3A_763 = arith.mulf %mul3A_762, %convert_element_type3A_746 : vector<16x64xf32>
    %add3A_764 = arith.addf %add3A_741, %mul3A_763 : vector<16x64xf32>
    %slice3A_765 = vector.extract_strided_slice %add3A_12 {offsets = [0, 32], sizes = [16, 1], strides = [1, 1]} : vector<16x64xf32> to vector<16x1xf32>
    %lt3A_766 = vector.broadcast %slice3A_765 : vector<16x1xf32> to vector<16x64xf32>
    %lt3A_767 = arith.cmpf olt, %lt3A_766, %get3A_42 : vector<16x64xf32>
    %convert_element_type3A_768 = arith.extui %lt3A_767 : vector<16x64xi1> to vector<16x64xi32>
    %convert_element_type3A_769 = arith.sitofp %convert_element_type3A_768 : vector<16x64xi32> to vector<16x64xf32>
    %slice3A_770 = vector.extract_strided_slice %div3A {offsets = [0, 32], sizes = [16, 1], strides = [1, 1]} : vector<16x63xf32> to vector<16x1xf32>
    %slice3A_771 = vector.extract_strided_slice %div3A {offsets = [0, 31], sizes = [16, 1], strides = [1, 1]} : vector<16x63xf32> to vector<16x1xf32>
    %sub3A_772 = arith.subf %slice3A_770, %slice3A_771 : vector<16x1xf32>
    %mul3A_773 = vector.broadcast %sub3A_772 : vector<16x1xf32> to vector<16x64xf32>
    %mul3A_774 = arith.mulf %mul3A_773, %convert_element_type3A_769 : vector<16x64xf32>
    %add3A_775 = arith.addf %add3A_752, %mul3A_774 : vector<16x64xf32>
    %slice3A_776 = vector.extract_strided_slice %sub3A_26 {offsets = [0, 32], sizes = [16, 1], strides = [1, 1]} : vector<16x63xf32> to vector<16x1xf32>
    %slice3A_777 = vector.extract_strided_slice %sub3A_26 {offsets = [0, 31], sizes = [16, 1], strides = [1, 1]} : vector<16x63xf32> to vector<16x1xf32>
    %sub3A_778 = arith.subf %slice3A_776, %slice3A_777 : vector<16x1xf32>
    %mul3A_779 = vector.broadcast %sub3A_778 : vector<16x1xf32> to vector<16x64xf32>
    %mul3A_780 = arith.mulf %mul3A_779, %convert_element_type3A_769 : vector<16x64xf32>
    %add3A_781 = arith.addf %add3A_758, %mul3A_780 : vector<16x64xf32>
    %slice3A_782 = vector.extract_strided_slice %log3A {offsets = [0, 32], sizes = [16, 1], strides = [1, 1]} : vector<16x63xf32> to vector<16x1xf32>
    %slice3A_783 = vector.extract_strided_slice %log3A {offsets = [0, 31], sizes = [16, 1], strides = [1, 1]} : vector<16x63xf32> to vector<16x1xf32>
    %sub3A_784 = arith.subf %slice3A_782, %slice3A_783 : vector<16x1xf32>
    %mul3A_785 = vector.broadcast %sub3A_784 : vector<16x1xf32> to vector<16x64xf32>
    %mul3A_786 = arith.mulf %mul3A_785, %convert_element_type3A_769 : vector<16x64xf32>
    %add3A_787 = arith.addf %add3A_764, %mul3A_786 : vector<16x64xf32>
    %slice3A_788 = vector.extract_strided_slice %add3A_12 {offsets = [0, 33], sizes = [16, 1], strides = [1, 1]} : vector<16x64xf32> to vector<16x1xf32>
    %lt3A_789 = vector.broadcast %slice3A_788 : vector<16x1xf32> to vector<16x64xf32>
    %lt3A_790 = arith.cmpf olt, %lt3A_789, %get3A_42 : vector<16x64xf32>
    %convert_element_type3A_791 = arith.extui %lt3A_790 : vector<16x64xi1> to vector<16x64xi32>
    %convert_element_type3A_792 = arith.sitofp %convert_element_type3A_791 : vector<16x64xi32> to vector<16x64xf32>
    %slice3A_793 = vector.extract_strided_slice %div3A {offsets = [0, 33], sizes = [16, 1], strides = [1, 1]} : vector<16x63xf32> to vector<16x1xf32>
    %slice3A_794 = vector.extract_strided_slice %div3A {offsets = [0, 32], sizes = [16, 1], strides = [1, 1]} : vector<16x63xf32> to vector<16x1xf32>
    %sub3A_795 = arith.subf %slice3A_793, %slice3A_794 : vector<16x1xf32>
    %mul3A_796 = vector.broadcast %sub3A_795 : vector<16x1xf32> to vector<16x64xf32>
    %mul3A_797 = arith.mulf %mul3A_796, %convert_element_type3A_792 : vector<16x64xf32>
    %add3A_798 = arith.addf %add3A_775, %mul3A_797 : vector<16x64xf32>
    %slice3A_799 = vector.extract_strided_slice %sub3A_26 {offsets = [0, 33], sizes = [16, 1], strides = [1, 1]} : vector<16x63xf32> to vector<16x1xf32>
    %slice3A_800 = vector.extract_strided_slice %sub3A_26 {offsets = [0, 32], sizes = [16, 1], strides = [1, 1]} : vector<16x63xf32> to vector<16x1xf32>
    %sub3A_801 = arith.subf %slice3A_799, %slice3A_800 : vector<16x1xf32>
    %mul3A_802 = vector.broadcast %sub3A_801 : vector<16x1xf32> to vector<16x64xf32>
    %mul3A_803 = arith.mulf %mul3A_802, %convert_element_type3A_792 : vector<16x64xf32>
    %add3A_804 = arith.addf %add3A_781, %mul3A_803 : vector<16x64xf32>
    %slice3A_805 = vector.extract_strided_slice %log3A {offsets = [0, 33], sizes = [16, 1], strides = [1, 1]} : vector<16x63xf32> to vector<16x1xf32>
    %slice3A_806 = vector.extract_strided_slice %log3A {offsets = [0, 32], sizes = [16, 1], strides = [1, 1]} : vector<16x63xf32> to vector<16x1xf32>
    %sub3A_807 = arith.subf %slice3A_805, %slice3A_806 : vector<16x1xf32>
    %mul3A_808 = vector.broadcast %sub3A_807 : vector<16x1xf32> to vector<16x64xf32>
    %mul3A_809 = arith.mulf %mul3A_808, %convert_element_type3A_792 : vector<16x64xf32>
    %add3A_810 = arith.addf %add3A_787, %mul3A_809 : vector<16x64xf32>
    %slice3A_811 = vector.extract_strided_slice %add3A_12 {offsets = [0, 34], sizes = [16, 1], strides = [1, 1]} : vector<16x64xf32> to vector<16x1xf32>
    %lt3A_812 = vector.broadcast %slice3A_811 : vector<16x1xf32> to vector<16x64xf32>
    %lt3A_813 = arith.cmpf olt, %lt3A_812, %get3A_42 : vector<16x64xf32>
    %convert_element_type3A_814 = arith.extui %lt3A_813 : vector<16x64xi1> to vector<16x64xi32>
    %convert_element_type3A_815 = arith.sitofp %convert_element_type3A_814 : vector<16x64xi32> to vector<16x64xf32>
    %slice3A_816 = vector.extract_strided_slice %div3A {offsets = [0, 34], sizes = [16, 1], strides = [1, 1]} : vector<16x63xf32> to vector<16x1xf32>
    %slice3A_817 = vector.extract_strided_slice %div3A {offsets = [0, 33], sizes = [16, 1], strides = [1, 1]} : vector<16x63xf32> to vector<16x1xf32>
    %sub3A_818 = arith.subf %slice3A_816, %slice3A_817 : vector<16x1xf32>
    %mul3A_819 = vector.broadcast %sub3A_818 : vector<16x1xf32> to vector<16x64xf32>
    %mul3A_820 = arith.mulf %mul3A_819, %convert_element_type3A_815 : vector<16x64xf32>
    %add3A_821 = arith.addf %add3A_798, %mul3A_820 : vector<16x64xf32>
    %slice3A_822 = vector.extract_strided_slice %sub3A_26 {offsets = [0, 34], sizes = [16, 1], strides = [1, 1]} : vector<16x63xf32> to vector<16x1xf32>
    %slice3A_823 = vector.extract_strided_slice %sub3A_26 {offsets = [0, 33], sizes = [16, 1], strides = [1, 1]} : vector<16x63xf32> to vector<16x1xf32>
    %sub3A_824 = arith.subf %slice3A_822, %slice3A_823 : vector<16x1xf32>
    %mul3A_825 = vector.broadcast %sub3A_824 : vector<16x1xf32> to vector<16x64xf32>
    %mul3A_826 = arith.mulf %mul3A_825, %convert_element_type3A_815 : vector<16x64xf32>
    %add3A_827 = arith.addf %add3A_804, %mul3A_826 : vector<16x64xf32>
    %slice3A_828 = vector.extract_strided_slice %log3A {offsets = [0, 34], sizes = [16, 1], strides = [1, 1]} : vector<16x63xf32> to vector<16x1xf32>
    %slice3A_829 = vector.extract_strided_slice %log3A {offsets = [0, 33], sizes = [16, 1], strides = [1, 1]} : vector<16x63xf32> to vector<16x1xf32>
    %sub3A_830 = arith.subf %slice3A_828, %slice3A_829 : vector<16x1xf32>
    %mul3A_831 = vector.broadcast %sub3A_830 : vector<16x1xf32> to vector<16x64xf32>
    %mul3A_832 = arith.mulf %mul3A_831, %convert_element_type3A_815 : vector<16x64xf32>
    %add3A_833 = arith.addf %add3A_810, %mul3A_832 : vector<16x64xf32>
    %slice3A_834 = vector.extract_strided_slice %add3A_12 {offsets = [0, 35], sizes = [16, 1], strides = [1, 1]} : vector<16x64xf32> to vector<16x1xf32>
    %lt3A_835 = vector.broadcast %slice3A_834 : vector<16x1xf32> to vector<16x64xf32>
    %lt3A_836 = arith.cmpf olt, %lt3A_835, %get3A_42 : vector<16x64xf32>
    %convert_element_type3A_837 = arith.extui %lt3A_836 : vector<16x64xi1> to vector<16x64xi32>
    %convert_element_type3A_838 = arith.sitofp %convert_element_type3A_837 : vector<16x64xi32> to vector<16x64xf32>
    %slice3A_839 = vector.extract_strided_slice %div3A {offsets = [0, 35], sizes = [16, 1], strides = [1, 1]} : vector<16x63xf32> to vector<16x1xf32>
    %slice3A_840 = vector.extract_strided_slice %div3A {offsets = [0, 34], sizes = [16, 1], strides = [1, 1]} : vector<16x63xf32> to vector<16x1xf32>
    %sub3A_841 = arith.subf %slice3A_839, %slice3A_840 : vector<16x1xf32>
    %mul3A_842 = vector.broadcast %sub3A_841 : vector<16x1xf32> to vector<16x64xf32>
    %mul3A_843 = arith.mulf %mul3A_842, %convert_element_type3A_838 : vector<16x64xf32>
    %add3A_844 = arith.addf %add3A_821, %mul3A_843 : vector<16x64xf32>
    %slice3A_845 = vector.extract_strided_slice %sub3A_26 {offsets = [0, 35], sizes = [16, 1], strides = [1, 1]} : vector<16x63xf32> to vector<16x1xf32>
    %slice3A_846 = vector.extract_strided_slice %sub3A_26 {offsets = [0, 34], sizes = [16, 1], strides = [1, 1]} : vector<16x63xf32> to vector<16x1xf32>
    %sub3A_847 = arith.subf %slice3A_845, %slice3A_846 : vector<16x1xf32>
    %mul3A_848 = vector.broadcast %sub3A_847 : vector<16x1xf32> to vector<16x64xf32>
    %mul3A_849 = arith.mulf %mul3A_848, %convert_element_type3A_838 : vector<16x64xf32>
    %add3A_850 = arith.addf %add3A_827, %mul3A_849 : vector<16x64xf32>
    %slice3A_851 = vector.extract_strided_slice %log3A {offsets = [0, 35], sizes = [16, 1], strides = [1, 1]} : vector<16x63xf32> to vector<16x1xf32>
    %slice3A_852 = vector.extract_strided_slice %log3A {offsets = [0, 34], sizes = [16, 1], strides = [1, 1]} : vector<16x63xf32> to vector<16x1xf32>
    %sub3A_853 = arith.subf %slice3A_851, %slice3A_852 : vector<16x1xf32>
    %mul3A_854 = vector.broadcast %sub3A_853 : vector<16x1xf32> to vector<16x64xf32>
    %mul3A_855 = arith.mulf %mul3A_854, %convert_element_type3A_838 : vector<16x64xf32>
    %add3A_856 = arith.addf %add3A_833, %mul3A_855 : vector<16x64xf32>
    %slice3A_857 = vector.extract_strided_slice %add3A_12 {offsets = [0, 36], sizes = [16, 1], strides = [1, 1]} : vector<16x64xf32> to vector<16x1xf32>
    %lt3A_858 = vector.broadcast %slice3A_857 : vector<16x1xf32> to vector<16x64xf32>
    %lt3A_859 = arith.cmpf olt, %lt3A_858, %get3A_42 : vector<16x64xf32>
    %convert_element_type3A_860 = arith.extui %lt3A_859 : vector<16x64xi1> to vector<16x64xi32>
    %convert_element_type3A_861 = arith.sitofp %convert_element_type3A_860 : vector<16x64xi32> to vector<16x64xf32>
    %slice3A_862 = vector.extract_strided_slice %div3A {offsets = [0, 36], sizes = [16, 1], strides = [1, 1]} : vector<16x63xf32> to vector<16x1xf32>
    %slice3A_863 = vector.extract_strided_slice %div3A {offsets = [0, 35], sizes = [16, 1], strides = [1, 1]} : vector<16x63xf32> to vector<16x1xf32>
    %sub3A_864 = arith.subf %slice3A_862, %slice3A_863 : vector<16x1xf32>
    %mul3A_865 = vector.broadcast %sub3A_864 : vector<16x1xf32> to vector<16x64xf32>
    %mul3A_866 = arith.mulf %mul3A_865, %convert_element_type3A_861 : vector<16x64xf32>
    %add3A_867 = arith.addf %add3A_844, %mul3A_866 : vector<16x64xf32>
    %slice3A_868 = vector.extract_strided_slice %sub3A_26 {offsets = [0, 36], sizes = [16, 1], strides = [1, 1]} : vector<16x63xf32> to vector<16x1xf32>
    %slice3A_869 = vector.extract_strided_slice %sub3A_26 {offsets = [0, 35], sizes = [16, 1], strides = [1, 1]} : vector<16x63xf32> to vector<16x1xf32>
    %sub3A_870 = arith.subf %slice3A_868, %slice3A_869 : vector<16x1xf32>
    %mul3A_871 = vector.broadcast %sub3A_870 : vector<16x1xf32> to vector<16x64xf32>
    %mul3A_872 = arith.mulf %mul3A_871, %convert_element_type3A_861 : vector<16x64xf32>
    %add3A_873 = arith.addf %add3A_850, %mul3A_872 : vector<16x64xf32>
    %slice3A_874 = vector.extract_strided_slice %log3A {offsets = [0, 36], sizes = [16, 1], strides = [1, 1]} : vector<16x63xf32> to vector<16x1xf32>
    %slice3A_875 = vector.extract_strided_slice %log3A {offsets = [0, 35], sizes = [16, 1], strides = [1, 1]} : vector<16x63xf32> to vector<16x1xf32>
    %sub3A_876 = arith.subf %slice3A_874, %slice3A_875 : vector<16x1xf32>
    %mul3A_877 = vector.broadcast %sub3A_876 : vector<16x1xf32> to vector<16x64xf32>
    %mul3A_878 = arith.mulf %mul3A_877, %convert_element_type3A_861 : vector<16x64xf32>
    %add3A_879 = arith.addf %add3A_856, %mul3A_878 : vector<16x64xf32>
    %slice3A_880 = vector.extract_strided_slice %add3A_12 {offsets = [0, 37], sizes = [16, 1], strides = [1, 1]} : vector<16x64xf32> to vector<16x1xf32>
    %lt3A_881 = vector.broadcast %slice3A_880 : vector<16x1xf32> to vector<16x64xf32>
    %lt3A_882 = arith.cmpf olt, %lt3A_881, %get3A_42 : vector<16x64xf32>
    %convert_element_type3A_883 = arith.extui %lt3A_882 : vector<16x64xi1> to vector<16x64xi32>
    %convert_element_type3A_884 = arith.sitofp %convert_element_type3A_883 : vector<16x64xi32> to vector<16x64xf32>
    %slice3A_885 = vector.extract_strided_slice %div3A {offsets = [0, 37], sizes = [16, 1], strides = [1, 1]} : vector<16x63xf32> to vector<16x1xf32>
    %slice3A_886 = vector.extract_strided_slice %div3A {offsets = [0, 36], sizes = [16, 1], strides = [1, 1]} : vector<16x63xf32> to vector<16x1xf32>
    %sub3A_887 = arith.subf %slice3A_885, %slice3A_886 : vector<16x1xf32>
    %mul3A_888 = vector.broadcast %sub3A_887 : vector<16x1xf32> to vector<16x64xf32>
    %mul3A_889 = arith.mulf %mul3A_888, %convert_element_type3A_884 : vector<16x64xf32>
    %add3A_890 = arith.addf %add3A_867, %mul3A_889 : vector<16x64xf32>
    %slice3A_891 = vector.extract_strided_slice %sub3A_26 {offsets = [0, 37], sizes = [16, 1], strides = [1, 1]} : vector<16x63xf32> to vector<16x1xf32>
    %slice3A_892 = vector.extract_strided_slice %sub3A_26 {offsets = [0, 36], sizes = [16, 1], strides = [1, 1]} : vector<16x63xf32> to vector<16x1xf32>
    %sub3A_893 = arith.subf %slice3A_891, %slice3A_892 : vector<16x1xf32>
    %mul3A_894 = vector.broadcast %sub3A_893 : vector<16x1xf32> to vector<16x64xf32>
    %mul3A_895 = arith.mulf %mul3A_894, %convert_element_type3A_884 : vector<16x64xf32>
    %add3A_896 = arith.addf %add3A_873, %mul3A_895 : vector<16x64xf32>
    %slice3A_897 = vector.extract_strided_slice %log3A {offsets = [0, 37], sizes = [16, 1], strides = [1, 1]} : vector<16x63xf32> to vector<16x1xf32>
    %slice3A_898 = vector.extract_strided_slice %log3A {offsets = [0, 36], sizes = [16, 1], strides = [1, 1]} : vector<16x63xf32> to vector<16x1xf32>
    %sub3A_899 = arith.subf %slice3A_897, %slice3A_898 : vector<16x1xf32>
    %mul3A_900 = vector.broadcast %sub3A_899 : vector<16x1xf32> to vector<16x64xf32>
    %mul3A_901 = arith.mulf %mul3A_900, %convert_element_type3A_884 : vector<16x64xf32>
    %add3A_902 = arith.addf %add3A_879, %mul3A_901 : vector<16x64xf32>
    %slice3A_903 = vector.extract_strided_slice %add3A_12 {offsets = [0, 38], sizes = [16, 1], strides = [1, 1]} : vector<16x64xf32> to vector<16x1xf32>
    %lt3A_904 = vector.broadcast %slice3A_903 : vector<16x1xf32> to vector<16x64xf32>
    %lt3A_905 = arith.cmpf olt, %lt3A_904, %get3A_42 : vector<16x64xf32>
    %convert_element_type3A_906 = arith.extui %lt3A_905 : vector<16x64xi1> to vector<16x64xi32>
    %convert_element_type3A_907 = arith.sitofp %convert_element_type3A_906 : vector<16x64xi32> to vector<16x64xf32>
    %slice3A_908 = vector.extract_strided_slice %div3A {offsets = [0, 38], sizes = [16, 1], strides = [1, 1]} : vector<16x63xf32> to vector<16x1xf32>
    %slice3A_909 = vector.extract_strided_slice %div3A {offsets = [0, 37], sizes = [16, 1], strides = [1, 1]} : vector<16x63xf32> to vector<16x1xf32>
    %sub3A_910 = arith.subf %slice3A_908, %slice3A_909 : vector<16x1xf32>
    %mul3A_911 = vector.broadcast %sub3A_910 : vector<16x1xf32> to vector<16x64xf32>
    %mul3A_912 = arith.mulf %mul3A_911, %convert_element_type3A_907 : vector<16x64xf32>
    %add3A_913 = arith.addf %add3A_890, %mul3A_912 : vector<16x64xf32>
    %slice3A_914 = vector.extract_strided_slice %sub3A_26 {offsets = [0, 38], sizes = [16, 1], strides = [1, 1]} : vector<16x63xf32> to vector<16x1xf32>
    %slice3A_915 = vector.extract_strided_slice %sub3A_26 {offsets = [0, 37], sizes = [16, 1], strides = [1, 1]} : vector<16x63xf32> to vector<16x1xf32>
    %sub3A_916 = arith.subf %slice3A_914, %slice3A_915 : vector<16x1xf32>
    %mul3A_917 = vector.broadcast %sub3A_916 : vector<16x1xf32> to vector<16x64xf32>
    %mul3A_918 = arith.mulf %mul3A_917, %convert_element_type3A_907 : vector<16x64xf32>
    %add3A_919 = arith.addf %add3A_896, %mul3A_918 : vector<16x64xf32>
    %slice3A_920 = vector.extract_strided_slice %log3A {offsets = [0, 38], sizes = [16, 1], strides = [1, 1]} : vector<16x63xf32> to vector<16x1xf32>
    %slice3A_921 = vector.extract_strided_slice %log3A {offsets = [0, 37], sizes = [16, 1], strides = [1, 1]} : vector<16x63xf32> to vector<16x1xf32>
    %sub3A_922 = arith.subf %slice3A_920, %slice3A_921 : vector<16x1xf32>
    %mul3A_923 = vector.broadcast %sub3A_922 : vector<16x1xf32> to vector<16x64xf32>
    %mul3A_924 = arith.mulf %mul3A_923, %convert_element_type3A_907 : vector<16x64xf32>
    %add3A_925 = arith.addf %add3A_902, %mul3A_924 : vector<16x64xf32>
    %slice3A_926 = vector.extract_strided_slice %add3A_12 {offsets = [0, 39], sizes = [16, 1], strides = [1, 1]} : vector<16x64xf32> to vector<16x1xf32>
    %lt3A_927 = vector.broadcast %slice3A_926 : vector<16x1xf32> to vector<16x64xf32>
    %lt3A_928 = arith.cmpf olt, %lt3A_927, %get3A_42 : vector<16x64xf32>
    %convert_element_type3A_929 = arith.extui %lt3A_928 : vector<16x64xi1> to vector<16x64xi32>
    %convert_element_type3A_930 = arith.sitofp %convert_element_type3A_929 : vector<16x64xi32> to vector<16x64xf32>
    %slice3A_931 = vector.extract_strided_slice %div3A {offsets = [0, 39], sizes = [16, 1], strides = [1, 1]} : vector<16x63xf32> to vector<16x1xf32>
    %slice3A_932 = vector.extract_strided_slice %div3A {offsets = [0, 38], sizes = [16, 1], strides = [1, 1]} : vector<16x63xf32> to vector<16x1xf32>
    %sub3A_933 = arith.subf %slice3A_931, %slice3A_932 : vector<16x1xf32>
    %mul3A_934 = vector.broadcast %sub3A_933 : vector<16x1xf32> to vector<16x64xf32>
    %mul3A_935 = arith.mulf %mul3A_934, %convert_element_type3A_930 : vector<16x64xf32>
    %add3A_936 = arith.addf %add3A_913, %mul3A_935 : vector<16x64xf32>
    %slice3A_937 = vector.extract_strided_slice %sub3A_26 {offsets = [0, 39], sizes = [16, 1], strides = [1, 1]} : vector<16x63xf32> to vector<16x1xf32>
    %slice3A_938 = vector.extract_strided_slice %sub3A_26 {offsets = [0, 38], sizes = [16, 1], strides = [1, 1]} : vector<16x63xf32> to vector<16x1xf32>
    %sub3A_939 = arith.subf %slice3A_937, %slice3A_938 : vector<16x1xf32>
    %mul3A_940 = vector.broadcast %sub3A_939 : vector<16x1xf32> to vector<16x64xf32>
    %mul3A_941 = arith.mulf %mul3A_940, %convert_element_type3A_930 : vector<16x64xf32>
    %add3A_942 = arith.addf %add3A_919, %mul3A_941 : vector<16x64xf32>
    %slice3A_943 = vector.extract_strided_slice %log3A {offsets = [0, 39], sizes = [16, 1], strides = [1, 1]} : vector<16x63xf32> to vector<16x1xf32>
    %slice3A_944 = vector.extract_strided_slice %log3A {offsets = [0, 38], sizes = [16, 1], strides = [1, 1]} : vector<16x63xf32> to vector<16x1xf32>
    %sub3A_945 = arith.subf %slice3A_943, %slice3A_944 : vector<16x1xf32>
    %mul3A_946 = vector.broadcast %sub3A_945 : vector<16x1xf32> to vector<16x64xf32>
    %mul3A_947 = arith.mulf %mul3A_946, %convert_element_type3A_930 : vector<16x64xf32>
    %add3A_948 = arith.addf %add3A_925, %mul3A_947 : vector<16x64xf32>
    %slice3A_949 = vector.extract_strided_slice %add3A_12 {offsets = [0, 40], sizes = [16, 1], strides = [1, 1]} : vector<16x64xf32> to vector<16x1xf32>
    %lt3A_950 = vector.broadcast %slice3A_949 : vector<16x1xf32> to vector<16x64xf32>
    %lt3A_951 = arith.cmpf olt, %lt3A_950, %get3A_42 : vector<16x64xf32>
    %convert_element_type3A_952 = arith.extui %lt3A_951 : vector<16x64xi1> to vector<16x64xi32>
    %convert_element_type3A_953 = arith.sitofp %convert_element_type3A_952 : vector<16x64xi32> to vector<16x64xf32>
    %slice3A_954 = vector.extract_strided_slice %div3A {offsets = [0, 40], sizes = [16, 1], strides = [1, 1]} : vector<16x63xf32> to vector<16x1xf32>
    %slice3A_955 = vector.extract_strided_slice %div3A {offsets = [0, 39], sizes = [16, 1], strides = [1, 1]} : vector<16x63xf32> to vector<16x1xf32>
    %sub3A_956 = arith.subf %slice3A_954, %slice3A_955 : vector<16x1xf32>
    %mul3A_957 = vector.broadcast %sub3A_956 : vector<16x1xf32> to vector<16x64xf32>
    %mul3A_958 = arith.mulf %mul3A_957, %convert_element_type3A_953 : vector<16x64xf32>
    %add3A_959 = arith.addf %add3A_936, %mul3A_958 : vector<16x64xf32>
    %slice3A_960 = vector.extract_strided_slice %sub3A_26 {offsets = [0, 40], sizes = [16, 1], strides = [1, 1]} : vector<16x63xf32> to vector<16x1xf32>
    %slice3A_961 = vector.extract_strided_slice %sub3A_26 {offsets = [0, 39], sizes = [16, 1], strides = [1, 1]} : vector<16x63xf32> to vector<16x1xf32>
    %sub3A_962 = arith.subf %slice3A_960, %slice3A_961 : vector<16x1xf32>
    %mul3A_963 = vector.broadcast %sub3A_962 : vector<16x1xf32> to vector<16x64xf32>
    %mul3A_964 = arith.mulf %mul3A_963, %convert_element_type3A_953 : vector<16x64xf32>
    %add3A_965 = arith.addf %add3A_942, %mul3A_964 : vector<16x64xf32>
    %slice3A_966 = vector.extract_strided_slice %log3A {offsets = [0, 40], sizes = [16, 1], strides = [1, 1]} : vector<16x63xf32> to vector<16x1xf32>
    %slice3A_967 = vector.extract_strided_slice %log3A {offsets = [0, 39], sizes = [16, 1], strides = [1, 1]} : vector<16x63xf32> to vector<16x1xf32>
    %sub3A_968 = arith.subf %slice3A_966, %slice3A_967 : vector<16x1xf32>
    %mul3A_969 = vector.broadcast %sub3A_968 : vector<16x1xf32> to vector<16x64xf32>
    %mul3A_970 = arith.mulf %mul3A_969, %convert_element_type3A_953 : vector<16x64xf32>
    %add3A_971 = arith.addf %add3A_948, %mul3A_970 : vector<16x64xf32>
    %slice3A_972 = vector.extract_strided_slice %add3A_12 {offsets = [0, 41], sizes = [16, 1], strides = [1, 1]} : vector<16x64xf32> to vector<16x1xf32>
    %lt3A_973 = vector.broadcast %slice3A_972 : vector<16x1xf32> to vector<16x64xf32>
    %lt3A_974 = arith.cmpf olt, %lt3A_973, %get3A_42 : vector<16x64xf32>
    %convert_element_type3A_975 = arith.extui %lt3A_974 : vector<16x64xi1> to vector<16x64xi32>
    %convert_element_type3A_976 = arith.sitofp %convert_element_type3A_975 : vector<16x64xi32> to vector<16x64xf32>
    %slice3A_977 = vector.extract_strided_slice %div3A {offsets = [0, 41], sizes = [16, 1], strides = [1, 1]} : vector<16x63xf32> to vector<16x1xf32>
    %slice3A_978 = vector.extract_strided_slice %div3A {offsets = [0, 40], sizes = [16, 1], strides = [1, 1]} : vector<16x63xf32> to vector<16x1xf32>
    %sub3A_979 = arith.subf %slice3A_977, %slice3A_978 : vector<16x1xf32>
    %mul3A_980 = vector.broadcast %sub3A_979 : vector<16x1xf32> to vector<16x64xf32>
    %mul3A_981 = arith.mulf %mul3A_980, %convert_element_type3A_976 : vector<16x64xf32>
    %add3A_982 = arith.addf %add3A_959, %mul3A_981 : vector<16x64xf32>
    %slice3A_983 = vector.extract_strided_slice %sub3A_26 {offsets = [0, 41], sizes = [16, 1], strides = [1, 1]} : vector<16x63xf32> to vector<16x1xf32>
    %slice3A_984 = vector.extract_strided_slice %sub3A_26 {offsets = [0, 40], sizes = [16, 1], strides = [1, 1]} : vector<16x63xf32> to vector<16x1xf32>
    %sub3A_985 = arith.subf %slice3A_983, %slice3A_984 : vector<16x1xf32>
    %mul3A_986 = vector.broadcast %sub3A_985 : vector<16x1xf32> to vector<16x64xf32>
    %mul3A_987 = arith.mulf %mul3A_986, %convert_element_type3A_976 : vector<16x64xf32>
    %add3A_988 = arith.addf %add3A_965, %mul3A_987 : vector<16x64xf32>
    %slice3A_989 = vector.extract_strided_slice %log3A {offsets = [0, 41], sizes = [16, 1], strides = [1, 1]} : vector<16x63xf32> to vector<16x1xf32>
    %slice3A_990 = vector.extract_strided_slice %log3A {offsets = [0, 40], sizes = [16, 1], strides = [1, 1]} : vector<16x63xf32> to vector<16x1xf32>
    %sub3A_991 = arith.subf %slice3A_989, %slice3A_990 : vector<16x1xf32>
    %mul3A_992 = vector.broadcast %sub3A_991 : vector<16x1xf32> to vector<16x64xf32>
    %mul3A_993 = arith.mulf %mul3A_992, %convert_element_type3A_976 : vector<16x64xf32>
    %add3A_994 = arith.addf %add3A_971, %mul3A_993 : vector<16x64xf32>
    %slice3A_995 = vector.extract_strided_slice %add3A_12 {offsets = [0, 42], sizes = [16, 1], strides = [1, 1]} : vector<16x64xf32> to vector<16x1xf32>
    %lt3A_996 = vector.broadcast %slice3A_995 : vector<16x1xf32> to vector<16x64xf32>
    %lt3A_997 = arith.cmpf olt, %lt3A_996, %get3A_42 : vector<16x64xf32>
    %convert_element_type3A_998 = arith.extui %lt3A_997 : vector<16x64xi1> to vector<16x64xi32>
    %convert_element_type3A_999 = arith.sitofp %convert_element_type3A_998 : vector<16x64xi32> to vector<16x64xf32>
    %slice3A_1000 = vector.extract_strided_slice %div3A {offsets = [0, 42], sizes = [16, 1], strides = [1, 1]} : vector<16x63xf32> to vector<16x1xf32>
    %slice3A_1001 = vector.extract_strided_slice %div3A {offsets = [0, 41], sizes = [16, 1], strides = [1, 1]} : vector<16x63xf32> to vector<16x1xf32>
    %sub3A_1002 = arith.subf %slice3A_1000, %slice3A_1001 : vector<16x1xf32>
    %mul3A_1003 = vector.broadcast %sub3A_1002 : vector<16x1xf32> to vector<16x64xf32>
    %mul3A_1004 = arith.mulf %mul3A_1003, %convert_element_type3A_999 : vector<16x64xf32>
    %add3A_1005 = arith.addf %add3A_982, %mul3A_1004 : vector<16x64xf32>
    %slice3A_1006 = vector.extract_strided_slice %sub3A_26 {offsets = [0, 42], sizes = [16, 1], strides = [1, 1]} : vector<16x63xf32> to vector<16x1xf32>
    %slice3A_1007 = vector.extract_strided_slice %sub3A_26 {offsets = [0, 41], sizes = [16, 1], strides = [1, 1]} : vector<16x63xf32> to vector<16x1xf32>
    %sub3A_1008 = arith.subf %slice3A_1006, %slice3A_1007 : vector<16x1xf32>
    %mul3A_1009 = vector.broadcast %sub3A_1008 : vector<16x1xf32> to vector<16x64xf32>
    %mul3A_1010 = arith.mulf %mul3A_1009, %convert_element_type3A_999 : vector<16x64xf32>
    %add3A_1011 = arith.addf %add3A_988, %mul3A_1010 : vector<16x64xf32>
    %slice3A_1012 = vector.extract_strided_slice %log3A {offsets = [0, 42], sizes = [16, 1], strides = [1, 1]} : vector<16x63xf32> to vector<16x1xf32>
    %slice3A_1013 = vector.extract_strided_slice %log3A {offsets = [0, 41], sizes = [16, 1], strides = [1, 1]} : vector<16x63xf32> to vector<16x1xf32>
    %sub3A_1014 = arith.subf %slice3A_1012, %slice3A_1013 : vector<16x1xf32>
    %mul3A_1015 = vector.broadcast %sub3A_1014 : vector<16x1xf32> to vector<16x64xf32>
    %mul3A_1016 = arith.mulf %mul3A_1015, %convert_element_type3A_999 : vector<16x64xf32>
    %add3A_1017 = arith.addf %add3A_994, %mul3A_1016 : vector<16x64xf32>
    %slice3A_1018 = vector.extract_strided_slice %add3A_12 {offsets = [0, 43], sizes = [16, 1], strides = [1, 1]} : vector<16x64xf32> to vector<16x1xf32>
    %lt3A_1019 = vector.broadcast %slice3A_1018 : vector<16x1xf32> to vector<16x64xf32>
    %lt3A_1020 = arith.cmpf olt, %lt3A_1019, %get3A_42 : vector<16x64xf32>
    %convert_element_type3A_1021 = arith.extui %lt3A_1020 : vector<16x64xi1> to vector<16x64xi32>
    %convert_element_type3A_1022 = arith.sitofp %convert_element_type3A_1021 : vector<16x64xi32> to vector<16x64xf32>
    %slice3A_1023 = vector.extract_strided_slice %div3A {offsets = [0, 43], sizes = [16, 1], strides = [1, 1]} : vector<16x63xf32> to vector<16x1xf32>
    %slice3A_1024 = vector.extract_strided_slice %div3A {offsets = [0, 42], sizes = [16, 1], strides = [1, 1]} : vector<16x63xf32> to vector<16x1xf32>
    %sub3A_1025 = arith.subf %slice3A_1023, %slice3A_1024 : vector<16x1xf32>
    %mul3A_1026 = vector.broadcast %sub3A_1025 : vector<16x1xf32> to vector<16x64xf32>
    %mul3A_1027 = arith.mulf %mul3A_1026, %convert_element_type3A_1022 : vector<16x64xf32>
    %add3A_1028 = arith.addf %add3A_1005, %mul3A_1027 : vector<16x64xf32>
    %slice3A_1029 = vector.extract_strided_slice %sub3A_26 {offsets = [0, 43], sizes = [16, 1], strides = [1, 1]} : vector<16x63xf32> to vector<16x1xf32>
    %slice3A_1030 = vector.extract_strided_slice %sub3A_26 {offsets = [0, 42], sizes = [16, 1], strides = [1, 1]} : vector<16x63xf32> to vector<16x1xf32>
    %sub3A_1031 = arith.subf %slice3A_1029, %slice3A_1030 : vector<16x1xf32>
    %mul3A_1032 = vector.broadcast %sub3A_1031 : vector<16x1xf32> to vector<16x64xf32>
    %mul3A_1033 = arith.mulf %mul3A_1032, %convert_element_type3A_1022 : vector<16x64xf32>
    %add3A_1034 = arith.addf %add3A_1011, %mul3A_1033 : vector<16x64xf32>
    %slice3A_1035 = vector.extract_strided_slice %log3A {offsets = [0, 43], sizes = [16, 1], strides = [1, 1]} : vector<16x63xf32> to vector<16x1xf32>
    %slice3A_1036 = vector.extract_strided_slice %log3A {offsets = [0, 42], sizes = [16, 1], strides = [1, 1]} : vector<16x63xf32> to vector<16x1xf32>
    %sub3A_1037 = arith.subf %slice3A_1035, %slice3A_1036 : vector<16x1xf32>
    %mul3A_1038 = vector.broadcast %sub3A_1037 : vector<16x1xf32> to vector<16x64xf32>
    %mul3A_1039 = arith.mulf %mul3A_1038, %convert_element_type3A_1022 : vector<16x64xf32>
    %add3A_1040 = arith.addf %add3A_1017, %mul3A_1039 : vector<16x64xf32>
    %slice3A_1041 = vector.extract_strided_slice %add3A_12 {offsets = [0, 44], sizes = [16, 1], strides = [1, 1]} : vector<16x64xf32> to vector<16x1xf32>
    %lt3A_1042 = vector.broadcast %slice3A_1041 : vector<16x1xf32> to vector<16x64xf32>
    %lt3A_1043 = arith.cmpf olt, %lt3A_1042, %get3A_42 : vector<16x64xf32>
    %convert_element_type3A_1044 = arith.extui %lt3A_1043 : vector<16x64xi1> to vector<16x64xi32>
    %convert_element_type3A_1045 = arith.sitofp %convert_element_type3A_1044 : vector<16x64xi32> to vector<16x64xf32>
    %slice3A_1046 = vector.extract_strided_slice %div3A {offsets = [0, 44], sizes = [16, 1], strides = [1, 1]} : vector<16x63xf32> to vector<16x1xf32>
    %slice3A_1047 = vector.extract_strided_slice %div3A {offsets = [0, 43], sizes = [16, 1], strides = [1, 1]} : vector<16x63xf32> to vector<16x1xf32>
    %sub3A_1048 = arith.subf %slice3A_1046, %slice3A_1047 : vector<16x1xf32>
    %mul3A_1049 = vector.broadcast %sub3A_1048 : vector<16x1xf32> to vector<16x64xf32>
    %mul3A_1050 = arith.mulf %mul3A_1049, %convert_element_type3A_1045 : vector<16x64xf32>
    %add3A_1051 = arith.addf %add3A_1028, %mul3A_1050 : vector<16x64xf32>
    %slice3A_1052 = vector.extract_strided_slice %sub3A_26 {offsets = [0, 44], sizes = [16, 1], strides = [1, 1]} : vector<16x63xf32> to vector<16x1xf32>
    %slice3A_1053 = vector.extract_strided_slice %sub3A_26 {offsets = [0, 43], sizes = [16, 1], strides = [1, 1]} : vector<16x63xf32> to vector<16x1xf32>
    %sub3A_1054 = arith.subf %slice3A_1052, %slice3A_1053 : vector<16x1xf32>
    %mul3A_1055 = vector.broadcast %sub3A_1054 : vector<16x1xf32> to vector<16x64xf32>
    %mul3A_1056 = arith.mulf %mul3A_1055, %convert_element_type3A_1045 : vector<16x64xf32>
    %add3A_1057 = arith.addf %add3A_1034, %mul3A_1056 : vector<16x64xf32>
    %slice3A_1058 = vector.extract_strided_slice %log3A {offsets = [0, 44], sizes = [16, 1], strides = [1, 1]} : vector<16x63xf32> to vector<16x1xf32>
    %slice3A_1059 = vector.extract_strided_slice %log3A {offsets = [0, 43], sizes = [16, 1], strides = [1, 1]} : vector<16x63xf32> to vector<16x1xf32>
    %sub3A_1060 = arith.subf %slice3A_1058, %slice3A_1059 : vector<16x1xf32>
    %mul3A_1061 = vector.broadcast %sub3A_1060 : vector<16x1xf32> to vector<16x64xf32>
    %mul3A_1062 = arith.mulf %mul3A_1061, %convert_element_type3A_1045 : vector<16x64xf32>
    %add3A_1063 = arith.addf %add3A_1040, %mul3A_1062 : vector<16x64xf32>
    %slice3A_1064 = vector.extract_strided_slice %add3A_12 {offsets = [0, 45], sizes = [16, 1], strides = [1, 1]} : vector<16x64xf32> to vector<16x1xf32>
    %lt3A_1065 = vector.broadcast %slice3A_1064 : vector<16x1xf32> to vector<16x64xf32>
    %lt3A_1066 = arith.cmpf olt, %lt3A_1065, %get3A_42 : vector<16x64xf32>
    %convert_element_type3A_1067 = arith.extui %lt3A_1066 : vector<16x64xi1> to vector<16x64xi32>
    %convert_element_type3A_1068 = arith.sitofp %convert_element_type3A_1067 : vector<16x64xi32> to vector<16x64xf32>
    %slice3A_1069 = vector.extract_strided_slice %div3A {offsets = [0, 45], sizes = [16, 1], strides = [1, 1]} : vector<16x63xf32> to vector<16x1xf32>
    %slice3A_1070 = vector.extract_strided_slice %div3A {offsets = [0, 44], sizes = [16, 1], strides = [1, 1]} : vector<16x63xf32> to vector<16x1xf32>
    %sub3A_1071 = arith.subf %slice3A_1069, %slice3A_1070 : vector<16x1xf32>
    %mul3A_1072 = vector.broadcast %sub3A_1071 : vector<16x1xf32> to vector<16x64xf32>
    %mul3A_1073 = arith.mulf %mul3A_1072, %convert_element_type3A_1068 : vector<16x64xf32>
    %add3A_1074 = arith.addf %add3A_1051, %mul3A_1073 : vector<16x64xf32>
    %slice3A_1075 = vector.extract_strided_slice %sub3A_26 {offsets = [0, 45], sizes = [16, 1], strides = [1, 1]} : vector<16x63xf32> to vector<16x1xf32>
    %slice3A_1076 = vector.extract_strided_slice %sub3A_26 {offsets = [0, 44], sizes = [16, 1], strides = [1, 1]} : vector<16x63xf32> to vector<16x1xf32>
    %sub3A_1077 = arith.subf %slice3A_1075, %slice3A_1076 : vector<16x1xf32>
    %mul3A_1078 = vector.broadcast %sub3A_1077 : vector<16x1xf32> to vector<16x64xf32>
    %mul3A_1079 = arith.mulf %mul3A_1078, %convert_element_type3A_1068 : vector<16x64xf32>
    %add3A_1080 = arith.addf %add3A_1057, %mul3A_1079 : vector<16x64xf32>
    %slice3A_1081 = vector.extract_strided_slice %log3A {offsets = [0, 45], sizes = [16, 1], strides = [1, 1]} : vector<16x63xf32> to vector<16x1xf32>
    %slice3A_1082 = vector.extract_strided_slice %log3A {offsets = [0, 44], sizes = [16, 1], strides = [1, 1]} : vector<16x63xf32> to vector<16x1xf32>
    %sub3A_1083 = arith.subf %slice3A_1081, %slice3A_1082 : vector<16x1xf32>
    %mul3A_1084 = vector.broadcast %sub3A_1083 : vector<16x1xf32> to vector<16x64xf32>
    %mul3A_1085 = arith.mulf %mul3A_1084, %convert_element_type3A_1068 : vector<16x64xf32>
    %add3A_1086 = arith.addf %add3A_1063, %mul3A_1085 : vector<16x64xf32>
    %slice3A_1087 = vector.extract_strided_slice %add3A_12 {offsets = [0, 46], sizes = [16, 1], strides = [1, 1]} : vector<16x64xf32> to vector<16x1xf32>
    %lt3A_1088 = vector.broadcast %slice3A_1087 : vector<16x1xf32> to vector<16x64xf32>
    %lt3A_1089 = arith.cmpf olt, %lt3A_1088, %get3A_42 : vector<16x64xf32>
    %convert_element_type3A_1090 = arith.extui %lt3A_1089 : vector<16x64xi1> to vector<16x64xi32>
    %convert_element_type3A_1091 = arith.sitofp %convert_element_type3A_1090 : vector<16x64xi32> to vector<16x64xf32>
    %slice3A_1092 = vector.extract_strided_slice %div3A {offsets = [0, 46], sizes = [16, 1], strides = [1, 1]} : vector<16x63xf32> to vector<16x1xf32>
    %slice3A_1093 = vector.extract_strided_slice %div3A {offsets = [0, 45], sizes = [16, 1], strides = [1, 1]} : vector<16x63xf32> to vector<16x1xf32>
    %sub3A_1094 = arith.subf %slice3A_1092, %slice3A_1093 : vector<16x1xf32>
    %mul3A_1095 = vector.broadcast %sub3A_1094 : vector<16x1xf32> to vector<16x64xf32>
    %mul3A_1096 = arith.mulf %mul3A_1095, %convert_element_type3A_1091 : vector<16x64xf32>
    %add3A_1097 = arith.addf %add3A_1074, %mul3A_1096 : vector<16x64xf32>
    %slice3A_1098 = vector.extract_strided_slice %sub3A_26 {offsets = [0, 46], sizes = [16, 1], strides = [1, 1]} : vector<16x63xf32> to vector<16x1xf32>
    %slice3A_1099 = vector.extract_strided_slice %sub3A_26 {offsets = [0, 45], sizes = [16, 1], strides = [1, 1]} : vector<16x63xf32> to vector<16x1xf32>
    %sub3A_1100 = arith.subf %slice3A_1098, %slice3A_1099 : vector<16x1xf32>
    %mul3A_1101 = vector.broadcast %sub3A_1100 : vector<16x1xf32> to vector<16x64xf32>
    %mul3A_1102 = arith.mulf %mul3A_1101, %convert_element_type3A_1091 : vector<16x64xf32>
    %add3A_1103 = arith.addf %add3A_1080, %mul3A_1102 : vector<16x64xf32>
    %slice3A_1104 = vector.extract_strided_slice %log3A {offsets = [0, 46], sizes = [16, 1], strides = [1, 1]} : vector<16x63xf32> to vector<16x1xf32>
    %slice3A_1105 = vector.extract_strided_slice %log3A {offsets = [0, 45], sizes = [16, 1], strides = [1, 1]} : vector<16x63xf32> to vector<16x1xf32>
    %sub3A_1106 = arith.subf %slice3A_1104, %slice3A_1105 : vector<16x1xf32>
    %mul3A_1107 = vector.broadcast %sub3A_1106 : vector<16x1xf32> to vector<16x64xf32>
    %mul3A_1108 = arith.mulf %mul3A_1107, %convert_element_type3A_1091 : vector<16x64xf32>
    %add3A_1109 = arith.addf %add3A_1086, %mul3A_1108 : vector<16x64xf32>
    %slice3A_1110 = vector.extract_strided_slice %add3A_12 {offsets = [0, 47], sizes = [16, 1], strides = [1, 1]} : vector<16x64xf32> to vector<16x1xf32>
    %lt3A_1111 = vector.broadcast %slice3A_1110 : vector<16x1xf32> to vector<16x64xf32>
    %lt3A_1112 = arith.cmpf olt, %lt3A_1111, %get3A_42 : vector<16x64xf32>
    %convert_element_type3A_1113 = arith.extui %lt3A_1112 : vector<16x64xi1> to vector<16x64xi32>
    %convert_element_type3A_1114 = arith.sitofp %convert_element_type3A_1113 : vector<16x64xi32> to vector<16x64xf32>
    %slice3A_1115 = vector.extract_strided_slice %div3A {offsets = [0, 47], sizes = [16, 1], strides = [1, 1]} : vector<16x63xf32> to vector<16x1xf32>
    %slice3A_1116 = vector.extract_strided_slice %div3A {offsets = [0, 46], sizes = [16, 1], strides = [1, 1]} : vector<16x63xf32> to vector<16x1xf32>
    %sub3A_1117 = arith.subf %slice3A_1115, %slice3A_1116 : vector<16x1xf32>
    %mul3A_1118 = vector.broadcast %sub3A_1117 : vector<16x1xf32> to vector<16x64xf32>
    %mul3A_1119 = arith.mulf %mul3A_1118, %convert_element_type3A_1114 : vector<16x64xf32>
    %add3A_1120 = arith.addf %add3A_1097, %mul3A_1119 : vector<16x64xf32>
    %slice3A_1121 = vector.extract_strided_slice %sub3A_26 {offsets = [0, 47], sizes = [16, 1], strides = [1, 1]} : vector<16x63xf32> to vector<16x1xf32>
    %slice3A_1122 = vector.extract_strided_slice %sub3A_26 {offsets = [0, 46], sizes = [16, 1], strides = [1, 1]} : vector<16x63xf32> to vector<16x1xf32>
    %sub3A_1123 = arith.subf %slice3A_1121, %slice3A_1122 : vector<16x1xf32>
    %mul3A_1124 = vector.broadcast %sub3A_1123 : vector<16x1xf32> to vector<16x64xf32>
    %mul3A_1125 = arith.mulf %mul3A_1124, %convert_element_type3A_1114 : vector<16x64xf32>
    %add3A_1126 = arith.addf %add3A_1103, %mul3A_1125 : vector<16x64xf32>
    %slice3A_1127 = vector.extract_strided_slice %log3A {offsets = [0, 47], sizes = [16, 1], strides = [1, 1]} : vector<16x63xf32> to vector<16x1xf32>
    %slice3A_1128 = vector.extract_strided_slice %log3A {offsets = [0, 46], sizes = [16, 1], strides = [1, 1]} : vector<16x63xf32> to vector<16x1xf32>
    %sub3A_1129 = arith.subf %slice3A_1127, %slice3A_1128 : vector<16x1xf32>
    %mul3A_1130 = vector.broadcast %sub3A_1129 : vector<16x1xf32> to vector<16x64xf32>
    %mul3A_1131 = arith.mulf %mul3A_1130, %convert_element_type3A_1114 : vector<16x64xf32>
    %add3A_1132 = arith.addf %add3A_1109, %mul3A_1131 : vector<16x64xf32>
    %slice3A_1133 = vector.extract_strided_slice %add3A_12 {offsets = [0, 48], sizes = [16, 1], strides = [1, 1]} : vector<16x64xf32> to vector<16x1xf32>
    %lt3A_1134 = vector.broadcast %slice3A_1133 : vector<16x1xf32> to vector<16x64xf32>
    %lt3A_1135 = arith.cmpf olt, %lt3A_1134, %get3A_42 : vector<16x64xf32>
    %convert_element_type3A_1136 = arith.extui %lt3A_1135 : vector<16x64xi1> to vector<16x64xi32>
    %convert_element_type3A_1137 = arith.sitofp %convert_element_type3A_1136 : vector<16x64xi32> to vector<16x64xf32>
    %slice3A_1138 = vector.extract_strided_slice %div3A {offsets = [0, 48], sizes = [16, 1], strides = [1, 1]} : vector<16x63xf32> to vector<16x1xf32>
    %slice3A_1139 = vector.extract_strided_slice %div3A {offsets = [0, 47], sizes = [16, 1], strides = [1, 1]} : vector<16x63xf32> to vector<16x1xf32>
    %sub3A_1140 = arith.subf %slice3A_1138, %slice3A_1139 : vector<16x1xf32>
    %mul3A_1141 = vector.broadcast %sub3A_1140 : vector<16x1xf32> to vector<16x64xf32>
    %mul3A_1142 = arith.mulf %mul3A_1141, %convert_element_type3A_1137 : vector<16x64xf32>
    %add3A_1143 = arith.addf %add3A_1120, %mul3A_1142 : vector<16x64xf32>
    %slice3A_1144 = vector.extract_strided_slice %sub3A_26 {offsets = [0, 48], sizes = [16, 1], strides = [1, 1]} : vector<16x63xf32> to vector<16x1xf32>
    %slice3A_1145 = vector.extract_strided_slice %sub3A_26 {offsets = [0, 47], sizes = [16, 1], strides = [1, 1]} : vector<16x63xf32> to vector<16x1xf32>
    %sub3A_1146 = arith.subf %slice3A_1144, %slice3A_1145 : vector<16x1xf32>
    %mul3A_1147 = vector.broadcast %sub3A_1146 : vector<16x1xf32> to vector<16x64xf32>
    %mul3A_1148 = arith.mulf %mul3A_1147, %convert_element_type3A_1137 : vector<16x64xf32>
    %add3A_1149 = arith.addf %add3A_1126, %mul3A_1148 : vector<16x64xf32>
    %slice3A_1150 = vector.extract_strided_slice %log3A {offsets = [0, 48], sizes = [16, 1], strides = [1, 1]} : vector<16x63xf32> to vector<16x1xf32>
    %slice3A_1151 = vector.extract_strided_slice %log3A {offsets = [0, 47], sizes = [16, 1], strides = [1, 1]} : vector<16x63xf32> to vector<16x1xf32>
    %sub3A_1152 = arith.subf %slice3A_1150, %slice3A_1151 : vector<16x1xf32>
    %mul3A_1153 = vector.broadcast %sub3A_1152 : vector<16x1xf32> to vector<16x64xf32>
    %mul3A_1154 = arith.mulf %mul3A_1153, %convert_element_type3A_1137 : vector<16x64xf32>
    %add3A_1155 = arith.addf %add3A_1132, %mul3A_1154 : vector<16x64xf32>
    %slice3A_1156 = vector.extract_strided_slice %add3A_12 {offsets = [0, 49], sizes = [16, 1], strides = [1, 1]} : vector<16x64xf32> to vector<16x1xf32>
    %lt3A_1157 = vector.broadcast %slice3A_1156 : vector<16x1xf32> to vector<16x64xf32>
    %lt3A_1158 = arith.cmpf olt, %lt3A_1157, %get3A_42 : vector<16x64xf32>
    %convert_element_type3A_1159 = arith.extui %lt3A_1158 : vector<16x64xi1> to vector<16x64xi32>
    %convert_element_type3A_1160 = arith.sitofp %convert_element_type3A_1159 : vector<16x64xi32> to vector<16x64xf32>
    %slice3A_1161 = vector.extract_strided_slice %div3A {offsets = [0, 49], sizes = [16, 1], strides = [1, 1]} : vector<16x63xf32> to vector<16x1xf32>
    %slice3A_1162 = vector.extract_strided_slice %div3A {offsets = [0, 48], sizes = [16, 1], strides = [1, 1]} : vector<16x63xf32> to vector<16x1xf32>
    %sub3A_1163 = arith.subf %slice3A_1161, %slice3A_1162 : vector<16x1xf32>
    %mul3A_1164 = vector.broadcast %sub3A_1163 : vector<16x1xf32> to vector<16x64xf32>
    %mul3A_1165 = arith.mulf %mul3A_1164, %convert_element_type3A_1160 : vector<16x64xf32>
    %add3A_1166 = arith.addf %add3A_1143, %mul3A_1165 : vector<16x64xf32>
    %slice3A_1167 = vector.extract_strided_slice %sub3A_26 {offsets = [0, 49], sizes = [16, 1], strides = [1, 1]} : vector<16x63xf32> to vector<16x1xf32>
    %slice3A_1168 = vector.extract_strided_slice %sub3A_26 {offsets = [0, 48], sizes = [16, 1], strides = [1, 1]} : vector<16x63xf32> to vector<16x1xf32>
    %sub3A_1169 = arith.subf %slice3A_1167, %slice3A_1168 : vector<16x1xf32>
    %mul3A_1170 = vector.broadcast %sub3A_1169 : vector<16x1xf32> to vector<16x64xf32>
    %mul3A_1171 = arith.mulf %mul3A_1170, %convert_element_type3A_1160 : vector<16x64xf32>
    %add3A_1172 = arith.addf %add3A_1149, %mul3A_1171 : vector<16x64xf32>
    %slice3A_1173 = vector.extract_strided_slice %log3A {offsets = [0, 49], sizes = [16, 1], strides = [1, 1]} : vector<16x63xf32> to vector<16x1xf32>
    %slice3A_1174 = vector.extract_strided_slice %log3A {offsets = [0, 48], sizes = [16, 1], strides = [1, 1]} : vector<16x63xf32> to vector<16x1xf32>
    %sub3A_1175 = arith.subf %slice3A_1173, %slice3A_1174 : vector<16x1xf32>
    %mul3A_1176 = vector.broadcast %sub3A_1175 : vector<16x1xf32> to vector<16x64xf32>
    %mul3A_1177 = arith.mulf %mul3A_1176, %convert_element_type3A_1160 : vector<16x64xf32>
    %add3A_1178 = arith.addf %add3A_1155, %mul3A_1177 : vector<16x64xf32>
    %slice3A_1179 = vector.extract_strided_slice %add3A_12 {offsets = [0, 50], sizes = [16, 1], strides = [1, 1]} : vector<16x64xf32> to vector<16x1xf32>
    %lt3A_1180 = vector.broadcast %slice3A_1179 : vector<16x1xf32> to vector<16x64xf32>
    %lt3A_1181 = arith.cmpf olt, %lt3A_1180, %get3A_42 : vector<16x64xf32>
    %convert_element_type3A_1182 = arith.extui %lt3A_1181 : vector<16x64xi1> to vector<16x64xi32>
    %convert_element_type3A_1183 = arith.sitofp %convert_element_type3A_1182 : vector<16x64xi32> to vector<16x64xf32>
    %slice3A_1184 = vector.extract_strided_slice %div3A {offsets = [0, 50], sizes = [16, 1], strides = [1, 1]} : vector<16x63xf32> to vector<16x1xf32>
    %slice3A_1185 = vector.extract_strided_slice %div3A {offsets = [0, 49], sizes = [16, 1], strides = [1, 1]} : vector<16x63xf32> to vector<16x1xf32>
    %sub3A_1186 = arith.subf %slice3A_1184, %slice3A_1185 : vector<16x1xf32>
    %mul3A_1187 = vector.broadcast %sub3A_1186 : vector<16x1xf32> to vector<16x64xf32>
    %mul3A_1188 = arith.mulf %mul3A_1187, %convert_element_type3A_1183 : vector<16x64xf32>
    %add3A_1189 = arith.addf %add3A_1166, %mul3A_1188 : vector<16x64xf32>
    %slice3A_1190 = vector.extract_strided_slice %sub3A_26 {offsets = [0, 50], sizes = [16, 1], strides = [1, 1]} : vector<16x63xf32> to vector<16x1xf32>
    %slice3A_1191 = vector.extract_strided_slice %sub3A_26 {offsets = [0, 49], sizes = [16, 1], strides = [1, 1]} : vector<16x63xf32> to vector<16x1xf32>
    %sub3A_1192 = arith.subf %slice3A_1190, %slice3A_1191 : vector<16x1xf32>
    %mul3A_1193 = vector.broadcast %sub3A_1192 : vector<16x1xf32> to vector<16x64xf32>
    %mul3A_1194 = arith.mulf %mul3A_1193, %convert_element_type3A_1183 : vector<16x64xf32>
    %add3A_1195 = arith.addf %add3A_1172, %mul3A_1194 : vector<16x64xf32>
    %slice3A_1196 = vector.extract_strided_slice %log3A {offsets = [0, 50], sizes = [16, 1], strides = [1, 1]} : vector<16x63xf32> to vector<16x1xf32>
    %slice3A_1197 = vector.extract_strided_slice %log3A {offsets = [0, 49], sizes = [16, 1], strides = [1, 1]} : vector<16x63xf32> to vector<16x1xf32>
    %sub3A_1198 = arith.subf %slice3A_1196, %slice3A_1197 : vector<16x1xf32>
    %mul3A_1199 = vector.broadcast %sub3A_1198 : vector<16x1xf32> to vector<16x64xf32>
    %mul3A_1200 = arith.mulf %mul3A_1199, %convert_element_type3A_1183 : vector<16x64xf32>
    %add3A_1201 = arith.addf %add3A_1178, %mul3A_1200 : vector<16x64xf32>
    %slice3A_1202 = vector.extract_strided_slice %add3A_12 {offsets = [0, 51], sizes = [16, 1], strides = [1, 1]} : vector<16x64xf32> to vector<16x1xf32>
    %lt3A_1203 = vector.broadcast %slice3A_1202 : vector<16x1xf32> to vector<16x64xf32>
    %lt3A_1204 = arith.cmpf olt, %lt3A_1203, %get3A_42 : vector<16x64xf32>
    %convert_element_type3A_1205 = arith.extui %lt3A_1204 : vector<16x64xi1> to vector<16x64xi32>
    %convert_element_type3A_1206 = arith.sitofp %convert_element_type3A_1205 : vector<16x64xi32> to vector<16x64xf32>
    %slice3A_1207 = vector.extract_strided_slice %div3A {offsets = [0, 51], sizes = [16, 1], strides = [1, 1]} : vector<16x63xf32> to vector<16x1xf32>
    %slice3A_1208 = vector.extract_strided_slice %div3A {offsets = [0, 50], sizes = [16, 1], strides = [1, 1]} : vector<16x63xf32> to vector<16x1xf32>
    %sub3A_1209 = arith.subf %slice3A_1207, %slice3A_1208 : vector<16x1xf32>
    %mul3A_1210 = vector.broadcast %sub3A_1209 : vector<16x1xf32> to vector<16x64xf32>
    %mul3A_1211 = arith.mulf %mul3A_1210, %convert_element_type3A_1206 : vector<16x64xf32>
    %add3A_1212 = arith.addf %add3A_1189, %mul3A_1211 : vector<16x64xf32>
    %slice3A_1213 = vector.extract_strided_slice %sub3A_26 {offsets = [0, 51], sizes = [16, 1], strides = [1, 1]} : vector<16x63xf32> to vector<16x1xf32>
    %slice3A_1214 = vector.extract_strided_slice %sub3A_26 {offsets = [0, 50], sizes = [16, 1], strides = [1, 1]} : vector<16x63xf32> to vector<16x1xf32>
    %sub3A_1215 = arith.subf %slice3A_1213, %slice3A_1214 : vector<16x1xf32>
    %mul3A_1216 = vector.broadcast %sub3A_1215 : vector<16x1xf32> to vector<16x64xf32>
    %mul3A_1217 = arith.mulf %mul3A_1216, %convert_element_type3A_1206 : vector<16x64xf32>
    %add3A_1218 = arith.addf %add3A_1195, %mul3A_1217 : vector<16x64xf32>
    %slice3A_1219 = vector.extract_strided_slice %log3A {offsets = [0, 51], sizes = [16, 1], strides = [1, 1]} : vector<16x63xf32> to vector<16x1xf32>
    %slice3A_1220 = vector.extract_strided_slice %log3A {offsets = [0, 50], sizes = [16, 1], strides = [1, 1]} : vector<16x63xf32> to vector<16x1xf32>
    %sub3A_1221 = arith.subf %slice3A_1219, %slice3A_1220 : vector<16x1xf32>
    %mul3A_1222 = vector.broadcast %sub3A_1221 : vector<16x1xf32> to vector<16x64xf32>
    %mul3A_1223 = arith.mulf %mul3A_1222, %convert_element_type3A_1206 : vector<16x64xf32>
    %add3A_1224 = arith.addf %add3A_1201, %mul3A_1223 : vector<16x64xf32>
    %slice3A_1225 = vector.extract_strided_slice %add3A_12 {offsets = [0, 52], sizes = [16, 1], strides = [1, 1]} : vector<16x64xf32> to vector<16x1xf32>
    %lt3A_1226 = vector.broadcast %slice3A_1225 : vector<16x1xf32> to vector<16x64xf32>
    %lt3A_1227 = arith.cmpf olt, %lt3A_1226, %get3A_42 : vector<16x64xf32>
    %convert_element_type3A_1228 = arith.extui %lt3A_1227 : vector<16x64xi1> to vector<16x64xi32>
    %convert_element_type3A_1229 = arith.sitofp %convert_element_type3A_1228 : vector<16x64xi32> to vector<16x64xf32>
    %slice3A_1230 = vector.extract_strided_slice %div3A {offsets = [0, 52], sizes = [16, 1], strides = [1, 1]} : vector<16x63xf32> to vector<16x1xf32>
    %slice3A_1231 = vector.extract_strided_slice %div3A {offsets = [0, 51], sizes = [16, 1], strides = [1, 1]} : vector<16x63xf32> to vector<16x1xf32>
    %sub3A_1232 = arith.subf %slice3A_1230, %slice3A_1231 : vector<16x1xf32>
    %mul3A_1233 = vector.broadcast %sub3A_1232 : vector<16x1xf32> to vector<16x64xf32>
    %mul3A_1234 = arith.mulf %mul3A_1233, %convert_element_type3A_1229 : vector<16x64xf32>
    %add3A_1235 = arith.addf %add3A_1212, %mul3A_1234 : vector<16x64xf32>
    %slice3A_1236 = vector.extract_strided_slice %sub3A_26 {offsets = [0, 52], sizes = [16, 1], strides = [1, 1]} : vector<16x63xf32> to vector<16x1xf32>
    %slice3A_1237 = vector.extract_strided_slice %sub3A_26 {offsets = [0, 51], sizes = [16, 1], strides = [1, 1]} : vector<16x63xf32> to vector<16x1xf32>
    %sub3A_1238 = arith.subf %slice3A_1236, %slice3A_1237 : vector<16x1xf32>
    %mul3A_1239 = vector.broadcast %sub3A_1238 : vector<16x1xf32> to vector<16x64xf32>
    %mul3A_1240 = arith.mulf %mul3A_1239, %convert_element_type3A_1229 : vector<16x64xf32>
    %add3A_1241 = arith.addf %add3A_1218, %mul3A_1240 : vector<16x64xf32>
    %slice3A_1242 = vector.extract_strided_slice %log3A {offsets = [0, 52], sizes = [16, 1], strides = [1, 1]} : vector<16x63xf32> to vector<16x1xf32>
    %slice3A_1243 = vector.extract_strided_slice %log3A {offsets = [0, 51], sizes = [16, 1], strides = [1, 1]} : vector<16x63xf32> to vector<16x1xf32>
    %sub3A_1244 = arith.subf %slice3A_1242, %slice3A_1243 : vector<16x1xf32>
    %mul3A_1245 = vector.broadcast %sub3A_1244 : vector<16x1xf32> to vector<16x64xf32>
    %mul3A_1246 = arith.mulf %mul3A_1245, %convert_element_type3A_1229 : vector<16x64xf32>
    %add3A_1247 = arith.addf %add3A_1224, %mul3A_1246 : vector<16x64xf32>
    %slice3A_1248 = vector.extract_strided_slice %add3A_12 {offsets = [0, 53], sizes = [16, 1], strides = [1, 1]} : vector<16x64xf32> to vector<16x1xf32>
    %lt3A_1249 = vector.broadcast %slice3A_1248 : vector<16x1xf32> to vector<16x64xf32>
    %lt3A_1250 = arith.cmpf olt, %lt3A_1249, %get3A_42 : vector<16x64xf32>
    %convert_element_type3A_1251 = arith.extui %lt3A_1250 : vector<16x64xi1> to vector<16x64xi32>
    %convert_element_type3A_1252 = arith.sitofp %convert_element_type3A_1251 : vector<16x64xi32> to vector<16x64xf32>
    %slice3A_1253 = vector.extract_strided_slice %div3A {offsets = [0, 53], sizes = [16, 1], strides = [1, 1]} : vector<16x63xf32> to vector<16x1xf32>
    %slice3A_1254 = vector.extract_strided_slice %div3A {offsets = [0, 52], sizes = [16, 1], strides = [1, 1]} : vector<16x63xf32> to vector<16x1xf32>
    %sub3A_1255 = arith.subf %slice3A_1253, %slice3A_1254 : vector<16x1xf32>
    %mul3A_1256 = vector.broadcast %sub3A_1255 : vector<16x1xf32> to vector<16x64xf32>
    %mul3A_1257 = arith.mulf %mul3A_1256, %convert_element_type3A_1252 : vector<16x64xf32>
    %add3A_1258 = arith.addf %add3A_1235, %mul3A_1257 : vector<16x64xf32>
    %slice3A_1259 = vector.extract_strided_slice %sub3A_26 {offsets = [0, 53], sizes = [16, 1], strides = [1, 1]} : vector<16x63xf32> to vector<16x1xf32>
    %slice3A_1260 = vector.extract_strided_slice %sub3A_26 {offsets = [0, 52], sizes = [16, 1], strides = [1, 1]} : vector<16x63xf32> to vector<16x1xf32>
    %sub3A_1261 = arith.subf %slice3A_1259, %slice3A_1260 : vector<16x1xf32>
    %mul3A_1262 = vector.broadcast %sub3A_1261 : vector<16x1xf32> to vector<16x64xf32>
    %mul3A_1263 = arith.mulf %mul3A_1262, %convert_element_type3A_1252 : vector<16x64xf32>
    %add3A_1264 = arith.addf %add3A_1241, %mul3A_1263 : vector<16x64xf32>
    %slice3A_1265 = vector.extract_strided_slice %log3A {offsets = [0, 53], sizes = [16, 1], strides = [1, 1]} : vector<16x63xf32> to vector<16x1xf32>
    %slice3A_1266 = vector.extract_strided_slice %log3A {offsets = [0, 52], sizes = [16, 1], strides = [1, 1]} : vector<16x63xf32> to vector<16x1xf32>
    %sub3A_1267 = arith.subf %slice3A_1265, %slice3A_1266 : vector<16x1xf32>
    %mul3A_1268 = vector.broadcast %sub3A_1267 : vector<16x1xf32> to vector<16x64xf32>
    %mul3A_1269 = arith.mulf %mul3A_1268, %convert_element_type3A_1252 : vector<16x64xf32>
    %add3A_1270 = arith.addf %add3A_1247, %mul3A_1269 : vector<16x64xf32>
    %slice3A_1271 = vector.extract_strided_slice %add3A_12 {offsets = [0, 54], sizes = [16, 1], strides = [1, 1]} : vector<16x64xf32> to vector<16x1xf32>
    %lt3A_1272 = vector.broadcast %slice3A_1271 : vector<16x1xf32> to vector<16x64xf32>
    %lt3A_1273 = arith.cmpf olt, %lt3A_1272, %get3A_42 : vector<16x64xf32>
    %convert_element_type3A_1274 = arith.extui %lt3A_1273 : vector<16x64xi1> to vector<16x64xi32>
    %convert_element_type3A_1275 = arith.sitofp %convert_element_type3A_1274 : vector<16x64xi32> to vector<16x64xf32>
    %slice3A_1276 = vector.extract_strided_slice %div3A {offsets = [0, 54], sizes = [16, 1], strides = [1, 1]} : vector<16x63xf32> to vector<16x1xf32>
    %slice3A_1277 = vector.extract_strided_slice %div3A {offsets = [0, 53], sizes = [16, 1], strides = [1, 1]} : vector<16x63xf32> to vector<16x1xf32>
    %sub3A_1278 = arith.subf %slice3A_1276, %slice3A_1277 : vector<16x1xf32>
    %mul3A_1279 = vector.broadcast %sub3A_1278 : vector<16x1xf32> to vector<16x64xf32>
    %mul3A_1280 = arith.mulf %mul3A_1279, %convert_element_type3A_1275 : vector<16x64xf32>
    %add3A_1281 = arith.addf %add3A_1258, %mul3A_1280 : vector<16x64xf32>
    %slice3A_1282 = vector.extract_strided_slice %sub3A_26 {offsets = [0, 54], sizes = [16, 1], strides = [1, 1]} : vector<16x63xf32> to vector<16x1xf32>
    %slice3A_1283 = vector.extract_strided_slice %sub3A_26 {offsets = [0, 53], sizes = [16, 1], strides = [1, 1]} : vector<16x63xf32> to vector<16x1xf32>
    %sub3A_1284 = arith.subf %slice3A_1282, %slice3A_1283 : vector<16x1xf32>
    %mul3A_1285 = vector.broadcast %sub3A_1284 : vector<16x1xf32> to vector<16x64xf32>
    %mul3A_1286 = arith.mulf %mul3A_1285, %convert_element_type3A_1275 : vector<16x64xf32>
    %add3A_1287 = arith.addf %add3A_1264, %mul3A_1286 : vector<16x64xf32>
    %slice3A_1288 = vector.extract_strided_slice %log3A {offsets = [0, 54], sizes = [16, 1], strides = [1, 1]} : vector<16x63xf32> to vector<16x1xf32>
    %slice3A_1289 = vector.extract_strided_slice %log3A {offsets = [0, 53], sizes = [16, 1], strides = [1, 1]} : vector<16x63xf32> to vector<16x1xf32>
    %sub3A_1290 = arith.subf %slice3A_1288, %slice3A_1289 : vector<16x1xf32>
    %mul3A_1291 = vector.broadcast %sub3A_1290 : vector<16x1xf32> to vector<16x64xf32>
    %mul3A_1292 = arith.mulf %mul3A_1291, %convert_element_type3A_1275 : vector<16x64xf32>
    %add3A_1293 = arith.addf %add3A_1270, %mul3A_1292 : vector<16x64xf32>
    %slice3A_1294 = vector.extract_strided_slice %add3A_12 {offsets = [0, 55], sizes = [16, 1], strides = [1, 1]} : vector<16x64xf32> to vector<16x1xf32>
    %lt3A_1295 = vector.broadcast %slice3A_1294 : vector<16x1xf32> to vector<16x64xf32>
    %lt3A_1296 = arith.cmpf olt, %lt3A_1295, %get3A_42 : vector<16x64xf32>
    %convert_element_type3A_1297 = arith.extui %lt3A_1296 : vector<16x64xi1> to vector<16x64xi32>
    %convert_element_type3A_1298 = arith.sitofp %convert_element_type3A_1297 : vector<16x64xi32> to vector<16x64xf32>
    %slice3A_1299 = vector.extract_strided_slice %div3A {offsets = [0, 55], sizes = [16, 1], strides = [1, 1]} : vector<16x63xf32> to vector<16x1xf32>
    %slice3A_1300 = vector.extract_strided_slice %div3A {offsets = [0, 54], sizes = [16, 1], strides = [1, 1]} : vector<16x63xf32> to vector<16x1xf32>
    %sub3A_1301 = arith.subf %slice3A_1299, %slice3A_1300 : vector<16x1xf32>
    %mul3A_1302 = vector.broadcast %sub3A_1301 : vector<16x1xf32> to vector<16x64xf32>
    %mul3A_1303 = arith.mulf %mul3A_1302, %convert_element_type3A_1298 : vector<16x64xf32>
    %add3A_1304 = arith.addf %add3A_1281, %mul3A_1303 : vector<16x64xf32>
    %slice3A_1305 = vector.extract_strided_slice %sub3A_26 {offsets = [0, 55], sizes = [16, 1], strides = [1, 1]} : vector<16x63xf32> to vector<16x1xf32>
    %slice3A_1306 = vector.extract_strided_slice %sub3A_26 {offsets = [0, 54], sizes = [16, 1], strides = [1, 1]} : vector<16x63xf32> to vector<16x1xf32>
    %sub3A_1307 = arith.subf %slice3A_1305, %slice3A_1306 : vector<16x1xf32>
    %mul3A_1308 = vector.broadcast %sub3A_1307 : vector<16x1xf32> to vector<16x64xf32>
    %mul3A_1309 = arith.mulf %mul3A_1308, %convert_element_type3A_1298 : vector<16x64xf32>
    %add3A_1310 = arith.addf %add3A_1287, %mul3A_1309 : vector<16x64xf32>
    %slice3A_1311 = vector.extract_strided_slice %log3A {offsets = [0, 55], sizes = [16, 1], strides = [1, 1]} : vector<16x63xf32> to vector<16x1xf32>
    %slice3A_1312 = vector.extract_strided_slice %log3A {offsets = [0, 54], sizes = [16, 1], strides = [1, 1]} : vector<16x63xf32> to vector<16x1xf32>
    %sub3A_1313 = arith.subf %slice3A_1311, %slice3A_1312 : vector<16x1xf32>
    %mul3A_1314 = vector.broadcast %sub3A_1313 : vector<16x1xf32> to vector<16x64xf32>
    %mul3A_1315 = arith.mulf %mul3A_1314, %convert_element_type3A_1298 : vector<16x64xf32>
    %add3A_1316 = arith.addf %add3A_1293, %mul3A_1315 : vector<16x64xf32>
    %slice3A_1317 = vector.extract_strided_slice %add3A_12 {offsets = [0, 56], sizes = [16, 1], strides = [1, 1]} : vector<16x64xf32> to vector<16x1xf32>
    %lt3A_1318 = vector.broadcast %slice3A_1317 : vector<16x1xf32> to vector<16x64xf32>
    %lt3A_1319 = arith.cmpf olt, %lt3A_1318, %get3A_42 : vector<16x64xf32>
    %convert_element_type3A_1320 = arith.extui %lt3A_1319 : vector<16x64xi1> to vector<16x64xi32>
    %convert_element_type3A_1321 = arith.sitofp %convert_element_type3A_1320 : vector<16x64xi32> to vector<16x64xf32>
    %slice3A_1322 = vector.extract_strided_slice %div3A {offsets = [0, 56], sizes = [16, 1], strides = [1, 1]} : vector<16x63xf32> to vector<16x1xf32>
    %slice3A_1323 = vector.extract_strided_slice %div3A {offsets = [0, 55], sizes = [16, 1], strides = [1, 1]} : vector<16x63xf32> to vector<16x1xf32>
    %sub3A_1324 = arith.subf %slice3A_1322, %slice3A_1323 : vector<16x1xf32>
    %mul3A_1325 = vector.broadcast %sub3A_1324 : vector<16x1xf32> to vector<16x64xf32>
    %mul3A_1326 = arith.mulf %mul3A_1325, %convert_element_type3A_1321 : vector<16x64xf32>
    %add3A_1327 = arith.addf %add3A_1304, %mul3A_1326 : vector<16x64xf32>
    %slice3A_1328 = vector.extract_strided_slice %sub3A_26 {offsets = [0, 56], sizes = [16, 1], strides = [1, 1]} : vector<16x63xf32> to vector<16x1xf32>
    %slice3A_1329 = vector.extract_strided_slice %sub3A_26 {offsets = [0, 55], sizes = [16, 1], strides = [1, 1]} : vector<16x63xf32> to vector<16x1xf32>
    %sub3A_1330 = arith.subf %slice3A_1328, %slice3A_1329 : vector<16x1xf32>
    %mul3A_1331 = vector.broadcast %sub3A_1330 : vector<16x1xf32> to vector<16x64xf32>
    %mul3A_1332 = arith.mulf %mul3A_1331, %convert_element_type3A_1321 : vector<16x64xf32>
    %add3A_1333 = arith.addf %add3A_1310, %mul3A_1332 : vector<16x64xf32>
    %slice3A_1334 = vector.extract_strided_slice %log3A {offsets = [0, 56], sizes = [16, 1], strides = [1, 1]} : vector<16x63xf32> to vector<16x1xf32>
    %slice3A_1335 = vector.extract_strided_slice %log3A {offsets = [0, 55], sizes = [16, 1], strides = [1, 1]} : vector<16x63xf32> to vector<16x1xf32>
    %sub3A_1336 = arith.subf %slice3A_1334, %slice3A_1335 : vector<16x1xf32>
    %mul3A_1337 = vector.broadcast %sub3A_1336 : vector<16x1xf32> to vector<16x64xf32>
    %mul3A_1338 = arith.mulf %mul3A_1337, %convert_element_type3A_1321 : vector<16x64xf32>
    %add3A_1339 = arith.addf %add3A_1316, %mul3A_1338 : vector<16x64xf32>
    %slice3A_1340 = vector.extract_strided_slice %add3A_12 {offsets = [0, 57], sizes = [16, 1], strides = [1, 1]} : vector<16x64xf32> to vector<16x1xf32>
    %lt3A_1341 = vector.broadcast %slice3A_1340 : vector<16x1xf32> to vector<16x64xf32>
    %lt3A_1342 = arith.cmpf olt, %lt3A_1341, %get3A_42 : vector<16x64xf32>
    %convert_element_type3A_1343 = arith.extui %lt3A_1342 : vector<16x64xi1> to vector<16x64xi32>
    %convert_element_type3A_1344 = arith.sitofp %convert_element_type3A_1343 : vector<16x64xi32> to vector<16x64xf32>
    %slice3A_1345 = vector.extract_strided_slice %div3A {offsets = [0, 57], sizes = [16, 1], strides = [1, 1]} : vector<16x63xf32> to vector<16x1xf32>
    %slice3A_1346 = vector.extract_strided_slice %div3A {offsets = [0, 56], sizes = [16, 1], strides = [1, 1]} : vector<16x63xf32> to vector<16x1xf32>
    %sub3A_1347 = arith.subf %slice3A_1345, %slice3A_1346 : vector<16x1xf32>
    %mul3A_1348 = vector.broadcast %sub3A_1347 : vector<16x1xf32> to vector<16x64xf32>
    %mul3A_1349 = arith.mulf %mul3A_1348, %convert_element_type3A_1344 : vector<16x64xf32>
    %add3A_1350 = arith.addf %add3A_1327, %mul3A_1349 : vector<16x64xf32>
    %slice3A_1351 = vector.extract_strided_slice %sub3A_26 {offsets = [0, 57], sizes = [16, 1], strides = [1, 1]} : vector<16x63xf32> to vector<16x1xf32>
    %slice3A_1352 = vector.extract_strided_slice %sub3A_26 {offsets = [0, 56], sizes = [16, 1], strides = [1, 1]} : vector<16x63xf32> to vector<16x1xf32>
    %sub3A_1353 = arith.subf %slice3A_1351, %slice3A_1352 : vector<16x1xf32>
    %mul3A_1354 = vector.broadcast %sub3A_1353 : vector<16x1xf32> to vector<16x64xf32>
    %mul3A_1355 = arith.mulf %mul3A_1354, %convert_element_type3A_1344 : vector<16x64xf32>
    %add3A_1356 = arith.addf %add3A_1333, %mul3A_1355 : vector<16x64xf32>
    %slice3A_1357 = vector.extract_strided_slice %log3A {offsets = [0, 57], sizes = [16, 1], strides = [1, 1]} : vector<16x63xf32> to vector<16x1xf32>
    %slice3A_1358 = vector.extract_strided_slice %log3A {offsets = [0, 56], sizes = [16, 1], strides = [1, 1]} : vector<16x63xf32> to vector<16x1xf32>
    %sub3A_1359 = arith.subf %slice3A_1357, %slice3A_1358 : vector<16x1xf32>
    %mul3A_1360 = vector.broadcast %sub3A_1359 : vector<16x1xf32> to vector<16x64xf32>
    %mul3A_1361 = arith.mulf %mul3A_1360, %convert_element_type3A_1344 : vector<16x64xf32>
    %add3A_1362 = arith.addf %add3A_1339, %mul3A_1361 : vector<16x64xf32>
    %slice3A_1363 = vector.extract_strided_slice %add3A_12 {offsets = [0, 58], sizes = [16, 1], strides = [1, 1]} : vector<16x64xf32> to vector<16x1xf32>
    %lt3A_1364 = vector.broadcast %slice3A_1363 : vector<16x1xf32> to vector<16x64xf32>
    %lt3A_1365 = arith.cmpf olt, %lt3A_1364, %get3A_42 : vector<16x64xf32>
    %convert_element_type3A_1366 = arith.extui %lt3A_1365 : vector<16x64xi1> to vector<16x64xi32>
    %convert_element_type3A_1367 = arith.sitofp %convert_element_type3A_1366 : vector<16x64xi32> to vector<16x64xf32>
    %slice3A_1368 = vector.extract_strided_slice %div3A {offsets = [0, 58], sizes = [16, 1], strides = [1, 1]} : vector<16x63xf32> to vector<16x1xf32>
    %slice3A_1369 = vector.extract_strided_slice %div3A {offsets = [0, 57], sizes = [16, 1], strides = [1, 1]} : vector<16x63xf32> to vector<16x1xf32>
    %sub3A_1370 = arith.subf %slice3A_1368, %slice3A_1369 : vector<16x1xf32>
    %mul3A_1371 = vector.broadcast %sub3A_1370 : vector<16x1xf32> to vector<16x64xf32>
    %mul3A_1372 = arith.mulf %mul3A_1371, %convert_element_type3A_1367 : vector<16x64xf32>
    %add3A_1373 = arith.addf %add3A_1350, %mul3A_1372 : vector<16x64xf32>
    %slice3A_1374 = vector.extract_strided_slice %sub3A_26 {offsets = [0, 58], sizes = [16, 1], strides = [1, 1]} : vector<16x63xf32> to vector<16x1xf32>
    %slice3A_1375 = vector.extract_strided_slice %sub3A_26 {offsets = [0, 57], sizes = [16, 1], strides = [1, 1]} : vector<16x63xf32> to vector<16x1xf32>
    %sub3A_1376 = arith.subf %slice3A_1374, %slice3A_1375 : vector<16x1xf32>
    %mul3A_1377 = vector.broadcast %sub3A_1376 : vector<16x1xf32> to vector<16x64xf32>
    %mul3A_1378 = arith.mulf %mul3A_1377, %convert_element_type3A_1367 : vector<16x64xf32>
    %add3A_1379 = arith.addf %add3A_1356, %mul3A_1378 : vector<16x64xf32>
    %slice3A_1380 = vector.extract_strided_slice %log3A {offsets = [0, 58], sizes = [16, 1], strides = [1, 1]} : vector<16x63xf32> to vector<16x1xf32>
    %slice3A_1381 = vector.extract_strided_slice %log3A {offsets = [0, 57], sizes = [16, 1], strides = [1, 1]} : vector<16x63xf32> to vector<16x1xf32>
    %sub3A_1382 = arith.subf %slice3A_1380, %slice3A_1381 : vector<16x1xf32>
    %mul3A_1383 = vector.broadcast %sub3A_1382 : vector<16x1xf32> to vector<16x64xf32>
    %mul3A_1384 = arith.mulf %mul3A_1383, %convert_element_type3A_1367 : vector<16x64xf32>
    %add3A_1385 = arith.addf %add3A_1362, %mul3A_1384 : vector<16x64xf32>
    %slice3A_1386 = vector.extract_strided_slice %add3A_12 {offsets = [0, 59], sizes = [16, 1], strides = [1, 1]} : vector<16x64xf32> to vector<16x1xf32>
    %lt3A_1387 = vector.broadcast %slice3A_1386 : vector<16x1xf32> to vector<16x64xf32>
    %lt3A_1388 = arith.cmpf olt, %lt3A_1387, %get3A_42 : vector<16x64xf32>
    %convert_element_type3A_1389 = arith.extui %lt3A_1388 : vector<16x64xi1> to vector<16x64xi32>
    %convert_element_type3A_1390 = arith.sitofp %convert_element_type3A_1389 : vector<16x64xi32> to vector<16x64xf32>
    %slice3A_1391 = vector.extract_strided_slice %div3A {offsets = [0, 59], sizes = [16, 1], strides = [1, 1]} : vector<16x63xf32> to vector<16x1xf32>
    %slice3A_1392 = vector.extract_strided_slice %div3A {offsets = [0, 58], sizes = [16, 1], strides = [1, 1]} : vector<16x63xf32> to vector<16x1xf32>
    %sub3A_1393 = arith.subf %slice3A_1391, %slice3A_1392 : vector<16x1xf32>
    %mul3A_1394 = vector.broadcast %sub3A_1393 : vector<16x1xf32> to vector<16x64xf32>
    %mul3A_1395 = arith.mulf %mul3A_1394, %convert_element_type3A_1390 : vector<16x64xf32>
    %add3A_1396 = arith.addf %add3A_1373, %mul3A_1395 : vector<16x64xf32>
    %slice3A_1397 = vector.extract_strided_slice %sub3A_26 {offsets = [0, 59], sizes = [16, 1], strides = [1, 1]} : vector<16x63xf32> to vector<16x1xf32>
    %slice3A_1398 = vector.extract_strided_slice %sub3A_26 {offsets = [0, 58], sizes = [16, 1], strides = [1, 1]} : vector<16x63xf32> to vector<16x1xf32>
    %sub3A_1399 = arith.subf %slice3A_1397, %slice3A_1398 : vector<16x1xf32>
    %mul3A_1400 = vector.broadcast %sub3A_1399 : vector<16x1xf32> to vector<16x64xf32>
    %mul3A_1401 = arith.mulf %mul3A_1400, %convert_element_type3A_1390 : vector<16x64xf32>
    %add3A_1402 = arith.addf %add3A_1379, %mul3A_1401 : vector<16x64xf32>
    %slice3A_1403 = vector.extract_strided_slice %log3A {offsets = [0, 59], sizes = [16, 1], strides = [1, 1]} : vector<16x63xf32> to vector<16x1xf32>
    %slice3A_1404 = vector.extract_strided_slice %log3A {offsets = [0, 58], sizes = [16, 1], strides = [1, 1]} : vector<16x63xf32> to vector<16x1xf32>
    %sub3A_1405 = arith.subf %slice3A_1403, %slice3A_1404 : vector<16x1xf32>
    %mul3A_1406 = vector.broadcast %sub3A_1405 : vector<16x1xf32> to vector<16x64xf32>
    %mul3A_1407 = arith.mulf %mul3A_1406, %convert_element_type3A_1390 : vector<16x64xf32>
    %add3A_1408 = arith.addf %add3A_1385, %mul3A_1407 : vector<16x64xf32>
    %slice3A_1409 = vector.extract_strided_slice %add3A_12 {offsets = [0, 60], sizes = [16, 1], strides = [1, 1]} : vector<16x64xf32> to vector<16x1xf32>
    %lt3A_1410 = vector.broadcast %slice3A_1409 : vector<16x1xf32> to vector<16x64xf32>
    %lt3A_1411 = arith.cmpf olt, %lt3A_1410, %get3A_42 : vector<16x64xf32>
    %convert_element_type3A_1412 = arith.extui %lt3A_1411 : vector<16x64xi1> to vector<16x64xi32>
    %convert_element_type3A_1413 = arith.sitofp %convert_element_type3A_1412 : vector<16x64xi32> to vector<16x64xf32>
    %slice3A_1414 = vector.extract_strided_slice %div3A {offsets = [0, 60], sizes = [16, 1], strides = [1, 1]} : vector<16x63xf32> to vector<16x1xf32>
    %slice3A_1415 = vector.extract_strided_slice %div3A {offsets = [0, 59], sizes = [16, 1], strides = [1, 1]} : vector<16x63xf32> to vector<16x1xf32>
    %sub3A_1416 = arith.subf %slice3A_1414, %slice3A_1415 : vector<16x1xf32>
    %mul3A_1417 = vector.broadcast %sub3A_1416 : vector<16x1xf32> to vector<16x64xf32>
    %mul3A_1418 = arith.mulf %mul3A_1417, %convert_element_type3A_1413 : vector<16x64xf32>
    %add3A_1419 = arith.addf %add3A_1396, %mul3A_1418 : vector<16x64xf32>
    %slice3A_1420 = vector.extract_strided_slice %sub3A_26 {offsets = [0, 60], sizes = [16, 1], strides = [1, 1]} : vector<16x63xf32> to vector<16x1xf32>
    %slice3A_1421 = vector.extract_strided_slice %sub3A_26 {offsets = [0, 59], sizes = [16, 1], strides = [1, 1]} : vector<16x63xf32> to vector<16x1xf32>
    %sub3A_1422 = arith.subf %slice3A_1420, %slice3A_1421 : vector<16x1xf32>
    %mul3A_1423 = vector.broadcast %sub3A_1422 : vector<16x1xf32> to vector<16x64xf32>
    %mul3A_1424 = arith.mulf %mul3A_1423, %convert_element_type3A_1413 : vector<16x64xf32>
    %add3A_1425 = arith.addf %add3A_1402, %mul3A_1424 : vector<16x64xf32>
    %slice3A_1426 = vector.extract_strided_slice %log3A {offsets = [0, 60], sizes = [16, 1], strides = [1, 1]} : vector<16x63xf32> to vector<16x1xf32>
    %slice3A_1427 = vector.extract_strided_slice %log3A {offsets = [0, 59], sizes = [16, 1], strides = [1, 1]} : vector<16x63xf32> to vector<16x1xf32>
    %sub3A_1428 = arith.subf %slice3A_1426, %slice3A_1427 : vector<16x1xf32>
    %mul3A_1429 = vector.broadcast %sub3A_1428 : vector<16x1xf32> to vector<16x64xf32>
    %mul3A_1430 = arith.mulf %mul3A_1429, %convert_element_type3A_1413 : vector<16x64xf32>
    %add3A_1431 = arith.addf %add3A_1408, %mul3A_1430 : vector<16x64xf32>
    %slice3A_1432 = vector.extract_strided_slice %add3A_12 {offsets = [0, 61], sizes = [16, 1], strides = [1, 1]} : vector<16x64xf32> to vector<16x1xf32>
    %lt3A_1433 = vector.broadcast %slice3A_1432 : vector<16x1xf32> to vector<16x64xf32>
    %lt3A_1434 = arith.cmpf olt, %lt3A_1433, %get3A_42 : vector<16x64xf32>
    %convert_element_type3A_1435 = arith.extui %lt3A_1434 : vector<16x64xi1> to vector<16x64xi32>
    %convert_element_type3A_1436 = arith.sitofp %convert_element_type3A_1435 : vector<16x64xi32> to vector<16x64xf32>
    %slice3A_1437 = vector.extract_strided_slice %div3A {offsets = [0, 61], sizes = [16, 1], strides = [1, 1]} : vector<16x63xf32> to vector<16x1xf32>
    %slice3A_1438 = vector.extract_strided_slice %div3A {offsets = [0, 60], sizes = [16, 1], strides = [1, 1]} : vector<16x63xf32> to vector<16x1xf32>
    %sub3A_1439 = arith.subf %slice3A_1437, %slice3A_1438 : vector<16x1xf32>
    %mul3A_1440 = vector.broadcast %sub3A_1439 : vector<16x1xf32> to vector<16x64xf32>
    %mul3A_1441 = arith.mulf %mul3A_1440, %convert_element_type3A_1436 : vector<16x64xf32>
    %add3A_1442 = arith.addf %add3A_1419, %mul3A_1441 : vector<16x64xf32>
    %slice3A_1443 = vector.extract_strided_slice %sub3A_26 {offsets = [0, 61], sizes = [16, 1], strides = [1, 1]} : vector<16x63xf32> to vector<16x1xf32>
    %slice3A_1444 = vector.extract_strided_slice %sub3A_26 {offsets = [0, 60], sizes = [16, 1], strides = [1, 1]} : vector<16x63xf32> to vector<16x1xf32>
    %sub3A_1445 = arith.subf %slice3A_1443, %slice3A_1444 : vector<16x1xf32>
    %mul3A_1446 = vector.broadcast %sub3A_1445 : vector<16x1xf32> to vector<16x64xf32>
    %mul3A_1447 = arith.mulf %mul3A_1446, %convert_element_type3A_1436 : vector<16x64xf32>
    %add3A_1448 = arith.addf %add3A_1425, %mul3A_1447 : vector<16x64xf32>
    %slice3A_1449 = vector.extract_strided_slice %log3A {offsets = [0, 61], sizes = [16, 1], strides = [1, 1]} : vector<16x63xf32> to vector<16x1xf32>
    %slice3A_1450 = vector.extract_strided_slice %log3A {offsets = [0, 60], sizes = [16, 1], strides = [1, 1]} : vector<16x63xf32> to vector<16x1xf32>
    %sub3A_1451 = arith.subf %slice3A_1449, %slice3A_1450 : vector<16x1xf32>
    %mul3A_1452 = vector.broadcast %sub3A_1451 : vector<16x1xf32> to vector<16x64xf32>
    %mul3A_1453 = arith.mulf %mul3A_1452, %convert_element_type3A_1436 : vector<16x64xf32>
    %add3A_1454 = arith.addf %add3A_1431, %mul3A_1453 : vector<16x64xf32>
    %slice3A_1455 = vector.extract_strided_slice %add3A_12 {offsets = [0, 62], sizes = [16, 1], strides = [1, 1]} : vector<16x64xf32> to vector<16x1xf32>
    %lt3A_1456 = vector.broadcast %slice3A_1455 : vector<16x1xf32> to vector<16x64xf32>
    %lt3A_1457 = arith.cmpf olt, %lt3A_1456, %get3A_42 : vector<16x64xf32>
    %convert_element_type3A_1458 = arith.extui %lt3A_1457 : vector<16x64xi1> to vector<16x64xi32>
    %convert_element_type3A_1459 = arith.sitofp %convert_element_type3A_1458 : vector<16x64xi32> to vector<16x64xf32>
    %slice3A_1460 = vector.extract_strided_slice %div3A {offsets = [0, 62], sizes = [16, 1], strides = [1, 1]} : vector<16x63xf32> to vector<16x1xf32>
    %slice3A_1461 = vector.extract_strided_slice %div3A {offsets = [0, 61], sizes = [16, 1], strides = [1, 1]} : vector<16x63xf32> to vector<16x1xf32>
    %sub3A_1462 = arith.subf %slice3A_1460, %slice3A_1461 : vector<16x1xf32>
    %mul3A_1463 = vector.broadcast %sub3A_1462 : vector<16x1xf32> to vector<16x64xf32>
    %mul3A_1464 = arith.mulf %mul3A_1463, %convert_element_type3A_1459 : vector<16x64xf32>
    %add3A_1465 = arith.addf %add3A_1442, %mul3A_1464 : vector<16x64xf32>
    %slice3A_1466 = vector.extract_strided_slice %sub3A_26 {offsets = [0, 62], sizes = [16, 1], strides = [1, 1]} : vector<16x63xf32> to vector<16x1xf32>
    %slice3A_1467 = vector.extract_strided_slice %sub3A_26 {offsets = [0, 61], sizes = [16, 1], strides = [1, 1]} : vector<16x63xf32> to vector<16x1xf32>
    %sub3A_1468 = arith.subf %slice3A_1466, %slice3A_1467 : vector<16x1xf32>
    %mul3A_1469 = vector.broadcast %sub3A_1468 : vector<16x1xf32> to vector<16x64xf32>
    %mul3A_1470 = arith.mulf %mul3A_1469, %convert_element_type3A_1459 : vector<16x64xf32>
    %add3A_1471 = arith.addf %add3A_1448, %mul3A_1470 : vector<16x64xf32>
    %slice3A_1472 = vector.extract_strided_slice %log3A {offsets = [0, 62], sizes = [16, 1], strides = [1, 1]} : vector<16x63xf32> to vector<16x1xf32>
    %slice3A_1473 = vector.extract_strided_slice %log3A {offsets = [0, 61], sizes = [16, 1], strides = [1, 1]} : vector<16x63xf32> to vector<16x1xf32>
    %sub3A_1474 = arith.subf %slice3A_1472, %slice3A_1473 : vector<16x1xf32>
    %mul3A_1475 = vector.broadcast %sub3A_1474 : vector<16x1xf32> to vector<16x64xf32>
    %mul3A_1476 = arith.mulf %mul3A_1475, %convert_element_type3A_1459 : vector<16x64xf32>
    %add3A_1477 = arith.addf %add3A_1454, %mul3A_1476 : vector<16x64xf32>
    %mul3A_1478 = arith.mulf %add3A_1465, %get3A_42 : vector<16x64xf32>
    %add3A_1479 = arith.addf %mul3A_1478, %add3A_1471 : vector<16x64xf32>
    %swap3A_1480 = arith.constant 0 : index
    %swap3A_1481 = arith.constant 0 : index
    %swap3A_1482 = vector.load %arg6[%swap3A_1480, %swap3A_1481] : memref<16x64xf32, #tpu.memory_space<vmem>>, vector<16x64xf32>
    tpu.vector_store %arg6[%swap3A_1480, %swap3A_1481], %add3A_1479 {strides = array<i32>} : memref<16x64xf32, #tpu.memory_space<vmem>>, vector<16x64xf32>,
    %swap3A_1483 = arith.constant 0 : index
    %swap3A_1484 = arith.constant 0 : index
    %swap3A_1485 = vector.load %arg7[%swap3A_1483, %swap3A_1484] : memref<16x64xf32, #tpu.memory_space<vmem>>, vector<16x64xf32>
    tpu.vector_store %arg7[%swap3A_1483, %swap3A_1484], %add3A_1477 {strides = array<i32>} : memref<16x64xf32, #tpu.memory_space<vmem>>, vector<16x64xf32>,
    return
  }
}

</mosaic_0001>

<sc_bundles>
// kernel: kernel.4.cloned.1.call-start
scs
__scs_entry_jumppad:
0x0: {  	(pc) =	sbr.rel $0x88, $3  }
0x1: {  	(tag) =	ssettag $0x0;
	lr =	simm.s32 $0x1  }
0x2: {  	[smem:$0x3F9C] =	sst lr;
	_ =	strace $0xD0000000  }
0x3: {  	_ = 	snop  }
0x4: {  	_ = 	snop  }
0x5: {  	_ = 	snop  }
0x6: {  	_ = 	snop  }
0x7: {  	_ = 	snop  }
__scs_overlays_trampoline_lowered:
0x8: {  	[smem:$0x3FAB] =	sst s0  }
0x9: {  	[smem:$0x3FAC] =	sst s1  }
0xa: {  	[smem:$0x3FAD] =	sst s2  }
0xb: {  	[smem:$0x3FAE] =	sst s3  }
0xc: {  	[smem:$0x3FAF] =	sst s4  }
0xd: {  	[smem:$0x3FB0] =	sst s5  }
0xe: {  	[smem:$0x3FB1] =	sst s6  }
0xf: {  	[smem:$0x3FB2] =	sst s7  }
0x10: {  	[smem:$0x3FB3] =	sst s8  }
0x11: {  	[smem:$0x3FB4] =	sst s9;
	s0 =	simm.s32 @!p0 $0x0  }
0x12: {  	s1 =	sld [smem:$0x3F9A];
	s0 =	simm.s32 @p0 $0x1  }
0x13: {  	[smem:$0x3FB5] =	sst s0;
	s0 =	simm.s32 @!p1 $0x0  }
0x14: {  	s2 =	sld [smem:$0x3F99];
	s0 =	simm.s32 @p1 $0x1  }
0x15: {  	[smem:$0x3FB6] =	sst s0;
	s0 =	simm.s32 @!p2 $0x0  }
0x16: {  	s3 =	sld [smem:$0x3FDB];
	s0 =	simm.s32 @p2 $0x1  }
0x17: {  	s4 =	simm.s32 $0x1BF5;
	[smem:$0x3FB8] =	sst s0  }
0x18: {  	s0 =	sld [smem:$0x3F9B];
	_ =	swait.ge [sflag:s4], $0x0  }
0x19: {  	s7 =	sld [smem:$0x3F9C]  }
0x1a: {  	s8 =	sadd.s32 $0xFFFFE003, lr  }
0x1b: {  	s9 =	sadd.s32 $0xFFFFFEF7, lr;
	s5 =	simm.s32 $0xFFFFFFFF;
	p2 =	slt.u32 s8, $0xFFFFF086  }
0x1c: {  	p1 =	slt.u32 s9, $0xF7A;
	s5 =	simm.s32 @!p2 $0x0  }
0x1d: {  	s5 =	simm.s32 @p1 $0x1;
	p0 =	seq.s32 s7, s2  }
0x1e: {  	s7 =	smul.u32 @!p0 $0xF7A, s2;
	p2 =	seq.s32 @!p0 s5, $0x0  }
0x1f: {  	s9 =	smul.u32 $0xF7A, s1;
	s8 =	simm.s32 @!p0 $0x1BF5;
	p2 =	por !p2, p0  }
0x20: {  	[sflag:s8] =	ssyncset.s32 @!p0 $0xFFFFF086;
	s6 =	sadd.s32 @!p0 s3, s7;
	s7 =	simm.s32 @!p0 $0x108  }
0x21: {  	s3 =	sadd.s32 s3, s9;
	s6 =	sadd.s32 @!p0 $0x88, s6;
	s7 =	simm.s32 @p2 $0x1082  }
0x22: {  	[simem:s7], [sflag:s8] =	dma.local @!p0 [hbm:s6], $0xF7A  }
0x23: {  	s9 =	sor.u32 $0xD0000000, s2;
	s6 =	simm.s32 $0x108;
	_ =	swait.ge @!p0 [sflag:s8], $0x0  }
0x24: {  	s3 =	sadd.s32 $0x88, s3;
	s6 =	simm.s32 @!p1 $0x1082;
	[sflag:s4] =	ssyncset.s32 $0xFFFFF086  }
0x25: {  	[simem:s6], [sflag:s4] =	dma.local [hbm:s3], $0xF7A  }
0x26: {  	[smem:$0x3F9C] =	sst s1;
	(tag) =	ssettag s2;
	_ =	strace s9  }
0x27: {  	s1 =	sld [smem:$0x3FAC]  }
0x28: {  	s2 =	sld [smem:$0x3FAD]  }
0x29: {  	s4 =	sld [smem:$0x3FAF]  }
0x2a: {  	p0 =	seq.s32 s5, $0x0;
	s5 =	sld [smem:$0x3FB0]  }
0x2b: {  	s6 =	sld [smem:$0x3FB1]  }
0x2c: {  	s7 =	sld [smem:$0x3FB2]  }
0x2d: {  	s3 =	simm.s32 $0x108;
	s8 =	sld [smem:$0x3FB3]  }
0x2e: {  	s3 =	simm.s32 @!p0 $0x1082;
	s9 =	sld [smem:$0x3FB4]  }
0x2f: {  	lr =	sadd.s32 s0, s3;
	s0 =	sld [smem:$0x3FAB]  }
0x30: {  	s3 =	sld [smem:$0x3FAE]  }
0x31: {  	[smem:$0x3FB7] =	sst s10  }
0x32: {  	s10 =	sld [smem:$0x3FB5];
	_ =	sdelay $0x3  }
0x33: {  	p0 =	seq.s32 s10, $0x1;
	s10 =	sld [smem:$0x3FB7];
	_ =	sdelay $0x3  }
0x34: {  	[smem:$0x3FB7] =	sst s10  }
0x35: {  	s10 =	sld [smem:$0x3FB6];
	_ =	sdelay $0x3  }
0x36: {  	p1 =	seq.s32 s10, $0x1;
	s10 =	sld [smem:$0x3FB7];
	_ =	sdelay $0x3  }
0x37: {  	[smem:$0x3FB7] =	sst s10  }
0x38: {  	s10 =	sld [smem:$0x3FB8]  }
0x39: {  	_ = 	snop;
	(pc) =	sbr.ind lr, $3  }
0x3a: {  	_ = 	snop  }
0x3b: {  	_ = 	snop  }
0x3c: {  	p2 =	seq.s32 s10, $0x1;
	s10 =	sld [smem:$0x3FB7]  }
0x3d: {  	_ =	shalt  }
0x3e: {  	_ =	shalt  }
0x3f: {  	_ =	shalt  }
0x40: {  	_ =	shalt  }
0x41: {  	_ =	shalt  }
0x42: {  	_ =	shalt  }
0x43: {  	_ =	shalt  }
0x44: {  	_ =	shalt  }
0x45: {  	_ =	shalt  }
0x46: {  	_ =	shalt  }
0x47: {  	_ =	shalt  }
0x48: {  	_ =	shalt  }
0x49: {  	_ =	shalt  }
0x4a: {  	_ =	shalt  }
0x4b: {  	_ =	shalt  }
0x4c: {  	_ =	shalt  }
0x4d: {  	_ =	shalt  }
0x4e: {  	_ =	shalt  }
0x4f: {  	_ =	shalt  }
0x50: {  	_ =	shalt  }
0x51: {  	_ =	shalt  }
0x52: {  	_ =	shalt  }
0x53: {  	_ =	shalt  }
0x54: {  	_ =	shalt  }
0x55: {  	_ =	shalt  }
0x56: {  	_ =	shalt  }
0x57: {  	_ =	shalt  }
0x58: {  	_ =	shalt  }
0x59: {  	_ =	shalt  }
0x5a: {  	_ =	shalt  }
0x5b: {  	_ =	shalt  }
0x5c: {  	_ =	shalt  }
0x5d: {  	_ =	shalt  }
0x5e: {  	_ =	shalt  }
0x5f: {  	_ =	shalt  }
0x60: {  	_ =	shalt  }
0x61: {  	_ =	shalt  }
0x62: {  	_ =	shalt  }
0x63: {  	_ =	shalt  }
0x64: {  	_ =	shalt  }
0x65: {  	_ =	shalt  }
0x66: {  	_ =	shalt  }
0x67: {  	_ =	shalt  }
0x68: {  	_ =	shalt  }
0x69: {  	_ =	shalt  }
0x6a: {  	_ =	shalt  }
0x6b: {  	_ =	shalt  }
0x6c: {  	_ =	shalt  }
0x6d: {  	_ =	shalt  }
0x6e: {  	_ =	shalt  }
0x6f: {  	_ =	shalt  }
0x70: {  	_ =	shalt  }
0x71: {  	_ =	shalt  }
0x72: {  	_ =	shalt  }
0x73: {  	_ =	shalt  }
0x74: {  	_ =	shalt  }
0x75: {  	_ =	shalt  }
0x76: {  	_ =	shalt  }
0x77: {  	_ =	shalt  }
0x78: {  	_ =	shalt  }
0x79: {  	_ =	shalt  }
0x7a: {  	_ =	shalt  }
0x7b: {  	_ =	shalt  }
0x7c: {  	_ =	shalt  }
0x7d: {  	_ =	shalt  }
0x7e: {  	_ =	shalt  }
0x7f: {  	_ =	shalt  }
0x80: {  	_ =	shalt  }
0x81: {  	_ =	shalt  }
0x82: {  	_ =	shalt  }
0x83: {  	_ =	shalt  }
0x84: {  	_ =	shalt  }
0x85: {  	_ =	shalt  }
0x86: {  	_ =	shalt  }
0x87: {  	_ =	shalt  }
.Lfunc_end0:
.L_simem_size_0:
called_computation_lowered:
.L_overlay_start_0:
0x88: {  	s2 =	sld [smem:$0x3FD9]  }
0x89: {  	s3 =	sld [smem:$0x3FFE];
	_ =	sdelay $0x1  }
0x8a: {  	s1 =	srdreg.scid  }
0x8b: {  	s0 =	sand.u32 $0x1, s1  }
0x8c: {  	s14 =	sshll.u32 s0, $0xA;
	s2 =	sadd.s32 s3, s2  }
0x8d: {  	s2 =	sadd.s32 s2, s14  }
0x8e: {  	[smem:$0x3FC3] =	sst s2  }
0x8f: {  	_ = 	snop  }
0x90: {  	s2 =	sld [smem:$0x3FD0];
	_ =	sdelay $0x2  }
0x91: {  	s4 =	simm.s32 $0xA;
	s5 =	simm.s32 $0x10;
	s15 =	sld [smem:$0x3FC9]  }
0x92: {  	[smem:s5], [sflag:s4] =	dma.local [hbm:s2], $0x1  }
0x93: {  	_ =	swait.eq [sflag:s4], $0x1  }
0x94: {  	[sflag:s4] =	ssyncset.done $0x0  }
0x95: {  	s16 =	sld [smem:$0x10];
	[sflag:s4] =	ssyncadd.s32 $0xFFFFFFFF  }
0x96: {  	s17 =	sld [smem:$0x11];
	(tm) =	ssettm $0x1  }
0x97: {  	s18 =	sld [smem:$0x3FFB];
	_ =	sdelay $0x3  }
0x98: {  	_ =	strace s18  }
0x99: {  	s5 =	sld [smem:$0x3FFC];
	_ =	sdelay $0x3  }
0x9a: {  	_ =	strace s5  }
0x9b: {  	s5 =	sld [smem:$0x3FFD];
	_ =	sdelay $0x3  }
0x9c: {  	_ =	strace s5  }
0x9d: {  	_ =	strace $0x8FFFFFFF  }
0x9e: {  	s19 =	sld [smem:$0x3FDB];
	_ =	sdelay $0x1  }
0x9f: {  	s6 =	simm.s32 $_scs_section_size  }
0xa0: {  	s7 =	simm.s32 $_size__tile_overlayer_lowered;
	s8 =	simm.s32 $_tile_overlayer_lowered  }
0xa1: {  	s22 =	simm.s32 $0x1BFF;
	s21 =	sshll.u32 s8, $0x1;
	s5 =	sadd.s32 s6, s19  }
0xa2: {  	s9 =	simm.s32 $0x0;
	s20 =	sshll.u32 s7, $0x1;
	s7 =	sadd.s32 s21, s5  }
0xa3: {  	[timem:s9], [sflag:s22] =	dma.local [hbm:s7], s20  }
0xa4: {  	_ =	swait.ge [sflag:s22], s20  }
0xa5: {  	s6 =	ssub.s32 $0x0, s20;
	[sflag:s22] =	ssyncset.done $0x0  }
0xa6: {  	[sflag:s22] =	ssyncadd.s32 s6;
	_ =	sdelay $0x1  }
0xa7: {  	s23 =	simm.s32 $0x1B8B  }
0xa8: {  	_ =	swait.ge [sflag:s23], $0x1  }
0xa9: {  	[sflag:s23] =	ssyncset.done $0x0  }
0xaa: {  	s25 =	simm.s32 $0x1B8E;
	s24 =	sld [smem:$0x3FFE];
	[sflag:s23] =	ssyncadd.s32 $0xFFFFFFFF  }
0xab: {  	s26 =	simm.s32 $execute0_lowered;
	[smem:$0x3FD2] =	sst s25  }
0xac: {  	s7 =	sshll.u32 s26, $0x1;
	_ =	strace $0x80000046;
	[dreg:$0x1] =	wrdreg $0xFFFFFFFF  }
0xad: {  	s28 =	simm.s32 $_size_execute0_lowered;
	s5 =	sadd.s32 s5, s7;
	[dreg:$0x0] =	wrdreg $0x0  }
0xae: {  	s7 =	sshll.u32 s28, $0x1;
	[dreg:$0x2] =	wrdreg s5  }
0xaf: {  	[dreg:$0x3] =	wrdreg s7  }
0xb0: {  	[dreg:$0x4] =	wrdreg $0xC0  }
0xb1: {  	_ =	task [dreg:s9], $0x5FFFF  }
0xb2: {  	[dreg:$0x1] =	wrdreg $0xFFFFFFFF  }
0xb3: {  	[dreg:$0x0] =	wrdreg $0x60  }
0xb4: {  	[dreg:$0x2] =	wrdreg s15  }
0xb5: {  	[dreg:$0x3] =	wrdreg s24  }
0xb6: {  	[dreg:$0x4] =	wrdreg s16  }
0xb7: {  	[dreg:$0x5] =	wrdreg s17  }
0xb8: {  	[dreg:$0x6] =	wrdreg $0x9  }
0xb9: {  	_ =	task.clear_ibuf [dreg:s9], $0x7FFFF;
	_ =	strace $0x90000046  }
0xba: {  	s29 =	simm.s32 $0x9;
	_ =	strace $0x80000048  }
0xbb: {  	_ =	swait.ge [sflag:s29], $0x1  }
0xbc: {  	[sflag:s29] =	ssyncadd.s32 $0xFFFFFFFF  }
0xbd: {  	_ =	strace $0x90000048  }
0xbe: {  	_ =	sfence  }
0xbf: {  	s30 =	sld [smem:$0x0];
	_ =	sdelay $0x2  }
0xc0: {  	s31 =	sshll.u32 s1, $0xD;
	s1 =	sshrl.u32 s1, $0x2  }
0xc1: {  	s3 =	sand.u32 $0x4000, s31;
	s1 =	sadd.s32 s1, s30  }
0xc2: {  	s0 =	sor.u32 s3, s0;
	s1 =	sshll.u32 s1, $0x11  }
0xc3: {  	s0 =	sor.u32 s1, s0  }
0xc4: {  	s0 =	sadd.s32 $0x8F2B, s0  }
0xc5: {  	[sflag:s0] =	ssyncadd.remote.s32 $0x1  }
0xc6: {  	_ =	sfence.sel $0xFFFF  }
0xc7: {  	[dreg:$0x0] =	wrdreg $0xFFFFFFFF;
	(pc) =	sbr.abs _section_cstart, $3  }
0xc8: {  	[dreg:$0x1] =	wrdreg $0xFFFFFFFF  }
0xc9: {  	_ =	task.clear_ibuf [dreg:s9], $0x2FFFF;
	_ =	strace $0x9FFFFFFF  }
0xca: {  	(tm) =	ssettm $0x7FFFFFFF  }
0xcb: {  	_ =	shalt  }
tec
execute0_lowered:
.L_overlay_start_1:
0x0: {  	(tag) =	ssettag $0x1  }
0x1: {  	s1 =	rddreg [dreg:$0x0]  }
0x2: {  	s0 =	rddreg [dreg:$0x1]  }
0x3: {  	s3 =	rddreg [dreg:$0x2];
	s2 =	srdreg.scid  }
0x4: {  	s8 =	stileid.u32;
	s4 =	rddreg [dreg:$0x3];
	s5 =	simm.s32 $0x0  }
0x5: {  	s9 =	simm.s32 $0x5;
	s15 =	simm.s32 $0x2000;
	s16 =	simm.s32 $0x7A1400  }
0x6: {  	s17 =	simm.s32 $0x1000;
	s19 =	simm.s32 $0x1;
	s20 =	simm.s32 $0x9000  }
0x7: {  	s21 =	simm.s32 $0x11000;
	s22 =	simm.s32 $0x2;
	s23 =	simm.s32 $0x4  }
0x8: {  	s25 =	simm.s32 $0x15000;
	s28 =	simm.s32 $0x3000;
	s29 =	simm.s32 $0xB000  }
0x9: {  	s30 =	simm.s32 $0x13000;
	s2 =	sand.u32 $0x1, s2;
	s6 =	sshll.u32 s8, $0x1  }
0xa: {  	[smem:$0x7FF] =	sst s5;
	s0 =	sadd.s32 $0x1000, s0;
	s6 =	sor.u32 s2, s6  }
0xb: {  	p0 =	slt.u32 s8, $0x2;
	s2 =	ssub.s32 $0x2, s2;
	s7 =	smul.u32 $0xF4, s6  }
0xc: {  	_ =	strace $0x80000047;
	s6 =	smin.u32 s6, $0x4;
	s26 =	sshrl.u32 s2, $0x1  }
0xd: {  	[dreg:$0x5] =	wrdreg s0;
	s0 =	ssub.s32 s2, s26;
	s6 =	sadd.s32 s6, s7  }
0xe: {  	s8 =	simm.s32 $0x5;
	s0 =	smax.u32 s0, $0x1;
	s7 =	sshll.u32 s6, $0x7  }
0xf: {  	s9 =	simm.s32 @!p0 $0x4;
	[dreg:$0x8] =	wrdreg s0;
	s31 =	sadd.s32 s1, s7  }
0x10: {  	s13 =	sadd.s32 $0xF0, s6;
	[dreg:$0x6] =	wrdreg s31;
	s2 =	sadd.s32 $0x800, s31  }
0x11: {  	v0 =	vimm.s32 $0x0;
	s11 =	sadd.s32 $0x400, s7;
	[dreg:$0x7] =	wrdreg s2;
	s2 =	simm.s32 $0x0  }
.LBB2_1:
0x12: {  	[dreg:$0x9] =	wrdreg s2  }
0x13: {  	s0 =	rddreg [dreg:$0x5]  }
0x14: {  	[tilespmem:s5], [sflag:$0x5] =	stream.linear.gather [hbm4b:s0+s5], $0x1000, $0x38;
	[tilespmem:$0x19000] =	vst v63  }
0x15: {  	_ =	swait.ge [sflag:s8], $0x1000  }
0x16: {  	[sflag:s8] =	ssyncset.done $0x0  }
0x17: {  	s2 =	simm.s32 $0x0;
	s31 =	rddreg [dreg:$0x6];
	[sflag:s8] =	ssyncadd.s32 $0xFFFFF000  }
0x18: {  	[tilespmem:s17], [sflag:$0x1] =	stream.strided.gather [hbm4b:s31+s15], $0x4000, s16, s15, $0x38;
	[tilespmem:$0x19000] =	vst v63  }
.LBB2_2:
0x19: {  	s6 =	sshll.u32 s2, $0xB  }
0x1a: {  	s0 =	sadd.s32 s6, s11  }
0x1b: {  	s12 =	simm.s32 $0x5000;
	s10 =	sadd.s32 s1, s0  }
0x1c: {  	[tilespmem:s12], [sflag:$0x2] =	stream.strided.gather [hbm4b:s10+s15], $0x4000, s16, s15, $0x38;
	[tilespmem:$0x19000] =	vst v63  }
0x1d: {  	_ =	swait.ge [sflag:s19], $0x4000  }
0x1e: {  	p0 =	seq.s32 s2, $0x0;
	[sflag:s19] =	ssyncset.done $0x0  }
0x1f: {  	s10 =	simm.s32 @!p0 $0x3;
	[sflag:s19] =	ssyncadd.s32 $0xFFFFC000  }
0x20: {  	_ =	swait.ge @!p0 [sflag:s10], $0x4000  }
0x21: {  	[sflag:s10] =	ssyncset.done @!p0 $0x0  }
0x22: {  	[sflag:s10] =	ssyncadd.s32 @!p0 $0xFFFFC000  }
0x23: {  	_ =	swait.ge @!p0 [sflag:s10], $0x4000  }
0x24: {  	s14 =	simm.s32 $0x0;
	[sflag:s10] =	ssyncset.done @!p0 $0x0  }
0x25: {  	s26 =	simm.s32 $0x0;
	[sflag:s10] =	ssyncadd.s32 @!p0 $0xFFFFC000;
	s10 =	simm.s32 $0x0  }
.LBB2_3:
0x26: {  	s12 =	sshll.u32 s26, $0x6  }
0x27: {  	s24 =	sshll.u32 s10, $0x2;
	s18 =	sand.u32 $0x7, s14;
	v1 =	vmov s12  }
0x28: {  	s12 =	sand.u32 $0xFFFF8000, s24;
	s18 =	sshll.u32 s18, $0x9;
	v2 =	vor.u32 $0x1F, v1  }
0x29: {  	s12 =	sor.u32 s18, s12  }
0x2a: {  	s18 =	sshrl.u32 s12, $0x2  }
0x2b: {  	s12 =	sor.u32 $0x1040, s18  }
0x2c: {  	v19 =	vld [tilespmem:s12+$0x30]  }
0x2d: {  	v4 =	vld.idx.msk [tilespmem:v2+s5+$0x0], $0xffff  }
0x2e: {  	v17 =	vld [tilespmem:s12+$0xFFFFFFD0]  }
0x2f: {  	v14 =	vld [tilespmem:s12+$0xFFFFFFE0];
	_ =	sdelay $0x1  }
0x30: {  	v15 =	vld [tilespmem:s12+$0xFFFFFFF0]  }
0x31: {  	v3 =	vor.u32 $0x20, v1;
	v13 =	vld [tilespmem:s12+$0x0];
	vm0 =	vlt.f32 v4, v19  }
0x32: {  	v12 =	vld [tilespmem:s12+$0x10];
	v5 =	vsel vm0, v3, v1;
	vm0 =	vlt.f32 v4, v17  }
0x33: {  	v16 =	vld [tilespmem:s12+$0x20];
	v6 =	vor.u32 $0xF, v5;
	v7 =	vsel vm0, v3, v1;
	vm0 =	vlt.f32 v4, v14  }
0x34: {  	v8 =	vor.u32 $0xF, v7;
	v9 =	vsel vm0, v3, v1  }
0x35: {  	vm0 =	vlt.f32 v4, v15;
	v10 =	vor.u32 $0xF, v9  }
0x36: {  	v18 =	vld [tilespmem:s12+$0xFFFFFFC0];
	v11 =	vsel vm0, v3, v1;
	vm0 =	vlt.f32 v4, v13  }
0x37: {  	v20 =	vor.u32 $0xF, v11;
	v21 =	vsel vm0, v3, v1;
	vm0 =	vlt.f32 v4, v12  }
0x38: {  	v22 =	vor.u32 $0xF, v21;
	v23 =	vsel vm0, v3, v1;
	vm0 =	vlt.f32 v4, v16;
	v6 =	vld.idx.msk [tilespmem:v6+s5+$0x0], $0xffff  }
0x39: {  	v24 =	vor.u32 $0xF, v23;
	v25 =	vsel vm0, v3, v1;
	v8 =	vld.idx.msk [tilespmem:v8+s5+$0x0], $0xffff  }
0x3a: {  	v26 =	vor.u32 $0xF, v25;
	v10 =	vld.idx.msk [tilespmem:v10+s5+$0x0], $0xffff  }
0x3b: {  	vm0 =	vlt.f32 v4, v18  }
0x3c: {  	v27 =	vor.u32 $0x10, v7;
	v28 =	vor.u32 $0x10, v9;
	v4 =	vld.idx.msk [tilespmem:v20+s5+$0x0], $0xffff;
	v20 =	vsel vm0, v3, v1  }
0x3d: {  	v22 =	vld.idx.msk [tilespmem:v22+s5+$0x0], $0xffff;
	v31 =	vor.u32 $0xF, v20;
	vm0 =	vlt.f32 v6, v19;
	v6 =	vor.u32 $0x10, v5  }
0x3e: {  	v29 =	vor.u32 $0x10, v11;
	v24 =	vld.idx.msk [tilespmem:v24+s5+$0x0], $0xffff;
	v5 =	vsel vm0, v6, v5;
	vm0 =	vlt.f32 v8, v17  }
0x3f: {  	v8 =	vld.idx.msk [tilespmem:v26+s5+$0x0], $0xffff;
	v26 =	vor.u32 $0x7, v5;
	v7 =	vsel vm0, v27, v7;
	vm0 =	vlt.f32 v10, v14  }
0x40: {  	v30 =	vor.u32 $0x10, v21;
	v10 =	vor.u32 $0x7, v7;
	v9 =	vsel vm0, v28, v9  }
0x41: {  	v32 =	vor.u32 $0x10, v25;
	vm0 =	vlt.f32 v4, v15;
	v4 =	vor.u32 $0x7, v9  }
0x42: {  	v6 =	vor.u32 $0x10, v23;
	v11 =	vsel vm0, v29, v11;
	vm0 =	vlt.f32 v22, v13;
	v22 =	vld.idx.msk [tilespmem:v31+s5+$0x0], $0xffff  }
0x43: {  	v27 =	vor.u32 $0x7, v11;
	v21 =	vsel vm0, v30, v21;
	vm0 =	vlt.f32 v24, v12  }
0x44: {  	v24 =	vor.u32 $0x7, v21;
	v6 =	vsel vm0, v6, v23;
	vm0 =	vlt.f32 v8, v16;
	v26 =	vld.idx.msk [tilespmem:v26+s5+$0x0], $0xffff  }
0x45: {  	v8 =	vor.u32 $0x7, v6;
	v23 =	vsel vm0, v32, v25;
	v10 =	vld.idx.msk [tilespmem:v10+s5+$0x0], $0xffff  }
0x46: {  	v25 =	vor.u32 $0x7, v23;
	v4 =	vld.idx.msk [tilespmem:v4+s5+$0x0], $0xffff  }
0x47: {  	v28 =	vor.u32 $0x10, v20;
	vm0 =	vlt.f32 v22, v18  }
0x48: {  	v29 =	vor.u32 $0x8, v7;
	v30 =	vor.u32 $0x8, v9;
	v22 =	vld.idx.msk [tilespmem:v27+s5+$0x0], $0xffff;
	v20 =	vsel vm0, v28, v20  }
0x49: {  	v24 =	vld.idx.msk [tilespmem:v24+s5+$0x0], $0xffff;
	v28 =	vor.u32 $0x7, v20;
	vm0 =	vlt.f32 v26, v19;
	v26 =	vor.u32 $0x8, v5  }
0x4a: {  	v31 =	vor.u32 $0x8, v11;
	v8 =	vld.idx.msk [tilespmem:v8+s5+$0x0], $0xffff;
	v5 =	vsel vm0, v26, v5;
	vm0 =	vlt.f32 v10, v17  }
0x4b: {  	v10 =	vld.idx.msk [tilespmem:v25+s5+$0x0], $0xffff;
	v25 =	vadd.s32 $0x3, v5;
	v7 =	vsel vm0, v29, v7;
	vm0 =	vlt.f32 v4, v14  }
0x4c: {  	v32 =	vor.u32 $0x8, v23;
	v4 =	vadd.s32 $0x3, v7;
	v9 =	vsel vm0, v30, v9  }
0x4d: {  	v27 =	vor.u32 $0x8, v21;
	vm0 =	vlt.f32 v22, v15;
	v22 =	vadd.s32 $0x3, v9  }
0x4e: {  	v26 =	vor.u32 $0x8, v6;
	v11 =	vsel vm0, v31, v11;
	vm0 =	vlt.f32 v24, v13;
	v24 =	vld.idx.msk [tilespmem:v28+s5+$0x0], $0xffff  }
0x4f: {  	v28 =	vadd.s32 $0x3, v11;
	v21 =	vsel vm0, v27, v21;
	vm0 =	vlt.f32 v8, v12  }
0x50: {  	v8 =	vadd.s32 $0x3, v21;
	v6 =	vsel vm0, v26, v6;
	vm0 =	vlt.f32 v10, v16;
	v25 =	vld.idx.msk [tilespmem:v25+s5+$0x0], $0xffff  }
0x51: {  	v10 =	vadd.s32 $0x3, v6;
	v23 =	vsel vm0, v32, v23;
	v4 =	vld.idx.msk [tilespmem:v4+s5+$0x0], $0xffff  }
0x52: {  	v26 =	vadd.s32 $0x3, v23;
	v22 =	vld.idx.msk [tilespmem:v22+s5+$0x0], $0xffff  }
0x53: {  	v27 =	vor.u32 $0x8, v20;
	vm0 =	vlt.f32 v24, v18  }
0x54: {  	v29 =	vadd.s32 $0x4, v7;
	v30 =	vadd.s32 $0x4, v9;
	v24 =	vld.idx.msk [tilespmem:v28+s5+$0x0], $0xffff;
	v20 =	vsel vm0, v27, v20  }
0x55: {  	v8 =	vld.idx.msk [tilespmem:v8+s5+$0x0], $0xffff;
	v28 =	vadd.s32 $0x3, v20;
	vm0 =	vlt.f32 v25, v19;
	v25 =	vadd.s32 $0x4, v5  }
0x56: {  	v31 =	vadd.s32 $0x4, v11;
	v10 =	vld.idx.msk [tilespmem:v10+s5+$0x0], $0xffff;
	v5 =	vsel vm0, v25, v5;
	vm0 =	vlt.f32 v4, v17  }
0x57: {  	v4 =	vld.idx.msk [tilespmem:v26+s5+$0x0], $0xffff;
	v26 =	vadd.s32 $0x1, v5;
	v7 =	vsel vm0, v29, v7;
	vm0 =	vlt.f32 v22, v14  }
0x58: {  	v32 =	vadd.s32 $0x4, v23;
	v22 =	vadd.s32 $0x1, v7;
	v9 =	vsel vm0, v30, v9  }
0x59: {  	v27 =	vadd.s32 $0x4, v21;
	vm0 =	vlt.f32 v24, v15;
	v24 =	vadd.s32 $0x1, v9  }
0x5a: {  	v25 =	vadd.s32 $0x4, v6;
	v11 =	vsel vm0, v31, v11;
	vm0 =	vlt.f32 v8, v13;
	v8 =	vld.idx.msk [tilespmem:v28+s5+$0x0], $0xffff  }
0x5b: {  	v28 =	vadd.s32 $0x1, v11;
	v21 =	vsel vm0, v27, v21;
	vm0 =	vlt.f32 v10, v12  }
0x5c: {  	v10 =	vadd.s32 $0x1, v21;
	v6 =	vsel vm0, v25, v6;
	vm0 =	vlt.f32 v4, v16;
	v26 =	vld.idx.msk [tilespmem:v26+s5+$0x0], $0xffff  }
0x5d: {  	v4 =	vadd.s32 $0x1, v6;
	v23 =	vsel vm0, v32, v23;
	v22 =	vld.idx.msk [tilespmem:v22+s5+$0x0], $0xffff  }
0x5e: {  	v25 =	vadd.s32 $0x1, v23;
	v24 =	vld.idx.msk [tilespmem:v24+s5+$0x0], $0xffff  }
0x5f: {  	v27 =	vadd.s32 $0x4, v20;
	vm0 =	vlt.f32 v8, v18  }
0x60: {  	v28 =	vld.idx.msk [tilespmem:v28+s5+$0x0], $0xffff;
	v20 =	vsel vm0, v27, v20  }
0x61: {  	v8 =	vld.idx.msk [tilespmem:v10+s5+$0x0], $0xffff;
	v10 =	vadd.s32 $0x2, v5;
	vm1 =	vlt.f32 v26, v19;
	v26 =	vadd.s32 $0x1, v20  }
0x62: {  	v4 =	vld.idx.msk [tilespmem:v4+s5+$0x0], $0xffff;
	v5 =	vsel vm1, v10, v5;
	v10 =	vadd.s32 $0x2, v7;
	vm0 =	vlt.f32 v22, v17  }
0x63: {  	v22 =	vld.idx.msk [tilespmem:v25+s5+$0x0], $0xffff;
	v25 =	vadd.s32 $0x2, v9;
	v10 =	vsel vm0, v10, v7;
	vm0 =	vlt.f32 v24, v14  }
0x64: {  	v9 =	vsel vm0, v25, v9  }
0x65: {  	v7 =	vadd.s32 $0x2, v11;
	vm0 =	vlt.f32 v28, v15  }
0x66: {  	v30 =	vld.idx.msk [tilespmem:v2+s5+$0x0], $0xffff;
	v24 =	vadd.s32 $0x2, v21;
	v11 =	vsel vm0, v7, v11;
	vm0 =	vlt.f32 v8, v13  }
0x67: {  	v7 =	vadd.s32 $0x2, v6;
	v21 =	vsel vm0, v24, v21;
	vm0 =	vlt.f32 v4, v12;
	v8 =	vld.idx.msk [tilespmem:v5+s5+$0x0], $0xffff  }
0x68: {  	v4 =	vadd.s32 $0x2, v23;
	v24 =	vld.idx.msk [tilespmem:v26+s5+$0x0], $0xffff;
	v25 =	vsel vm0, v7, v6;
	vm0 =	vlt.f32 v22, v16  }
0x69: {  	v27 =	vsel vm0, v4, v23;
	v4 =	vld.idx.msk [tilespmem:v9+s5+$0x0], $0xffff  }
0x6a: {  	v6 =	vld.idx.msk [tilespmem:v10+s5+$0x0], $0xffff  }
0x6b: {  	v22 =	vld.idx.msk [tilespmem:v11+s5+$0x0], $0xffff  }
0x6c: {  	v26 =	vld.idx.msk [tilespmem:v21+s5+$0x0], $0xffff;
	vm0 =	vlt.f32 v8, v19  }
0x6d: {  	s31 =	sadd.s32 $0x400, s12;
	v28 =	vld.idx.msk [tilespmem:v25+s5+$0x0], $0xffff;
	v7 =	vsel vm0, $0x1, v0;
	vm0 =	vlt.f32 v24, v18  }
0x6e: {  	v8 =	vadd.s32 v7, v5;
	v5 =	vadd.s32 $0x2, v20;
	v7 =	vld [tilespmem:s31+$0x30];
	vm1 =	vlt.f32 v4, v14  }
0x6f: {  	v24 =	vadd.s32 $0x400, v8;
	v31 =	vsel vm0, v5, v20;
	vm0 =	vlt.f32 v6, v17;
	v6 =	vld [tilespmem:s31+$0xFFFFFFD0]  }
0x70: {  	vm2 =	vlt.f32 v22, v15;
	v58 =	vadd.s32 $0x800, v8;
	v5 =	vld [tilespmem:s31+$0xFFFFFFE0];
	v4 =	vsel vm0, $0x1, v0  }
0x71: {  	v20 =	vsel vm1, $0x1, v0;
	v33 =	vsel vm2, $0x1, v0;
	v23 =	vadd.s32 v4, v10;
	v4 =	vld [tilespmem:s31+$0xFFFFFFF0]  }
0x72: {  	v22 =	vadd.s32 v20, v9;
	v20 =	vadd.s32 v33, v11;
	v11 =	vadd.s32 $0xC00, v8;
	v8 =	vld [tilespmem:s31+$0x0]  }
0x73: {  	v29 =	vld.idx.msk [tilespmem:v27+s5+$0x0], $0xffff;
	vm0 =	vlt.f32 v26, v13;
	v35 =	vadd.s32 $0x400, v22;
	v59 =	vadd.s32 $0x400, v23  }
0x74: {  	v34 =	vld.idx.msk [tilespmem:v24+s5+$0x0], $0xffff;
	v24 =	vsel vm0, $0x1, v0;
	vm0 =	vlt.f32 v30, v7;
	vm1 =	vlt.f32 v30, v6  }
0x75: {  	v9 =	vld [tilespmem:s31+$0x10];
	v37 =	vsel vm0, v3, v1;
	v38 =	vsel vm1, v3, v1;
	vm0 =	vlt.f32 v30, v5  }
0x76: {  	v10 =	vld [tilespmem:s31+$0x20];
	v24 =	vadd.s32 v24, v21;
	v39 =	vor.u32 $0xF, v37;
	v40 =	vor.u32 $0xF, v38  }
0x77: {  	v32 =	vld.idx.msk [tilespmem:v58+s5+$0x0], $0xffff;
	v41 =	vsel vm0, v3, v1;
	vm0 =	vlt.f32 v30, v4;
	vm1 =	vlt.f32 v30, v8  }
0x78: {  	v21 =	vld.idx.msk [tilespmem:v11+s5+$0x0], $0xffff;
	v42 =	vor.u32 $0xF, v41;
	v43 =	vsel vm0, v3, v1;
	vm0 =	vlt.f32 v28, v12  }
0x79: {  	v11 =	vld [tilespmem:s31+$0xFFFFFFC0];
	v44 =	vsel vm1, v3, v1;
	v26 =	vsel vm0, $0x1, v0;
	vm0 =	vlt.f32 v29, v16  }
0x7a: {  	v28 =	vor.u32 $0xF, v43;
	v29 =	vld.idx.msk [tilespmem:v31+s5+$0x0], $0xffff;
	v26 =	vadd.s32 v26, v25;
	v25 =	vsel vm0, $0x1, v0  }
0x7b: {  	v36 =	vadd.s32 $0x400, v20;
	v45 =	vor.u32 $0xF, v44;
	v25 =	vadd.s32 v25, v27;
	v27 =	vld.idx.msk [tilespmem:v59+s5+$0x0], $0xffff  }
0x7c: {  	v49 =	vor.u32 $0x10, v38;
	v54 =	vadd.s32 $0x400, v24;
	vm1 =	vlt.f32 v30, v9;
	v39 =	vld.idx.msk [tilespmem:v39+s5+$0x0], $0xffff  }
0x7d: {  	v61 =	vor.u32 $0x10, v37;
	v46 =	vsel vm1, v3, v1;
	vm0 =	vlt.f32 v30, v10;
	v40 =	vld.idx.msk [tilespmem:v40+s5+$0x0], $0xffff  }
0x7e: {  	v47 =	vor.u32 $0xF, v46;
	v48 =	vsel vm0, v3, v1;
	vm0 =	vlt.f32 v30, v11;
	v42 =	vld.idx.msk [tilespmem:v42+s5+$0x0], $0xffff  }
0x7f: {  	v51 =	vor.u32 $0x10, v41;
	v50 =	vor.u32 $0xF, v48;
	v53 =	vsel vm0, v3, v1;
	v30 =	vld.idx.msk [tilespmem:v28+s5+$0x0], $0xffff  }
0x80: {  	v52 =	vor.u32 $0x10, v43;
	v60 =	vor.u32 $0x10, v44;
	v55 =	vor.u32 $0xF, v53;
	v45 =	vld.idx.msk [tilespmem:v45+s5+$0x0], $0xffff  }
0x81: {  	v19 =	vmul.f32 v34, v19;
	v56 =	vadd.s32 $0x400, v26;
	v28 =	vld.idx.msk [tilespmem:v35+s5+$0x0], $0xffff;
	vm0 =	vlt.f32 v39, v7  }
0x82: {  	vm1 =	vlt.f32 v29, v18;
	v29 =	vld.idx.msk [tilespmem:v36+s5+$0x0], $0xffff;
	v35 =	vsel vm0, v61, v37;
	vm0 =	vlt.f32 v40, v6  }
0x83: {  	v37 =	vld.idx.msk [tilespmem:v47+s5+$0x0], $0xffff;
	v38 =	vsel vm0, v49, v38;
	vm0 =	vlt.f32 v42, v5;
	v62 =	vor.u32 $0x7, v35  }
0x84: {  	v39 =	vld.idx.msk [tilespmem:v50+s5+$0x0], $0xffff;
	v63 =	vor.u32 $0x7, v38;
	v41 =	vsel vm0, v51, v41;
	vm0 =	vlt.f32 v30, v4  }
0x85: {  	v36 =	vld.idx.msk [tilespmem:v55+s5+$0x0], $0xffff;
	v30 =	vsel vm1, $0x1, v0;
	v57 =	vor.u32 $0x7, v41;
	v43 =	vsel vm0, v52, v43  }
0x86: {  	v49 =	vadd.s32 v30, v31;
	vm0 =	vlt.f32 v45, v8;
	v30 =	vld.idx.msk [tilespmem:v54+s5+$0x0], $0xffff;
	v58 =	vor.u32 $0x7, v43  }
0x87: {  	v59 =	vor.u32 $0x10, v46;
	v31 =	vld.idx.msk [tilespmem:v56+s5+$0x0], $0xffff;
	v44 =	vsel vm0, v60, v44;
	v60 =	vadd.s32 $0x400, v49  }
0x88: {  	v54 =	vadd.s32 $0x800, v49;
	v49 =	vadd.s32 $0xC00, v49;
	vm0 =	vlt.f32 v37, v9;
	v62 =	vld.idx.msk [tilespmem:v62+s5+$0x0], $0xffff  }
0x89: {  	v61 =	vor.u32 $0x10, v48;
	v52 =	vor.u32 $0x7, v44;
	v42 =	vsel vm0, v59, v46;
	v40 =	vld.idx.msk [tilespmem:v63+s5+$0x0], $0xffff  }
0x8a: {  	vm0 =	vlt.f32 v39, v10;
	v59 =	vor.u32 $0x10, v53;
	v63 =	vadd.s32 $0x400, v25;
	v45 =	vld.idx.msk [tilespmem:v57+s5+$0x0], $0xffff  }
0x8b: {  	v46 =	vor.u32 $0x7, v42;
	v47 =	vsel vm0, v61, v48;
	vm0 =	vlt.f32 v36, v11;
	v36 =	vld.idx.msk [tilespmem:v58+s5+$0x0], $0xffff  }
0x8c: {  	v19 =	vadd.f32 v32, v19;
	v50 =	vor.u32 $0x7, v47;
	v48 =	vsel vm0, v59, v53;
	v53 =	vld.idx.msk [tilespmem:v60+s5+$0x0], $0xffff  }
0x8d: {  	v27 =	vmul.f32 v27, v17;
	v55 =	vadd.s32 $0x800, v26;
	v26 =	vadd.s32 $0xC00, v26;
	v49 =	vld.idx.msk [tilespmem:v49+s5+$0x0], $0xffff  }
0x8e: {  	v51 =	vor.u32 $0x8, v38;
	v60 =	vor.u32 $0x8, v41;
	v57 =	vor.u32 $0x7, v48;
	v52 =	vld.idx.msk [tilespmem:v52+s5+$0x0], $0xffff  }
0x8f: {  	v58 =	vadd.s32 $0x800, v23;
	v23 =	vadd.s32 $0xC00, v23;
	vm0 =	vlt.f32 v62, v7;
	v33 =	vld.idx.msk [tilespmem:v63+s5+$0x0], $0xffff  }
0x90: {  	v62 =	vor.u32 $0x8, v35;
	v63 =	vadd.s32 $0x800, v22;
	vm1 =	vlt.f32 v40, v6;
	v40 =	vld.idx.msk [tilespmem:v46+s5+$0x0], $0xffff  }
0x91: {  	v35 =	vsel vm0, v62, v35;
	v37 =	vsel vm1, v51, v38;
	vm0 =	vlt.f32 v45, v5;
	v38 =	vld.idx.msk [tilespmem:v50+s5+$0x0], $0xffff  }
0x92: {  	v45 =	vadd.s32 $0x3, v35;
	v41 =	vsel vm0, v60, v41;
	vm0 =	vlt.f32 v36, v4;
	v36 =	vld.idx.msk [tilespmem:v54+s5+$0x0], $0xffff  }
0x93: {  	v14 =	vmul.f32 v28, v14;
	v15 =	vmul.f32 v29, v15;
	v46 =	vadd.s32 $0x3, v37;
	v34 =	vld.idx.msk [tilespmem:v57+s5+$0x0], $0xffff  }
0x94: {  	v61 =	vor.u32 $0x8, v43;
	v62 =	vadd.s32 $0x800, v20;
	v23 =	vld.idx.msk [tilespmem:v23+s5+$0x0], $0xffff;
	v50 =	vadd.s32 $0x3, v41  }
0x95: {  	v60 =	vor.u32 $0x8, v44;
	v43 =	vsel vm0, v61, v43;
	vm0 =	vlt.f32 v52, v8;
	v52 =	vld.idx.msk [tilespmem:v58+s5+$0x0], $0xffff  }
0x96: {  	v22 =	vadd.s32 $0xC00, v22;
	v54 =	vadd.s32 $0x3, v43;
	v44 =	vsel vm0, v60, v44;
	v39 =	vld.idx.msk [tilespmem:v63+s5+$0x0], $0xffff  }
0x97: {  	v61 =	vor.u32 $0x8, v42;
	v60 =	vadd.s32 $0x3, v44;
	vm0 =	vlt.f32 v40, v9;
	v40 =	vld.idx.msk [tilespmem:v45+s5+$0x0], $0xffff  }
0x98: {  	v63 =	vor.u32 $0x8, v47;
	v42 =	vsel vm0, v61, v42;
	vm0 =	vlt.f32 v38, v10;
	v46 =	vld.idx.msk [tilespmem:v46+s5+$0x0], $0xffff  }
0x99: {  	v29 =	vmul.f32 v30, v13;
	v38 =	vadd.s32 $0x3, v42;
	v47 =	vsel vm0, v63, v47;
	v32 =	vld.idx.msk [tilespmem:v50+s5+$0x0], $0xffff  }
0x9a: {  	v61 =	vor.u32 $0x8, v48;
	vm0 =	vlt.f32 v34, v11;
	v51 =	vadd.s32 $0x3, v47;
	v50 =	vld.idx.msk [tilespmem:v62+s5+$0x0], $0xffff  }
0x9b: {  	v56 =	vadd.s32 $0x4, v41;
	v58 =	vadd.s32 $0x4, v43;
	v48 =	vsel vm0, v61, v48;
	v34 =	vld.idx.msk [tilespmem:v54+s5+$0x0], $0xffff  }
0x9c: {  	v45 =	vadd.s32 $0x800, v24;
	v63 =	vadd.s32 $0x4, v44;
	v59 =	vadd.s32 $0x3, v48;
	v57 =	vld.idx.msk [tilespmem:v60+s5+$0x0], $0xffff  }
0x9d: {  	v62 =	vadd.s32 $0x4, v35;
	v61 =	vld.idx.msk [tilespmem:v22+s5+$0x0], $0xffff;
	v54 =	vadd.s32 $0x4, v37;
	vm0 =	vlt.f32 v40, v7  }
0x9e: {  	v60 =	vadd.s32 $0x800, v25;
	vm1 =	vlt.f32 v46, v6;
	v38 =	vld.idx.msk [tilespmem:v38+s5+$0x0], $0xffff;
	v35 =	vsel vm0, v62, v35  }
0x9f: {  	v37 =	vsel vm1, v54, v37;
	vm0 =	vlt.f32 v32, v5;
	v32 =	vld.idx.msk [tilespmem:v51+s5+$0x0], $0xffff;
	v40 =	vadd.s32 $0x1, v35  }
0xa0: {  	v46 =	vadd.s32 $0x1, v37;
	v41 =	vsel vm0, v56, v41;
	vm0 =	vlt.f32 v34, v4;
	v34 =	vld.idx.msk [tilespmem:v55+s5+$0x0], $0xffff  }
0xa1: {  	v54 =	vld.idx.msk [tilespmem:v59+s5+$0x0], $0xffff;
	v55 =	vadd.s32 $0x1, v41;
	v43 =	vsel vm0, v58, v43;
	vm0 =	vlt.f32 v57, v8  }
0xa2: {  	v24 =	vadd.s32 $0xC00, v24;
	v45 =	vld.idx.msk [tilespmem:v45+s5+$0x0], $0xffff;
	v58 =	vadd.s32 $0x1, v43;
	v44 =	vsel vm0, v63, v44  }
0xa3: {  	v56 =	vadd.s32 $0x4, v42;
	v57 =	vld.idx.msk [tilespmem:v60+s5+$0x0], $0xffff;
	v60 =	vadd.s32 $0x1, v44;
	vm0 =	vlt.f32 v38, v9  }
0xa4: {  	v59 =	vadd.s32 $0x4, v47;
	v38 =	vld.idx.msk [tilespmem:v40+s5+$0x0], $0xffff;
	v42 =	vsel vm0, v56, v42;
	vm0 =	vlt.f32 v32, v10  }
0xa5: {  	v51 =	vadd.s32 $0x4, v48;
	v40 =	vld.idx.msk [tilespmem:v46+s5+$0x0], $0xffff;
	v46 =	vadd.s32 $0x1, v42;
	v47 =	vsel vm0, v59, v47  }
0xa6: {  	v32 =	vadd.s32 $0xC00, v20;
	vm0 =	vlt.f32 v54, v11;
	v20 =	vld.idx.msk [tilespmem:v55+s5+$0x0], $0xffff;
	v55 =	vadd.s32 $0x1, v47  }
0xa7: {  	v62 =	vadd.s32 $0xC00, v25;
	v25 =	vmul.f32 v53, v18;
	v48 =	vsel vm0, v51, v48;
	v54 =	vld.idx.msk [tilespmem:v58+s5+$0x0], $0xffff  }
0xa8: {  	s12 =	sadd.s32 $0x9040, s18;
	v12 =	vmul.f32 v31, v12;
	v30 =	vmul.f32 v33, v16;
	v59 =	vadd.s32 $0x1, v48;
	v60 =	vld.idx.msk [tilespmem:v60+s5+$0x0], $0xffff  }
0xa9: {  	s18 =	sadd.s32 $0x11040, s18;
	[tilespmem:s12+$0x30] =	vst v19;
	v17 =	vld.idx.msk [tilespmem:v24+s5+$0x0], $0xffff;
	v13 =	vadd.f32 v36, v25;
	vm0 =	vlt.f32 v38, v7;
	v38 =	vadd.s32 $0x2, v35  }
0xaa: {  	[tilespmem:s18+$0x30] =	vst v21;
	v56 =	vadd.s32 $0x2, v37;
	vm1 =	vlt.f32 v40, v6;
	v21 =	vld.idx.msk [tilespmem:v46+s5+$0x0], $0xffff;
	v35 =	vsel vm0, v38, v35  }
0xab: {  	v58 =	vadd.s32 $0x2, v41;
	v18 =	vsel vm1, v56, v37;
	vm0 =	vlt.f32 v20, v5;
	v56 =	vld.idx.msk [tilespmem:v55+s5+$0x0], $0xffff  }
0xac: {  	v51 =	vadd.s32 $0x2, v43;
	v32 =	vld.idx.msk [tilespmem:v32+s5+$0x0], $0xffff;
	v20 =	vsel vm0, v58, v41;
	vm0 =	vlt.f32 v54, v4  }
0xad: {  	v19 =	vadd.s32 $0x2, v44;
	v28 =	vld.idx.msk [tilespmem:v59+s5+$0x0], $0xffff;
	v22 =	vsel vm0, v51, v43;
	vm0 =	vlt.f32 v60, v8  }
0xae: {  	v24 =	vsel vm0, v19, v44;
	v19 =	vadd.f32 v52, v27;
	v27 =	vadd.f32 v39, v14;
	v14 =	vld.idx.msk [tilespmem:v26+s5+$0x0], $0xffff  }
0xaf: {  	[tilespmem:s12+$0xFFFFFFC0] =	vst v13;
	v63 =	vadd.f32 v50, v15;
	v16 =	vadd.s32 $0x2, v42;
	v31 =	vld.idx.msk [tilespmem:v35+s5+$0x0], $0xffff;
	vm0 =	vlt.f32 v21, v9  }
0xb0: {  	[tilespmem:s18+$0xFFFFFFC0] =	vst v49;
	v13 =	vadd.s32 $0x2, v47;
	v59 =	vld.idx.msk [tilespmem:v18+s5+$0x0], $0xffff;
	v25 =	vsel vm0, v16, v42;
	vm0 =	vlt.f32 v56, v10  }
0xb1: {  	[tilespmem:s12+$0xFFFFFFF0] =	vst v63;
	v60 =	vld.idx.msk [tilespmem:v20+s5+$0x0], $0xffff;
	v13 =	vsel vm0, v13, v47  }
0xb2: {  	v26 =	vadd.f32 v34, v12;
	[tilespmem:s18+$0xFFFFFFF0] =	vst v32;
	v21 =	vld.idx.msk [tilespmem:v22+s5+$0x0], $0xffff  }
0xb3: {  	v12 =	vld.idx.msk [tilespmem:v62+s5+$0x0], $0xffff;
	[tilespmem:s12+$0xFFFFFFD0] =	vst v19;
	v16 =	vadd.f32 v45, v29;
	v19 =	vadd.f32 v57, v30  }
0xb4: {  	v15 =	vadd.s32 $0x2, v48;
	[tilespmem:s12+$0xFFFFFFE0] =	vst v27;
	vm0 =	vlt.f32 v28, v11;
	v29 =	vld.idx.msk [tilespmem:v24+s5+$0x0], $0xffff;
	vm1 =	vlt.f32 v31, v7  }
0xb5: {  	[tilespmem:s18+$0xFFFFFFD0] =	vst v23;
	v27 =	vsel vm0, v15, v48;
	vm0 =	vlt.f32 v59, v6;
	v15 =	vld.idx.msk [tilespmem:v25+s5+$0x0], $0xffff;
	v30 =	vsel vm1, $0x1, v0  }
0xb6: {  	s24 =	simm.s32 $0x8;
	[tilespmem:s18+$0xFFFFFFE0] =	vst v61;
	v23 =	vsel vm0, $0x1, v0;
	vm0 =	vlt.f32 v60, v5;
	v28 =	vld.idx.msk [tilespmem:v13+s5+$0x0], $0xffff;
	v30 =	vadd.s32 v30, v35  }
.LBB2_4:
0xb7: {  	v31 =	vld.idx.msk [tilespmem:v2+s5+$0x0], $0xffff;
	v32 =	vsel vm0, $0x1, v0;
	vm0 =	vlt.f32 v21, v4;
	v33 =	vadd.s32 $0x400, v30;
	s31 =	sadd.s32 $0x400, s31;
	[tilespmem:s12+$0x0] =	vst v16  }
0xb8: {  	s24 =	sadd.s32 $0x8, s24;
	v23 =	vadd.s32 v23, v18;
	v34 =	vld [tilespmem:s31+$0x30];
	v21 =	vadd.s32 v32, v20;
	v18 =	vsel vm0, $0x1, v0;
	[tilespmem:s18+$0x0] =	vst v17  }
0xb9: {  	p1 =	slt.u32 s24, $0x38;
	vm0 =	vlt.f32 v29, v8;
	v29 =	vadd.s32 $0x800, v30;
	v16 =	vld [tilespmem:s31+$0xFFFFFFD0];
	v22 =	vadd.s32 v18, v22;
	[tilespmem:s12+$0x10] =	vst v26  }
0xba: {  	v26 =	vadd.s32 $0x400, v23;
	v32 =	vadd.s32 $0x400, v21;
	v20 =	vsel vm0, $0x1, v0;
	v17 =	vld [tilespmem:s31+$0xFFFFFFE0];
	[tilespmem:s18+$0x10] =	vst v14  }
0xbb: {  	v35 =	vadd.s32 $0x400, v22;
	v24 =	vadd.s32 v20, v24;
	vm0 =	vlt.f32 v15, v9;
	v18 =	vld [tilespmem:s31+$0xFFFFFFF0];
	[tilespmem:s12+$0x20] =	vst v19  }
0xbc: {  	v15 =	vadd.s32 $0xC00, v30;
	v14 =	vsel vm0, $0x1, v0;
	vm0 =	vlt.f32 v28, v10;
	v28 =	vld.idx.msk [tilespmem:v33+s5+$0x0], $0xffff;
	[tilespmem:s18+$0x20] =	vst v12  }
0xbd: {  	v20 =	vadd.s32 v14, v25;
	v14 =	vsel vm0, $0x1, v0;
	v12 =	vld [tilespmem:s31+$0x0];
	vm1 =	vlt.f32 v31, v34  }
0xbe: {  	v19 =	vadd.s32 v14, v13;
	vm0 =	vlt.f32 v31, v16;
	v30 =	vsel vm1, v3, v1;
	v25 =	vld.idx.msk [tilespmem:v29+s5+$0x0], $0xffff  }
0xbf: {  	v29 =	vsel vm0, v3, v1;
	vm0 =	vlt.f32 v31, v17;
	v13 =	vld [tilespmem:s31+$0x10];
	v33 =	vor.u32 $0xF, v30  }
0xc0: {  	v36 =	vor.u32 $0xF, v29;
	v37 =	vsel vm0, v3, v1;
	vm0 =	vlt.f32 v31, v18;
	v14 =	vld [tilespmem:s31+$0x20]  }
0xc1: {  	v38 =	vor.u32 $0x10, v29;
	v39 =	vor.u32 $0xF, v37;
	v40 =	vsel vm0, v3, v1;
	v41 =	vld.idx.msk [tilespmem:v15+s5+$0x0], $0xffff  }
0xc2: {  	v28 =	vmul.f32 v28, v7;
	v7 =	vmovc v34;
	v15 =	vld [tilespmem:s31+$0xFFFFFFC0];
	v42 =	vor.u32 $0xF, v40;
	vm0 =	vlt.f32 v31, v12  }
0xc3: {  	v34 =	vor.u32 $0x10, v37;
	v43 =	vor.u32 $0x10, v40;
	v44 =	vsel vm0, v3, v1;
	v45 =	vld.idx.msk [tilespmem:v27+s5+$0x0], $0xffff  }
0xc4: {  	v25 =	vadd.f32 v25, v28;
	v46 =	vor.u32 $0xF, v44;
	vm0 =	vlt.f32 v31, v13;
	v33 =	vld.idx.msk [tilespmem:v33+s5+$0x0], $0xffff  }
0xc5: {  	s12 =	sadd.s32 $0x400, s12;
	v28 =	vld.idx.msk [tilespmem:v36+s5+$0x0], $0xffff;
	v36 =	vor.u32 $0x10, v44;
	v47 =	vsel vm0, v3, v1;
	vm0 =	vlt.f32 v31, v14  }
0xc6: {  	s18 =	sadd.s32 $0x400, s18;
	v39 =	vld.idx.msk [tilespmem:v39+s5+$0x0], $0xffff;
	v48 =	vor.u32 $0xF, v47;
	v49 =	vor.u32 $0x10, v47;
	v50 =	vsel vm0, v3, v1;
	[tilespmem:s12+$0x30] =	vst v25  }
0xc7: {  	vm0 =	vlt.f32 v31, v15;
	v31 =	vld.idx.msk [tilespmem:v42+s5+$0x0], $0xffff;
	v42 =	vor.u32 $0xF, v50;
	v51 =	vor.u32 $0x10, v50;
	[tilespmem:s18+$0x30] =	vst v41  }
0xc8: {  	v52 =	vadd.s32 $0x400, v24;
	v53 =	vadd.s32 $0x400, v20;
	v41 =	vsel vm0, v3, v1;
	v25 =	vld.idx.msk [tilespmem:v26+s5+$0x0], $0xffff  }
0xc9: {  	vm0 =	vlt.f32 v45, v11;
	v54 =	vor.u32 $0xF, v41;
	v55 =	vor.u32 $0x10, v41;
	v46 =	vld.idx.msk [tilespmem:v46+s5+$0x0], $0xffff  }
0xca: {  	vm1 =	vlt.f32 v33, v7;
	v33 =	vor.u32 $0x10, v30;
	v45 =	vsel vm0, $0x1, v0;
	v26 =	vld.idx.msk [tilespmem:v32+s5+$0x0], $0xffff  }
0xcb: {  	vm0 =	vlt.f32 v28, v16;
	v33 =	vsel vm1, v33, v30;
	v45 =	vadd.s32 v45, v27;
	v32 =	vld.idx.msk [tilespmem:v48+s5+$0x0], $0xffff  }
0xcc: {  	v38 =	vsel vm0, v38, v29;
	vm0 =	vlt.f32 v39, v17;
	v39 =	vor.u32 $0x7, v33;
	v30 =	vld.idx.msk [tilespmem:v42+s5+$0x0], $0xffff  }
0xcd: {  	v42 =	vor.u32 $0x7, v38;
	v34 =	vsel vm0, v34, v37;
	vm0 =	vlt.f32 v31, v18;
	v27 =	vld.idx.msk [tilespmem:v35+s5+$0x0], $0xffff  }
0xce: {  	v35 =	vor.u32 $0x8, v38;
	v37 =	vor.u32 $0x7, v34;
	v40 =	vsel vm0, v43, v40;
	v31 =	vld.idx.msk [tilespmem:v54+s5+$0x0], $0xffff  }
0xcf: {  	v43 =	vor.u32 $0x8, v34;
	v48 =	vor.u32 $0x7, v40;
	vm0 =	vlt.f32 v46, v12;
	v28 =	vld.idx.msk [tilespmem:v52+s5+$0x0], $0xffff  }
0xd0: {  	v46 =	vor.u32 $0x8, v40;
	v36 =	vsel vm0, v36, v44;
	v44 =	vadd.s32 $0x400, v45;
	v29 =	vld.idx.msk [tilespmem:v53+s5+$0x0], $0xffff  }
0xd1: {  	v52 =	vor.u32 $0x7, v36;
	v53 =	vor.u32 $0x8, v36;
	vm0 =	vlt.f32 v32, v13;
	v39 =	vld.idx.msk [tilespmem:v39+s5+$0x0], $0xffff  }
0xd2: {  	v47 =	vsel vm0, v49, v47;
	vm0 =	vlt.f32 v30, v14;
	v30 =	vadd.s32 $0x400, v19;
	v42 =	vld.idx.msk [tilespmem:v42+s5+$0x0], $0xffff  }
0xd3: {  	v49 =	vor.u32 $0x7, v47;
	v54 =	vor.u32 $0x8, v47;
	v50 =	vsel vm0, v51, v50;
	v37 =	vld.idx.msk [tilespmem:v37+s5+$0x0], $0xffff  }
0xd4: {  	vm0 =	vlt.f32 v31, v15;
	v51 =	vor.u32 $0x8, v50;
	v31 =	vld.idx.msk [tilespmem:v48+s5+$0x0], $0xffff;
	v48 =	vor.u32 $0x7, v50  }
0xd5: {  	v41 =	vsel vm0, v55, v41;
	v55 =	vadd.s32 $0x800, v23;
	v32 =	vld.idx.msk [tilespmem:v44+s5+$0x0], $0xffff;
	v44 =	vadd.s32 $0x800, v45  }
0xd6: {  	v58 =	vadd.s32 $0x800, v21;
	v56 =	vor.u32 $0x7, v41;
	v57 =	vor.u32 $0x8, v41;
	v52 =	vld.idx.msk [tilespmem:v52+s5+$0x0], $0xffff  }
0xd7: {  	v59 =	vadd.s32 $0x800, v22;
	vm0 =	vlt.f32 v39, v7;
	v39 =	vor.u32 $0x8, v33;
	v30 =	vld.idx.msk [tilespmem:v30+s5+$0x0], $0xffff  }
0xd8: {  	vm1 =	vlt.f32 v42, v16;
	v33 =	vsel vm0, v39, v33;
	v39 =	vadd.s32 $0x800, v24;
	v42 =	vld.idx.msk [tilespmem:v49+s5+$0x0], $0xffff  }
0xd9: {  	v35 =	vsel vm1, v35, v38;
	vm0 =	vlt.f32 v37, v17;
	v38 =	vadd.s32 $0x3, v33;
	v37 =	vld.idx.msk [tilespmem:v48+s5+$0x0], $0xffff  }
0xda: {  	v48 =	vadd.s32 $0x3, v35;
	v34 =	vsel vm0, v43, v34;
	vm0 =	vlt.f32 v31, v18;
	v31 =	vld.idx.msk [tilespmem:v44+s5+$0x0], $0xffff  }
0xdb: {  	v44 =	vadd.s32 $0x4, v35;
	v49 =	vadd.s32 $0x3, v34;
	v40 =	vsel vm0, v46, v40;
	v43 =	vld.idx.msk [tilespmem:v56+s5+$0x0], $0xffff  }
0xdc: {  	v46 =	vadd.s32 $0x4, v34;
	v56 =	vadd.s32 $0x3, v40;
	vm0 =	vlt.f32 v52, v12;
	v52 =	vld.idx.msk [tilespmem:v55+s5+$0x0], $0xffff  }
0xdd: {  	v55 =	vadd.s32 $0x4, v40;
	v36 =	vsel vm0, v53, v36;
	v53 =	vld.idx.msk [tilespmem:v58+s5+$0x0], $0xffff;
	v58 =	vadd.s32 $0x800, v20  }
0xde: {  	v60 =	vadd.s32 $0x3, v36;
	v61 =	vadd.s32 $0x4, v36;
	vm0 =	vlt.f32 v42, v13;
	v38 =	vld.idx.msk [tilespmem:v38+s5+$0x0], $0xffff  }
0xdf: {  	v47 =	vsel vm0, v54, v47;
	vm0 =	vlt.f32 v37, v14;
	v37 =	vadd.s32 $0x800, v19;
	v42 =	vld.idx.msk [tilespmem:v48+s5+$0x0], $0xffff  }
0xe0: {  	v54 =	vadd.s32 $0x4, v47;
	v50 =	vsel vm0, v51, v50;
	v48 =	vld.idx.msk [tilespmem:v49+s5+$0x0], $0xffff;
	v49 =	vadd.s32 $0x3, v47  }
0xe1: {  	vm0 =	vlt.f32 v43, v15;
	v51 =	vadd.s32 $0x3, v50;
	v43 =	vld.idx.msk [tilespmem:v56+s5+$0x0], $0xffff;
	v56 =	vadd.s32 $0x4, v50  }
0xe2: {  	v23 =	vadd.s32 $0xC00, v23;
	v45 =	vadd.s32 $0xC00, v45;
	v41 =	vsel vm0, v57, v41;
	v57 =	vld.idx.msk [tilespmem:v59+s5+$0x0], $0xffff  }
0xe3: {  	v21 =	vadd.s32 $0xC00, v21;
	v59 =	vadd.s32 $0x3, v41;
	v62 =	vadd.s32 $0x4, v41;
	v60 =	vld.idx.msk [tilespmem:v60+s5+$0x0], $0xffff  }
0xe4: {  	v22 =	vadd.s32 $0xC00, v22;
	vm0 =	vlt.f32 v38, v7;
	v38 =	vadd.s32 $0x4, v33;
	v39 =	vld.idx.msk [tilespmem:v39+s5+$0x0], $0xffff  }
0xe5: {  	v24 =	vadd.s32 $0xC00, v24;
	vm1 =	vlt.f32 v42, v16;
	v33 =	vsel vm0, v38, v33;
	v42 =	vld.idx.msk [tilespmem:v49+s5+$0x0], $0xffff  }
0xe6: {  	v35 =	vsel vm1, v44, v35;
	vm0 =	vlt.f32 v48, v17;
	v44 =	vadd.s32 $0x1, v33;
	v38 =	vld.idx.msk [tilespmem:v51+s5+$0x0], $0xffff  }
0xe7: {  	v48 =	vadd.s32 $0x1, v35;
	v34 =	vsel vm0, v46, v34;
	vm0 =	vlt.f32 v43, v18;
	v43 =	vld.idx.msk [tilespmem:v58+s5+$0x0], $0xffff  }
0xe8: {  	v49 =	vadd.s32 $0x2, v35;
	v51 =	vadd.s32 $0x1, v34;
	v40 =	vsel vm0, v55, v40;
	v46 =	vld.idx.msk [tilespmem:v59+s5+$0x0], $0xffff  }
0xe9: {  	v55 =	vadd.s32 $0x2, v34;
	v58 =	vadd.s32 $0x1, v40;
	vm0 =	vlt.f32 v60, v12;
	v37 =	vld.idx.msk [tilespmem:v37+s5+$0x0], $0xffff  }
0xea: {  	v59 =	vadd.s32 $0x2, v40;
	v60 =	vadd.s32 $0xC00, v20;
	v36 =	vsel vm0, v61, v36;
	v45 =	vld.idx.msk [tilespmem:v45+s5+$0x0], $0xffff  }
0xeb: {  	v20 =	vadd.s32 $0x1, v36;
	v61 =	vadd.s32 $0x2, v36;
	vm0 =	vlt.f32 v42, v13;
	v42 =	vld.idx.msk [tilespmem:v44+s5+$0x0], $0xffff  }
0xec: {  	v47 =	vsel vm0, v54, v47;
	vm0 =	vlt.f32 v38, v14;
	v38 =	vadd.s32 $0xC00, v19;
	v44 =	vld.idx.msk [tilespmem:v48+s5+$0x0], $0xffff  }
0xed: {  	v48 =	vadd.s32 $0x1, v47;
	v50 =	vsel vm0, v56, v50;
	v19 =	vld.idx.msk [tilespmem:v51+s5+$0x0], $0xffff;
	v51 =	vadd.s32 $0x2, v47  }
0xee: {  	vm0 =	vlt.f32 v46, v15;
	v54 =	vadd.s32 $0x1, v50;
	v56 =	vadd.s32 $0x2, v50;
	v46 =	vld.idx.msk [tilespmem:v58+s5+$0x0], $0xffff  }
0xef: {  	v25 =	vmul.f32 v25, v6;
	v11 =	vmul.f32 v32, v11;
	v41 =	vsel vm0, v62, v41;
	v23 =	vld.idx.msk [tilespmem:v23+s5+$0x0], $0xffff  }
0xf0: {  	v6 =	vmovc v16;
	v26 =	vmul.f32 v26, v5;
	v5 =	vmovc v17;
	v32 =	vadd.s32 $0x1, v41;
	v58 =	vadd.s32 $0x2, v41;
	v62 =	vld.idx.msk [tilespmem:v20+s5+$0x0], $0xffff  }
0xf1: {  	v16 =	vadd.s32 $0x2, v33;
	v17 =	vmul.f32 v27, v4;
	v4 =	vmovc v18;
	vm0 =	vlt.f32 v42, v7;
	v42 =	vld.idx.msk [tilespmem:v21+s5+$0x0], $0xffff  }
0xf2: {  	v8 =	vmul.f32 v28, v8;
	vm1 =	vlt.f32 v44, v6;
	v33 =	vsel vm0, v16, v33;
	v21 =	vld.idx.msk [tilespmem:v48+s5+$0x0], $0xffff  }
0xf3: {  	v9 =	vmul.f32 v29, v9;
	v18 =	vsel vm1, v49, v35;
	vm0 =	vlt.f32 v19, v5;
	v27 =	vld.idx.msk [tilespmem:v54+s5+$0x0], $0xffff  }
0xf4: {  	v10 =	vmul.f32 v30, v10;
	v20 =	vsel vm0, v55, v34;
	vm0 =	vlt.f32 v46, v4;
	v34 =	vld.idx.msk [tilespmem:v22+s5+$0x0], $0xffff  }
0xf5: {  	v11 =	vadd.f32 v31, v11;
	v29 =	vadd.f32 v52, v25;
	v22 =	vsel vm0, v59, v40;
	v28 =	vld.idx.msk [tilespmem:v32+s5+$0x0], $0xffff  }
0xf6: {  	v30 =	vadd.f32 v53, v26;
	v31 =	vadd.f32 v57, v17;
	vm0 =	vlt.f32 v62, v12;
	v17 =	vld.idx.msk [tilespmem:v24+s5+$0x0], $0xffff  }
0xf7: {  	v26 =	vadd.f32 v43, v9;
	v16 =	vadd.f32 v39, v8;
	v24 =	vsel vm0, v61, v36;
	v32 =	vld.idx.msk [tilespmem:v33+s5+$0x0], $0xffff  }
0xf8: {  	v8 =	vmov v12;
	v19 =	vadd.f32 v37, v10;
	vm0 =	vlt.f32 v21, v13;
	v35 =	vld.idx.msk [tilespmem:v18+s5+$0x0], $0xffff;
	[tilespmem:s12+$0xFFFFFFC0] =	vst v11  }
0xf9: {  	v9 =	vmov v13;
	v25 =	vsel vm0, v51, v47;
	vm0 =	vlt.f32 v27, v14;
	v36 =	vld.idx.msk [tilespmem:v20+s5+$0x0], $0xffff;
	[tilespmem:s18+$0xFFFFFFC0] =	vst v45  }
0xfa: {  	v10 =	vmov v14;
	v11 =	vmov v15;
	v13 =	vsel vm0, v56, v50;
	v21 =	vld.idx.msk [tilespmem:v22+s5+$0x0], $0xffff;
	[tilespmem:s12+$0xFFFFFFD0] =	vst v29  }
.Ltmp0:
0xfb: {  	vm0 =	vlt.f32 v28, v11;
	[tilespmem:s18+$0xFFFFFFD0] =	vst v23;
	v14 =	vld.idx.msk [tilespmem:v60+s5+$0x0], $0xffff;
	(pc) =	sbr.rel @p1 .LBB2_4-.Ltmp0, $4  }
0xfc: {  	v27 =	vsel vm0, v58, v41;
	v29 =	vld.idx.msk [tilespmem:v24+s5+$0x0], $0xffff;
	[tilespmem:s12+$0xFFFFFFE0] =	vst v30  }
0xfd: {  	vm0 =	vlt.f32 v32, v7;
	[tilespmem:s18+$0xFFFFFFE0] =	vst v42;
	v12 =	vld.idx.msk [tilespmem:v38+s5+$0x0], $0xffff  }
0xfe: {  	vm1 =	vlt.f32 v35, v6;
	v30 =	vsel vm0, $0x1, v0;
	v15 =	vld.idx.msk [tilespmem:v25+s5+$0x0], $0xffff;
	[tilespmem:s12+$0xFFFFFFF0] =	vst v31  }
0xff: {  	v23 =	vsel vm1, $0x1, v0;
	vm0 =	vlt.f32 v36, v5;
	v30 =	vadd.s32 v30, v33;
	v28 =	vld.idx.msk [tilespmem:v13+s5+$0x0], $0xffff;
	[tilespmem:s18+$0xFFFFFFF0] =	vst v34  }
0x100: {  	v3 =	vadd.s32 $0x400, v30  }
0x101: {  	v62 =	vadd.s32 $0x800, v30  }
0x102: {  	v2 =	vsel vm0, $0x1, v0;
	v18 =	vadd.s32 v23, v18;
	v33 =	vadd.s32 $0xC00, v30  }
0x103: {  	v2 =	vadd.s32 v2, v20;
	v34 =	vadd.s32 $0x400, v18  }
0x104: {  	v1 =	vld.idx.msk [tilespmem:v27+s5+$0x0], $0xffff;
	vm11 =	vlt.f32 v21, v4;
	v35 =	vadd.s32 $0x400, v2  }
0x105: {  	v21 =	vsel vm11, $0x1, v0;
	v44 =	vadd.s32 $0x800, v2;
	v3 =	vld.idx.msk [tilespmem:v3+s5+$0x0], $0xffff  }
0x106: {  	v63 =	vadd.s32 v21, v22;
	v2 =	vadd.s32 $0xC00, v2;
	v23 =	vld.idx.msk [tilespmem:v62+s5+$0x0], $0xffff  }
0x107: {  	v31 =	vadd.s32 $0x400, v63;
	v21 =	vld.idx.msk [tilespmem:v33+s5+$0x0], $0xffff  }
0x108: {  	vm12 =	vlt.f32 v29, v8;
	v20 =	vadd.s32 $0xC00, v63;
	v22 =	vld.idx.msk [tilespmem:v34+s5+$0x0], $0xffff  }
0x109: {  	v36 =	vsel vm12, $0x1, v0;
	v33 =	vadd.s32 $0x800, v18;
	v41 =	vld.idx.msk [tilespmem:v35+s5+$0x0], $0xffff  }
0x10a: {  	vm14 =	vlt.f32 v15, v9;
	v46 =	vadd.s32 $0x800, v63;
	v18 =	vadd.s32 $0xC00, v18;
	v52 =	vld.idx.msk [tilespmem:v44+s5+$0x0], $0xffff  }
0x10b: {  	v15 =	vsel vm14, $0x1, v0;
	vm13 =	vlt.f32 v1, v11;
	v1 =	vadd.s32 v36, v24;
	v2 =	vld.idx.msk [tilespmem:v2+s5+$0x0], $0xffff  }
0x10c: {  	v15 =	vadd.s32 v15, v25;
	v30 =	vadd.s32 $0x400, v1;
	v31 =	vld.idx.msk [tilespmem:v31+s5+$0x0], $0xffff  }
0x10d: {  	v40 =	vadd.s32 $0x400, v15;
	v57 =	vld.idx.msk [tilespmem:v20+s5+$0x0], $0xffff  }
0x10e: {  	[tilespmem:s12+$0x0] =	vst v16;
	vm15 =	vlt.f32 v28, v10;
	v37 =	vsel vm13, $0x1, v0;
	v50 =	vadd.s32 $0x800, v1;
	v48 =	vld.idx.msk [tilespmem:v33+s5+$0x0], $0xffff  }
0x10f: {  	[tilespmem:s12+$0x10] =	vst v26;
	v39 =	vsel vm15, $0x1, v0;
	v1 =	vadd.s32 $0xC00, v1;
	v24 =	vadd.s32 v37, v27;
	v18 =	vld.idx.msk [tilespmem:v18+s5+$0x0], $0xffff  }
0x110: {  	[tilespmem:s12+$0x20] =	vst v19;
	v13 =	vadd.s32 v39, v13;
	v38 =	vadd.s32 $0x400, v24;
	v3 =	vmul.f32 v3, v7;
	v7 =	vld.idx.msk [tilespmem:v46+s5+$0x0], $0xffff  }
0x111: {  	[tilespmem:s18+$0x0] =	vst v17;
	v32 =	vadd.s32 $0x400, v13;
	v30 =	vld.idx.msk [tilespmem:v30+s5+$0x0], $0xffff  }
0x112: {  	[tilespmem:s18+$0x10] =	vst v14;
	v42 =	vadd.s32 $0x800, v24;
	v43 =	vld.idx.msk [tilespmem:v40+s5+$0x0], $0xffff;
	v3 =	vadd.f32 v23, v3;
	v5 =	vmul.f32 v41, v5  }
0x113: {  	s24 =	sadd.s32 $0x400, s12;
	[tilespmem:s18+$0x20] =	vst v12;
	v53 =	vadd.s32 $0x800, v13;
	v6 =	vmul.f32 v22, v6;
	v54 =	vld.idx.msk [tilespmem:v50+s5+$0x0], $0xffff  }
0x114: {  	s31 =	sadd.s32 $0x400, s18;
	v1 =	vld.idx.msk [tilespmem:v1+s5+$0x0], $0xffff;
	[tilespmem:s24+$0x30] =	vst v3;
	v3 =	vadd.s32 $0x800, v15;
	v5 =	vadd.f32 v52, v5  }
0x115: {  	v24 =	vadd.s32 $0xC00, v24;
	v25 =	vld.idx.msk [tilespmem:v38+s5+$0x0], $0xffff;
	v56 =	vmul.f32 v31, v4;
	[tilespmem:s31+$0x30] =	vst v21;
	v6 =	vadd.f32 v48, v6  }
0x116: {  	v47 =	vld.idx.msk [tilespmem:v32+s5+$0x0], $0xffff;
	[tilespmem:s24+$0xFFFFFFE0] =	vst v5  }
0x117: {  	v45 =	vld.idx.msk [tilespmem:v42+s5+$0x0], $0xffff;
	v4 =	vadd.f32 v7, v56;
	[tilespmem:s24+$0xFFFFFFD0] =	vst v6  }
0x118: {  	v55 =	vadd.s32 $0xC00, v15;
	v60 =	vld.idx.msk [tilespmem:v53+s5+$0x0], $0xffff;
	v59 =	vmul.f32 v30, v8;
	[tilespmem:s31+$0xFFFFFFE0] =	vst v2  }
0x119: {  	v58 =	vadd.s32 $0xC00, v13;
	[tilespmem:s24+$0xFFFFFFF0] =	vst v4;
	v3 =	vld.idx.msk [tilespmem:v3+s5+$0x0], $0xffff  }
0x11a: {  	v51 =	vld.idx.msk [tilespmem:v24+s5+$0x0], $0xffff;
	v49 =	vmul.f32 v25, v11;
	[tilespmem:s31+$0xFFFFFFD0] =	vst v18;
	v61 =	vadd.f32 v54, v59  }
0x11b: {  	[tilespmem:s31+$0xFFFFFFF0] =	vst v57  }
0x11c: {  	v2 =	vmul.f32 v43, v9;
	v63 =	vmul.f32 v47, v10;
	v11 =	vadd.f32 v45, v49;
	[tilespmem:s24+$0x0] =	vst v61  }
0x11d: {  	s26 =	sadd.s32 $0x1, s26;
	v62 =	vld.idx.msk [tilespmem:v55+s5+$0x0], $0xffff;
	[tilespmem:s31+$0x0] =	vst v1  }
0x11e: {  	p1 =	sne.s32 s26, $0x10;
	v1 =	vadd.f32 v60, v63;
	[tilespmem:s24+$0xFFFFFFC0] =	vst v11;
	v2 =	vadd.f32 v3, v2;
	v3 =	vld.idx.msk [tilespmem:v58+s5+$0x0], $0xffff  }
.Ltmp1:
0x11f: {  	[tilespmem:s31+$0xFFFFFFC0] =	vst v51;
	(pc) =	sbr.rel @p1 .LBB2_3-.Ltmp1, $4  }
0x120: {  	[tilespmem:s24+$0x20] =	vst v1  }
0x121: {  	[tilespmem:s24+$0x10] =	vst v2  }
0x122: {  	[tilespmem:s31+$0x10] =	vst v62  }
0x123: {  	s10 =	sadd.s32 $0x400, s10;
	s14 =	sadd.s32 $0x1, s14;
	[tilespmem:s31+$0x20] =	vst v3  }
0x124: {  	p1 =	sne.s32 s2, $0xE  }
.Ltmp2:
0x125: {  	s10 =	sadd.s32 s7, s6;
	(pc) =	sbr.rel @p1 .LBB2_8-.Ltmp2, $4  }
0x126: {  	s12 =	sadd.s32 s3, s10  }
0x127: {  	[hbm4b:s12+s15] =	stream.strided.scatter [tilespmem:s20], [sflag:$0x3], $0x4000, s16, s15, $0x38;
	[tilespmem:$0x19000] =	vst v63  }
0x128: {  	s10 =	sadd.s32 s4, s10  }
0x129: {  	[hbm4b:s10+s15] =	stream.strided.scatter [tilespmem:s21], [sflag:$0x3], $0x4000, s16, s15, $0x38;
	[tilespmem:$0x19000] =	vst v63  }
.Ltmp3:
0x12a: {  	(pc) =	sbr.rel .LBB2_9-.Ltmp3, $4  }
0x12b: {  	_ = 	snop  }
0x12c: {  	_ =	swait.ge [sflag:s22], $0x4000  }
0x12d: {  	[sflag:s22] =	ssyncset.done $0x0  }
0x12e: {  	[sflag:s22] =	ssyncadd.s32 $0xFFFFC000  }
.LBB2_8:
0x12f: {  	s10 =	rddreg [dreg:$0x7]  }
.Ltmp4:
0x130: {  	s6 =	sadd.s32 s6, s10;
	(pc) =	sbr.rel @p0 .LBB2_10-.Ltmp4, $4  }
0x131: {  	[tilespmem:s17], [sflag:$0x1] =	stream.strided.gather [hbm4b:s6+s15], $0x4000, s16, s15, $0x38;
	[tilespmem:$0x19000] =	vst v63  }
0x132: {  	_ =	swait.ge [sflag:s22], $0x4000  }
0x133: {  	[sflag:s22] =	ssyncset.done $0x0  }
0x134: {  	[sflag:s22] =	ssyncadd.s32 $0xFFFFC000  }
.LBB2_9:
0x135: {  	_ =	swait.ge [sflag:s23], $0x4000  }
0x136: {  	[sflag:s23] =	ssyncset.done $0x0  }
0x137: {  	[sflag:s23] =	ssyncadd.s32 $0xFFFFC000  }
0x138: {  	_ =	swait.ge [sflag:s23], $0x4000  }
0x139: {  	[sflag:s23] =	ssyncset.done $0x0  }
0x13a: {  	[sflag:s23] =	ssyncadd.s32 $0xFFFFC000  }
.LBB2_10:
0x13b: {  	s6 =	simm.s32 $0x0;
	s10 =	simm.s32 $0x0;
	s14 =	simm.s32 $0x0  }
.LBB2_11:
0x13c: {  	s12 =	sshll.u32 s14, $0x6  }
0x13d: {  	s31 =	sshll.u32 s10, $0x2;
	s18 =	sand.u32 $0x7, s6;
	v1 =	vmov s12  }
0x13e: {  	s12 =	sand.u32 $0xFFFF8000, s31;
	s18 =	sshll.u32 s18, $0x9;
	v2 =	vor.u32 $0x1F, v1  }
0x13f: {  	s12 =	sor.u32 s18, s12  }
0x140: {  	s18 =	sshrl.u32 s12, $0x2  }
0x141: {  	s12 =	sadd.s32 $0x5040, s18  }
0x142: {  	v19 =	vld [tilespmem:s12+$0x30]  }
0x143: {  	v4 =	vld.idx.msk [tilespmem:v2+s5+$0x0], $0xffff  }
0x144: {  	v17 =	vld [tilespmem:s12+$0xFFFFFFD0]  }
0x145: {  	v14 =	vld [tilespmem:s12+$0xFFFFFFE0];
	_ =	sdelay $0x1  }
0x146: {  	v15 =	vld [tilespmem:s12+$0xFFFFFFF0]  }
0x147: {  	v3 =	vor.u32 $0x20, v1;
	v13 =	vld [tilespmem:s12+$0x0];
	vm0 =	vlt.f32 v4, v19  }
0x148: {  	v12 =	vld [tilespmem:s12+$0x10];
	v5 =	vsel vm0, v3, v1;
	vm0 =	vlt.f32 v4, v17  }
0x149: {  	v16 =	vld [tilespmem:s12+$0x20];
	v6 =	vor.u32 $0xF, v5;
	v7 =	vsel vm0, v3, v1;
	vm0 =	vlt.f32 v4, v14  }
0x14a: {  	v8 =	vor.u32 $0xF, v7;
	v9 =	vsel vm0, v3, v1  }
0x14b: {  	vm0 =	vlt.f32 v4, v15;
	v10 =	vor.u32 $0xF, v9  }
0x14c: {  	v18 =	vld [tilespmem:s12+$0xFFFFFFC0];
	v11 =	vsel vm0, v3, v1;
	vm0 =	vlt.f32 v4, v13  }
0x14d: {  	v20 =	vor.u32 $0xF, v11;
	v21 =	vsel vm0, v3, v1;
	vm0 =	vlt.f32 v4, v12  }
0x14e: {  	v22 =	vor.u32 $0xF, v21;
	v23 =	vsel vm0, v3, v1;
	vm0 =	vlt.f32 v4, v16;
	v6 =	vld.idx.msk [tilespmem:v6+s5+$0x0], $0xffff  }
0x14f: {  	v24 =	vor.u32 $0xF, v23;
	v25 =	vsel vm0, v3, v1;
	v8 =	vld.idx.msk [tilespmem:v8+s5+$0x0], $0xffff  }
0x150: {  	v26 =	vor.u32 $0xF, v25;
	v10 =	vld.idx.msk [tilespmem:v10+s5+$0x0], $0xffff  }
0x151: {  	vm0 =	vlt.f32 v4, v18  }
0x152: {  	v27 =	vor.u32 $0x10, v7;
	v28 =	vor.u32 $0x10, v9;
	v4 =	vld.idx.msk [tilespmem:v20+s5+$0x0], $0xffff;
	v20 =	vsel vm0, v3, v1  }
0x153: {  	v22 =	vld.idx.msk [tilespmem:v22+s5+$0x0], $0xffff;
	v31 =	vor.u32 $0xF, v20;
	vm0 =	vlt.f32 v6, v19;
	v6 =	vor.u32 $0x10, v5  }
0x154: {  	v29 =	vor.u32 $0x10, v11;
	v24 =	vld.idx.msk [tilespmem:v24+s5+$0x0], $0xffff;
	v5 =	vsel vm0, v6, v5;
	vm0 =	vlt.f32 v8, v17  }
0x155: {  	v8 =	vld.idx.msk [tilespmem:v26+s5+$0x0], $0xffff;
	v26 =	vor.u32 $0x7, v5;
	v7 =	vsel vm0, v27, v7;
	vm0 =	vlt.f32 v10, v14  }
0x156: {  	v30 =	vor.u32 $0x10, v21;
	v10 =	vor.u32 $0x7, v7;
	v9 =	vsel vm0, v28, v9  }
0x157: {  	v32 =	vor.u32 $0x10, v25;
	vm0 =	vlt.f32 v4, v15;
	v4 =	vor.u32 $0x7, v9  }
0x158: {  	v6 =	vor.u32 $0x10, v23;
	v11 =	vsel vm0, v29, v11;
	vm0 =	vlt.f32 v22, v13;
	v22 =	vld.idx.msk [tilespmem:v31+s5+$0x0], $0xffff  }
0x159: {  	v27 =	vor.u32 $0x7, v11;
	v21 =	vsel vm0, v30, v21;
	vm0 =	vlt.f32 v24, v12  }
0x15a: {  	v24 =	vor.u32 $0x7, v21;
	v6 =	vsel vm0, v6, v23;
	vm0 =	vlt.f32 v8, v16;
	v26 =	vld.idx.msk [tilespmem:v26+s5+$0x0], $0xffff  }
0x15b: {  	v8 =	vor.u32 $0x7, v6;
	v23 =	vsel vm0, v32, v25;
	v10 =	vld.idx.msk [tilespmem:v10+s5+$0x0], $0xffff  }
0x15c: {  	v25 =	vor.u32 $0x7, v23;
	v4 =	vld.idx.msk [tilespmem:v4+s5+$0x0], $0xffff  }
0x15d: {  	v28 =	vor.u32 $0x10, v20;
	vm0 =	vlt.f32 v22, v18  }
0x15e: {  	v29 =	vor.u32 $0x8, v7;
	v30 =	vor.u32 $0x8, v9;
	v22 =	vld.idx.msk [tilespmem:v27+s5+$0x0], $0xffff;
	v20 =	vsel vm0, v28, v20  }
0x15f: {  	v24 =	vld.idx.msk [tilespmem:v24+s5+$0x0], $0xffff;
	v28 =	vor.u32 $0x7, v20;
	vm0 =	vlt.f32 v26, v19;
	v26 =	vor.u32 $0x8, v5  }
0x160: {  	v31 =	vor.u32 $0x8, v11;
	v8 =	vld.idx.msk [tilespmem:v8+s5+$0x0], $0xffff;
	v5 =	vsel vm0, v26, v5;
	vm0 =	vlt.f32 v10, v17  }
0x161: {  	v10 =	vld.idx.msk [tilespmem:v25+s5+$0x0], $0xffff;
	v25 =	vadd.s32 $0x3, v5;
	v7 =	vsel vm0, v29, v7;
	vm0 =	vlt.f32 v4, v14  }
0x162: {  	v32 =	vor.u32 $0x8, v23;
	v4 =	vadd.s32 $0x3, v7;
	v9 =	vsel vm0, v30, v9  }
0x163: {  	v27 =	vor.u32 $0x8, v21;
	vm0 =	vlt.f32 v22, v15;
	v22 =	vadd.s32 $0x3, v9  }
0x164: {  	v26 =	vor.u32 $0x8, v6;
	v11 =	vsel vm0, v31, v11;
	vm0 =	vlt.f32 v24, v13;
	v24 =	vld.idx.msk [tilespmem:v28+s5+$0x0], $0xffff  }
0x165: {  	v28 =	vadd.s32 $0x3, v11;
	v21 =	vsel vm0, v27, v21;
	vm0 =	vlt.f32 v8, v12  }
0x166: {  	v8 =	vadd.s32 $0x3, v21;
	v6 =	vsel vm0, v26, v6;
	vm0 =	vlt.f32 v10, v16;
	v25 =	vld.idx.msk [tilespmem:v25+s5+$0x0], $0xffff  }
0x167: {  	v10 =	vadd.s32 $0x3, v6;
	v23 =	vsel vm0, v32, v23;
	v4 =	vld.idx.msk [tilespmem:v4+s5+$0x0], $0xffff  }
0x168: {  	v26 =	vadd.s32 $0x3, v23;
	v22 =	vld.idx.msk [tilespmem:v22+s5+$0x0], $0xffff  }
0x169: {  	v27 =	vor.u32 $0x8, v20;
	vm0 =	vlt.f32 v24, v18  }
0x16a: {  	v29 =	vadd.s32 $0x4, v7;
	v30 =	vadd.s32 $0x4, v9;
	v24 =	vld.idx.msk [tilespmem:v28+s5+$0x0], $0xffff;
	v20 =	vsel vm0, v27, v20  }
0x16b: {  	v8 =	vld.idx.msk [tilespmem:v8+s5+$0x0], $0xffff;
	v28 =	vadd.s32 $0x3, v20;
	vm0 =	vlt.f32 v25, v19;
	v25 =	vadd.s32 $0x4, v5  }
0x16c: {  	v31 =	vadd.s32 $0x4, v11;
	v10 =	vld.idx.msk [tilespmem:v10+s5+$0x0], $0xffff;
	v5 =	vsel vm0, v25, v5;
	vm0 =	vlt.f32 v4, v17  }
0x16d: {  	v4 =	vld.idx.msk [tilespmem:v26+s5+$0x0], $0xffff;
	v26 =	vadd.s32 $0x1, v5;
	v7 =	vsel vm0, v29, v7;
	vm0 =	vlt.f32 v22, v14  }
0x16e: {  	v32 =	vadd.s32 $0x4, v23;
	v22 =	vadd.s32 $0x1, v7;
	v9 =	vsel vm0, v30, v9  }
0x16f: {  	v27 =	vadd.s32 $0x4, v21;
	vm0 =	vlt.f32 v24, v15;
	v24 =	vadd.s32 $0x1, v9  }
0x170: {  	v25 =	vadd.s32 $0x4, v6;
	v11 =	vsel vm0, v31, v11;
	vm0 =	vlt.f32 v8, v13;
	v8 =	vld.idx.msk [tilespmem:v28+s5+$0x0], $0xffff  }
0x171: {  	v28 =	vadd.s32 $0x1, v11;
	v21 =	vsel vm0, v27, v21;
	vm0 =	vlt.f32 v10, v12  }
0x172: {  	v10 =	vadd.s32 $0x1, v21;
	v6 =	vsel vm0, v25, v6;
	vm0 =	vlt.f32 v4, v16;
	v26 =	vld.idx.msk [tilespmem:v26+s5+$0x0], $0xffff  }
0x173: {  	v4 =	vadd.s32 $0x1, v6;
	v23 =	vsel vm0, v32, v23;
	v22 =	vld.idx.msk [tilespmem:v22+s5+$0x0], $0xffff  }
0x174: {  	v25 =	vadd.s32 $0x1, v23;
	v24 =	vld.idx.msk [tilespmem:v24+s5+$0x0], $0xffff  }
0x175: {  	v27 =	vadd.s32 $0x4, v20;
	vm0 =	vlt.f32 v8, v18  }
0x176: {  	v28 =	vld.idx.msk [tilespmem:v28+s5+$0x0], $0xffff;
	v20 =	vsel vm0, v27, v20  }
0x177: {  	v8 =	vld.idx.msk [tilespmem:v10+s5+$0x0], $0xffff;
	v10 =	vadd.s32 $0x2, v5;
	vm1 =	vlt.f32 v26, v19;
	v26 =	vadd.s32 $0x1, v20  }
0x178: {  	v4 =	vld.idx.msk [tilespmem:v4+s5+$0x0], $0xffff;
	v5 =	vsel vm1, v10, v5;
	v10 =	vadd.s32 $0x2, v7;
	vm0 =	vlt.f32 v22, v17  }
0x179: {  	v22 =	vld.idx.msk [tilespmem:v25+s5+$0x0], $0xffff;
	v25 =	vadd.s32 $0x2, v9;
	v10 =	vsel vm0, v10, v7;
	vm0 =	vlt.f32 v24, v14  }
0x17a: {  	v9 =	vsel vm0, v25, v9  }
0x17b: {  	v7 =	vadd.s32 $0x2, v11;
	vm0 =	vlt.f32 v28, v15  }
0x17c: {  	v30 =	vld.idx.msk [tilespmem:v2+s5+$0x0], $0xffff;
	v24 =	vadd.s32 $0x2, v21;
	v11 =	vsel vm0, v7, v11;
	vm0 =	vlt.f32 v8, v13  }
0x17d: {  	v7 =	vadd.s32 $0x2, v6;
	v21 =	vsel vm0, v24, v21;
	vm0 =	vlt.f32 v4, v12;
	v8 =	vld.idx.msk [tilespmem:v5+s5+$0x0], $0xffff  }
0x17e: {  	v4 =	vadd.s32 $0x2, v23;
	v24 =	vld.idx.msk [tilespmem:v26+s5+$0x0], $0xffff;
	v25 =	vsel vm0, v7, v6;
	vm0 =	vlt.f32 v22, v16  }
0x17f: {  	v27 =	vsel vm0, v4, v23;
	v4 =	vld.idx.msk [tilespmem:v9+s5+$0x0], $0xffff  }
0x180: {  	v6 =	vld.idx.msk [tilespmem:v10+s5+$0x0], $0xffff  }
0x181: {  	v22 =	vld.idx.msk [tilespmem:v11+s5+$0x0], $0xffff  }
0x182: {  	v26 =	vld.idx.msk [tilespmem:v21+s5+$0x0], $0xffff;
	vm0 =	vlt.f32 v8, v19  }
0x183: {  	s26 =	sadd.s32 $0x400, s12;
	v28 =	vld.idx.msk [tilespmem:v25+s5+$0x0], $0xffff;
	v7 =	vsel vm0, $0x1, v0;
	vm0 =	vlt.f32 v24, v18  }
0x184: {  	v8 =	vadd.s32 v7, v5;
	v5 =	vadd.s32 $0x2, v20;
	v7 =	vld [tilespmem:s26+$0x30];
	vm1 =	vlt.f32 v4, v14  }
0x185: {  	v24 =	vadd.s32 $0x400, v8;
	v31 =	vsel vm0, v5, v20;
	vm0 =	vlt.f32 v6, v17;
	v6 =	vld [tilespmem:s26+$0xFFFFFFD0]  }
0x186: {  	vm2 =	vlt.f32 v22, v15;
	v58 =	vadd.s32 $0x800, v8;
	v5 =	vld [tilespmem:s26+$0xFFFFFFE0];
	v4 =	vsel vm0, $0x1, v0  }
0x187: {  	v20 =	vsel vm1, $0x1, v0;
	v33 =	vsel vm2, $0x1, v0;
	v23 =	vadd.s32 v4, v10;
	v4 =	vld [tilespmem:s26+$0xFFFFFFF0]  }
0x188: {  	v22 =	vadd.s32 v20, v9;
	v20 =	vadd.s32 v33, v11;
	v11 =	vadd.s32 $0xC00, v8;
	v8 =	vld [tilespmem:s26+$0x0]  }
0x189: {  	v29 =	vld.idx.msk [tilespmem:v27+s5+$0x0], $0xffff;
	vm0 =	vlt.f32 v26, v13;
	v35 =	vadd.s32 $0x400, v22;
	v59 =	vadd.s32 $0x400, v23  }
0x18a: {  	v34 =	vld.idx.msk [tilespmem:v24+s5+$0x0], $0xffff;
	v24 =	vsel vm0, $0x1, v0;
	vm0 =	vlt.f32 v30, v7;
	vm1 =	vlt.f32 v30, v6  }
0x18b: {  	v9 =	vld [tilespmem:s26+$0x10];
	v37 =	vsel vm0, v3, v1;
	v38 =	vsel vm1, v3, v1;
	vm0 =	vlt.f32 v30, v5  }
0x18c: {  	v10 =	vld [tilespmem:s26+$0x20];
	v24 =	vadd.s32 v24, v21;
	v39 =	vor.u32 $0xF, v37;
	v40 =	vor.u32 $0xF, v38  }
0x18d: {  	v32 =	vld.idx.msk [tilespmem:v58+s5+$0x0], $0xffff;
	v41 =	vsel vm0, v3, v1;
	vm0 =	vlt.f32 v30, v4;
	vm1 =	vlt.f32 v30, v8  }
0x18e: {  	v21 =	vld.idx.msk [tilespmem:v11+s5+$0x0], $0xffff;
	v42 =	vor.u32 $0xF, v41;
	v43 =	vsel vm0, v3, v1;
	vm0 =	vlt.f32 v28, v12  }
0x18f: {  	v11 =	vld [tilespmem:s26+$0xFFFFFFC0];
	v44 =	vsel vm1, v3, v1;
	v26 =	vsel vm0, $0x1, v0;
	vm0 =	vlt.f32 v29, v16  }
0x190: {  	v28 =	vor.u32 $0xF, v43;
	v29 =	vld.idx.msk [tilespmem:v31+s5+$0x0], $0xffff;
	v26 =	vadd.s32 v26, v25;
	v25 =	vsel vm0, $0x1, v0  }
0x191: {  	v36 =	vadd.s32 $0x400, v20;
	v45 =	vor.u32 $0xF, v44;
	v25 =	vadd.s32 v25, v27;
	v27 =	vld.idx.msk [tilespmem:v59+s5+$0x0], $0xffff  }
0x192: {  	v49 =	vor.u32 $0x10, v38;
	v54 =	vadd.s32 $0x400, v24;
	vm1 =	vlt.f32 v30, v9;
	v39 =	vld.idx.msk [tilespmem:v39+s5+$0x0], $0xffff  }
0x193: {  	v61 =	vor.u32 $0x10, v37;
	v46 =	vsel vm1, v3, v1;
	vm0 =	vlt.f32 v30, v10;
	v40 =	vld.idx.msk [tilespmem:v40+s5+$0x0], $0xffff  }
0x194: {  	v47 =	vor.u32 $0xF, v46;
	v48 =	vsel vm0, v3, v1;
	vm0 =	vlt.f32 v30, v11;
	v42 =	vld.idx.msk [tilespmem:v42+s5+$0x0], $0xffff  }
0x195: {  	v51 =	vor.u32 $0x10, v41;
	v50 =	vor.u32 $0xF, v48;
	v53 =	vsel vm0, v3, v1;
	v30 =	vld.idx.msk [tilespmem:v28+s5+$0x0], $0xffff  }
0x196: {  	v52 =	vor.u32 $0x10, v43;
	v60 =	vor.u32 $0x10, v44;
	v55 =	vor.u32 $0xF, v53;
	v45 =	vld.idx.msk [tilespmem:v45+s5+$0x0], $0xffff  }
0x197: {  	v19 =	vmul.f32 v34, v19;
	v56 =	vadd.s32 $0x400, v26;
	v28 =	vld.idx.msk [tilespmem:v35+s5+$0x0], $0xffff;
	vm0 =	vlt.f32 v39, v7  }
0x198: {  	vm1 =	vlt.f32 v29, v18;
	v29 =	vld.idx.msk [tilespmem:v36+s5+$0x0], $0xffff;
	v35 =	vsel vm0, v61, v37;
	vm0 =	vlt.f32 v40, v6  }
0x199: {  	v37 =	vld.idx.msk [tilespmem:v47+s5+$0x0], $0xffff;
	v38 =	vsel vm0, v49, v38;
	vm0 =	vlt.f32 v42, v5;
	v62 =	vor.u32 $0x7, v35  }
0x19a: {  	v39 =	vld.idx.msk [tilespmem:v50+s5+$0x0], $0xffff;
	v63 =	vor.u32 $0x7, v38;
	v41 =	vsel vm0, v51, v41;
	vm0 =	vlt.f32 v30, v4  }
0x19b: {  	v36 =	vld.idx.msk [tilespmem:v55+s5+$0x0], $0xffff;
	v30 =	vsel vm1, $0x1, v0;
	v57 =	vor.u32 $0x7, v41;
	v43 =	vsel vm0, v52, v43  }
0x19c: {  	v49 =	vadd.s32 v30, v31;
	vm0 =	vlt.f32 v45, v8;
	v30 =	vld.idx.msk [tilespmem:v54+s5+$0x0], $0xffff;
	v58 =	vor.u32 $0x7, v43  }
0x19d: {  	v59 =	vor.u32 $0x10, v46;
	v31 =	vld.idx.msk [tilespmem:v56+s5+$0x0], $0xffff;
	v44 =	vsel vm0, v60, v44;
	v60 =	vadd.s32 $0x400, v49  }
0x19e: {  	v54 =	vadd.s32 $0x800, v49;
	v49 =	vadd.s32 $0xC00, v49;
	vm0 =	vlt.f32 v37, v9;
	v62 =	vld.idx.msk [tilespmem:v62+s5+$0x0], $0xffff  }
0x19f: {  	v61 =	vor.u32 $0x10, v48;
	v52 =	vor.u32 $0x7, v44;
	v42 =	vsel vm0, v59, v46;
	v40 =	vld.idx.msk [tilespmem:v63+s5+$0x0], $0xffff  }
0x1a0: {  	vm0 =	vlt.f32 v39, v10;
	v59 =	vor.u32 $0x10, v53;
	v63 =	vadd.s32 $0x400, v25;
	v45 =	vld.idx.msk [tilespmem:v57+s5+$0x0], $0xffff  }
0x1a1: {  	v46 =	vor.u32 $0x7, v42;
	v47 =	vsel vm0, v61, v48;
	vm0 =	vlt.f32 v36, v11;
	v36 =	vld.idx.msk [tilespmem:v58+s5+$0x0], $0xffff  }
0x1a2: {  	v19 =	vadd.f32 v32, v19;
	v50 =	vor.u32 $0x7, v47;
	v48 =	vsel vm0, v59, v53;
	v53 =	vld.idx.msk [tilespmem:v60+s5+$0x0], $0xffff  }
0x1a3: {  	v27 =	vmul.f32 v27, v17;
	v55 =	vadd.s32 $0x800, v26;
	v26 =	vadd.s32 $0xC00, v26;
	v49 =	vld.idx.msk [tilespmem:v49+s5+$0x0], $0xffff  }
0x1a4: {  	v51 =	vor.u32 $0x8, v38;
	v60 =	vor.u32 $0x8, v41;
	v57 =	vor.u32 $0x7, v48;
	v52 =	vld.idx.msk [tilespmem:v52+s5+$0x0], $0xffff  }
0x1a5: {  	v58 =	vadd.s32 $0x800, v23;
	v23 =	vadd.s32 $0xC00, v23;
	vm0 =	vlt.f32 v62, v7;
	v33 =	vld.idx.msk [tilespmem:v63+s5+$0x0], $0xffff  }
0x1a6: {  	v62 =	vor.u32 $0x8, v35;
	v63 =	vadd.s32 $0x800, v22;
	vm1 =	vlt.f32 v40, v6;
	v40 =	vld.idx.msk [tilespmem:v46+s5+$0x0], $0xffff  }
0x1a7: {  	v35 =	vsel vm0, v62, v35;
	v37 =	vsel vm1, v51, v38;
	vm0 =	vlt.f32 v45, v5;
	v38 =	vld.idx.msk [tilespmem:v50+s5+$0x0], $0xffff  }
0x1a8: {  	v45 =	vadd.s32 $0x3, v35;
	v41 =	vsel vm0, v60, v41;
	vm0 =	vlt.f32 v36, v4;
	v36 =	vld.idx.msk [tilespmem:v54+s5+$0x0], $0xffff  }
0x1a9: {  	v14 =	vmul.f32 v28, v14;
	v15 =	vmul.f32 v29, v15;
	v46 =	vadd.s32 $0x3, v37;
	v34 =	vld.idx.msk [tilespmem:v57+s5+$0x0], $0xffff  }
0x1aa: {  	v61 =	vor.u32 $0x8, v43;
	v62 =	vadd.s32 $0x800, v20;
	v23 =	vld.idx.msk [tilespmem:v23+s5+$0x0], $0xffff;
	v50 =	vadd.s32 $0x3, v41  }
0x1ab: {  	v60 =	vor.u32 $0x8, v44;
	v43 =	vsel vm0, v61, v43;
	vm0 =	vlt.f32 v52, v8;
	v52 =	vld.idx.msk [tilespmem:v58+s5+$0x0], $0xffff  }
0x1ac: {  	v22 =	vadd.s32 $0xC00, v22;
	v54 =	vadd.s32 $0x3, v43;
	v44 =	vsel vm0, v60, v44;
	v39 =	vld.idx.msk [tilespmem:v63+s5+$0x0], $0xffff  }
0x1ad: {  	v61 =	vor.u32 $0x8, v42;
	v60 =	vadd.s32 $0x3, v44;
	vm0 =	vlt.f32 v40, v9;
	v40 =	vld.idx.msk [tilespmem:v45+s5+$0x0], $0xffff  }
0x1ae: {  	v63 =	vor.u32 $0x8, v47;
	v42 =	vsel vm0, v61, v42;
	vm0 =	vlt.f32 v38, v10;
	v46 =	vld.idx.msk [tilespmem:v46+s5+$0x0], $0xffff  }
0x1af: {  	v29 =	vmul.f32 v30, v13;
	v38 =	vadd.s32 $0x3, v42;
	v47 =	vsel vm0, v63, v47;
	v32 =	vld.idx.msk [tilespmem:v50+s5+$0x0], $0xffff  }
0x1b0: {  	v61 =	vor.u32 $0x8, v48;
	vm0 =	vlt.f32 v34, v11;
	v51 =	vadd.s32 $0x3, v47;
	v50 =	vld.idx.msk [tilespmem:v62+s5+$0x0], $0xffff  }
0x1b1: {  	v56 =	vadd.s32 $0x4, v41;
	v58 =	vadd.s32 $0x4, v43;
	v48 =	vsel vm0, v61, v48;
	v34 =	vld.idx.msk [tilespmem:v54+s5+$0x0], $0xffff  }
0x1b2: {  	v45 =	vadd.s32 $0x800, v24;
	v63 =	vadd.s32 $0x4, v44;
	v59 =	vadd.s32 $0x3, v48;
	v57 =	vld.idx.msk [tilespmem:v60+s5+$0x0], $0xffff  }
0x1b3: {  	v62 =	vadd.s32 $0x4, v35;
	v61 =	vld.idx.msk [tilespmem:v22+s5+$0x0], $0xffff;
	v54 =	vadd.s32 $0x4, v37;
	vm0 =	vlt.f32 v40, v7  }
0x1b4: {  	v60 =	vadd.s32 $0x800, v25;
	vm1 =	vlt.f32 v46, v6;
	v38 =	vld.idx.msk [tilespmem:v38+s5+$0x0], $0xffff;
	v35 =	vsel vm0, v62, v35  }
0x1b5: {  	v37 =	vsel vm1, v54, v37;
	vm0 =	vlt.f32 v32, v5;
	v32 =	vld.idx.msk [tilespmem:v51+s5+$0x0], $0xffff;
	v40 =	vadd.s32 $0x1, v35  }
0x1b6: {  	v46 =	vadd.s32 $0x1, v37;
	v41 =	vsel vm0, v56, v41;
	vm0 =	vlt.f32 v34, v4;
	v34 =	vld.idx.msk [tilespmem:v55+s5+$0x0], $0xffff  }
0x1b7: {  	v54 =	vld.idx.msk [tilespmem:v59+s5+$0x0], $0xffff;
	v55 =	vadd.s32 $0x1, v41;
	v43 =	vsel vm0, v58, v43;
	vm0 =	vlt.f32 v57, v8  }
0x1b8: {  	v24 =	vadd.s32 $0xC00, v24;
	v45 =	vld.idx.msk [tilespmem:v45+s5+$0x0], $0xffff;
	v58 =	vadd.s32 $0x1, v43;
	v44 =	vsel vm0, v63, v44  }
0x1b9: {  	v56 =	vadd.s32 $0x4, v42;
	v57 =	vld.idx.msk [tilespmem:v60+s5+$0x0], $0xffff;
	v60 =	vadd.s32 $0x1, v44;
	vm0 =	vlt.f32 v38, v9  }
0x1ba: {  	v59 =	vadd.s32 $0x4, v47;
	v38 =	vld.idx.msk [tilespmem:v40+s5+$0x0], $0xffff;
	v42 =	vsel vm0, v56, v42;
	vm0 =	vlt.f32 v32, v10  }
0x1bb: {  	v51 =	vadd.s32 $0x4, v48;
	v40 =	vld.idx.msk [tilespmem:v46+s5+$0x0], $0xffff;
	v46 =	vadd.s32 $0x1, v42;
	v47 =	vsel vm0, v59, v47  }
0x1bc: {  	v32 =	vadd.s32 $0xC00, v20;
	vm0 =	vlt.f32 v54, v11;
	v20 =	vld.idx.msk [tilespmem:v55+s5+$0x0], $0xffff;
	v55 =	vadd.s32 $0x1, v47  }
0x1bd: {  	v62 =	vadd.s32 $0xC00, v25;
	v25 =	vmul.f32 v53, v18;
	v48 =	vsel vm0, v51, v48;
	v54 =	vld.idx.msk [tilespmem:v58+s5+$0x0], $0xffff  }
0x1be: {  	s12 =	sadd.s32 $0xD040, s18;
	v12 =	vmul.f32 v31, v12;
	v30 =	vmul.f32 v33, v16;
	v59 =	vadd.s32 $0x1, v48;
	v60 =	vld.idx.msk [tilespmem:v60+s5+$0x0], $0xffff  }
0x1bf: {  	s18 =	sadd.s32 $0x15040, s18;
	[tilespmem:s12+$0x30] =	vst v19;
	v17 =	vld.idx.msk [tilespmem:v24+s5+$0x0], $0xffff;
	v13 =	vadd.f32 v36, v25;
	vm0 =	vlt.f32 v38, v7;
	v38 =	vadd.s32 $0x2, v35  }
0x1c0: {  	[tilespmem:s18+$0x30] =	vst v21;
	v56 =	vadd.s32 $0x2, v37;
	vm1 =	vlt.f32 v40, v6;
	v21 =	vld.idx.msk [tilespmem:v46+s5+$0x0], $0xffff;
	v35 =	vsel vm0, v38, v35  }
0x1c1: {  	v58 =	vadd.s32 $0x2, v41;
	v18 =	vsel vm1, v56, v37;
	vm0 =	vlt.f32 v20, v5;
	v56 =	vld.idx.msk [tilespmem:v55+s5+$0x0], $0xffff  }
0x1c2: {  	v51 =	vadd.s32 $0x2, v43;
	v32 =	vld.idx.msk [tilespmem:v32+s5+$0x0], $0xffff;
	v20 =	vsel vm0, v58, v41;
	vm0 =	vlt.f32 v54, v4  }
0x1c3: {  	v19 =	vadd.s32 $0x2, v44;
	v28 =	vld.idx.msk [tilespmem:v59+s5+$0x0], $0xffff;
	v22 =	vsel vm0, v51, v43;
	vm0 =	vlt.f32 v60, v8  }
0x1c4: {  	v24 =	vsel vm0, v19, v44;
	v19 =	vadd.f32 v52, v27;
	v27 =	vadd.f32 v39, v14;
	v14 =	vld.idx.msk [tilespmem:v26+s5+$0x0], $0xffff  }
0x1c5: {  	[tilespmem:s12+$0xFFFFFFC0] =	vst v13;
	v63 =	vadd.f32 v50, v15;
	v16 =	vadd.s32 $0x2, v42;
	v31 =	vld.idx.msk [tilespmem:v35+s5+$0x0], $0xffff;
	vm0 =	vlt.f32 v21, v9  }
0x1c6: {  	[tilespmem:s18+$0xFFFFFFC0] =	vst v49;
	v13 =	vadd.s32 $0x2, v47;
	v59 =	vld.idx.msk [tilespmem:v18+s5+$0x0], $0xffff;
	v25 =	vsel vm0, v16, v42;
	vm0 =	vlt.f32 v56, v10  }
0x1c7: {  	[tilespmem:s12+$0xFFFFFFF0] =	vst v63;
	v60 =	vld.idx.msk [tilespmem:v20+s5+$0x0], $0xffff;
	v13 =	vsel vm0, v13, v47  }
0x1c8: {  	v26 =	vadd.f32 v34, v12;
	[tilespmem:s18+$0xFFFFFFF0] =	vst v32;
	v21 =	vld.idx.msk [tilespmem:v22+s5+$0x0], $0xffff  }
0x1c9: {  	v12 =	vld.idx.msk [tilespmem:v62+s5+$0x0], $0xffff;
	[tilespmem:s12+$0xFFFFFFD0] =	vst v19;
	v16 =	vadd.f32 v45, v29;
	v19 =	vadd.f32 v57, v30  }
0x1ca: {  	v15 =	vadd.s32 $0x2, v48;
	[tilespmem:s12+$0xFFFFFFE0] =	vst v27;
	vm0 =	vlt.f32 v28, v11;
	v29 =	vld.idx.msk [tilespmem:v24+s5+$0x0], $0xffff;
	vm1 =	vlt.f32 v31, v7  }
0x1cb: {  	[tilespmem:s18+$0xFFFFFFD0] =	vst v23;
	v27 =	vsel vm0, v15, v48;
	vm0 =	vlt.f32 v59, v6;
	v15 =	vld.idx.msk [tilespmem:v25+s5+$0x0], $0xffff;
	v30 =	vsel vm1, $0x1, v0  }
0x1cc: {  	s24 =	simm.s32 $0x8;
	[tilespmem:s18+$0xFFFFFFE0] =	vst v61;
	v23 =	vsel vm0, $0x1, v0;
	vm0 =	vlt.f32 v60, v5;
	v28 =	vld.idx.msk [tilespmem:v13+s5+$0x0], $0xffff;
	v30 =	vadd.s32 v30, v35  }
.LBB2_12:
0x1cd: {  	v31 =	vld.idx.msk [tilespmem:v2+s5+$0x0], $0xffff;
	v32 =	vsel vm0, $0x1, v0;
	vm0 =	vlt.f32 v21, v4;
	v33 =	vadd.s32 $0x400, v30;
	s26 =	sadd.s32 $0x400, s26;
	[tilespmem:s12+$0x0] =	vst v16  }
0x1ce: {  	s24 =	sadd.s32 $0x8, s24;
	v23 =	vadd.s32 v23, v18;
	v34 =	vld [tilespmem:s26+$0x30];
	v21 =	vadd.s32 v32, v20;
	v18 =	vsel vm0, $0x1, v0;
	[tilespmem:s18+$0x0] =	vst v17  }
0x1cf: {  	p0 =	slt.u32 s24, $0x38;
	vm0 =	vlt.f32 v29, v8;
	v29 =	vadd.s32 $0x800, v30;
	v16 =	vld [tilespmem:s26+$0xFFFFFFD0];
	v22 =	vadd.s32 v18, v22;
	[tilespmem:s12+$0x10] =	vst v26  }
0x1d0: {  	v26 =	vadd.s32 $0x400, v23;
	v32 =	vadd.s32 $0x400, v21;
	v20 =	vsel vm0, $0x1, v0;
	v17 =	vld [tilespmem:s26+$0xFFFFFFE0];
	[tilespmem:s18+$0x10] =	vst v14  }
0x1d1: {  	v35 =	vadd.s32 $0x400, v22;
	v24 =	vadd.s32 v20, v24;
	vm0 =	vlt.f32 v15, v9;
	v18 =	vld [tilespmem:s26+$0xFFFFFFF0];
	[tilespmem:s12+$0x20] =	vst v19  }
0x1d2: {  	v15 =	vadd.s32 $0xC00, v30;
	v14 =	vsel vm0, $0x1, v0;
	vm0 =	vlt.f32 v28, v10;
	v28 =	vld.idx.msk [tilespmem:v33+s5+$0x0], $0xffff;
	[tilespmem:s18+$0x20] =	vst v12  }
0x1d3: {  	v20 =	vadd.s32 v14, v25;
	v14 =	vsel vm0, $0x1, v0;
	v12 =	vld [tilespmem:s26+$0x0];
	vm1 =	vlt.f32 v31, v34  }
0x1d4: {  	v19 =	vadd.s32 v14, v13;
	vm0 =	vlt.f32 v31, v16;
	v30 =	vsel vm1, v3, v1;
	v25 =	vld.idx.msk [tilespmem:v29+s5+$0x0], $0xffff  }
0x1d5: {  	v29 =	vsel vm0, v3, v1;
	vm0 =	vlt.f32 v31, v17;
	v13 =	vld [tilespmem:s26+$0x10];
	v33 =	vor.u32 $0xF, v30  }
0x1d6: {  	v36 =	vor.u32 $0xF, v29;
	v37 =	vsel vm0, v3, v1;
	vm0 =	vlt.f32 v31, v18;
	v14 =	vld [tilespmem:s26+$0x20]  }
0x1d7: {  	v38 =	vor.u32 $0x10, v29;
	v39 =	vor.u32 $0xF, v37;
	v40 =	vsel vm0, v3, v1;
	v41 =	vld.idx.msk [tilespmem:v15+s5+$0x0], $0xffff  }
0x1d8: {  	v28 =	vmul.f32 v28, v7;
	v7 =	vmovc v34;
	v15 =	vld [tilespmem:s26+$0xFFFFFFC0];
	v42 =	vor.u32 $0xF, v40;
	vm0 =	vlt.f32 v31, v12  }
0x1d9: {  	v34 =	vor.u32 $0x10, v37;
	v43 =	vor.u32 $0x10, v40;
	v44 =	vsel vm0, v3, v1;
	v45 =	vld.idx.msk [tilespmem:v27+s5+$0x0], $0xffff  }
0x1da: {  	v25 =	vadd.f32 v25, v28;
	v46 =	vor.u32 $0xF, v44;
	vm0 =	vlt.f32 v31, v13;
	v33 =	vld.idx.msk [tilespmem:v33+s5+$0x0], $0xffff  }
0x1db: {  	s12 =	sadd.s32 $0x400, s12;
	v28 =	vld.idx.msk [tilespmem:v36+s5+$0x0], $0xffff;
	v36 =	vor.u32 $0x10, v44;
	v47 =	vsel vm0, v3, v1;
	vm0 =	vlt.f32 v31, v14  }
0x1dc: {  	s18 =	sadd.s32 $0x400, s18;
	v39 =	vld.idx.msk [tilespmem:v39+s5+$0x0], $0xffff;
	v48 =	vor.u32 $0xF, v47;
	v49 =	vor.u32 $0x10, v47;
	v50 =	vsel vm0, v3, v1;
	[tilespmem:s12+$0x30] =	vst v25  }
0x1dd: {  	vm0 =	vlt.f32 v31, v15;
	v31 =	vld.idx.msk [tilespmem:v42+s5+$0x0], $0xffff;
	v42 =	vor.u32 $0xF, v50;
	v51 =	vor.u32 $0x10, v50;
	[tilespmem:s18+$0x30] =	vst v41  }
0x1de: {  	v52 =	vadd.s32 $0x400, v24;
	v53 =	vadd.s32 $0x400, v20;
	v41 =	vsel vm0, v3, v1;
	v25 =	vld.idx.msk [tilespmem:v26+s5+$0x0], $0xffff  }
0x1df: {  	vm0 =	vlt.f32 v45, v11;
	v54 =	vor.u32 $0xF, v41;
	v55 =	vor.u32 $0x10, v41;
	v46 =	vld.idx.msk [tilespmem:v46+s5+$0x0], $0xffff  }
0x1e0: {  	vm1 =	vlt.f32 v33, v7;
	v33 =	vor.u32 $0x10, v30;
	v45 =	vsel vm0, $0x1, v0;
	v26 =	vld.idx.msk [tilespmem:v32+s5+$0x0], $0xffff  }
0x1e1: {  	vm0 =	vlt.f32 v28, v16;
	v33 =	vsel vm1, v33, v30;
	v45 =	vadd.s32 v45, v27;
	v32 =	vld.idx.msk [tilespmem:v48+s5+$0x0], $0xffff  }
0x1e2: {  	v38 =	vsel vm0, v38, v29;
	vm0 =	vlt.f32 v39, v17;
	v39 =	vor.u32 $0x7, v33;
	v30 =	vld.idx.msk [tilespmem:v42+s5+$0x0], $0xffff  }
0x1e3: {  	v42 =	vor.u32 $0x7, v38;
	v34 =	vsel vm0, v34, v37;
	vm0 =	vlt.f32 v31, v18;
	v27 =	vld.idx.msk [tilespmem:v35+s5+$0x0], $0xffff  }
0x1e4: {  	v35 =	vor.u32 $0x8, v38;
	v37 =	vor.u32 $0x7, v34;
	v40 =	vsel vm0, v43, v40;
	v31 =	vld.idx.msk [tilespmem:v54+s5+$0x0], $0xffff  }
0x1e5: {  	v43 =	vor.u32 $0x8, v34;
	v48 =	vor.u32 $0x7, v40;
	vm0 =	vlt.f32 v46, v12;
	v28 =	vld.idx.msk [tilespmem:v52+s5+$0x0], $0xffff  }
0x1e6: {  	v46 =	vor.u32 $0x8, v40;
	v36 =	vsel vm0, v36, v44;
	v44 =	vadd.s32 $0x400, v45;
	v29 =	vld.idx.msk [tilespmem:v53+s5+$0x0], $0xffff  }
0x1e7: {  	v52 =	vor.u32 $0x7, v36;
	v53 =	vor.u32 $0x8, v36;
	vm0 =	vlt.f32 v32, v13;
	v39 =	vld.idx.msk [tilespmem:v39+s5+$0x0], $0xffff  }
0x1e8: {  	v47 =	vsel vm0, v49, v47;
	vm0 =	vlt.f32 v30, v14;
	v30 =	vadd.s32 $0x400, v19;
	v42 =	vld.idx.msk [tilespmem:v42+s5+$0x0], $0xffff  }
0x1e9: {  	v49 =	vor.u32 $0x7, v47;
	v54 =	vor.u32 $0x8, v47;
	v50 =	vsel vm0, v51, v50;
	v37 =	vld.idx.msk [tilespmem:v37+s5+$0x0], $0xffff  }
0x1ea: {  	vm0 =	vlt.f32 v31, v15;
	v51 =	vor.u32 $0x8, v50;
	v31 =	vld.idx.msk [tilespmem:v48+s5+$0x0], $0xffff;
	v48 =	vor.u32 $0x7, v50  }
0x1eb: {  	v41 =	vsel vm0, v55, v41;
	v55 =	vadd.s32 $0x800, v23;
	v32 =	vld.idx.msk [tilespmem:v44+s5+$0x0], $0xffff;
	v44 =	vadd.s32 $0x800, v45  }
0x1ec: {  	v58 =	vadd.s32 $0x800, v21;
	v56 =	vor.u32 $0x7, v41;
	v57 =	vor.u32 $0x8, v41;
	v52 =	vld.idx.msk [tilespmem:v52+s5+$0x0], $0xffff  }
0x1ed: {  	v59 =	vadd.s32 $0x800, v22;
	vm0 =	vlt.f32 v39, v7;
	v39 =	vor.u32 $0x8, v33;
	v30 =	vld.idx.msk [tilespmem:v30+s5+$0x0], $0xffff  }
0x1ee: {  	vm1 =	vlt.f32 v42, v16;
	v33 =	vsel vm0, v39, v33;
	v39 =	vadd.s32 $0x800, v24;
	v42 =	vld.idx.msk [tilespmem:v49+s5+$0x0], $0xffff  }
0x1ef: {  	v35 =	vsel vm1, v35, v38;
	vm0 =	vlt.f32 v37, v17;
	v38 =	vadd.s32 $0x3, v33;
	v37 =	vld.idx.msk [tilespmem:v48+s5+$0x0], $0xffff  }
0x1f0: {  	v48 =	vadd.s32 $0x3, v35;
	v34 =	vsel vm0, v43, v34;
	vm0 =	vlt.f32 v31, v18;
	v31 =	vld.idx.msk [tilespmem:v44+s5+$0x0], $0xffff  }
0x1f1: {  	v44 =	vadd.s32 $0x4, v35;
	v49 =	vadd.s32 $0x3, v34;
	v40 =	vsel vm0, v46, v40;
	v43 =	vld.idx.msk [tilespmem:v56+s5+$0x0], $0xffff  }
0x1f2: {  	v46 =	vadd.s32 $0x4, v34;
	v56 =	vadd.s32 $0x3, v40;
	vm0 =	vlt.f32 v52, v12;
	v52 =	vld.idx.msk [tilespmem:v55+s5+$0x0], $0xffff  }
0x1f3: {  	v55 =	vadd.s32 $0x4, v40;
	v36 =	vsel vm0, v53, v36;
	v53 =	vld.idx.msk [tilespmem:v58+s5+$0x0], $0xffff;
	v58 =	vadd.s32 $0x800, v20  }
0x1f4: {  	v60 =	vadd.s32 $0x3, v36;
	v61 =	vadd.s32 $0x4, v36;
	vm0 =	vlt.f32 v42, v13;
	v38 =	vld.idx.msk [tilespmem:v38+s5+$0x0], $0xffff  }
0x1f5: {  	v47 =	vsel vm0, v54, v47;
	vm0 =	vlt.f32 v37, v14;
	v37 =	vadd.s32 $0x800, v19;
	v42 =	vld.idx.msk [tilespmem:v48+s5+$0x0], $0xffff  }
0x1f6: {  	v54 =	vadd.s32 $0x4, v47;
	v50 =	vsel vm0, v51, v50;
	v48 =	vld.idx.msk [tilespmem:v49+s5+$0x0], $0xffff;
	v49 =	vadd.s32 $0x3, v47  }
0x1f7: {  	vm0 =	vlt.f32 v43, v15;
	v51 =	vadd.s32 $0x3, v50;
	v43 =	vld.idx.msk [tilespmem:v56+s5+$0x0], $0xffff;
	v56 =	vadd.s32 $0x4, v50  }
0x1f8: {  	v23 =	vadd.s32 $0xC00, v23;
	v45 =	vadd.s32 $0xC00, v45;
	v41 =	vsel vm0, v57, v41;
	v57 =	vld.idx.msk [tilespmem:v59+s5+$0x0], $0xffff  }
0x1f9: {  	v21 =	vadd.s32 $0xC00, v21;
	v59 =	vadd.s32 $0x3, v41;
	v62 =	vadd.s32 $0x4, v41;
	v60 =	vld.idx.msk [tilespmem:v60+s5+$0x0], $0xffff  }
0x1fa: {  	v22 =	vadd.s32 $0xC00, v22;
	vm0 =	vlt.f32 v38, v7;
	v38 =	vadd.s32 $0x4, v33;
	v39 =	vld.idx.msk [tilespmem:v39+s5+$0x0], $0xffff  }
0x1fb: {  	v24 =	vadd.s32 $0xC00, v24;
	vm1 =	vlt.f32 v42, v16;
	v33 =	vsel vm0, v38, v33;
	v42 =	vld.idx.msk [tilespmem:v49+s5+$0x0], $0xffff  }
0x1fc: {  	v35 =	vsel vm1, v44, v35;
	vm0 =	vlt.f32 v48, v17;
	v44 =	vadd.s32 $0x1, v33;
	v38 =	vld.idx.msk [tilespmem:v51+s5+$0x0], $0xffff  }
0x1fd: {  	v48 =	vadd.s32 $0x1, v35;
	v34 =	vsel vm0, v46, v34;
	vm0 =	vlt.f32 v43, v18;
	v43 =	vld.idx.msk [tilespmem:v58+s5+$0x0], $0xffff  }
0x1fe: {  	v49 =	vadd.s32 $0x2, v35;
	v51 =	vadd.s32 $0x1, v34;
	v40 =	vsel vm0, v55, v40;
	v46 =	vld.idx.msk [tilespmem:v59+s5+$0x0], $0xffff  }
0x1ff: {  	v55 =	vadd.s32 $0x2, v34;
	v58 =	vadd.s32 $0x1, v40;
	vm0 =	vlt.f32 v60, v12;
	v37 =	vld.idx.msk [tilespmem:v37+s5+$0x0], $0xffff  }
0x200: {  	v59 =	vadd.s32 $0x2, v40;
	v60 =	vadd.s32 $0xC00, v20;
	v36 =	vsel vm0, v61, v36;
	v45 =	vld.idx.msk [tilespmem:v45+s5+$0x0], $0xffff  }
0x201: {  	v20 =	vadd.s32 $0x1, v36;
	v61 =	vadd.s32 $0x2, v36;
	vm0 =	vlt.f32 v42, v13;
	v42 =	vld.idx.msk [tilespmem:v44+s5+$0x0], $0xffff  }
0x202: {  	v47 =	vsel vm0, v54, v47;
	vm0 =	vlt.f32 v38, v14;
	v38 =	vadd.s32 $0xC00, v19;
	v44 =	vld.idx.msk [tilespmem:v48+s5+$0x0], $0xffff  }
0x203: {  	v48 =	vadd.s32 $0x1, v47;
	v50 =	vsel vm0, v56, v50;
	v19 =	vld.idx.msk [tilespmem:v51+s5+$0x0], $0xffff;
	v51 =	vadd.s32 $0x2, v47  }
0x204: {  	vm0 =	vlt.f32 v46, v15;
	v54 =	vadd.s32 $0x1, v50;
	v56 =	vadd.s32 $0x2, v50;
	v46 =	vld.idx.msk [tilespmem:v58+s5+$0x0], $0xffff  }
0x205: {  	v25 =	vmul.f32 v25, v6;
	v11 =	vmul.f32 v32, v11;
	v41 =	vsel vm0, v62, v41;
	v23 =	vld.idx.msk [tilespmem:v23+s5+$0x0], $0xffff  }
0x206: {  	v6 =	vmovc v16;
	v26 =	vmul.f32 v26, v5;
	v5 =	vmovc v17;
	v32 =	vadd.s32 $0x1, v41;
	v58 =	vadd.s32 $0x2, v41;
	v62 =	vld.idx.msk [tilespmem:v20+s5+$0x0], $0xffff  }
0x207: {  	v16 =	vadd.s32 $0x2, v33;
	v17 =	vmul.f32 v27, v4;
	v4 =	vmovc v18;
	vm0 =	vlt.f32 v42, v7;
	v42 =	vld.idx.msk [tilespmem:v21+s5+$0x0], $0xffff  }
0x208: {  	v8 =	vmul.f32 v28, v8;
	vm1 =	vlt.f32 v44, v6;
	v33 =	vsel vm0, v16, v33;
	v21 =	vld.idx.msk [tilespmem:v48+s5+$0x0], $0xffff  }
0x209: {  	v9 =	vmul.f32 v29, v9;
	v18 =	vsel vm1, v49, v35;
	vm0 =	vlt.f32 v19, v5;
	v27 =	vld.idx.msk [tilespmem:v54+s5+$0x0], $0xffff  }
0x20a: {  	v10 =	vmul.f32 v30, v10;
	v20 =	vsel vm0, v55, v34;
	vm0 =	vlt.f32 v46, v4;
	v34 =	vld.idx.msk [tilespmem:v22+s5+$0x0], $0xffff  }
0x20b: {  	v11 =	vadd.f32 v31, v11;
	v29 =	vadd.f32 v52, v25;
	v22 =	vsel vm0, v59, v40;
	v28 =	vld.idx.msk [tilespmem:v32+s5+$0x0], $0xffff  }
0x20c: {  	v30 =	vadd.f32 v53, v26;
	v31 =	vadd.f32 v57, v17;
	vm0 =	vlt.f32 v62, v12;
	v17 =	vld.idx.msk [tilespmem:v24+s5+$0x0], $0xffff  }
0x20d: {  	v26 =	vadd.f32 v43, v9;
	v16 =	vadd.f32 v39, v8;
	v24 =	vsel vm0, v61, v36;
	v32 =	vld.idx.msk [tilespmem:v33+s5+$0x0], $0xffff  }
0x20e: {  	v8 =	vmov v12;
	v19 =	vadd.f32 v37, v10;
	vm0 =	vlt.f32 v21, v13;
	v35 =	vld.idx.msk [tilespmem:v18+s5+$0x0], $0xffff;
	[tilespmem:s12+$0xFFFFFFC0] =	vst v11  }
0x20f: {  	v9 =	vmov v13;
	v25 =	vsel vm0, v51, v47;
	vm0 =	vlt.f32 v27, v14;
	v36 =	vld.idx.msk [tilespmem:v20+s5+$0x0], $0xffff;
	[tilespmem:s18+$0xFFFFFFC0] =	vst v45  }
0x210: {  	v10 =	vmov v14;
	v11 =	vmov v15;
	v13 =	vsel vm0, v56, v50;
	v21 =	vld.idx.msk [tilespmem:v22+s5+$0x0], $0xffff;
	[tilespmem:s12+$0xFFFFFFD0] =	vst v29  }
.Ltmp5:
0x211: {  	vm0 =	vlt.f32 v28, v11;
	[tilespmem:s18+$0xFFFFFFD0] =	vst v23;
	v14 =	vld.idx.msk [tilespmem:v60+s5+$0x0], $0xffff;
	(pc) =	sbr.rel @p0 .LBB2_12-.Ltmp5, $4  }
0x212: {  	v27 =	vsel vm0, v58, v41;
	v29 =	vld.idx.msk [tilespmem:v24+s5+$0x0], $0xffff;
	[tilespmem:s12+$0xFFFFFFE0] =	vst v30  }
0x213: {  	vm0 =	vlt.f32 v32, v7;
	[tilespmem:s18+$0xFFFFFFE0] =	vst v42;
	v12 =	vld.idx.msk [tilespmem:v38+s5+$0x0], $0xffff  }
0x214: {  	vm1 =	vlt.f32 v35, v6;
	v30 =	vsel vm0, $0x1, v0;
	v15 =	vld.idx.msk [tilespmem:v25+s5+$0x0], $0xffff;
	[tilespmem:s12+$0xFFFFFFF0] =	vst v31  }
0x215: {  	v23 =	vsel vm1, $0x1, v0;
	vm0 =	vlt.f32 v36, v5;
	v30 =	vadd.s32 v30, v33;
	v28 =	vld.idx.msk [tilespmem:v13+s5+$0x0], $0xffff;
	[tilespmem:s18+$0xFFFFFFF0] =	vst v34  }
0x216: {  	v3 =	vadd.s32 $0x400, v30  }
0x217: {  	v62 =	vadd.s32 $0x800, v30  }
0x218: {  	v2 =	vsel vm0, $0x1, v0;
	v18 =	vadd.s32 v23, v18;
	v33 =	vadd.s32 $0xC00, v30  }
0x219: {  	v2 =	vadd.s32 v2, v20;
	v34 =	vadd.s32 $0x400, v18  }
0x21a: {  	v1 =	vld.idx.msk [tilespmem:v27+s5+$0x0], $0xffff;
	vm11 =	vlt.f32 v21, v4;
	v35 =	vadd.s32 $0x400, v2  }
0x21b: {  	v21 =	vsel vm11, $0x1, v0;
	v44 =	vadd.s32 $0x800, v2;
	v3 =	vld.idx.msk [tilespmem:v3+s5+$0x0], $0xffff  }
0x21c: {  	v63 =	vadd.s32 v21, v22;
	v2 =	vadd.s32 $0xC00, v2;
	v23 =	vld.idx.msk [tilespmem:v62+s5+$0x0], $0xffff  }
0x21d: {  	v31 =	vadd.s32 $0x400, v63;
	v21 =	vld.idx.msk [tilespmem:v33+s5+$0x0], $0xffff  }
0x21e: {  	vm12 =	vlt.f32 v29, v8;
	v20 =	vadd.s32 $0xC00, v63;
	v22 =	vld.idx.msk [tilespmem:v34+s5+$0x0], $0xffff  }
0x21f: {  	v36 =	vsel vm12, $0x1, v0;
	v33 =	vadd.s32 $0x800, v18;
	v41 =	vld.idx.msk [tilespmem:v35+s5+$0x0], $0xffff  }
0x220: {  	vm14 =	vlt.f32 v15, v9;
	v46 =	vadd.s32 $0x800, v63;
	v18 =	vadd.s32 $0xC00, v18;
	v52 =	vld.idx.msk [tilespmem:v44+s5+$0x0], $0xffff  }
0x221: {  	v15 =	vsel vm14, $0x1, v0;
	vm13 =	vlt.f32 v1, v11;
	v1 =	vadd.s32 v36, v24;
	v2 =	vld.idx.msk [tilespmem:v2+s5+$0x0], $0xffff  }
0x222: {  	v15 =	vadd.s32 v15, v25;
	v30 =	vadd.s32 $0x400, v1;
	v31 =	vld.idx.msk [tilespmem:v31+s5+$0x0], $0xffff  }
0x223: {  	v40 =	vadd.s32 $0x400, v15;
	v57 =	vld.idx.msk [tilespmem:v20+s5+$0x0], $0xffff  }
0x224: {  	[tilespmem:s12+$0x0] =	vst v16;
	vm15 =	vlt.f32 v28, v10;
	v37 =	vsel vm13, $0x1, v0;
	v50 =	vadd.s32 $0x800, v1;
	v48 =	vld.idx.msk [tilespmem:v33+s5+$0x0], $0xffff  }
0x225: {  	[tilespmem:s12+$0x10] =	vst v26;
	v39 =	vsel vm15, $0x1, v0;
	v1 =	vadd.s32 $0xC00, v1;
	v24 =	vadd.s32 v37, v27;
	v18 =	vld.idx.msk [tilespmem:v18+s5+$0x0], $0xffff  }
0x226: {  	[tilespmem:s12+$0x20] =	vst v19;
	v13 =	vadd.s32 v39, v13;
	v38 =	vadd.s32 $0x400, v24;
	v3 =	vmul.f32 v3, v7;
	v7 =	vld.idx.msk [tilespmem:v46+s5+$0x0], $0xffff  }
0x227: {  	[tilespmem:s18+$0x0] =	vst v17;
	v32 =	vadd.s32 $0x400, v13;
	v30 =	vld.idx.msk [tilespmem:v30+s5+$0x0], $0xffff  }
0x228: {  	[tilespmem:s18+$0x10] =	vst v14;
	v42 =	vadd.s32 $0x800, v24;
	v43 =	vld.idx.msk [tilespmem:v40+s5+$0x0], $0xffff;
	v3 =	vadd.f32 v23, v3;
	v5 =	vmul.f32 v41, v5  }
0x229: {  	s26 =	sadd.s32 $0x400, s12;
	[tilespmem:s18+$0x20] =	vst v12;
	v53 =	vadd.s32 $0x800, v13;
	v6 =	vmul.f32 v22, v6;
	v54 =	vld.idx.msk [tilespmem:v50+s5+$0x0], $0xffff  }
0x22a: {  	s31 =	sadd.s32 $0x400, s18;
	v1 =	vld.idx.msk [tilespmem:v1+s5+$0x0], $0xffff;
	[tilespmem:s26+$0x30] =	vst v3;
	v3 =	vadd.s32 $0x800, v15;
	v5 =	vadd.f32 v52, v5  }
0x22b: {  	v24 =	vadd.s32 $0xC00, v24;
	v25 =	vld.idx.msk [tilespmem:v38+s5+$0x0], $0xffff;
	v56 =	vmul.f32 v31, v4;
	[tilespmem:s31+$0x30] =	vst v21;
	v6 =	vadd.f32 v48, v6  }
0x22c: {  	v47 =	vld.idx.msk [tilespmem:v32+s5+$0x0], $0xffff;
	[tilespmem:s26+$0xFFFFFFE0] =	vst v5  }
0x22d: {  	v45 =	vld.idx.msk [tilespmem:v42+s5+$0x0], $0xffff;
	v4 =	vadd.f32 v7, v56;
	[tilespmem:s26+$0xFFFFFFD0] =	vst v6  }
0x22e: {  	v55 =	vadd.s32 $0xC00, v15;
	v60 =	vld.idx.msk [tilespmem:v53+s5+$0x0], $0xffff;
	v59 =	vmul.f32 v30, v8;
	[tilespmem:s31+$0xFFFFFFE0] =	vst v2  }
0x22f: {  	v58 =	vadd.s32 $0xC00, v13;
	[tilespmem:s26+$0xFFFFFFF0] =	vst v4;
	v3 =	vld.idx.msk [tilespmem:v3+s5+$0x0], $0xffff  }
0x230: {  	v51 =	vld.idx.msk [tilespmem:v24+s5+$0x0], $0xffff;
	v49 =	vmul.f32 v25, v11;
	[tilespmem:s31+$0xFFFFFFD0] =	vst v18;
	v61 =	vadd.f32 v54, v59  }
0x231: {  	[tilespmem:s31+$0xFFFFFFF0] =	vst v57  }
0x232: {  	v2 =	vmul.f32 v43, v9;
	v63 =	vmul.f32 v47, v10;
	v11 =	vadd.f32 v45, v49;
	[tilespmem:s26+$0x0] =	vst v61  }
0x233: {  	s14 =	sadd.s32 $0x1, s14;
	v62 =	vld.idx.msk [tilespmem:v55+s5+$0x0], $0xffff;
	[tilespmem:s31+$0x0] =	vst v1  }
0x234: {  	p0 =	sne.s32 s14, $0x10;
	v1 =	vadd.f32 v60, v63;
	[tilespmem:s26+$0xFFFFFFC0] =	vst v11;
	v2 =	vadd.f32 v3, v2;
	v3 =	vld.idx.msk [tilespmem:v58+s5+$0x0], $0xffff  }
.Ltmp6:
0x235: {  	[tilespmem:s31+$0xFFFFFFC0] =	vst v51;
	(pc) =	sbr.rel @p0 .LBB2_11-.Ltmp6, $4  }
0x236: {  	[tilespmem:s26+$0x20] =	vst v1  }
0x237: {  	[tilespmem:s26+$0x10] =	vst v2  }
0x238: {  	[tilespmem:s31+$0x10] =	vst v62  }
0x239: {  	s10 =	sadd.s32 $0x400, s10;
	s6 =	sadd.s32 $0x1, s6;
	[tilespmem:s31+$0x20] =	vst v3  }
0x23a: {  	s2 =	sadd.s32 $0x1, s2  }
0x23b: {  	p0 =	sne.s32 s2, $0xF  }
.Ltmp7:
0x23c: {  	_ = 	snop;
	(pc) =	sbr.rel @p0 .LBB2_2-.Ltmp7, $4  }
0x23d: {  	s6 =	sadd.s32 s3, s0;
	s10 =	simm.s32 $0xD000  }
0x23e: {  	[hbm4b:s6+s15] =	stream.strided.scatter [tilespmem:s10], [sflag:$0x4], $0x4000, s16, s15, $0x38;
	[tilespmem:$0x19000] =	vst v63  }
0x23f: {  	s31 =	sadd.s32 s4, s0  }
0x240: {  	[hbm4b:s31+s15] =	stream.strided.scatter [tilespmem:s25], [sflag:$0x4], $0x4000, s16, s15, $0x38;
	[tilespmem:$0x19000] =	vst v63  }
0x241: {  	s0 =	simm.s32 $0x3  }
0x242: {  	_ =	swait.ge [sflag:s0], $0x4000  }
0x243: {  	[sflag:s0] =	ssyncset.done $0x0  }
0x244: {  	[sflag:s0] =	ssyncadd.s32 $0xFFFFC000  }
0x245: {  	_ =	swait.ge [sflag:s0], $0x4000  }
0x246: {  	[sflag:s0] =	ssyncset.done $0x0  }
0x247: {  	[sflag:s0] =	ssyncadd.s32 $0xFFFFC000  }
0x248: {  	_ =	swait.ge [sflag:s23], $0x4000  }
0x249: {  	[sflag:s23] =	ssyncset.done $0x0  }
0x24a: {  	[sflag:s23] =	ssyncadd.s32 $0xFFFFC000  }
0x24b: {  	_ =	swait.ge [sflag:s23], $0x4000  }
0x24c: {  	[sflag:s23] =	ssyncset.done $0x0  }
0x24d: {  	s2 =	simm.s32 $0x0;
	s0 =	simm.s32 $0x0;
	[sflag:s23] =	ssyncadd.s32 $0xFFFFC000  }
.LBB2_16:
0x24e: {  	s6 =	sadd.s32 s2, s13  }
0x24f: {  	s6 =	sshll.u32 s6, $0x7  }
0x250: {  	s6 =	sand.u32 $0x1FFFFF80, s6  }
0x251: {  	s10 =	sadd.s32 s1, s6  }
0x252: {  	[tilespmem:s17], [sflag:$0x5] =	stream.linear.gather [hbm4b:s10+s0], $0x400, $0x38;
	[tilespmem:$0x19000] =	vst v63  }
0x253: {  	s10 =	sadd.s32 $0xF4280, s10  }
0x254: {  	[tilespmem:s28], [sflag:$0x5] =	stream.linear.gather [hbm4b:s10+s0], $0x400, $0x38;
	[tilespmem:$0x19000] =	vst v63  }
0x255: {  	_ =	swait.ge [sflag:s8], $0x800  }
0x256: {  	s12 =	simm.s32 $0x0;
	[sflag:s8] =	ssyncset.done $0x0  }
0x257: {  	s14 =	simm.s32 $0x0;
	s10 =	simm.s32 $0x0;
	[sflag:s8] =	ssyncadd.s32 $0xFFFFF800  }
.LBB2_17:
0x258: {  	v1 =	vmov s14  }
0x259: {  	v2 =	vor.u32 $0x1F, v1;
	_ =	sdelay $0x1  }
0x25a: {  	s18 =	sand.u32 $0x2000, s10;
	s24 =	sand.u32 $0x380, s12  }
0x25b: {  	s18 =	sor.u32 s24, s18  }
0x25c: {  	v8 =	vld [tilespmem:s18+$0x1000]  }
0x25d: {  	v9 =	vld.idx.msk [tilespmem:v2+s5+$0x0], $0xffff;
	_ =	sdelay $0x4  }
0x25e: {  	v10 =	vor.u32 $0x20, v1;
	vm0 =	vlt.f32 v9, v8  }
0x25f: {  	v1 =	vnsel vm0, s14, v10  }
0x260: {  	v2 =	vor.u32 $0xF, v1  }
0x261: {  	v7 =	vld [tilespmem:s18+$0x1010];
	_ =	sdelay $0x3  }
0x262: {  	v2 =	vld.idx.msk [tilespmem:v2+s5+$0x0], $0xffff  }
0x263: {  	v5 =	vld [tilespmem:s18+$0x1020];
	vm8 =	vlt.f32 v9, v7  }
0x264: {  	v3 =	vnsel vm8, s14, v10  }
0x265: {  	v4 =	vor.u32 $0xF, v3;
	_ =	sdelay $0x1  }
0x266: {  	vm7 =	vlt.f32 v2, v8;
	v2 =	vor.u32 $0x10, v1  }
0x267: {  	vm9 =	vlt.f32 v9, v5;
	v2 =	vsel vm7, v2, v1  }
0x268: {  	v12 =	vnsel vm9, s14, v10;
	v1 =	vor.u32 $0x7, v2  }
0x269: {  	v13 =	vor.u32 $0xF, v12;
	v4 =	vld.idx.msk [tilespmem:v4+s5+$0x0], $0xffff  }
0x26a: {  	v6 =	vld [tilespmem:s18+$0x1030];
	_ =	sdelay $0x2  }
0x26b: {  	v11 =	vld.idx.msk [tilespmem:v1+s5+$0x0], $0xffff  }
0x26c: {  	v51 =	vor.u32 $0x10, v3;
	v13 =	vld.idx.msk [tilespmem:v13+s5+$0x0], $0xffff;
	vm12 =	vlt.f32 v4, v7  }
0x26d: {  	vm11 =	vlt.f32 v9, v6;
	v17 =	vsel vm12, v51, v3;
	v3 =	vld [tilespmem:s18+$0x1060]  }
0x26e: {  	v15 =	vnsel vm11, s14, v10;
	v1 =	vld [tilespmem:s18+$0x1040]  }
0x26f: {  	v16 =	vor.u32 $0xF, v15  }
0x270: {  	v50 =	vor.u32 $0x8, v2;
	vm10 =	vlt.f32 v11, v8  }
0x271: {  	v52 =	vor.u32 $0x10, v12;
	vm14 =	vlt.f32 v13, v5;
	v11 =	vsel vm10, v50, v2;
	v2 =	vld [tilespmem:s18+$0x1050]  }
0x272: {  	v12 =	vsel vm14, v52, v12;
	v18 =	vor.u32 $0x7, v17;
	vm4 =	vlt.f32 v9, v3  }
0x273: {  	v13 =	vor.u32 $0x7, v12;
	v23 =	vnsel vm4, s14, v10;
	vm13 =	vlt.f32 v9, v1  }
0x274: {  	v16 =	vld.idx.msk [tilespmem:v16+s5+$0x0], $0xffff;
	v24 =	vor.u32 $0xF, v23;
	v19 =	vnsel vm13, s14, v10  }
0x275: {  	v4 =	vld [tilespmem:s18+$0x1070];
	v20 =	vor.u32 $0xF, v19  }
0x276: {  	vm15 =	vlt.f32 v9, v2  }
0x277: {  	v18 =	vld.idx.msk [tilespmem:v18+s5+$0x0], $0xffff;
	v21 =	vnsel vm15, s14, v10  }
0x278: {  	v13 =	vld.idx.msk [tilespmem:v13+s5+$0x0], $0xffff;
	v22 =	vor.u32 $0xF, v21  }
0x279: {  	v54 =	vor.u32 $0x10, v15;
	vm6 =	vlt.f32 v16, v6;
	v61 =	vld.idx.msk [tilespmem:v24+s5+$0x0], $0xffff  }
0x27a: {  	v56 =	vsel vm6, v54, v15;
	vm5 =	vlt.f32 v9, v4;
	v14 =	vadd.s32 $0x3, v11;
	v20 =	vld.idx.msk [tilespmem:v20+s5+$0x0], $0xffff  }
0x27b: {  	v59 =	vor.u32 $0x7, v56;
	v10 =	vnsel vm5, s14, v10  }
0x27c: {  	v58 =	vor.u32 $0x8, v17;
	v55 =	vor.u32 $0xF, v10  }
0x27d: {  	v27 =	vor.u32 $0x8, v12;
	v30 =	vor.u32 $0x10, v23;
	vm7 =	vlt.f32 v18, v7;
	v57 =	vld.idx.msk [tilespmem:v22+s5+$0x0], $0xffff  }
0x27e: {  	vm9 =	vlt.f32 v13, v5;
	v15 =	vsel vm7, v58, v17;
	vm11 =	vlt.f32 v61, v3  }
0x27f: {  	v63 =	vadd.s32 $0x3, v15;
	v14 =	vld.idx.msk [tilespmem:v14+s5+$0x0], $0xffff;
	vm8 =	vlt.f32 v20, v1;
	v20 =	vsel vm11, v30, v23  }
0x280: {  	v18 =	vld.idx.msk [tilespmem:v59+s5+$0x0], $0xffff;
	v12 =	vsel vm9, v27, v12;
	v60 =	vor.u32 $0x10, v19;
	v23 =	vor.u32 $0x7, v20  }
0x281: {  	v29 =	vadd.s32 $0x3, v12;
	v17 =	vsel vm8, v60, v19;
	v16 =	vld.idx.msk [tilespmem:v55+s5+$0x0], $0xffff  }
0x282: {  	v28 =	vor.u32 $0x10, v21;
	v19 =	vor.u32 $0x7, v17;
	vm10 =	vlt.f32 v57, v2  }
0x283: {  	v32 =	vor.u32 $0x8, v56;
	v13 =	vsel vm10, v28, v21  }
0x284: {  	v53 =	vadd.s32 $0x4, v11;
	v24 =	vld.idx.msk [tilespmem:v63+s5+$0x0], $0xffff;
	vm1 =	vlt.f32 v14, v8;
	v21 =	vor.u32 $0x7, v13  }
0x285: {  	vm13 =	vlt.f32 v18, v6;
	v31 =	vor.u32 $0x10, v10;
	v9 =	vsel vm1, v53, v11;
	v38 =	vld.idx.msk [tilespmem:v23+s5+$0x0], $0xffff  }
0x286: {  	v14 =	vld.idx.msk [tilespmem:v29+s5+$0x0], $0xffff;
	v11 =	vsel vm13, v32, v56;
	v62 =	vadd.s32 $0x1, v9;
	vm12 =	vlt.f32 v16, v4  }
0x287: {  	v36 =	vadd.s32 $0x3, v11;
	v19 =	vld.idx.msk [tilespmem:v19+s5+$0x0], $0xffff;
	v10 =	vsel vm12, v31, v10  }
0x288: {  	v33 =	vor.u32 $0x7, v10  }
0x289: {  	v35 =	vadd.s32 $0x4, v15;
	v42 =	vadd.s32 $0x4, v12;
	vm14 =	vlt.f32 v24, v7;
	v34 =	vld.idx.msk [tilespmem:v21+s5+$0x0], $0xffff  }
0x28a: {  	v15 =	vsel vm14, v35, v15;
	v45 =	vor.u32 $0x8, v20;
	vm6 =	vlt.f32 v38, v3  }
0x28b: {  	v37 =	vor.u32 $0x8, v17;
	v39 =	vadd.s32 $0x1, v15;
	v22 =	vld.idx.msk [tilespmem:v62+s5+$0x0], $0xffff;
	v20 =	vsel vm6, v45, v20  }
0x28c: {  	vm5 =	vlt.f32 v14, v5;
	v44 =	vld.idx.msk [tilespmem:v36+s5+$0x0], $0xffff;
	vm15 =	vlt.f32 v19, v1;
	v21 =	vadd.s32 $0x3, v20  }
0x28d: {  	v12 =	vsel vm5, v42, v12;
	v17 =	vsel vm15, v37, v17;
	v18 =	vld.idx.msk [tilespmem:v33+s5+$0x0], $0xffff  }
0x28e: {  	v43 =	vor.u32 $0x8, v13;
	v41 =	vadd.s32 $0x3, v17;
	vm2 =	vlt.f32 v34, v2  }
0x28f: {  	v23 =	vadd.s32 $0x1, v12;
	v13 =	vsel vm2, v43, v13  }
0x290: {  	v40 =	vadd.s32 $0x2, v9;
	vm4 =	vlt.f32 v22, v8;
	v22 =	vld.idx.msk [tilespmem:v39+s5+$0x0], $0xffff;
	v16 =	vadd.s32 $0x3, v13  }
0x291: {  	v48 =	vadd.s32 $0x4, v11;
	v46 =	vor.u32 $0x8, v10;
	vm8 =	vlt.f32 v44, v6;
	v21 =	vld.idx.msk [tilespmem:v21+s5+$0x0], $0xffff  }
0x292: {  	v9 =	vsel vm4, v40, v9;
	v11 =	vsel vm8, v48, v11;
	vm7 =	vlt.f32 v18, v4  }
0x293: {  	v51 =	vadd.s32 $0x1, v11;
	v14 =	vld.idx.msk [tilespmem:v41+s5+$0x0], $0xffff;
	v10 =	vsel vm7, v46, v10  }
0x294: {  	v50 =	vld.idx.msk [tilespmem:v23+s5+$0x0], $0xffff;
	v49 =	vadd.s32 $0x3, v10  }
0x295: {  	v52 =	vadd.s32 $0x2, v15;
	v16 =	vld.idx.msk [tilespmem:v16+s5+$0x0], $0xffff  }
0x296: {  	v58 =	vadd.s32 $0x4, v20;
	vm9 =	vlt.f32 v22, v7;
	vm14 =	vlt.f32 v21, v3  }
0x297: {  	v47 =	vld.idx.msk [tilespmem:v9+s5+$0x0], $0xffff;
	v15 =	vsel vm9, v52, v15;
	v20 =	vsel vm14, v58, v20  }
0x298: {  	v53 =	vadd.s32 $0x4, v17;
	v22 =	vld.idx.msk [tilespmem:v51+s5+$0x0], $0xffff;
	vm10 =	vlt.f32 v14, v1;
	v21 =	vadd.s32 $0x1, v20  }
0x299: {  	v57 =	vadd.s32 $0x2, v12;
	vm13 =	vlt.f32 v50, v5;
	v14 =	vsel vm10, v53, v17;
	v54 =	vld.idx.msk [tilespmem:v49+s5+$0x0], $0xffff  }
0x29a: {  	v56 =	vadd.s32 $0x4, v13;
	v17 =	vadd.s32 $0x1, v14;
	vm12 =	vlt.f32 v16, v2  }
0x29b: {  	v12 =	vsel vm13, v57, v12;
	v13 =	vsel vm12, v56, v13  }
0x29c: {  	v61 =	vadd.s32 $0x2, v11;
	vm11 =	vlt.f32 v47, v8;
	v59 =	vld.idx.msk [tilespmem:v15+s5+$0x0], $0xffff;
	v16 =	vadd.s32 $0x1, v13  }
0x29d: {  	v60 =	vadd.s32 $0x4, v10;
	v55 =	vsel vm11, $0x1, v0;
	vm4 =	vlt.f32 v22, v6;
	v21 =	vld.idx.msk [tilespmem:v21+s5+$0x0], $0xffff  }
0x29e: {  	v9 =	vadd.s32 v55, v9;
	v11 =	vsel vm4, v61, v11;
	vm15 =	vlt.f32 v54, v4  }
0x29f: {  	v23 =	vadd.s32 $0x400, v9;
	v17 =	vld.idx.msk [tilespmem:v17+s5+$0x0], $0xffff;
	v10 =	vsel vm15, v60, v10  }
0x2a0: {  	v28 =	vld.idx.msk [tilespmem:v12+s5+$0x0], $0xffff;
	v62 =	vadd.s32 $0x1, v10  }
0x2a1: {  	v34 =	vadd.s32 $0x2, v20;
	v63 =	vadd.s32 $0x800, v9;
	vm5 =	vlt.f32 v59, v7;
	v16 =	vld.idx.msk [tilespmem:v16+s5+$0x0], $0xffff  }
0x2a2: {  	v9 =	vadd.s32 $0xC00, v9;
	v29 =	vsel vm5, $0x1, v0;
	vm9 =	vlt.f32 v21, v3  }
0x2a3: {  	v15 =	vadd.s32 v29, v15;
	v25 =	vld.idx.msk [tilespmem:v11+s5+$0x0], $0xffff;
	v19 =	vsel vm9, v34, v20  }
0x2a4: {  	v30 =	vadd.s32 $0x2, v14;
	v23 =	vld.idx.msk [tilespmem:v23+s5+$0x0], $0xffff;
	v31 =	vadd.s32 $0x400, v15;
	vm6 =	vlt.f32 v17, v1  }
0x2a5: {  	vm8 =	vlt.f32 v28, v5;
	v14 =	vsel vm6, v30, v14;
	v22 =	vld.idx.msk [tilespmem:v62+s5+$0x0], $0xffff  }
0x2a6: {  	v24 =	vadd.s32 $0x800, v15;
	v18 =	vld.idx.msk [tilespmem:v63+s5+$0x0], $0xffff;
	v32 =	vadd.s32 $0x2, v13;
	vm7 =	vlt.f32 v16, v2  }
0x2a7: {  	v33 =	vsel vm8, $0x1, v0;
	v9 =	vld.idx.msk [tilespmem:v9+s5+$0x0], $0xffff;
	v13 =	vsel vm7, v32, v13  }
0x2a8: {  	v12 =	vadd.s32 v33, v12;
	v15 =	vadd.s32 $0xC00, v15;
	v42 =	vld.idx.msk [tilespmem:v19+s5+$0x0], $0xffff  }
0x2a9: {  	v36 =	vadd.s32 $0x400, v12;
	v39 =	vadd.s32 $0x800, v12;
	v17 =	vld.idx.msk [tilespmem:v31+s5+$0x0], $0xffff  }
0x2aa: {  	v37 =	vadd.s32 $0x2, v10;
	vm11 =	vlt.f32 v25, v6;
	v35 =	vld.idx.msk [tilespmem:v14+s5+$0x0], $0xffff;
	vm10 =	vlt.f32 v22, v4  }
0x2ab: {  	v38 =	vld.idx.msk [tilespmem:v24+s5+$0x0], $0xffff;
	v40 =	vsel vm11, $0x1, v0;
	v10 =	vsel vm10, v37, v10  }
0x2ac: {  	v12 =	vadd.s32 $0xC00, v12;
	v11 =	vadd.s32 v40, v11;
	v41 =	vld.idx.msk [tilespmem:v13+s5+$0x0], $0xffff  }
0x2ad: {  	v15 =	vld.idx.msk [tilespmem:v15+s5+$0x0], $0xffff;
	v24 =	vadd.s32 $0x400, v11;
	vm14 =	vlt.f32 v42, v3  }
0x2ae: {  	v20 =	vld.idx.msk [tilespmem:v36+s5+$0x0], $0xffff;
	v26 =	vadd.s32 $0x800, v11;
	v47 =	vsel vm14, $0x1, v0  }
0x2af: {  	v21 =	vld.idx.msk [tilespmem:v39+s5+$0x0], $0xffff;
	v11 =	vadd.s32 $0xC00, v11;
	vm12 =	vlt.f32 v35, v1;
	v19 =	vadd.s32 v47, v19  }
0x2b0: {  	v27 =	vsel vm12, $0x1, v0;
	v43 =	vld.idx.msk [tilespmem:v10+s5+$0x0], $0xffff;
	v50 =	vadd.s32 $0x400, v19  }
0x2b1: {  	v12 =	vld.idx.msk [tilespmem:v12+s5+$0x0], $0xffff;
	v14 =	vadd.s32 v27, v14;
	v51 =	vadd.s32 $0x800, v19;
	vm13 =	vlt.f32 v41, v2  }
0x2b2: {  	v24 =	vld.idx.msk [tilespmem:v24+s5+$0x0], $0xffff;
	v28 =	vadd.s32 $0x400, v14;
	v25 =	vsel vm13, $0x1, v0  }
0x2b3: {  	v45 =	vld.idx.msk [tilespmem:v26+s5+$0x0], $0xffff;
	v44 =	vadd.s32 $0x800, v14;
	v13 =	vadd.s32 v25, v13  }
0x2b4: {  	v8 =	vmul.f32 v23, v8;
	v11 =	vld.idx.msk [tilespmem:v11+s5+$0x0], $0xffff;
	v46 =	vadd.s32 $0x400, v13  }
0x2b5: {  	v14 =	vadd.s32 $0xC00, v14;
	vm15 =	vlt.f32 v43, v4;
	v57 =	vld.idx.msk [tilespmem:v50+s5+$0x0], $0xffff  }
0x2b6: {  	v8 =	vadd.f32 v18, v8;
	v27 =	vsel vm15, $0x1, v0;
	v59 =	vld.idx.msk [tilespmem:v51+s5+$0x0], $0xffff;
	v48 =	vadd.s32 $0x800, v13  }
0x2b7: {  	[tilespmem:s18+$0x11000] =	vst v9;
	v7 =	vmul.f32 v17, v7;
	v49 =	vld.idx.msk [tilespmem:v28+s5+$0x0], $0xffff;
	v10 =	vadd.s32 v27, v10;
	v13 =	vadd.s32 $0xC00, v13  }
0x2b8: {  	[tilespmem:s18+$0x9000] =	vst v8;
	v5 =	vmul.f32 v20, v5;
	v23 =	vld.idx.msk [tilespmem:v44+s5+$0x0], $0xffff;
	v53 =	vadd.s32 $0x400, v10  }
0x2b9: {  	[tilespmem:s18+$0x11010] =	vst v15;
	v7 =	vadd.f32 v38, v7;
	v56 =	vadd.s32 $0x800, v10;
	v10 =	vadd.s32 $0xC00, v10;
	v54 =	vld.idx.msk [tilespmem:v46+s5+$0x0], $0xffff  }
0x2ba: {  	[tilespmem:s18+$0x11020] =	vst v12;
	v5 =	vadd.f32 v21, v5;
	v6 =	vmul.f32 v24, v6;
	v52 =	vld.idx.msk [tilespmem:v14+s5+$0x0], $0xffff  }
0x2bb: {  	[tilespmem:s18+$0x9010] =	vst v7;
	v19 =	vadd.s32 $0xC00, v19;
	v55 =	vld.idx.msk [tilespmem:v48+s5+$0x0], $0xffff  }
0x2bc: {  	[tilespmem:s18+$0x9020] =	vst v5;
	v58 =	vadd.f32 v45, v6;
	v1 =	vmul.f32 v49, v1;
	v61 =	vld.idx.msk [tilespmem:v13+s5+$0x0], $0xffff  }
0x2bd: {  	[tilespmem:s18+$0x11030] =	vst v11;
	v60 =	vld.idx.msk [tilespmem:v53+s5+$0x0], $0xffff  }
0x2be: {  	[tilespmem:s18+$0x9030] =	vst v58;
	v63 =	vld.idx.msk [tilespmem:v10+s5+$0x0], $0xffff;
	v1 =	vadd.f32 v23, v1;
	v2 =	vmul.f32 v54, v2  }
0x2bf: {  	[tilespmem:s18+$0x11040] =	vst v52;
	v62 =	vld.idx.msk [tilespmem:v56+s5+$0x0], $0xffff  }
0x2c0: {  	[tilespmem:s18+$0x9040] =	vst v1;
	v1 =	vadd.f32 v55, v2;
	v2 =	vmul.f32 v57, v3;
	v3 =	vld.idx.msk [tilespmem:v19+s5+$0x0], $0xffff  }
0x2c1: {  	p0 =	sne.s32 s14, $0x3C0;
	[tilespmem:s18+$0x11050] =	vst v61  }
.Ltmp8:
0x2c2: {  	[tilespmem:s18+$0x9050] =	vst v1;
	v1 =	vadd.f32 v59, v2;
	v2 =	vmul.f32 v60, v4;
	(pc) =	sbr.rel @p0 .LBB2_17-.Ltmp8, $4  }
0x2c3: {  	[tilespmem:s18+$0x11070] =	vst v63  }
0x2c4: {  	[tilespmem:s18+$0x9060] =	vst v1;
	v1 =	vadd.f32 v62, v2  }
0x2c5: {  	[tilespmem:s18+$0x11060] =	vst v3  }
0x2c6: {  	s12 =	sadd.s32 $0x80, s12;
	s10 =	sadd.s32 $0x400, s10;
	s14 =	sadd.s32 $0x40, s14;
	[tilespmem:s18+$0x9070] =	vst v1  }
0x2c7: {  	s10 =	sadd.s32 s3, s6  }
0x2c8: {  	[hbm4b:s10+s5] =	stream.linear.scatter [tilespmem:s20], [sflag:$0x5], $0x400, $0x38;
	[tilespmem:$0x19000] =	vst v63  }
0x2c9: {  	s10 =	sadd.s32 $0xF4280, s10  }
0x2ca: {  	[hbm4b:s10+s5] =	stream.linear.scatter [tilespmem:s29], [sflag:$0x5], $0x400, $0x38;
	[tilespmem:$0x19000] =	vst v63  }
0x2cb: {  	_ =	swait.ge [sflag:s8], $0x800  }
0x2cc: {  	s2 =	sadd.s32 $0x1, s2;
	[sflag:s8] =	ssyncset.done $0x0  }
0x2cd: {  	s31 =	sadd.s32 s4, s6;
	p0 =	sne.s32 s2, s9;
	[sflag:s8] =	ssyncadd.s32 $0xFFFFF800  }
0x2ce: {  	[hbm4b:s31+s5] =	stream.linear.scatter [tilespmem:s21], [sflag:$0x5], $0x400, $0x38;
	[tilespmem:$0x19000] =	vst v63  }
.Ltmp9:
0x2cf: {  	s6 =	sadd.s32 $0xF4280, s31;
	(pc) =	sbr.rel @p0 .LBB2_16-.Ltmp9, $4  }
0x2d0: {  	[hbm4b:s6+s5] =	stream.linear.scatter [tilespmem:s30], [sflag:$0x5], $0x400, $0x38;
	[tilespmem:$0x19000] =	vst v63  }
0x2d1: {  	_ =	swait.ge [sflag:s8], $0x800  }
0x2d2: {  	[sflag:s8] =	ssyncset.done $0x0  }
0x2d3: {  	[sflag:s8] =	ssyncadd.s32 $0xFFFFF800  }
0x2d4: {  	s2 =	rddreg [dreg:$0x9]  }
0x2d5: {  	s0 =	rddreg [dreg:$0x8];
	s2 =	sadd.s32 $0x1, s2  }
0x2d6: {  	p0 =	sne.s32 s2, s0  }
.Ltmp10:
0x2d7: {  	_ = 	snop;
	(pc) =	sbr.rel @p0 .LBB2_1-.Ltmp10, $1  }
0x2d8: {  	_ =	sdelay $0x3  }
0x2d9: {  	_ =	sfence.sel $0x180000  }
0x2da: {  	[bflag:$0x0] =	sbarrier.arrive $0xFFFF  }
0x2db: {  	_ =	strace $0x90000047  }
0x2dc: {  	s0 =	stileid.u32;
	[bflag:$0x2] =	sbarrier.arrive $0xFFFF  }
0x2dd: {  	p0 =	sne.s32 s0, $0x0;
	s0 =	rddreg [dreg:$0x4]  }
0x2de: {  	s0 =	sadd.s32 @!p0 $0x100000, s0  }
0x2df: {  	[sflag:s0] =	ssyncadd.tile.s32 @!p0 $0x1;
	_ =	shalt  }
.Lfunc_end2:
_tile_overlayer_lowered:
.L_overlay_start_2:
0x2e0: {  	(tag) =	ssettag $0x2  }
0x2e1: {  	s0 =	rddreg [dreg:$0x0];
	s2 =	stileid.u32  }
0x2e2: {  	s1 =	rddreg [dreg:$0x1];
	p0 =	sne.s32 s2, $0x0  }
0x2e3: {  	s3 =	rddreg [dreg:$0x2];
	[bflag:$0x3] =	sbarrier.arrive $0xFFFF;
	s2 =	simm.s32 @!p0 $0x1C05  }
0x2e4: {  	[timem:s3], [sflag:s2] =	dma.local @!p0 [hbm:s0], s1  }
0x2e5: {  	s0 =	simm.s32 @!p0 $0x5  }
0x2e6: {  	_ =	swait.ge @!p0 [sflag:s0], s1  }
0x2e7: {  	s1 =	ssub.s32 @!p0 $0x0, s1;
	[sflag:s0] =	ssyncset.done @!p0 $0x0  }
0x2e8: {  	[sflag:s0] =	ssyncadd.s32 @!p0 s1  }
0x2e9: {  	[bflag:$0x3] =	sbarrier.arrive $0xFFFF  }
0x2ea: {  	_ =	shalt  }

</sc_bundles>
